<compile_context>
chip_gen: v7x
topology: tpu7x:2x2x1
jax: 0.10.2.dev20260603
libtpu: 0.0.44.dev20260713+nightly
codegen_flags: <defaults>
</compile_context>

<pallas_src>
import functools

import jax
import jax.numpy as jnp
from jax import lax
from jax.experimental import pallas as pl
from jax.experimental.pallas import tpu as pltpu
from jax.experimental.pallas import tpu_sc as plsc

_LANES = 16


def _pooled_lookup(B, T, SL, V, D):
    S = B * T
    info = plsc.get_sparse_core_info()
    NC, NS = info.num_cores, info.num_subcores
    NW = NC * NS
    assert B % NW == 0 and T % 2 == 0
    seg_per_w = S // NW
    bat_per_w = B // NW
    CSEG = T // 2
    IDXC = CSEG * SL
    chunks = seg_per_w // CSEG
    assert chunks % 2 == 0
    n_vreg = D // _LANES
    idx_words = seg_per_w * SL
    assert idx_words % 8 == 0

    PAD = (IDXC % 8)
    pieces_ev = ((0, 120), (120, 120), (240, 24))
    pieces_od = ((0, 128), (128, 128), (256, 8))
    rows_len = IDXC + PAD
    assert sum(n for _, n in pieces_ev) == rows_len
    assert sum(n for _, n in pieces_od) == rows_len
    assert all(o % 8 == 0 and n % 8 == 0 and n <= 128
               for o, n in pieces_ev + pieces_od)
    fire_after_ev = (6, 12, 13)
    fire_after_od = (7, 13, 13)

    mesh = plsc.VectorSubcoreMesh(core_axis_name="c", subcore_axis_name="s")

    @functools.partial(
        pl.kernel,
        mesh=mesh,
        out_type=jax.ShapeDtypeStruct((B, T, D), jnp.float32),
        scratch_types=[
            pltpu.VMEM((idx_words,), jnp.int32),
            pltpu.VMEM((rows_len, D), jnp.float32),
            pltpu.VMEM((rows_len, D), jnp.float32),
            pltpu.VMEM((T, D), jnp.float32),
            pltpu.SemaphoreType.DMA,
            pltpu.SemaphoreType.DMA,
            pltpu.SemaphoreType.DMA,
        ],
    )
    def k(idx_hbm, table_hbm, out_hbm, idx_v, rows_a, rows_b, out_f,
          sem_a, sem_b, sem_o):
        cid = lax.axis_index("c")
        sid = lax.axis_index("s")
        wid = sid * NC + cid
        bat_base = wid * bat_per_w
        pltpu.sync_copy(
            idx_hbm.at[pl.ds(wid * idx_words, idx_words)], idx_v)

        def fire_piece(ii, rowsb, sem, p, odd):
            o, n = (pieces_od if odd else pieces_ev)[p]
            base = ii * (2 * IDXC) + ((IDXC - PAD) if odd else 0)
            pltpu.async_copy(
                table_hbm.at[idx_v.at[pl.ds(base + o, n)]],
                rowsb.at[pl.ds(o, n)],
                sem,
            )

        def fire(ii, rowsb, sem, odd):
            for p in range(3):
                fire_piece(ii, rowsb, sem, p, odd)

        def drain_rows(rowsb, sem, odd):
            n = rows_len if odd else IDXC + PAD
            pltpu.make_async_copy(
                table_hbm.at[pl.ds(0, n)], rowsb.at[pl.ds(0, n)], sem).wait()

        def drain_out():
            pltpu.make_async_copy(out_f, out_hbm.at[0], sem_o).wait()

        def reduce_section(rowsb, s_lo, s_hi, shift, odd):
            def col_body(v, carry):
                voff = v * _LANES
                for s in range(s_lo, s_hi):
                    acc = rowsb[shift + s * SL, pl.ds(voff, _LANES)]
                    for j in range(1, SL):
                        acc = acc + rowsb[
                            shift + s * SL + j, pl.ds(voff, _LANES)]
                    out_f[(CSEG if odd else 0) + s, pl.ds(voff, _LANES)] = acc
                return carry

            lax.fori_loop(0, n_vreg, col_body, 0)

        def stage(i, rowsb, sem, odd):
            drain_rows(rowsb, sem, odd)

            if not odd:
                @pl.when(i > 0)
                def _():
                    drain_out()

            shift = PAD if odd else 0
            fire_after = fire_after_od if odd else fire_after_ev
            s_lo = 0
            for p in range(3):
                s_hi = fire_after[p]
                if s_hi > s_lo:
                    reduce_section(rowsb, s_lo, s_hi, shift, odd)
                    s_lo = s_hi

                @pl.when(i + 1 < chunks // 2)
                def _():
                    fire_piece(i + 1, rowsb, sem, p, odd)

        def body(i, carry):
            stage(i, rows_a, sem_a, False)
            stage(i, rows_b, sem_b, True)
            pltpu.async_copy(out_f, out_hbm.at[bat_base + i], sem_o)
            return carry

        fire(0, rows_a, sem_a, False)
        fire(0, rows_b, sem_b, True)
        lax.fori_loop(0, chunks // 2, body, 0)
        drain_out()

    return k


def kernel(sentences, table):
    B, T, SL = sentences.shape
    V, D = table.shape
    idx_flat = sentences.reshape(B * T * SL).astype(jnp.int32)
    k = _pooled_lookup(B, T, SL, V, D)
    return k(idx_flat, table)

# --- scband reference (transcript-rebuilt; emitter-appended) ---
"""Pipeline reference for scband-encoding-layer-19662360281414 (READ-ONLY COPY).

The authoritative reference and input builder live on the scoring server;
editing this copy changes nothing except your own understanding.
"""

import jax, jax.numpy as jnp
import numpy as np

VOCAB_SIZE = 100000
ENCODING_SIZE = 128
PADDING_TOKEN_INDEX = 0


def setup_inputs(seed: int = 0) -> dict:
    key = jax.random.key(seed)
    k1, k2 = jax.random.split(key)
    sentences = jax.random.randint(k1, (1024, 26, 20), 0, VOCAB_SIZE, dtype=jnp.int64 if jax.config.jax_enable_x64 else jnp.int32)
    table = jax.random.normal(k2, (VOCAB_SIZE, ENCODING_SIZE), dtype=jnp.float32)
    # nn.Embedding(padding_idx=PADDING_TOKEN_INDEX) zero-initializes the padding row
    table = table.at[PADDING_TOKEN_INDEX].set(0.0)
    return {"sentences": sentences, "table": table}


def reference(sentences, table):
    # forward of EncodingLayer: embed each token then sum-pool over sen_length
    if sentences.ndim == 4:
        B, N, k, sen_length = sentences.shape
        reshaped = sentences.reshape(-1, N * k, sen_length)
        out_shape = (-1, N, k)
    else:
        B, T, sen_length = sentences.shape
        reshaped = sentences
        out_shape = (-1, T)
    flattened = reshaped.reshape(-1, sen_length)
    encoded_flat = jnp.take(table, flattened, axis=0)  # [B*T, sen_length, D]
    pooled_flat = encoded_flat.sum(axis=1)  # [B*T, D]
    enc_size = pooled_flat.shape[1]
    encoded = pooled_flat.reshape(out_shape + (enc_size,))
    return encoded

if __name__ == "__main__":
    import jax
    _d = setup_inputs()
    print(jax.jit(kernel)(*tuple(_d.values())))

</pallas_src>

<mosaic_0001>
#map = affine_map<(d0, d1) -> (0)>
#map1 = affine_map<(d0, d1) -> (0, 0)>
#map2 = affine_map<(d0, d1) -> (0, 0, 0)>
module attributes {stable_mosaic.version = 14 : i64} {
  func.func @k(%arg0: i32, %arg1: i32, %arg2: memref<532480xi32, #tpu.memory_space<hbm>>, %arg3: memref<100000x128xf32, #tpu.memory_space<hbm>>, %arg4: memref<1024x26x128xf32, #tpu.memory_space<hbm>>, %arg5: memref<16640xi32, #tpu.memory_space<vmem>>, %arg6: memref<264x128xf32, #tpu.memory_space<vmem>>, %arg7: memref<264x128xf32, #tpu.memory_space<vmem>>, %arg8: memref<26x128xf32, #tpu.memory_space<vmem>>, %arg9: memref<!tpu.dma_semaphore, #tpu.memory_space<semaphore_mem>>, %arg10: memref<!tpu.dma_semaphore, #tpu.memory_space<semaphore_mem>>, %arg11: memref<!tpu.dma_semaphore, #tpu.memory_space<semaphore_mem>>) attributes {dimension_semantics = [#tpu.dimension_semantics<core_parallel>, #tpu.dimension_semantics<subcore_parallel>], iteration_bounds = array<i64: 2, 16>, scalar_prefetch = 0 : i64, scratch_operands = 7 : i64, tpu.core_type = #tpu.core_type<sc_vector_subcore>, window_params = [{transform_indices = #map}, {transform_indices = #map1}, {transform_indices = #map2}]} {
    %mul3A = arith.constant 2 : i32
    %mul3A_0 = arith.muli %arg1, %mul3A : i32
    %add3A = arith.addi %mul3A_0, %arg0 : i32
    %mul3A_1 = arith.constant 32 : i32
    %mul3A_2 = arith.muli %add3A, %mul3A_1 : i32
    %mul3A_3 = arith.constant 16640 : i32
    %mul3A_4 = arith.muli %add3A, %mul3A_3 : i32
    "tpu.region"() ({
      %run_scoped3A = tpu.sem_alloc : memref<!tpu.dma_semaphore, #tpu.memory_space<semaphore_mem>>
      %dma_start3A_65 = tpu.memref_slice %arg2[%mul3A_4] : memref<532480xi32, #tpu.memory_space<hbm>> -> memref<16640xi32, #tpu.memory_space<hbm>>
      %dma_start3A_66 = tpu.memref_slice %arg2[%mul3A_4] : memref<532480xi32, #tpu.memory_space<hbm>> -> memref<16640xi32, #tpu.memory_space<hbm>>
      tpu.enqueue_dma source(%dma_start3A_66 : memref<16640xi32, #tpu.memory_space<hbm>>) target(%arg5 : memref<16640xi32, #tpu.memory_space<vmem>>) target_semaphore(%run_scoped3A : memref<!tpu.dma_semaphore, #tpu.memory_space<semaphore_mem>>)
      %dma_wait3A_67 = tpu.memref_slice %arg2[%mul3A_4] : memref<532480xi32, #tpu.memory_space<hbm>> -> memref<16640xi32, #tpu.memory_space<hbm>>
      %dma_wait3A_68 = tpu.memref_slice %arg2[%mul3A_4] : memref<532480xi32, #tpu.memory_space<hbm>> -> memref<16640xi32, #tpu.memory_space<hbm>>
      tpu.wait_dma2 semaphore(%run_scoped3A : memref<!tpu.dma_semaphore, #tpu.memory_space<semaphore_mem>>) src(%dma_wait3A_68 : memref<16640xi32, #tpu.memory_space<hbm>>) dst(%arg5 : memref<16640xi32, #tpu.memory_space<vmem>>)
      tpu.yield
    }) : () -> ()
    %dma_start3A = arith.constant 0 : i32
    %dma_start3A_5 = arith.constant 0 : i32
    %dma_start3A_6 = tpu.memref_slice %arg6[%dma_start3A, %dma_start3A_5] : memref<264x128xf32, #tpu.memory_space<vmem>> -> memref<120x128xf32, #tpu.memory_space<vmem>>
    %dma_start3A_7 = arith.constant 0 : i32
    %dma_start3A_8 = tpu.memref_slice %arg5[%dma_start3A_7] : memref<16640xi32, #tpu.memory_space<vmem>> -> memref<120xi32, #tpu.memory_space<vmem>>
    %dma_start3A_9 = arith.constant 0 : i32
    %dma_start3A_10 = arith.constant 0 : i32
    %dma_start3A_11 = tpu.memref_slice %arg3[%dma_start3A_9, %dma_start3A_10] : memref<100000x128xf32, #tpu.memory_space<hbm>> -> memref<100000x128xf32, #tpu.memory_space<hbm>>
    tpu.enqueue_indirect_dma source(%dma_start3A_11 : memref<100000x128xf32, #tpu.memory_space<hbm>>) target(%dma_start3A_6 : memref<120x128xf32, #tpu.memory_space<vmem>>) offsets(%dma_start3A_8 : memref<120xi32, #tpu.memory_space<vmem>>) semaphore(%arg9 : memref<!tpu.dma_semaphore, #tpu.memory_space<semaphore_mem>>)
    %dma_start3A_12 = arith.constant 120 : i32
    %dma_start3A_13 = arith.constant 0 : i32
    %dma_start3A_14 = tpu.memref_slice %arg6[%dma_start3A_12, %dma_start3A_13] : memref<264x128xf32, #tpu.memory_space<vmem>> -> memref<120x128xf32, #tpu.memory_space<vmem>>
    %dma_start3A_15 = arith.constant 120 : i32
    %dma_start3A_16 = tpu.memref_slice %arg5[%dma_start3A_15] : memref<16640xi32, #tpu.memory_space<vmem>> -> memref<120xi32, #tpu.memory_space<vmem>>
    %dma_start3A_17 = arith.constant 0 : i32
    %dma_start3A_18 = arith.constant 0 : i32
    %dma_start3A_19 = tpu.memref_slice %arg3[%dma_start3A_17, %dma_start3A_18] : memref<100000x128xf32, #tpu.memory_space<hbm>> -> memref<100000x128xf32, #tpu.memory_space<hbm>>
    tpu.enqueue_indirect_dma source(%dma_start3A_19 : memref<100000x128xf32, #tpu.memory_space<hbm>>) target(%dma_start3A_14 : memref<120x128xf32, #tpu.memory_space<vmem>>) offsets(%dma_start3A_16 : memref<120xi32, #tpu.memory_space<vmem>>) semaphore(%arg9 : memref<!tpu.dma_semaphore, #tpu.memory_space<semaphore_mem>>)
    %dma_start3A_20 = arith.constant 240 : i32
    %dma_start3A_21 = arith.constant 0 : i32
    %dma_start3A_22 = tpu.memref_slice %arg6[%dma_start3A_20, %dma_start3A_21] : memref<264x128xf32, #tpu.memory_space<vmem>> -> memref<24x128xf32, #tpu.memory_space<vmem>>
    %dma_start3A_23 = arith.constant 240 : i32
    %dma_start3A_24 = tpu.memref_slice %arg5[%dma_start3A_23] : memref<16640xi32, #tpu.memory_space<vmem>> -> memref<24xi32, #tpu.memory_space<vmem>>
    %dma_start3A_25 = arith.constant 0 : i32
    %dma_start3A_26 = arith.constant 0 : i32
    %dma_start3A_27 = tpu.memref_slice %arg3[%dma_start3A_25, %dma_start3A_26] : memref<100000x128xf32, #tpu.memory_space<hbm>> -> memref<100000x128xf32, #tpu.memory_space<hbm>>
    tpu.enqueue_indirect_dma source(%dma_start3A_27 : memref<100000x128xf32, #tpu.memory_space<hbm>>) target(%dma_start3A_22 : memref<24x128xf32, #tpu.memory_space<vmem>>) offsets(%dma_start3A_24 : memref<24xi32, #tpu.memory_space<vmem>>) semaphore(%arg9 : memref<!tpu.dma_semaphore, #tpu.memory_space<semaphore_mem>>)
    %dma_start3A_28 = arith.constant 0 : i32
    %dma_start3A_29 = arith.constant 0 : i32
    %dma_start3A_30 = tpu.memref_slice %arg7[%dma_start3A_28, %dma_start3A_29] : memref<264x128xf32, #tpu.memory_space<vmem>> -> memref<128x128xf32, #tpu.memory_space<vmem>>
    %dma_start3A_31 = arith.constant 256 : i32
    %dma_start3A_32 = tpu.memref_slice %arg5[%dma_start3A_31] : memref<16640xi32, #tpu.memory_space<vmem>> -> memref<128xi32, #tpu.memory_space<vmem>>
    %dma_start3A_33 = arith.constant 0 : i32
    %dma_start3A_34 = arith.constant 0 : i32
    %dma_start3A_35 = tpu.memref_slice %arg3[%dma_start3A_33, %dma_start3A_34] : memref<100000x128xf32, #tpu.memory_space<hbm>> -> memref<100000x128xf32, #tpu.memory_space<hbm>>
    tpu.enqueue_indirect_dma source(%dma_start3A_35 : memref<100000x128xf32, #tpu.memory_space<hbm>>) target(%dma_start3A_30 : memref<128x128xf32, #tpu.memory_space<vmem>>) offsets(%dma_start3A_32 : memref<128xi32, #tpu.memory_space<vmem>>) semaphore(%arg10 : memref<!tpu.dma_semaphore, #tpu.memory_space<semaphore_mem>>)
    %dma_start3A_36 = arith.constant 128 : i32
    %dma_start3A_37 = arith.constant 0 : i32
    %dma_start3A_38 = tpu.memref_slice %arg7[%dma_start3A_36, %dma_start3A_37] : memref<264x128xf32, #tpu.memory_space<vmem>> -> memref<128x128xf32, #tpu.memory_space<vmem>>
    %dma_start3A_39 = arith.constant 384 : i32
    %dma_start3A_40 = tpu.memref_slice %arg5[%dma_start3A_39] : memref<16640xi32, #tpu.memory_space<vmem>> -> memref<128xi32, #tpu.memory_space<vmem>>
    %dma_start3A_41 = arith.constant 0 : i32
    %dma_start3A_42 = arith.constant 0 : i32
    %dma_start3A_43 = tpu.memref_slice %arg3[%dma_start3A_41, %dma_start3A_42] : memref<100000x128xf32, #tpu.memory_space<hbm>> -> memref<100000x128xf32, #tpu.memory_space<hbm>>
    tpu.enqueue_indirect_dma source(%dma_start3A_43 : memref<100000x128xf32, #tpu.memory_space<hbm>>) target(%dma_start3A_38 : memref<128x128xf32, #tpu.memory_space<vmem>>) offsets(%dma_start3A_40 : memref<128xi32, #tpu.memory_space<vmem>>) semaphore(%arg10 : memref<!tpu.dma_semaphore, #tpu.memory_space<semaphore_mem>>)
    %dma_start3A_44 = arith.constant 256 : i32
    %dma_start3A_45 = arith.constant 0 : i32
    %dma_start3A_46 = tpu.memref_slice %arg7[%dma_start3A_44, %dma_start3A_45] : memref<264x128xf32, #tpu.memory_space<vmem>> -> memref<8x128xf32, #tpu.memory_space<vmem>>
    %dma_start3A_47 = arith.constant 512 : i32
    %dma_start3A_48 = tpu.memref_slice %arg5[%dma_start3A_47] : memref<16640xi32, #tpu.memory_space<vmem>> -> memref<8xi32, #tpu.memory_space<vmem>>
    %dma_start3A_49 = arith.constant 0 : i32
    %dma_start3A_50 = arith.constant 0 : i32
    %dma_start3A_51 = tpu.memref_slice %arg3[%dma_start3A_49, %dma_start3A_50] : memref<100000x128xf32, #tpu.memory_space<hbm>> -> memref<100000x128xf32, #tpu.memory_space<hbm>>
    tpu.enqueue_indirect_dma source(%dma_start3A_51 : memref<100000x128xf32, #tpu.memory_space<hbm>>) target(%dma_start3A_46 : memref<8x128xf32, #tpu.memory_space<vmem>>) offsets(%dma_start3A_48 : memref<8xi32, #tpu.memory_space<vmem>>) semaphore(%arg10 : memref<!tpu.dma_semaphore, #tpu.memory_space<semaphore_mem>>)
    %scan3A = arith.constant 0 : i32
    %scan3A_52 = arith.constant 0 : i32
    %scan3A_53 = arith.constant 32 : i32
    %scan3A_54 = arith.addi %scan3A_52, %scan3A_53 : i32
    %scan3A_55 = arith.constant 1 : i32
    scf.for %scan3A_65 = %scan3A_52 to %scan3A_54 step %scan3A_55  : i32 {
      %dma_wait3A_66 = arith.constant 0 : i32
      %dma_wait3A_67 = arith.constant 0 : i32
      %dma_wait3A_68 = tpu.memref_slice %arg6[%dma_wait3A_66, %dma_wait3A_67] : memref<264x128xf32, #tpu.memory_space<vmem>> -> memref<264x128xf32, #tpu.memory_space<vmem>>
      %dma_wait3A_69 = arith.constant 0 : i32
      %dma_wait3A_70 = arith.constant 0 : i32
      %dma_wait3A_71 = tpu.memref_slice %arg3[%dma_wait3A_69, %dma_wait3A_70] : memref<100000x128xf32, #tpu.memory_space<hbm>> -> memref<264x128xf32, #tpu.memory_space<hbm>>
      %dma_wait3A_72 = arith.constant 0 : i32
      %dma_wait3A_73 = arith.constant 0 : i32
      %dma_wait3A_74 = tpu.memref_slice %arg6[%dma_wait3A_72, %dma_wait3A_73] : memref<264x128xf32, #tpu.memory_space<vmem>> -> memref<264x128xf32, #tpu.memory_space<vmem>>
      %dma_wait3A_75 = arith.constant 0 : i32
      %dma_wait3A_76 = arith.constant 0 : i32
      %dma_wait3A_77 = tpu.memref_slice %arg3[%dma_wait3A_75, %dma_wait3A_76] : memref<100000x128xf32, #tpu.memory_space<hbm>> -> memref<264x128xf32, #tpu.memory_space<hbm>>
      tpu.wait_dma2 semaphore(%arg9 : memref<!tpu.dma_semaphore, #tpu.memory_space<semaphore_mem>>) src(%dma_wait3A_77 : memref<264x128xf32, #tpu.memory_space<hbm>>) dst(%dma_wait3A_74 : memref<264x128xf32, #tpu.memory_space<vmem>>)
      %gt3A = arith.constant 0 : i32
      %gt3A_78 = arith.cmpi sgt, %scan3A_65, %gt3A : i32
      %convert_element_type3A = arith.extui %gt3A_78 : i1 to i32
      %cond3A = arith.constant 0 : i32
      %cond3A_79 = arith.cmpi ne, %convert_element_type3A, %cond3A : i32
      scf.if %cond3A_79 {
        %dma_wait3A_172 = arith.constant 0 : i32
        %dma_wait3A_173 = arith.constant 0 : i32
        %dma_wait3A_174 = arith.constant 0 : i32
        %dma_wait3A_175 = tpu.memref_slice %arg4[%dma_wait3A_172, %dma_wait3A_173, %dma_wait3A_174] : memref<1024x26x128xf32, #tpu.memory_space<hbm>> -> memref<1x26x128xf32, #tpu.memory_space<hbm>>
        %dma_wait3A_176 = tpu.memref_squeeze %dma_wait3A_175 : memref<1x26x128xf32, #tpu.memory_space<hbm>> -> memref<26x128xf32, #tpu.memory_space<hbm>>
        %dma_wait3A_177 = arith.constant 0 : i32
        %dma_wait3A_178 = arith.constant 0 : i32
        %dma_wait3A_179 = tpu.memref_slice %arg4[%dma_wait3A_172, %dma_wait3A_177, %dma_wait3A_178] : memref<1024x26x128xf32, #tpu.memory_space<hbm>> -> memref<1x26x128xf32, #tpu.memory_space<hbm>>
        %dma_wait3A_180 = tpu.memref_squeeze %dma_wait3A_179 : memref<1x26x128xf32, #tpu.memory_space<hbm>> -> memref<26x128xf32, #tpu.memory_space<hbm>>
        tpu.wait_dma2 semaphore(%arg11 : memref<!tpu.dma_semaphore, #tpu.memory_space<semaphore_mem>>) src(%arg8 : memref<26x128xf32, #tpu.memory_space<vmem>>) dst(%dma_wait3A_180 : memref<26x128xf32, #tpu.memory_space<hbm>>)
      } else {
      }
      %scan3A_80 = arith.constant 0 : i32
      %scan3A_81 = arith.constant 0 : i32
      %scan3A_82 = arith.constant 8 : i32
      %scan3A_83 = arith.addi %scan3A_81, %scan3A_82 : i32
      %scan3A_84 = arith.constant 1 : i32
      scf.for %scan3A_172 = %scan3A_81 to %scan3A_83 step %scan3A_84  : i32 {
        %mul3A_173 = arith.constant 16 : i32
        %mul3A_174 = arith.muli %scan3A_172, %mul3A_173 : i32
        %get3A = arith.constant 0 : i32
        %get3A_175 = arith.index_cast %get3A : i32 to index
        %get3A_176 = arith.index_cast %mul3A_174 : i32 to index
        %get3A_177 = tpu.vector_load %arg6[%get3A_175, %get3A_176] {strides = array<i32>} : memref<264x128xf32, #tpu.memory_space<vmem>>, vector<1x16xf32>,
        %get3A_178 = vector.shape_cast %get3A_177 : vector<1x16xf32> to vector<16xf32>
        %get3A_179 = arith.constant 1 : i32
        %get3A_180 = arith.index_cast %get3A_179 : i32 to index
        %get3A_181 = arith.index_cast %mul3A_174 : i32 to index
        %get3A_182 = tpu.vector_load %arg6[%get3A_180, %get3A_181] {strides = array<i32>} : memref<264x128xf32, #tpu.memory_space<vmem>>, vector<1x16xf32>,
        %get3A_183 = vector.shape_cast %get3A_182 : vector<1x16xf32> to vector<16xf32>
        %add3A_184 = arith.addf %get3A_178, %get3A_183 : vector<16xf32>
        %get3A_185 = arith.constant 2 : i32
        %get3A_186 = arith.index_cast %get3A_185 : i32 to index
        %get3A_187 = arith.index_cast %mul3A_174 : i32 to index
        %get3A_188 = tpu.vector_load %arg6[%get3A_186, %get3A_187] {strides = array<i32>} : memref<264x128xf32, #tpu.memory_space<vmem>>, vector<1x16xf32>,
        %get3A_189 = vector.shape_cast %get3A_188 : vector<1x16xf32> to vector<16xf32>
        %add3A_190 = arith.addf %add3A_184, %get3A_189 : vector<16xf32>
        %get3A_191 = arith.constant 3 : i32
        %get3A_192 = arith.index_cast %get3A_191 : i32 to index
        %get3A_193 = arith.index_cast %mul3A_174 : i32 to index
        %get3A_194 = tpu.vector_load %arg6[%get3A_192, %get3A_193] {strides = array<i32>} : memref<264x128xf32, #tpu.memory_space<vmem>>, vector<1x16xf32>,
        %get3A_195 = vector.shape_cast %get3A_194 : vector<1x16xf32> to vector<16xf32>
        %add3A_196 = arith.addf %add3A_190, %get3A_195 : vector<16xf32>
        %get3A_197 = arith.constant 4 : i32
        %get3A_198 = arith.index_cast %get3A_197 : i32 to index
        %get3A_199 = arith.index_cast %mul3A_174 : i32 to index
        %get3A_200 = tpu.vector_load %arg6[%get3A_198, %get3A_199] {strides = array<i32>} : memref<264x128xf32, #tpu.memory_space<vmem>>, vector<1x16xf32>,
        %get3A_201 = vector.shape_cast %get3A_200 : vector<1x16xf32> to vector<16xf32>
        %add3A_202 = arith.addf %add3A_196, %get3A_201 : vector<16xf32>
        %get3A_203 = arith.constant 5 : i32
        %get3A_204 = arith.index_cast %get3A_203 : i32 to index
        %get3A_205 = arith.index_cast %mul3A_174 : i32 to index
        %get3A_206 = tpu.vector_load %arg6[%get3A_204, %get3A_205] {strides = array<i32>} : memref<264x128xf32, #tpu.memory_space<vmem>>, vector<1x16xf32>,
        %get3A_207 = vector.shape_cast %get3A_206 : vector<1x16xf32> to vector<16xf32>
        %add3A_208 = arith.addf %add3A_202, %get3A_207 : vector<16xf32>
        %get3A_209 = arith.constant 6 : i32
        %get3A_210 = arith.index_cast %get3A_209 : i32 to index
        %get3A_211 = arith.index_cast %mul3A_174 : i32 to index
        %get3A_212 = tpu.vector_load %arg6[%get3A_210, %get3A_211] {strides = array<i32>} : memref<264x128xf32, #tpu.memory_space<vmem>>, vector<1x16xf32>,
        %get3A_213 = vector.shape_cast %get3A_212 : vector<1x16xf32> to vector<16xf32>
        %add3A_214 = arith.addf %add3A_208, %get3A_213 : vector<16xf32>
        %get3A_215 = arith.constant 7 : i32
        %get3A_216 = arith.index_cast %get3A_215 : i32 to index
        %get3A_217 = arith.index_cast %mul3A_174 : i32 to index
        %get3A_218 = tpu.vector_load %arg6[%get3A_216, %get3A_217] {strides = array<i32>} : memref<264x128xf32, #tpu.memory_space<vmem>>, vector<1x16xf32>,
        %get3A_219 = vector.shape_cast %get3A_218 : vector<1x16xf32> to vector<16xf32>
        %add3A_220 = arith.addf %add3A_214, %get3A_219 : vector<16xf32>
        %get3A_221 = arith.constant 8 : i32
        %get3A_222 = arith.index_cast %get3A_221 : i32 to index
        %get3A_223 = arith.index_cast %mul3A_174 : i32 to index
        %get3A_224 = tpu.vector_load %arg6[%get3A_222, %get3A_223] {strides = array<i32>} : memref<264x128xf32, #tpu.memory_space<vmem>>, vector<1x16xf32>,
        %get3A_225 = vector.shape_cast %get3A_224 : vector<1x16xf32> to vector<16xf32>
        %add3A_226 = arith.addf %add3A_220, %get3A_225 : vector<16xf32>
        %get3A_227 = arith.constant 9 : i32
        %get3A_228 = arith.index_cast %get3A_227 : i32 to index
        %get3A_229 = arith.index_cast %mul3A_174 : i32 to index
        %get3A_230 = tpu.vector_load %arg6[%get3A_228, %get3A_229] {strides = array<i32>} : memref<264x128xf32, #tpu.memory_space<vmem>>, vector<1x16xf32>,
        %get3A_231 = vector.shape_cast %get3A_230 : vector<1x16xf32> to vector<16xf32>
        %add3A_232 = arith.addf %add3A_226, %get3A_231 : vector<16xf32>
        %get3A_233 = arith.constant 10 : i32
        %get3A_234 = arith.index_cast %get3A_233 : i32 to index
        %get3A_235 = arith.index_cast %mul3A_174 : i32 to index
        %get3A_236 = tpu.vector_load %arg6[%get3A_234, %get3A_235] {strides = array<i32>} : memref<264x128xf32, #tpu.memory_space<vmem>>, vector<1x16xf32>,
        %get3A_237 = vector.shape_cast %get3A_236 : vector<1x16xf32> to vector<16xf32>
        %add3A_238 = arith.addf %add3A_232, %get3A_237 : vector<16xf32>
        %get3A_239 = arith.constant 11 : i32
        %get3A_240 = arith.index_cast %get3A_239 : i32 to index
        %get3A_241 = arith.index_cast %mul3A_174 : i32 to index
        %get3A_242 = tpu.vector_load %arg6[%get3A_240, %get3A_241] {strides = array<i32>} : memref<264x128xf32, #tpu.memory_space<vmem>>, vector<1x16xf32>,
        %get3A_243 = vector.shape_cast %get3A_242 : vector<1x16xf32> to vector<16xf32>
        %add3A_244 = arith.addf %add3A_238, %get3A_243 : vector<16xf32>
        %get3A_245 = arith.constant 12 : i32
        %get3A_246 = arith.index_cast %get3A_245 : i32 to index
        %get3A_247 = arith.index_cast %mul3A_174 : i32 to index
        %get3A_248 = tpu.vector_load %arg6[%get3A_246, %get3A_247] {strides = array<i32>} : memref<264x128xf32, #tpu.memory_space<vmem>>, vector<1x16xf32>,
        %get3A_249 = vector.shape_cast %get3A_248 : vector<1x16xf32> to vector<16xf32>
        %add3A_250 = arith.addf %add3A_244, %get3A_249 : vector<16xf32>
        %get3A_251 = arith.constant 13 : i32
        %get3A_252 = arith.index_cast %get3A_251 : i32 to index
        %get3A_253 = arith.index_cast %mul3A_174 : i32 to index
        %get3A_254 = tpu.vector_load %arg6[%get3A_252, %get3A_253] {strides = array<i32>} : memref<264x128xf32, #tpu.memory_space<vmem>>, vector<1x16xf32>,
        %get3A_255 = vector.shape_cast %get3A_254 : vector<1x16xf32> to vector<16xf32>
        %add3A_256 = arith.addf %add3A_250, %get3A_255 : vector<16xf32>
        %get3A_257 = arith.constant 14 : i32
        %get3A_258 = arith.index_cast %get3A_257 : i32 to index
        %get3A_259 = arith.index_cast %mul3A_174 : i32 to index
        %get3A_260 = tpu.vector_load %arg6[%get3A_258, %get3A_259] {strides = array<i32>} : memref<264x128xf32, #tpu.memory_space<vmem>>, vector<1x16xf32>,
        %get3A_261 = vector.shape_cast %get3A_260 : vector<1x16xf32> to vector<16xf32>
        %add3A_262 = arith.addf %add3A_256, %get3A_261 : vector<16xf32>
        %get3A_263 = arith.constant 15 : i32
        %get3A_264 = arith.index_cast %get3A_263 : i32 to index
        %get3A_265 = arith.index_cast %mul3A_174 : i32 to index
        %get3A_266 = tpu.vector_load %arg6[%get3A_264, %get3A_265] {strides = array<i32>} : memref<264x128xf32, #tpu.memory_space<vmem>>, vector<1x16xf32>,
        %get3A_267 = vector.shape_cast %get3A_266 : vector<1x16xf32> to vector<16xf32>
        %add3A_268 = arith.addf %add3A_262, %get3A_267 : vector<16xf32>
        %get3A_269 = arith.constant 16 : i32
        %get3A_270 = arith.index_cast %get3A_269 : i32 to index
        %get3A_271 = arith.index_cast %mul3A_174 : i32 to index
        %get3A_272 = tpu.vector_load %arg6[%get3A_270, %get3A_271] {strides = array<i32>} : memref<264x128xf32, #tpu.memory_space<vmem>>, vector<1x16xf32>,
        %get3A_273 = vector.shape_cast %get3A_272 : vector<1x16xf32> to vector<16xf32>
        %add3A_274 = arith.addf %add3A_268, %get3A_273 : vector<16xf32>
        %get3A_275 = arith.constant 17 : i32
        %get3A_276 = arith.index_cast %get3A_275 : i32 to index
        %get3A_277 = arith.index_cast %mul3A_174 : i32 to index
        %get3A_278 = tpu.vector_load %arg6[%get3A_276, %get3A_277] {strides = array<i32>} : memref<264x128xf32, #tpu.memory_space<vmem>>, vector<1x16xf32>,
        %get3A_279 = vector.shape_cast %get3A_278 : vector<1x16xf32> to vector<16xf32>
        %add3A_280 = arith.addf %add3A_274, %get3A_279 : vector<16xf32>
        %get3A_281 = arith.constant 18 : i32
        %get3A_282 = arith.index_cast %get3A_281 : i32 to index
        %get3A_283 = arith.index_cast %mul3A_174 : i32 to index
        %get3A_284 = tpu.vector_load %arg6[%get3A_282, %get3A_283] {strides = array<i32>} : memref<264x128xf32, #tpu.memory_space<vmem>>, vector<1x16xf32>,
        %get3A_285 = vector.shape_cast %get3A_284 : vector<1x16xf32> to vector<16xf32>
        %add3A_286 = arith.addf %add3A_280, %get3A_285 : vector<16xf32>
        %get3A_287 = arith.constant 19 : i32
        %get3A_288 = arith.index_cast %get3A_287 : i32 to index
        %get3A_289 = arith.index_cast %mul3A_174 : i32 to index
        %get3A_290 = tpu.vector_load %arg6[%get3A_288, %get3A_289] {strides = array<i32>} : memref<264x128xf32, #tpu.memory_space<vmem>>, vector<1x16xf32>,
        %get3A_291 = vector.shape_cast %get3A_290 : vector<1x16xf32> to vector<16xf32>
        %add3A_292 = arith.addf %add3A_286, %get3A_291 : vector<16xf32>
        %swap3A = arith.constant 0 : i32
        %swap3A_293 = arith.index_cast %swap3A : i32 to index
        %swap3A_294 = arith.index_cast %mul3A_174 : i32 to index
        %swap3A_295 = tpu.vector_load %arg8[%swap3A_293, %swap3A_294] {strides = array<i32>} : memref<26x128xf32, #tpu.memory_space<vmem>>, vector<1x16xf32>,
        %swap3A_296 = vector.shape_cast %swap3A_295 : vector<1x16xf32> to vector<16xf32>
        %swap3A_297 = vector.shape_cast %add3A_292 : vector<16xf32> to vector<1x16xf32>
        tpu.vector_store %arg8[%swap3A_293, %swap3A_294], %swap3A_297 {strides = array<i32>} : memref<26x128xf32, #tpu.memory_space<vmem>>, vector<1x16xf32>,
        %get3A_298 = arith.constant 20 : i32
        %get3A_299 = arith.index_cast %get3A_298 : i32 to index
        %get3A_300 = arith.index_cast %mul3A_174 : i32 to index
        %get3A_301 = tpu.vector_load %arg6[%get3A_299, %get3A_300] {strides = array<i32>} : memref<264x128xf32, #tpu.memory_space<vmem>>, vector<1x16xf32>,
        %get3A_302 = vector.shape_cast %get3A_301 : vector<1x16xf32> to vector<16xf32>
        %get3A_303 = arith.constant 21 : i32
        %get3A_304 = arith.index_cast %get3A_303 : i32 to index
        %get3A_305 = arith.index_cast %mul3A_174 : i32 to index
        %get3A_306 = tpu.vector_load %arg6[%get3A_304, %get3A_305] {strides = array<i32>} : memref<264x128xf32, #tpu.memory_space<vmem>>, vector<1x16xf32>,
        %get3A_307 = vector.shape_cast %get3A_306 : vector<1x16xf32> to vector<16xf32>
        %add3A_308 = arith.addf %get3A_302, %get3A_307 : vector<16xf32>
        %get3A_309 = arith.constant 22 : i32
        %get3A_310 = arith.index_cast %get3A_309 : i32 to index
        %get3A_311 = arith.index_cast %mul3A_174 : i32 to index
        %get3A_312 = tpu.vector_load %arg6[%get3A_310, %get3A_311] {strides = array<i32>} : memref<264x128xf32, #tpu.memory_space<vmem>>, vector<1x16xf32>,
        %get3A_313 = vector.shape_cast %get3A_312 : vector<1x16xf32> to vector<16xf32>
        %add3A_314 = arith.addf %add3A_308, %get3A_313 : vector<16xf32>
        %get3A_315 = arith.constant 23 : i32
        %get3A_316 = arith.index_cast %get3A_315 : i32 to index
        %get3A_317 = arith.index_cast %mul3A_174 : i32 to index
        %get3A_318 = tpu.vector_load %arg6[%get3A_316, %get3A_317] {strides = array<i32>} : memref<264x128xf32, #tpu.memory_space<vmem>>, vector<1x16xf32>,
        %get3A_319 = vector.shape_cast %get3A_318 : vector<1x16xf32> to vector<16xf32>
        %add3A_320 = arith.addf %add3A_314, %get3A_319 : vector<16xf32>
        %get3A_321 = arith.constant 24 : i32
        %get3A_322 = arith.index_cast %get3A_321 : i32 to index
        %get3A_323 = arith.index_cast %mul3A_174 : i32 to index
        %get3A_324 = tpu.vector_load %arg6[%get3A_322, %get3A_323] {strides = array<i32>} : memref<264x128xf32, #tpu.memory_space<vmem>>, vector<1x16xf32>,
        %get3A_325 = vector.shape_cast %get3A_324 : vector<1x16xf32> to vector<16xf32>
        %add3A_326 = arith.addf %add3A_320, %get3A_325 : vector<16xf32>
        %get3A_327 = arith.constant 25 : i32
        %get3A_328 = arith.index_cast %get3A_327 : i32 to index
        %get3A_329 = arith.index_cast %mul3A_174 : i32 to index
        %get3A_330 = tpu.vector_load %arg6[%get3A_328, %get3A_329] {strides = array<i32>} : memref<264x128xf32, #tpu.memory_space<vmem>>, vector<1x16xf32>,
        %get3A_331 = vector.shape_cast %get3A_330 : vector<1x16xf32> to vector<16xf32>
        %add3A_332 = arith.addf %add3A_326, %get3A_331 : vector<16xf32>
        %get3A_333 = arith.constant 26 : i32
        %get3A_334 = arith.index_cast %get3A_333 : i32 to index
        %get3A_335 = arith.index_cast %mul3A_174 : i32 to index
        %get3A_336 = tpu.vector_load %arg6[%get3A_334, %get3A_335] {strides = array<i32>} : memref<264x128xf32, #tpu.memory_space<vmem>>, vector<1x16xf32>,
        %get3A_337 = vector.shape_cast %get3A_336 : vector<1x16xf32> to vector<16xf32>
        %add3A_338 = arith.addf %add3A_332, %get3A_337 : vector<16xf32>
        %get3A_339 = arith.constant 27 : i32
        %get3A_340 = arith.index_cast %get3A_339 : i32 to index
        %get3A_341 = arith.index_cast %mul3A_174 : i32 to index
        %get3A_342 = tpu.vector_load %arg6[%get3A_340, %get3A_341] {strides = array<i32>} : memref<264x128xf32, #tpu.memory_space<vmem>>, vector<1x16xf32>,
        %get3A_343 = vector.shape_cast %get3A_342 : vector<1x16xf32> to vector<16xf32>
        %add3A_344 = arith.addf %add3A_338, %get3A_343 : vector<16xf32>
        %get3A_345 = arith.constant 28 : i32
        %get3A_346 = arith.index_cast %get3A_345 : i32 to index
        %get3A_347 = arith.index_cast %mul3A_174 : i32 to index
        %get3A_348 = tpu.vector_load %arg6[%get3A_346, %get3A_347] {strides = array<i32>} : memref<264x128xf32, #tpu.memory_space<vmem>>, vector<1x16xf32>,
        %get3A_349 = vector.shape_cast %get3A_348 : vector<1x16xf32> to vector<16xf32>
        %add3A_350 = arith.addf %add3A_344, %get3A_349 : vector<16xf32>
        %get3A_351 = arith.constant 29 : i32
        %get3A_352 = arith.index_cast %get3A_351 : i32 to index
        %get3A_353 = arith.index_cast %mul3A_174 : i32 to index
        %get3A_354 = tpu.vector_load %arg6[%get3A_352, %get3A_353] {strides = array<i32>} : memref<264x128xf32, #tpu.memory_space<vmem>>, vector<1x16xf32>,
        %get3A_355 = vector.shape_cast %get3A_354 : vector<1x16xf32> to vector<16xf32>
        %add3A_356 = arith.addf %add3A_350, %get3A_355 : vector<16xf32>
        %get3A_357 = arith.constant 30 : i32
        %get3A_358 = arith.index_cast %get3A_357 : i32 to index
        %get3A_359 = arith.index_cast %mul3A_174 : i32 to index
        %get3A_360 = tpu.vector_load %arg6[%get3A_358, %get3A_359] {strides = array<i32>} : memref<264x128xf32, #tpu.memory_space<vmem>>, vector<1x16xf32>,
        %get3A_361 = vector.shape_cast %get3A_360 : vector<1x16xf32> to vector<16xf32>
        %add3A_362 = arith.addf %add3A_356, %get3A_361 : vector<16xf32>
        %get3A_363 = arith.constant 31 : i32
        %get3A_364 = arith.index_cast %get3A_363 : i32 to index
        %get3A_365 = arith.index_cast %mul3A_174 : i32 to index
        %get3A_366 = tpu.vector_load %arg6[%get3A_364, %get3A_365] {strides = array<i32>} : memref<264x128xf32, #tpu.memory_space<vmem>>, vector<1x16xf32>,
        %get3A_367 = vector.shape_cast %get3A_366 : vector<1x16xf32> to vector<16xf32>
        %add3A_368 = arith.addf %add3A_362, %get3A_367 : vector<16xf32>
        %get3A_369 = arith.constant 32 : i32
        %get3A_370 = arith.index_cast %get3A_369 : i32 to index
        %get3A_371 = arith.index_cast %mul3A_174 : i32 to index
        %get3A_372 = tpu.vector_load %arg6[%get3A_370, %get3A_371] {strides = array<i32>} : memref<264x128xf32, #tpu.memory_space<vmem>>, vector<1x16xf32>,
        %get3A_373 = vector.shape_cast %get3A_372 : vector<1x16xf32> to vector<16xf32>
        %add3A_374 = arith.addf %add3A_368, %get3A_373 : vector<16xf32>
        %get3A_375 = arith.constant 33 : i32
        %get3A_376 = arith.index_cast %get3A_375 : i32 to index
        %get3A_377 = arith.index_cast %mul3A_174 : i32 to index
        %get3A_378 = tpu.vector_load %arg6[%get3A_376, %get3A_377] {strides = array<i32>} : memref<264x128xf32, #tpu.memory_space<vmem>>, vector<1x16xf32>,
        %get3A_379 = vector.shape_cast %get3A_378 : vector<1x16xf32> to vector<16xf32>
        %add3A_380 = arith.addf %add3A_374, %get3A_379 : vector<16xf32>
        %get3A_381 = arith.constant 34 : i32
        %get3A_382 = arith.index_cast %get3A_381 : i32 to index
        %get3A_383 = arith.index_cast %mul3A_174 : i32 to index
        %get3A_384 = tpu.vector_load %arg6[%get3A_382, %get3A_383] {strides = array<i32>} : memref<264x128xf32, #tpu.memory_space<vmem>>, vector<1x16xf32>,
        %get3A_385 = vector.shape_cast %get3A_384 : vector<1x16xf32> to vector<16xf32>
        %add3A_386 = arith.addf %add3A_380, %get3A_385 : vector<16xf32>
        %get3A_387 = arith.constant 35 : i32
        %get3A_388 = arith.index_cast %get3A_387 : i32 to index
        %get3A_389 = arith.index_cast %mul3A_174 : i32 to index
        %get3A_390 = tpu.vector_load %arg6[%get3A_388, %get3A_389] {strides = array<i32>} : memref<264x128xf32, #tpu.memory_space<vmem>>, vector<1x16xf32>,
        %get3A_391 = vector.shape_cast %get3A_390 : vector<1x16xf32> to vector<16xf32>
        %add3A_392 = arith.addf %add3A_386, %get3A_391 : vector<16xf32>
        %get3A_393 = arith.constant 36 : i32
        %get3A_394 = arith.index_cast %get3A_393 : i32 to index
        %get3A_395 = arith.index_cast %mul3A_174 : i32 to index
        %get3A_396 = tpu.vector_load %arg6[%get3A_394, %get3A_395] {strides = array<i32>} : memref<264x128xf32, #tpu.memory_space<vmem>>, vector<1x16xf32>,
        %get3A_397 = vector.shape_cast %get3A_396 : vector<1x16xf32> to vector<16xf32>
        %add3A_398 = arith.addf %add3A_392, %get3A_397 : vector<16xf32>
        %get3A_399 = arith.constant 37 : i32
        %get3A_400 = arith.index_cast %get3A_399 : i32 to index
        %get3A_401 = arith.index_cast %mul3A_174 : i32 to index
        %get3A_402 = tpu.vector_load %arg6[%get3A_400, %get3A_401] {strides = array<i32>} : memref<264x128xf32, #tpu.memory_space<vmem>>, vector<1x16xf32>,
        %get3A_403 = vector.shape_cast %get3A_402 : vector<1x16xf32> to vector<16xf32>
        %add3A_404 = arith.addf %add3A_398, %get3A_403 : vector<16xf32>
        %get3A_405 = arith.constant 38 : i32
        %get3A_406 = arith.index_cast %get3A_405 : i32 to index
        %get3A_407 = arith.index_cast %mul3A_174 : i32 to index
        %get3A_408 = tpu.vector_load %arg6[%get3A_406, %get3A_407] {strides = array<i32>} : memref<264x128xf32, #tpu.memory_space<vmem>>, vector<1x16xf32>,
        %get3A_409 = vector.shape_cast %get3A_408 : vector<1x16xf32> to vector<16xf32>
        %add3A_410 = arith.addf %add3A_404, %get3A_409 : vector<16xf32>
        %get3A_411 = arith.constant 39 : i32
        %get3A_412 = arith.index_cast %get3A_411 : i32 to index
        %get3A_413 = arith.index_cast %mul3A_174 : i32 to index
        %get3A_414 = tpu.vector_load %arg6[%get3A_412, %get3A_413] {strides = array<i32>} : memref<264x128xf32, #tpu.memory_space<vmem>>, vector<1x16xf32>,
        %get3A_415 = vector.shape_cast %get3A_414 : vector<1x16xf32> to vector<16xf32>
        %add3A_416 = arith.addf %add3A_410, %get3A_415 : vector<16xf32>
        %swap3A_417 = arith.constant 1 : i32
        %swap3A_418 = arith.index_cast %swap3A_417 : i32 to index
        %swap3A_419 = arith.index_cast %mul3A_174 : i32 to index
        %swap3A_420 = tpu.vector_load %arg8[%swap3A_418, %swap3A_419] {strides = array<i32>} : memref<26x128xf32, #tpu.memory_space<vmem>>, vector<1x16xf32>,
        %swap3A_421 = vector.shape_cast %swap3A_420 : vector<1x16xf32> to vector<16xf32>
        %swap3A_422 = vector.shape_cast %add3A_416 : vector<16xf32> to vector<1x16xf32>
        tpu.vector_store %arg8[%swap3A_418, %swap3A_419], %swap3A_422 {strides = array<i32>} : memref<26x128xf32, #tpu.memory_space<vmem>>, vector<1x16xf32>,
        %get3A_423 = arith.constant 40 : i32
        %get3A_424 = arith.index_cast %get3A_423 : i32 to index
        %get3A_425 = arith.index_cast %mul3A_174 : i32 to index
        %get3A_426 = tpu.vector_load %arg6[%get3A_424, %get3A_425] {strides = array<i32>} : memref<264x128xf32, #tpu.memory_space<vmem>>, vector<1x16xf32>,
        %get3A_427 = vector.shape_cast %get3A_426 : vector<1x16xf32> to vector<16xf32>
        %get3A_428 = arith.constant 41 : i32
        %get3A_429 = arith.index_cast %get3A_428 : i32 to index
        %get3A_430 = arith.index_cast %mul3A_174 : i32 to index
        %get3A_431 = tpu.vector_load %arg6[%get3A_429, %get3A_430] {strides = array<i32>} : memref<264x128xf32, #tpu.memory_space<vmem>>, vector<1x16xf32>,
        %get3A_432 = vector.shape_cast %get3A_431 : vector<1x16xf32> to vector<16xf32>
        %add3A_433 = arith.addf %get3A_427, %get3A_432 : vector<16xf32>
        %get3A_434 = arith.constant 42 : i32
        %get3A_435 = arith.index_cast %get3A_434 : i32 to index
        %get3A_436 = arith.index_cast %mul3A_174 : i32 to index
        %get3A_437 = tpu.vector_load %arg6[%get3A_435, %get3A_436] {strides = array<i32>} : memref<264x128xf32, #tpu.memory_space<vmem>>, vector<1x16xf32>,
        %get3A_438 = vector.shape_cast %get3A_437 : vector<1x16xf32> to vector<16xf32>
        %add3A_439 = arith.addf %add3A_433, %get3A_438 : vector<16xf32>
        %get3A_440 = arith.constant 43 : i32
        %get3A_441 = arith.index_cast %get3A_440 : i32 to index
        %get3A_442 = arith.index_cast %mul3A_174 : i32 to index
        %get3A_443 = tpu.vector_load %arg6[%get3A_441, %get3A_442] {strides = array<i32>} : memref<264x128xf32, #tpu.memory_space<vmem>>, vector<1x16xf32>,
        %get3A_444 = vector.shape_cast %get3A_443 : vector<1x16xf32> to vector<16xf32>
        %add3A_445 = arith.addf %add3A_439, %get3A_444 : vector<16xf32>
        %get3A_446 = arith.constant 44 : i32
        %get3A_447 = arith.index_cast %get3A_446 : i32 to index
        %get3A_448 = arith.index_cast %mul3A_174 : i32 to index
        %get3A_449 = tpu.vector_load %arg6[%get3A_447, %get3A_448] {strides = array<i32>} : memref<264x128xf32, #tpu.memory_space<vmem>>, vector<1x16xf32>,
        %get3A_450 = vector.shape_cast %get3A_449 : vector<1x16xf32> to vector<16xf32>
        %add3A_451 = arith.addf %add3A_445, %get3A_450 : vector<16xf32>
        %get3A_452 = arith.constant 45 : i32
        %get3A_453 = arith.index_cast %get3A_452 : i32 to index
        %get3A_454 = arith.index_cast %mul3A_174 : i32 to index
        %get3A_455 = tpu.vector_load %arg6[%get3A_453, %get3A_454] {strides = array<i32>} : memref<264x128xf32, #tpu.memory_space<vmem>>, vector<1x16xf32>,
        %get3A_456 = vector.shape_cast %get3A_455 : vector<1x16xf32> to vector<16xf32>
        %add3A_457 = arith.addf %add3A_451, %get3A_456 : vector<16xf32>
        %get3A_458 = arith.constant 46 : i32
        %get3A_459 = arith.index_cast %get3A_458 : i32 to index
        %get3A_460 = arith.index_cast %mul3A_174 : i32 to index
        %get3A_461 = tpu.vector_load %arg6[%get3A_459, %get3A_460] {strides = array<i32>} : memref<264x128xf32, #tpu.memory_space<vmem>>, vector<1x16xf32>,
        %get3A_462 = vector.shape_cast %get3A_461 : vector<1x16xf32> to vector<16xf32>
        %add3A_463 = arith.addf %add3A_457, %get3A_462 : vector<16xf32>
        %get3A_464 = arith.constant 47 : i32
        %get3A_465 = arith.index_cast %get3A_464 : i32 to index
        %get3A_466 = arith.index_cast %mul3A_174 : i32 to index
        %get3A_467 = tpu.vector_load %arg6[%get3A_465, %get3A_466] {strides = array<i32>} : memref<264x128xf32, #tpu.memory_space<vmem>>, vector<1x16xf32>,
        %get3A_468 = vector.shape_cast %get3A_467 : vector<1x16xf32> to vector<16xf32>
        %add3A_469 = arith.addf %add3A_463, %get3A_468 : vector<16xf32>
        %get3A_470 = arith.constant 48 : i32
        %get3A_471 = arith.index_cast %get3A_470 : i32 to index
        %get3A_472 = arith.index_cast %mul3A_174 : i32 to index
        %get3A_473 = tpu.vector_load %arg6[%get3A_471, %get3A_472] {strides = array<i32>} : memref<264x128xf32, #tpu.memory_space<vmem>>, vector<1x16xf32>,
        %get3A_474 = vector.shape_cast %get3A_473 : vector<1x16xf32> to vector<16xf32>
        %add3A_475 = arith.addf %add3A_469, %get3A_474 : vector<16xf32>
        %get3A_476 = arith.constant 49 : i32
        %get3A_477 = arith.index_cast %get3A_476 : i32 to index
        %get3A_478 = arith.index_cast %mul3A_174 : i32 to index
        %get3A_479 = tpu.vector_load %arg6[%get3A_477, %get3A_478] {strides = array<i32>} : memref<264x128xf32, #tpu.memory_space<vmem>>, vector<1x16xf32>,
        %get3A_480 = vector.shape_cast %get3A_479 : vector<1x16xf32> to vector<16xf32>
        %add3A_481 = arith.addf %add3A_475, %get3A_480 : vector<16xf32>
        %get3A_482 = arith.constant 50 : i32
        %get3A_483 = arith.index_cast %get3A_482 : i32 to index
        %get3A_484 = arith.index_cast %mul3A_174 : i32 to index
        %get3A_485 = tpu.vector_load %arg6[%get3A_483, %get3A_484] {strides = array<i32>} : memref<264x128xf32, #tpu.memory_space<vmem>>, vector<1x16xf32>,
        %get3A_486 = vector.shape_cast %get3A_485 : vector<1x16xf32> to vector<16xf32>
        %add3A_487 = arith.addf %add3A_481, %get3A_486 : vector<16xf32>
        %get3A_488 = arith.constant 51 : i32
        %get3A_489 = arith.index_cast %get3A_488 : i32 to index
        %get3A_490 = arith.index_cast %mul3A_174 : i32 to index
        %get3A_491 = tpu.vector_load %arg6[%get3A_489, %get3A_490] {strides = array<i32>} : memref<264x128xf32, #tpu.memory_space<vmem>>, vector<1x16xf32>,
        %get3A_492 = vector.shape_cast %get3A_491 : vector<1x16xf32> to vector<16xf32>
        %add3A_493 = arith.addf %add3A_487, %get3A_492 : vector<16xf32>
        %get3A_494 = arith.constant 52 : i32
        %get3A_495 = arith.index_cast %get3A_494 : i32 to index
        %get3A_496 = arith.index_cast %mul3A_174 : i32 to index
        %get3A_497 = tpu.vector_load %arg6[%get3A_495, %get3A_496] {strides = array<i32>} : memref<264x128xf32, #tpu.memory_space<vmem>>, vector<1x16xf32>,
        %get3A_498 = vector.shape_cast %get3A_497 : vector<1x16xf32> to vector<16xf32>
        %add3A_499 = arith.addf %add3A_493, %get3A_498 : vector<16xf32>
        %get3A_500 = arith.constant 53 : i32
        %get3A_501 = arith.index_cast %get3A_500 : i32 to index
        %get3A_502 = arith.index_cast %mul3A_174 : i32 to index
        %get3A_503 = tpu.vector_load %arg6[%get3A_501, %get3A_502] {strides = array<i32>} : memref<264x128xf32, #tpu.memory_space<vmem>>, vector<1x16xf32>,
        %get3A_504 = vector.shape_cast %get3A_503 : vector<1x16xf32> to vector<16xf32>
        %add3A_505 = arith.addf %add3A_499, %get3A_504 : vector<16xf32>
        %get3A_506 = arith.constant 54 : i32
        %get3A_507 = arith.index_cast %get3A_506 : i32 to index
        %get3A_508 = arith.index_cast %mul3A_174 : i32 to index
        %get3A_509 = tpu.vector_load %arg6[%get3A_507, %get3A_508] {strides = array<i32>} : memref<264x128xf32, #tpu.memory_space<vmem>>, vector<1x16xf32>,
        %get3A_510 = vector.shape_cast %get3A_509 : vector<1x16xf32> to vector<16xf32>
        %add3A_511 = arith.addf %add3A_505, %get3A_510 : vector<16xf32>
        %get3A_512 = arith.constant 55 : i32
        %get3A_513 = arith.index_cast %get3A_512 : i32 to index
        %get3A_514 = arith.index_cast %mul3A_174 : i32 to index
        %get3A_515 = tpu.vector_load %arg6[%get3A_513, %get3A_514] {strides = array<i32>} : memref<264x128xf32, #tpu.memory_space<vmem>>, vector<1x16xf32>,
        %get3A_516 = vector.shape_cast %get3A_515 : vector<1x16xf32> to vector<16xf32>
        %add3A_517 = arith.addf %add3A_511, %get3A_516 : vector<16xf32>
        %get3A_518 = arith.constant 56 : i32
        %get3A_519 = arith.index_cast %get3A_518 : i32 to index
        %get3A_520 = arith.index_cast %mul3A_174 : i32 to index
        %get3A_521 = tpu.vector_load %arg6[%get3A_519, %get3A_520] {strides = array<i32>} : memref<264x128xf32, #tpu.memory_space<vmem>>, vector<1x16xf32>,
        %get3A_522 = vector.shape_cast %get3A_521 : vector<1x16xf32> to vector<16xf32>
        %add3A_523 = arith.addf %add3A_517, %get3A_522 : vector<16xf32>
        %get3A_524 = arith.constant 57 : i32
        %get3A_525 = arith.index_cast %get3A_524 : i32 to index
        %get3A_526 = arith.index_cast %mul3A_174 : i32 to index
        %get3A_527 = tpu.vector_load %arg6[%get3A_525, %get3A_526] {strides = array<i32>} : memref<264x128xf32, #tpu.memory_space<vmem>>, vector<1x16xf32>,
        %get3A_528 = vector.shape_cast %get3A_527 : vector<1x16xf32> to vector<16xf32>
        %add3A_529 = arith.addf %add3A_523, %get3A_528 : vector<16xf32>
        %get3A_530 = arith.constant 58 : i32
        %get3A_531 = arith.index_cast %get3A_530 : i32 to index
        %get3A_532 = arith.index_cast %mul3A_174 : i32 to index
        %get3A_533 = tpu.vector_load %arg6[%get3A_531, %get3A_532] {strides = array<i32>} : memref<264x128xf32, #tpu.memory_space<vmem>>, vector<1x16xf32>,
        %get3A_534 = vector.shape_cast %get3A_533 : vector<1x16xf32> to vector<16xf32>
        %add3A_535 = arith.addf %add3A_529, %get3A_534 : vector<16xf32>
        %get3A_536 = arith.constant 59 : i32
        %get3A_537 = arith.index_cast %get3A_536 : i32 to index
        %get3A_538 = arith.index_cast %mul3A_174 : i32 to index
        %get3A_539 = tpu.vector_load %arg6[%get3A_537, %get3A_538] {strides = array<i32>} : memref<264x128xf32, #tpu.memory_space<vmem>>, vector<1x16xf32>,
        %get3A_540 = vector.shape_cast %get3A_539 : vector<1x16xf32> to vector<16xf32>
        %add3A_541 = arith.addf %add3A_535, %get3A_540 : vector<16xf32>
        %swap3A_542 = arith.constant 2 : i32
        %swap3A_543 = arith.index_cast %swap3A_542 : i32 to index
        %swap3A_544 = arith.index_cast %mul3A_174 : i32 to index
        %swap3A_545 = tpu.vector_load %arg8[%swap3A_543, %swap3A_544] {strides = array<i32>} : memref<26x128xf32, #tpu.memory_space<vmem>>, vector<1x16xf32>,
        %swap3A_546 = vector.shape_cast %swap3A_545 : vector<1x16xf32> to vector<16xf32>
        %swap3A_547 = vector.shape_cast %add3A_541 : vector<16xf32> to vector<1x16xf32>
        tpu.vector_store %arg8[%swap3A_543, %swap3A_544], %swap3A_547 {strides = array<i32>} : memref<26x128xf32, #tpu.memory_space<vmem>>, vector<1x16xf32>,
        %get3A_548 = arith.constant 60 : i32
        %get3A_549 = arith.index_cast %get3A_548 : i32 to index
        %get3A_550 = arith.index_cast %mul3A_174 : i32 to index
        %get3A_551 = tpu.vector_load %arg6[%get3A_549, %get3A_550] {strides = array<i32>} : memref<264x128xf32, #tpu.memory_space<vmem>>, vector<1x16xf32>,
        %get3A_552 = vector.shape_cast %get3A_551 : vector<1x16xf32> to vector<16xf32>
        %get3A_553 = arith.constant 61 : i32
        %get3A_554 = arith.index_cast %get3A_553 : i32 to index
        %get3A_555 = arith.index_cast %mul3A_174 : i32 to index
        %get3A_556 = tpu.vector_load %arg6[%get3A_554, %get3A_555] {strides = array<i32>} : memref<264x128xf32, #tpu.memory_space<vmem>>, vector<1x16xf32>,
        %get3A_557 = vector.shape_cast %get3A_556 : vector<1x16xf32> to vector<16xf32>
        %add3A_558 = arith.addf %get3A_552, %get3A_557 : vector<16xf32>
        %get3A_559 = arith.constant 62 : i32
        %get3A_560 = arith.index_cast %get3A_559 : i32 to index
        %get3A_561 = arith.index_cast %mul3A_174 : i32 to index
        %get3A_562 = tpu.vector_load %arg6[%get3A_560, %get3A_561] {strides = array<i32>} : memref<264x128xf32, #tpu.memory_space<vmem>>, vector<1x16xf32>,
        %get3A_563 = vector.shape_cast %get3A_562 : vector<1x16xf32> to vector<16xf32>
        %add3A_564 = arith.addf %add3A_558, %get3A_563 : vector<16xf32>
        %get3A_565 = arith.constant 63 : i32
        %get3A_566 = arith.index_cast %get3A_565 : i32 to index
        %get3A_567 = arith.index_cast %mul3A_174 : i32 to index
        %get3A_568 = tpu.vector_load %arg6[%get3A_566, %get3A_567] {strides = array<i32>} : memref<264x128xf32, #tpu.memory_space<vmem>>, vector<1x16xf32>,
        %get3A_569 = vector.shape_cast %get3A_568 : vector<1x16xf32> to vector<16xf32>
        %add3A_570 = arith.addf %add3A_564, %get3A_569 : vector<16xf32>
        %get3A_571 = arith.constant 64 : i32
        %get3A_572 = arith.index_cast %get3A_571 : i32 to index
        %get3A_573 = arith.index_cast %mul3A_174 : i32 to index
        %get3A_574 = tpu.vector_load %arg6[%get3A_572, %get3A_573] {strides = array<i32>} : memref<264x128xf32, #tpu.memory_space<vmem>>, vector<1x16xf32>,
        %get3A_575 = vector.shape_cast %get3A_574 : vector<1x16xf32> to vector<16xf32>
        %add3A_576 = arith.addf %add3A_570, %get3A_575 : vector<16xf32>
        %get3A_577 = arith.constant 65 : i32
        %get3A_578 = arith.index_cast %get3A_577 : i32 to index
        %get3A_579 = arith.index_cast %mul3A_174 : i32 to index
        %get3A_580 = tpu.vector_load %arg6[%get3A_578, %get3A_579] {strides = array<i32>} : memref<264x128xf32, #tpu.memory_space<vmem>>, vector<1x16xf32>,
        %get3A_581 = vector.shape_cast %get3A_580 : vector<1x16xf32> to vector<16xf32>
        %add3A_582 = arith.addf %add3A_576, %get3A_581 : vector<16xf32>
        %get3A_583 = arith.constant 66 : i32
        %get3A_584 = arith.index_cast %get3A_583 : i32 to index
        %get3A_585 = arith.index_cast %mul3A_174 : i32 to index
        %get3A_586 = tpu.vector_load %arg6[%get3A_584, %get3A_585] {strides = array<i32>} : memref<264x128xf32, #tpu.memory_space<vmem>>, vector<1x16xf32>,
        %get3A_587 = vector.shape_cast %get3A_586 : vector<1x16xf32> to vector<16xf32>
        %add3A_588 = arith.addf %add3A_582, %get3A_587 : vector<16xf32>
        %get3A_589 = arith.constant 67 : i32
        %get3A_590 = arith.index_cast %get3A_589 : i32 to index
        %get3A_591 = arith.index_cast %mul3A_174 : i32 to index
        %get3A_592 = tpu.vector_load %arg6[%get3A_590, %get3A_591] {strides = array<i32>} : memref<264x128xf32, #tpu.memory_space<vmem>>, vector<1x16xf32>,
        %get3A_593 = vector.shape_cast %get3A_592 : vector<1x16xf32> to vector<16xf32>
        %add3A_594 = arith.addf %add3A_588, %get3A_593 : vector<16xf32>
        %get3A_595 = arith.constant 68 : i32
        %get3A_596 = arith.index_cast %get3A_595 : i32 to index
        %get3A_597 = arith.index_cast %mul3A_174 : i32 to index
        %get3A_598 = tpu.vector_load %arg6[%get3A_596, %get3A_597] {strides = array<i32>} : memref<264x128xf32, #tpu.memory_space<vmem>>, vector<1x16xf32>,
        %get3A_599 = vector.shape_cast %get3A_598 : vector<1x16xf32> to vector<16xf32>
        %add3A_600 = arith.addf %add3A_594, %get3A_599 : vector<16xf32>
        %get3A_601 = arith.constant 69 : i32
        %get3A_602 = arith.index_cast %get3A_601 : i32 to index
        %get3A_603 = arith.index_cast %mul3A_174 : i32 to index
        %get3A_604 = tpu.vector_load %arg6[%get3A_602, %get3A_603] {strides = array<i32>} : memref<264x128xf32, #tpu.memory_space<vmem>>, vector<1x16xf32>,
        %get3A_605 = vector.shape_cast %get3A_604 : vector<1x16xf32> to vector<16xf32>
        %add3A_606 = arith.addf %add3A_600, %get3A_605 : vector<16xf32>
        %get3A_607 = arith.constant 70 : i32
        %get3A_608 = arith.index_cast %get3A_607 : i32 to index
        %get3A_609 = arith.index_cast %mul3A_174 : i32 to index
        %get3A_610 = tpu.vector_load %arg6[%get3A_608, %get3A_609] {strides = array<i32>} : memref<264x128xf32, #tpu.memory_space<vmem>>, vector<1x16xf32>,
        %get3A_611 = vector.shape_cast %get3A_610 : vector<1x16xf32> to vector<16xf32>
        %add3A_612 = arith.addf %add3A_606, %get3A_611 : vector<16xf32>
        %get3A_613 = arith.constant 71 : i32
        %get3A_614 = arith.index_cast %get3A_613 : i32 to index
        %get3A_615 = arith.index_cast %mul3A_174 : i32 to index
        %get3A_616 = tpu.vector_load %arg6[%get3A_614, %get3A_615] {strides = array<i32>} : memref<264x128xf32, #tpu.memory_space<vmem>>, vector<1x16xf32>,
        %get3A_617 = vector.shape_cast %get3A_616 : vector<1x16xf32> to vector<16xf32>
        %add3A_618 = arith.addf %add3A_612, %get3A_617 : vector<16xf32>
        %get3A_619 = arith.constant 72 : i32
        %get3A_620 = arith.index_cast %get3A_619 : i32 to index
        %get3A_621 = arith.index_cast %mul3A_174 : i32 to index
        %get3A_622 = tpu.vector_load %arg6[%get3A_620, %get3A_621] {strides = array<i32>} : memref<264x128xf32, #tpu.memory_space<vmem>>, vector<1x16xf32>,
        %get3A_623 = vector.shape_cast %get3A_622 : vector<1x16xf32> to vector<16xf32>
        %add3A_624 = arith.addf %add3A_618, %get3A_623 : vector<16xf32>
        %get3A_625 = arith.constant 73 : i32
        %get3A_626 = arith.index_cast %get3A_625 : i32 to index
        %get3A_627 = arith.index_cast %mul3A_174 : i32 to index
        %get3A_628 = tpu.vector_load %arg6[%get3A_626, %get3A_627] {strides = array<i32>} : memref<264x128xf32, #tpu.memory_space<vmem>>, vector<1x16xf32>,
        %get3A_629 = vector.shape_cast %get3A_628 : vector<1x16xf32> to vector<16xf32>
        %add3A_630 = arith.addf %add3A_624, %get3A_629 : vector<16xf32>
        %get3A_631 = arith.constant 74 : i32
        %get3A_632 = arith.index_cast %get3A_631 : i32 to index
        %get3A_633 = arith.index_cast %mul3A_174 : i32 to index
        %get3A_634 = tpu.vector_load %arg6[%get3A_632, %get3A_633] {strides = array<i32>} : memref<264x128xf32, #tpu.memory_space<vmem>>, vector<1x16xf32>,
        %get3A_635 = vector.shape_cast %get3A_634 : vector<1x16xf32> to vector<16xf32>
        %add3A_636 = arith.addf %add3A_630, %get3A_635 : vector<16xf32>
        %get3A_637 = arith.constant 75 : i32
        %get3A_638 = arith.index_cast %get3A_637 : i32 to index
        %get3A_639 = arith.index_cast %mul3A_174 : i32 to index
        %get3A_640 = tpu.vector_load %arg6[%get3A_638, %get3A_639] {strides = array<i32>} : memref<264x128xf32, #tpu.memory_space<vmem>>, vector<1x16xf32>,
        %get3A_641 = vector.shape_cast %get3A_640 : vector<1x16xf32> to vector<16xf32>
        %add3A_642 = arith.addf %add3A_636, %get3A_641 : vector<16xf32>
        %get3A_643 = arith.constant 76 : i32
        %get3A_644 = arith.index_cast %get3A_643 : i32 to index
        %get3A_645 = arith.index_cast %mul3A_174 : i32 to index
        %get3A_646 = tpu.vector_load %arg6[%get3A_644, %get3A_645] {strides = array<i32>} : memref<264x128xf32, #tpu.memory_space<vmem>>, vector<1x16xf32>,
        %get3A_647 = vector.shape_cast %get3A_646 : vector<1x16xf32> to vector<16xf32>
        %add3A_648 = arith.addf %add3A_642, %get3A_647 : vector<16xf32>
        %get3A_649 = arith.constant 77 : i32
        %get3A_650 = arith.index_cast %get3A_649 : i32 to index
        %get3A_651 = arith.index_cast %mul3A_174 : i32 to index
        %get3A_652 = tpu.vector_load %arg6[%get3A_650, %get3A_651] {strides = array<i32>} : memref<264x128xf32, #tpu.memory_space<vmem>>, vector<1x16xf32>,
        %get3A_653 = vector.shape_cast %get3A_652 : vector<1x16xf32> to vector<16xf32>
        %add3A_654 = arith.addf %add3A_648, %get3A_653 : vector<16xf32>
        %get3A_655 = arith.constant 78 : i32
        %get3A_656 = arith.index_cast %get3A_655 : i32 to index
        %get3A_657 = arith.index_cast %mul3A_174 : i32 to index
        %get3A_658 = tpu.vector_load %arg6[%get3A_656, %get3A_657] {strides = array<i32>} : memref<264x128xf32, #tpu.memory_space<vmem>>, vector<1x16xf32>,
        %get3A_659 = vector.shape_cast %get3A_658 : vector<1x16xf32> to vector<16xf32>
        %add3A_660 = arith.addf %add3A_654, %get3A_659 : vector<16xf32>
        %get3A_661 = arith.constant 79 : i32
        %get3A_662 = arith.index_cast %get3A_661 : i32 to index
        %get3A_663 = arith.index_cast %mul3A_174 : i32 to index
        %get3A_664 = tpu.vector_load %arg6[%get3A_662, %get3A_663] {strides = array<i32>} : memref<264x128xf32, #tpu.memory_space<vmem>>, vector<1x16xf32>,
        %get3A_665 = vector.shape_cast %get3A_664 : vector<1x16xf32> to vector<16xf32>
        %add3A_666 = arith.addf %add3A_660, %get3A_665 : vector<16xf32>
        %swap3A_667 = arith.constant 3 : i32
        %swap3A_668 = arith.index_cast %swap3A_667 : i32 to index
        %swap3A_669 = arith.index_cast %mul3A_174 : i32 to index
        %swap3A_670 = tpu.vector_load %arg8[%swap3A_668, %swap3A_669] {strides = array<i32>} : memref<26x128xf32, #tpu.memory_space<vmem>>, vector<1x16xf32>,
        %swap3A_671 = vector.shape_cast %swap3A_670 : vector<1x16xf32> to vector<16xf32>
        %swap3A_672 = vector.shape_cast %add3A_666 : vector<16xf32> to vector<1x16xf32>
        tpu.vector_store %arg8[%swap3A_668, %swap3A_669], %swap3A_672 {strides = array<i32>} : memref<26x128xf32, #tpu.memory_space<vmem>>, vector<1x16xf32>,
        %get3A_673 = arith.constant 80 : i32
        %get3A_674 = arith.index_cast %get3A_673 : i32 to index
        %get3A_675 = arith.index_cast %mul3A_174 : i32 to index
        %get3A_676 = tpu.vector_load %arg6[%get3A_674, %get3A_675] {strides = array<i32>} : memref<264x128xf32, #tpu.memory_space<vmem>>, vector<1x16xf32>,
        %get3A_677 = vector.shape_cast %get3A_676 : vector<1x16xf32> to vector<16xf32>
        %get3A_678 = arith.constant 81 : i32
        %get3A_679 = arith.index_cast %get3A_678 : i32 to index
        %get3A_680 = arith.index_cast %mul3A_174 : i32 to index
        %get3A_681 = tpu.vector_load %arg6[%get3A_679, %get3A_680] {strides = array<i32>} : memref<264x128xf32, #tpu.memory_space<vmem>>, vector<1x16xf32>,
        %get3A_682 = vector.shape_cast %get3A_681 : vector<1x16xf32> to vector<16xf32>
        %add3A_683 = arith.addf %get3A_677, %get3A_682 : vector<16xf32>
        %get3A_684 = arith.constant 82 : i32
        %get3A_685 = arith.index_cast %get3A_684 : i32 to index
        %get3A_686 = arith.index_cast %mul3A_174 : i32 to index
        %get3A_687 = tpu.vector_load %arg6[%get3A_685, %get3A_686] {strides = array<i32>} : memref<264x128xf32, #tpu.memory_space<vmem>>, vector<1x16xf32>,
        %get3A_688 = vector.shape_cast %get3A_687 : vector<1x16xf32> to vector<16xf32>
        %add3A_689 = arith.addf %add3A_683, %get3A_688 : vector<16xf32>
        %get3A_690 = arith.constant 83 : i32
        %get3A_691 = arith.index_cast %get3A_690 : i32 to index
        %get3A_692 = arith.index_cast %mul3A_174 : i32 to index
        %get3A_693 = tpu.vector_load %arg6[%get3A_691, %get3A_692] {strides = array<i32>} : memref<264x128xf32, #tpu.memory_space<vmem>>, vector<1x16xf32>,
        %get3A_694 = vector.shape_cast %get3A_693 : vector<1x16xf32> to vector<16xf32>
        %add3A_695 = arith.addf %add3A_689, %get3A_694 : vector<16xf32>
        %get3A_696 = arith.constant 84 : i32
        %get3A_697 = arith.index_cast %get3A_696 : i32 to index
        %get3A_698 = arith.index_cast %mul3A_174 : i32 to index
        %get3A_699 = tpu.vector_load %arg6[%get3A_697, %get3A_698] {strides = array<i32>} : memref<264x128xf32, #tpu.memory_space<vmem>>, vector<1x16xf32>,
        %get3A_700 = vector.shape_cast %get3A_699 : vector<1x16xf32> to vector<16xf32>
        %add3A_701 = arith.addf %add3A_695, %get3A_700 : vector<16xf32>
        %get3A_702 = arith.constant 85 : i32
        %get3A_703 = arith.index_cast %get3A_702 : i32 to index
        %get3A_704 = arith.index_cast %mul3A_174 : i32 to index
        %get3A_705 = tpu.vector_load %arg6[%get3A_703, %get3A_704] {strides = array<i32>} : memref<264x128xf32, #tpu.memory_space<vmem>>, vector<1x16xf32>,
        %get3A_706 = vector.shape_cast %get3A_705 : vector<1x16xf32> to vector<16xf32>
        %add3A_707 = arith.addf %add3A_701, %get3A_706 : vector<16xf32>
        %get3A_708 = arith.constant 86 : i32
        %get3A_709 = arith.index_cast %get3A_708 : i32 to index
        %get3A_710 = arith.index_cast %mul3A_174 : i32 to index
        %get3A_711 = tpu.vector_load %arg6[%get3A_709, %get3A_710] {strides = array<i32>} : memref<264x128xf32, #tpu.memory_space<vmem>>, vector<1x16xf32>,
        %get3A_712 = vector.shape_cast %get3A_711 : vector<1x16xf32> to vector<16xf32>
        %add3A_713 = arith.addf %add3A_707, %get3A_712 : vector<16xf32>
        %get3A_714 = arith.constant 87 : i32
        %get3A_715 = arith.index_cast %get3A_714 : i32 to index
        %get3A_716 = arith.index_cast %mul3A_174 : i32 to index
        %get3A_717 = tpu.vector_load %arg6[%get3A_715, %get3A_716] {strides = array<i32>} : memref<264x128xf32, #tpu.memory_space<vmem>>, vector<1x16xf32>,
        %get3A_718 = vector.shape_cast %get3A_717 : vector<1x16xf32> to vector<16xf32>
        %add3A_719 = arith.addf %add3A_713, %get3A_718 : vector<16xf32>
        %get3A_720 = arith.constant 88 : i32
        %get3A_721 = arith.index_cast %get3A_720 : i32 to index
        %get3A_722 = arith.index_cast %mul3A_174 : i32 to index
        %get3A_723 = tpu.vector_load %arg6[%get3A_721, %get3A_722] {strides = array<i32>} : memref<264x128xf32, #tpu.memory_space<vmem>>, vector<1x16xf32>,
        %get3A_724 = vector.shape_cast %get3A_723 : vector<1x16xf32> to vector<16xf32>
        %add3A_725 = arith.addf %add3A_719, %get3A_724 : vector<16xf32>
        %get3A_726 = arith.constant 89 : i32
        %get3A_727 = arith.index_cast %get3A_726 : i32 to index
        %get3A_728 = arith.index_cast %mul3A_174 : i32 to index
        %get3A_729 = tpu.vector_load %arg6[%get3A_727, %get3A_728] {strides = array<i32>} : memref<264x128xf32, #tpu.memory_space<vmem>>, vector<1x16xf32>,
        %get3A_730 = vector.shape_cast %get3A_729 : vector<1x16xf32> to vector<16xf32>
        %add3A_731 = arith.addf %add3A_725, %get3A_730 : vector<16xf32>
        %get3A_732 = arith.constant 90 : i32
        %get3A_733 = arith.index_cast %get3A_732 : i32 to index
        %get3A_734 = arith.index_cast %mul3A_174 : i32 to index
        %get3A_735 = tpu.vector_load %arg6[%get3A_733, %get3A_734] {strides = array<i32>} : memref<264x128xf32, #tpu.memory_space<vmem>>, vector<1x16xf32>,
        %get3A_736 = vector.shape_cast %get3A_735 : vector<1x16xf32> to vector<16xf32>
        %add3A_737 = arith.addf %add3A_731, %get3A_736 : vector<16xf32>
        %get3A_738 = arith.constant 91 : i32
        %get3A_739 = arith.index_cast %get3A_738 : i32 to index
        %get3A_740 = arith.index_cast %mul3A_174 : i32 to index
        %get3A_741 = tpu.vector_load %arg6[%get3A_739, %get3A_740] {strides = array<i32>} : memref<264x128xf32, #tpu.memory_space<vmem>>, vector<1x16xf32>,
        %get3A_742 = vector.shape_cast %get3A_741 : vector<1x16xf32> to vector<16xf32>
        %add3A_743 = arith.addf %add3A_737, %get3A_742 : vector<16xf32>
        %get3A_744 = arith.constant 92 : i32
        %get3A_745 = arith.index_cast %get3A_744 : i32 to index
        %get3A_746 = arith.index_cast %mul3A_174 : i32 to index
        %get3A_747 = tpu.vector_load %arg6[%get3A_745, %get3A_746] {strides = array<i32>} : memref<264x128xf32, #tpu.memory_space<vmem>>, vector<1x16xf32>,
        %get3A_748 = vector.shape_cast %get3A_747 : vector<1x16xf32> to vector<16xf32>
        %add3A_749 = arith.addf %add3A_743, %get3A_748 : vector<16xf32>
        %get3A_750 = arith.constant 93 : i32
        %get3A_751 = arith.index_cast %get3A_750 : i32 to index
        %get3A_752 = arith.index_cast %mul3A_174 : i32 to index
        %get3A_753 = tpu.vector_load %arg6[%get3A_751, %get3A_752] {strides = array<i32>} : memref<264x128xf32, #tpu.memory_space<vmem>>, vector<1x16xf32>,
        %get3A_754 = vector.shape_cast %get3A_753 : vector<1x16xf32> to vector<16xf32>
        %add3A_755 = arith.addf %add3A_749, %get3A_754 : vector<16xf32>
        %get3A_756 = arith.constant 94 : i32
        %get3A_757 = arith.index_cast %get3A_756 : i32 to index
        %get3A_758 = arith.index_cast %mul3A_174 : i32 to index
        %get3A_759 = tpu.vector_load %arg6[%get3A_757, %get3A_758] {strides = array<i32>} : memref<264x128xf32, #tpu.memory_space<vmem>>, vector<1x16xf32>,
        %get3A_760 = vector.shape_cast %get3A_759 : vector<1x16xf32> to vector<16xf32>
        %add3A_761 = arith.addf %add3A_755, %get3A_760 : vector<16xf32>
        %get3A_762 = arith.constant 95 : i32
        %get3A_763 = arith.index_cast %get3A_762 : i32 to index
        %get3A_764 = arith.index_cast %mul3A_174 : i32 to index
        %get3A_765 = tpu.vector_load %arg6[%get3A_763, %get3A_764] {strides = array<i32>} : memref<264x128xf32, #tpu.memory_space<vmem>>, vector<1x16xf32>,
        %get3A_766 = vector.shape_cast %get3A_765 : vector<1x16xf32> to vector<16xf32>
        %add3A_767 = arith.addf %add3A_761, %get3A_766 : vector<16xf32>
        %get3A_768 = arith.constant 96 : i32
        %get3A_769 = arith.index_cast %get3A_768 : i32 to index
        %get3A_770 = arith.index_cast %mul3A_174 : i32 to index
        %get3A_771 = tpu.vector_load %arg6[%get3A_769, %get3A_770] {strides = array<i32>} : memref<264x128xf32, #tpu.memory_space<vmem>>, vector<1x16xf32>,
        %get3A_772 = vector.shape_cast %get3A_771 : vector<1x16xf32> to vector<16xf32>
        %add3A_773 = arith.addf %add3A_767, %get3A_772 : vector<16xf32>
        %get3A_774 = arith.constant 97 : i32
        %get3A_775 = arith.index_cast %get3A_774 : i32 to index
        %get3A_776 = arith.index_cast %mul3A_174 : i32 to index
        %get3A_777 = tpu.vector_load %arg6[%get3A_775, %get3A_776] {strides = array<i32>} : memref<264x128xf32, #tpu.memory_space<vmem>>, vector<1x16xf32>,
        %get3A_778 = vector.shape_cast %get3A_777 : vector<1x16xf32> to vector<16xf32>
        %add3A_779 = arith.addf %add3A_773, %get3A_778 : vector<16xf32>
        %get3A_780 = arith.constant 98 : i32
        %get3A_781 = arith.index_cast %get3A_780 : i32 to index
        %get3A_782 = arith.index_cast %mul3A_174 : i32 to index
        %get3A_783 = tpu.vector_load %arg6[%get3A_781, %get3A_782] {strides = array<i32>} : memref<264x128xf32, #tpu.memory_space<vmem>>, vector<1x16xf32>,
        %get3A_784 = vector.shape_cast %get3A_783 : vector<1x16xf32> to vector<16xf32>
        %add3A_785 = arith.addf %add3A_779, %get3A_784 : vector<16xf32>
        %get3A_786 = arith.constant 99 : i32
        %get3A_787 = arith.index_cast %get3A_786 : i32 to index
        %get3A_788 = arith.index_cast %mul3A_174 : i32 to index
        %get3A_789 = tpu.vector_load %arg6[%get3A_787, %get3A_788] {strides = array<i32>} : memref<264x128xf32, #tpu.memory_space<vmem>>, vector<1x16xf32>,
        %get3A_790 = vector.shape_cast %get3A_789 : vector<1x16xf32> to vector<16xf32>
        %add3A_791 = arith.addf %add3A_785, %get3A_790 : vector<16xf32>
        %swap3A_792 = arith.constant 4 : i32
        %swap3A_793 = arith.index_cast %swap3A_792 : i32 to index
        %swap3A_794 = arith.index_cast %mul3A_174 : i32 to index
        %swap3A_795 = tpu.vector_load %arg8[%swap3A_793, %swap3A_794] {strides = array<i32>} : memref<26x128xf32, #tpu.memory_space<vmem>>, vector<1x16xf32>,
        %swap3A_796 = vector.shape_cast %swap3A_795 : vector<1x16xf32> to vector<16xf32>
        %swap3A_797 = vector.shape_cast %add3A_791 : vector<16xf32> to vector<1x16xf32>
        tpu.vector_store %arg8[%swap3A_793, %swap3A_794], %swap3A_797 {strides = array<i32>} : memref<26x128xf32, #tpu.memory_space<vmem>>, vector<1x16xf32>,
        %get3A_798 = arith.constant 100 : i32
        %get3A_799 = arith.index_cast %get3A_798 : i32 to index
        %get3A_800 = arith.index_cast %mul3A_174 : i32 to index
        %get3A_801 = tpu.vector_load %arg6[%get3A_799, %get3A_800] {strides = array<i32>} : memref<264x128xf32, #tpu.memory_space<vmem>>, vector<1x16xf32>,
        %get3A_802 = vector.shape_cast %get3A_801 : vector<1x16xf32> to vector<16xf32>
        %get3A_803 = arith.constant 101 : i32
        %get3A_804 = arith.index_cast %get3A_803 : i32 to index
        %get3A_805 = arith.index_cast %mul3A_174 : i32 to index
        %get3A_806 = tpu.vector_load %arg6[%get3A_804, %get3A_805] {strides = array<i32>} : memref<264x128xf32, #tpu.memory_space<vmem>>, vector<1x16xf32>,
        %get3A_807 = vector.shape_cast %get3A_806 : vector<1x16xf32> to vector<16xf32>
        %add3A_808 = arith.addf %get3A_802, %get3A_807 : vector<16xf32>
        %get3A_809 = arith.constant 102 : i32
        %get3A_810 = arith.index_cast %get3A_809 : i32 to index
        %get3A_811 = arith.index_cast %mul3A_174 : i32 to index
        %get3A_812 = tpu.vector_load %arg6[%get3A_810, %get3A_811] {strides = array<i32>} : memref<264x128xf32, #tpu.memory_space<vmem>>, vector<1x16xf32>,
        %get3A_813 = vector.shape_cast %get3A_812 : vector<1x16xf32> to vector<16xf32>
        %add3A_814 = arith.addf %add3A_808, %get3A_813 : vector<16xf32>
        %get3A_815 = arith.constant 103 : i32
        %get3A_816 = arith.index_cast %get3A_815 : i32 to index
        %get3A_817 = arith.index_cast %mul3A_174 : i32 to index
        %get3A_818 = tpu.vector_load %arg6[%get3A_816, %get3A_817] {strides = array<i32>} : memref<264x128xf32, #tpu.memory_space<vmem>>, vector<1x16xf32>,
        %get3A_819 = vector.shape_cast %get3A_818 : vector<1x16xf32> to vector<16xf32>
        %add3A_820 = arith.addf %add3A_814, %get3A_819 : vector<16xf32>
        %get3A_821 = arith.constant 104 : i32
        %get3A_822 = arith.index_cast %get3A_821 : i32 to index
        %get3A_823 = arith.index_cast %mul3A_174 : i32 to index
        %get3A_824 = tpu.vector_load %arg6[%get3A_822, %get3A_823] {strides = array<i32>} : memref<264x128xf32, #tpu.memory_space<vmem>>, vector<1x16xf32>,
        %get3A_825 = vector.shape_cast %get3A_824 : vector<1x16xf32> to vector<16xf32>
        %add3A_826 = arith.addf %add3A_820, %get3A_825 : vector<16xf32>
        %get3A_827 = arith.constant 105 : i32
        %get3A_828 = arith.index_cast %get3A_827 : i32 to index
        %get3A_829 = arith.index_cast %mul3A_174 : i32 to index
        %get3A_830 = tpu.vector_load %arg6[%get3A_828, %get3A_829] {strides = array<i32>} : memref<264x128xf32, #tpu.memory_space<vmem>>, vector<1x16xf32>,
        %get3A_831 = vector.shape_cast %get3A_830 : vector<1x16xf32> to vector<16xf32>
        %add3A_832 = arith.addf %add3A_826, %get3A_831 : vector<16xf32>
        %get3A_833 = arith.constant 106 : i32
        %get3A_834 = arith.index_cast %get3A_833 : i32 to index
        %get3A_835 = arith.index_cast %mul3A_174 : i32 to index
        %get3A_836 = tpu.vector_load %arg6[%get3A_834, %get3A_835] {strides = array<i32>} : memref<264x128xf32, #tpu.memory_space<vmem>>, vector<1x16xf32>,
        %get3A_837 = vector.shape_cast %get3A_836 : vector<1x16xf32> to vector<16xf32>
        %add3A_838 = arith.addf %add3A_832, %get3A_837 : vector<16xf32>
        %get3A_839 = arith.constant 107 : i32
        %get3A_840 = arith.index_cast %get3A_839 : i32 to index
        %get3A_841 = arith.index_cast %mul3A_174 : i32 to index
        %get3A_842 = tpu.vector_load %arg6[%get3A_840, %get3A_841] {strides = array<i32>} : memref<264x128xf32, #tpu.memory_space<vmem>>, vector<1x16xf32>,
        %get3A_843 = vector.shape_cast %get3A_842 : vector<1x16xf32> to vector<16xf32>
        %add3A_844 = arith.addf %add3A_838, %get3A_843 : vector<16xf32>
        %get3A_845 = arith.constant 108 : i32
        %get3A_846 = arith.index_cast %get3A_845 : i32 to index
        %get3A_847 = arith.index_cast %mul3A_174 : i32 to index
        %get3A_848 = tpu.vector_load %arg6[%get3A_846, %get3A_847] {strides = array<i32>} : memref<264x128xf32, #tpu.memory_space<vmem>>, vector<1x16xf32>,
        %get3A_849 = vector.shape_cast %get3A_848 : vector<1x16xf32> to vector<16xf32>
        %add3A_850 = arith.addf %add3A_844, %get3A_849 : vector<16xf32>
        %get3A_851 = arith.constant 109 : i32
        %get3A_852 = arith.index_cast %get3A_851 : i32 to index
        %get3A_853 = arith.index_cast %mul3A_174 : i32 to index
        %get3A_854 = tpu.vector_load %arg6[%get3A_852, %get3A_853] {strides = array<i32>} : memref<264x128xf32, #tpu.memory_space<vmem>>, vector<1x16xf32>,
        %get3A_855 = vector.shape_cast %get3A_854 : vector<1x16xf32> to vector<16xf32>
        %add3A_856 = arith.addf %add3A_850, %get3A_855 : vector<16xf32>
        %get3A_857 = arith.constant 110 : i32
        %get3A_858 = arith.index_cast %get3A_857 : i32 to index
        %get3A_859 = arith.index_cast %mul3A_174 : i32 to index
        %get3A_860 = tpu.vector_load %arg6[%get3A_858, %get3A_859] {strides = array<i32>} : memref<264x128xf32, #tpu.memory_space<vmem>>, vector<1x16xf32>,
        %get3A_861 = vector.shape_cast %get3A_860 : vector<1x16xf32> to vector<16xf32>
        %add3A_862 = arith.addf %add3A_856, %get3A_861 : vector<16xf32>
        %get3A_863 = arith.constant 111 : i32
        %get3A_864 = arith.index_cast %get3A_863 : i32 to index
        %get3A_865 = arith.index_cast %mul3A_174 : i32 to index
        %get3A_866 = tpu.vector_load %arg6[%get3A_864, %get3A_865] {strides = array<i32>} : memref<264x128xf32, #tpu.memory_space<vmem>>, vector<1x16xf32>,
        %get3A_867 = vector.shape_cast %get3A_866 : vector<1x16xf32> to vector<16xf32>
        %add3A_868 = arith.addf %add3A_862, %get3A_867 : vector<16xf32>
        %get3A_869 = arith.constant 112 : i32
        %get3A_870 = arith.index_cast %get3A_869 : i32 to index
        %get3A_871 = arith.index_cast %mul3A_174 : i32 to index
        %get3A_872 = tpu.vector_load %arg6[%get3A_870, %get3A_871] {strides = array<i32>} : memref<264x128xf32, #tpu.memory_space<vmem>>, vector<1x16xf32>,
        %get3A_873 = vector.shape_cast %get3A_872 : vector<1x16xf32> to vector<16xf32>
        %add3A_874 = arith.addf %add3A_868, %get3A_873 : vector<16xf32>
        %get3A_875 = arith.constant 113 : i32
        %get3A_876 = arith.index_cast %get3A_875 : i32 to index
        %get3A_877 = arith.index_cast %mul3A_174 : i32 to index
        %get3A_878 = tpu.vector_load %arg6[%get3A_876, %get3A_877] {strides = array<i32>} : memref<264x128xf32, #tpu.memory_space<vmem>>, vector<1x16xf32>,
        %get3A_879 = vector.shape_cast %get3A_878 : vector<1x16xf32> to vector<16xf32>
        %add3A_880 = arith.addf %add3A_874, %get3A_879 : vector<16xf32>
        %get3A_881 = arith.constant 114 : i32
        %get3A_882 = arith.index_cast %get3A_881 : i32 to index
        %get3A_883 = arith.index_cast %mul3A_174 : i32 to index
        %get3A_884 = tpu.vector_load %arg6[%get3A_882, %get3A_883] {strides = array<i32>} : memref<264x128xf32, #tpu.memory_space<vmem>>, vector<1x16xf32>,
        %get3A_885 = vector.shape_cast %get3A_884 : vector<1x16xf32> to vector<16xf32>
        %add3A_886 = arith.addf %add3A_880, %get3A_885 : vector<16xf32>
        %get3A_887 = arith.constant 115 : i32
        %get3A_888 = arith.index_cast %get3A_887 : i32 to index
        %get3A_889 = arith.index_cast %mul3A_174 : i32 to index
        %get3A_890 = tpu.vector_load %arg6[%get3A_888, %get3A_889] {strides = array<i32>} : memref<264x128xf32, #tpu.memory_space<vmem>>, vector<1x16xf32>,
        %get3A_891 = vector.shape_cast %get3A_890 : vector<1x16xf32> to vector<16xf32>
        %add3A_892 = arith.addf %add3A_886, %get3A_891 : vector<16xf32>
        %get3A_893 = arith.constant 116 : i32
        %get3A_894 = arith.index_cast %get3A_893 : i32 to index
        %get3A_895 = arith.index_cast %mul3A_174 : i32 to index
        %get3A_896 = tpu.vector_load %arg6[%get3A_894, %get3A_895] {strides = array<i32>} : memref<264x128xf32, #tpu.memory_space<vmem>>, vector<1x16xf32>,
        %get3A_897 = vector.shape_cast %get3A_896 : vector<1x16xf32> to vector<16xf32>
        %add3A_898 = arith.addf %add3A_892, %get3A_897 : vector<16xf32>
        %get3A_899 = arith.constant 117 : i32
        %get3A_900 = arith.index_cast %get3A_899 : i32 to index
        %get3A_901 = arith.index_cast %mul3A_174 : i32 to index
        %get3A_902 = tpu.vector_load %arg6[%get3A_900, %get3A_901] {strides = array<i32>} : memref<264x128xf32, #tpu.memory_space<vmem>>, vector<1x16xf32>,
        %get3A_903 = vector.shape_cast %get3A_902 : vector<1x16xf32> to vector<16xf32>
        %add3A_904 = arith.addf %add3A_898, %get3A_903 : vector<16xf32>
        %get3A_905 = arith.constant 118 : i32
        %get3A_906 = arith.index_cast %get3A_905 : i32 to index
        %get3A_907 = arith.index_cast %mul3A_174 : i32 to index
        %get3A_908 = tpu.vector_load %arg6[%get3A_906, %get3A_907] {strides = array<i32>} : memref<264x128xf32, #tpu.memory_space<vmem>>, vector<1x16xf32>,
        %get3A_909 = vector.shape_cast %get3A_908 : vector<1x16xf32> to vector<16xf32>
        %add3A_910 = arith.addf %add3A_904, %get3A_909 : vector<16xf32>
        %get3A_911 = arith.constant 119 : i32
        %get3A_912 = arith.index_cast %get3A_911 : i32 to index
        %get3A_913 = arith.index_cast %mul3A_174 : i32 to index
        %get3A_914 = tpu.vector_load %arg6[%get3A_912, %get3A_913] {strides = array<i32>} : memref<264x128xf32, #tpu.memory_space<vmem>>, vector<1x16xf32>,
        %get3A_915 = vector.shape_cast %get3A_914 : vector<1x16xf32> to vector<16xf32>
        %add3A_916 = arith.addf %add3A_910, %get3A_915 : vector<16xf32>
        %swap3A_917 = arith.constant 5 : i32
        %swap3A_918 = arith.index_cast %swap3A_917 : i32 to index
        %swap3A_919 = arith.index_cast %mul3A_174 : i32 to index
        %swap3A_920 = tpu.vector_load %arg8[%swap3A_918, %swap3A_919] {strides = array<i32>} : memref<26x128xf32, #tpu.memory_space<vmem>>, vector<1x16xf32>,
        %swap3A_921 = vector.shape_cast %swap3A_920 : vector<1x16xf32> to vector<16xf32>
        %swap3A_922 = vector.shape_cast %add3A_916 : vector<16xf32> to vector<1x16xf32>
        tpu.vector_store %arg8[%swap3A_918, %swap3A_919], %swap3A_922 {strides = array<i32>} : memref<26x128xf32, #tpu.memory_space<vmem>>, vector<1x16xf32>,
      }
      %scan3A_85 = arith.constant 8 : i32
      %add3A_86 = arith.constant 1 : i32
      %add3A_87 = arith.addi %scan3A_65, %add3A_86 : i32
      %lt3A = arith.constant 32 : i32
      %lt3A_88 = arith.cmpi slt, %add3A_87, %lt3A : i32
      %convert_element_type3A_89 = arith.extui %lt3A_88 : i1 to i32
      %cond3A_90 = arith.constant 0 : i32
      %cond3A_91 = arith.cmpi ne, %convert_element_type3A_89, %cond3A_90 : i32
      scf.if %cond3A_91 {
        %add3A_172 = arith.constant 1 : i32
        %add3A_173 = arith.addi %scan3A_65, %add3A_172 : i32
        %mul3A_174 = arith.constant 520 : i32
        %mul3A_175 = arith.muli %add3A_173, %mul3A_174 : i32
        %add3A_176 = arith.constant 0 : i32
        %add3A_177 = arith.addi %mul3A_175, %add3A_176 : i32
        %add3A_178 = arith.constant 0 : i32
        %add3A_179 = arith.addi %add3A_177, %add3A_178 : i32
        %dma_start3A_180 = arith.constant 0 : i32
        %dma_start3A_181 = arith.constant 0 : i32
        %dma_start3A_182 = tpu.memref_slice %arg6[%dma_start3A_180, %dma_start3A_181] : memref<264x128xf32, #tpu.memory_space<vmem>> -> memref<120x128xf32, #tpu.memory_space<vmem>>
        %dma_start3A_183 = tpu.memref_slice %arg5[%add3A_179] : memref<16640xi32, #tpu.memory_space<vmem>> -> memref<120xi32, #tpu.memory_space<vmem>>
        %dma_start3A_184 = arith.constant 0 : i32
        %dma_start3A_185 = arith.constant 0 : i32
        %dma_start3A_186 = tpu.memref_slice %arg3[%dma_start3A_184, %dma_start3A_185] : memref<100000x128xf32, #tpu.memory_space<hbm>> -> memref<100000x128xf32, #tpu.memory_space<hbm>>
        tpu.enqueue_indirect_dma source(%dma_start3A_186 : memref<100000x128xf32, #tpu.memory_space<hbm>>) target(%dma_start3A_182 : memref<120x128xf32, #tpu.memory_space<vmem>>) offsets(%dma_start3A_183 : memref<120xi32, #tpu.memory_space<vmem>>) semaphore(%arg9 : memref<!tpu.dma_semaphore, #tpu.memory_space<semaphore_mem>>)
      } else {
      }
      %scan3A_92 = arith.constant 0 : i32
      %scan3A_93 = arith.constant 0 : i32
      %scan3A_94 = arith.constant 8 : i32
      %scan3A_95 = arith.addi %scan3A_93, %scan3A_94 : i32
      %scan3A_96 = arith.constant 1 : i32
      scf.for %scan3A_172 = %scan3A_93 to %scan3A_95 step %scan3A_96  : i32 {
        %mul3A_173 = arith.constant 16 : i32
        %mul3A_174 = arith.muli %scan3A_172, %mul3A_173 : i32
        %get3A = arith.constant 120 : i32
        %get3A_175 = arith.index_cast %get3A : i32 to index
        %get3A_176 = arith.index_cast %mul3A_174 : i32 to index
        %get3A_177 = tpu.vector_load %arg6[%get3A_175, %get3A_176] {strides = array<i32>} : memref<264x128xf32, #tpu.memory_space<vmem>>, vector<1x16xf32>,
        %get3A_178 = vector.shape_cast %get3A_177 : vector<1x16xf32> to vector<16xf32>
        %get3A_179 = arith.constant 121 : i32
        %get3A_180 = arith.index_cast %get3A_179 : i32 to index
        %get3A_181 = arith.index_cast %mul3A_174 : i32 to index
        %get3A_182 = tpu.vector_load %arg6[%get3A_180, %get3A_181] {strides = array<i32>} : memref<264x128xf32, #tpu.memory_space<vmem>>, vector<1x16xf32>,
        %get3A_183 = vector.shape_cast %get3A_182 : vector<1x16xf32> to vector<16xf32>
        %add3A_184 = arith.addf %get3A_178, %get3A_183 : vector<16xf32>
        %get3A_185 = arith.constant 122 : i32
        %get3A_186 = arith.index_cast %get3A_185 : i32 to index
        %get3A_187 = arith.index_cast %mul3A_174 : i32 to index
        %get3A_188 = tpu.vector_load %arg6[%get3A_186, %get3A_187] {strides = array<i32>} : memref<264x128xf32, #tpu.memory_space<vmem>>, vector<1x16xf32>,
        %get3A_189 = vector.shape_cast %get3A_188 : vector<1x16xf32> to vector<16xf32>
        %add3A_190 = arith.addf %add3A_184, %get3A_189 : vector<16xf32>
        %get3A_191 = arith.constant 123 : i32
        %get3A_192 = arith.index_cast %get3A_191 : i32 to index
        %get3A_193 = arith.index_cast %mul3A_174 : i32 to index
        %get3A_194 = tpu.vector_load %arg6[%get3A_192, %get3A_193] {strides = array<i32>} : memref<264x128xf32, #tpu.memory_space<vmem>>, vector<1x16xf32>,
        %get3A_195 = vector.shape_cast %get3A_194 : vector<1x16xf32> to vector<16xf32>
        %add3A_196 = arith.addf %add3A_190, %get3A_195 : vector<16xf32>
        %get3A_197 = arith.constant 124 : i32
        %get3A_198 = arith.index_cast %get3A_197 : i32 to index
        %get3A_199 = arith.index_cast %mul3A_174 : i32 to index
        %get3A_200 = tpu.vector_load %arg6[%get3A_198, %get3A_199] {strides = array<i32>} : memref<264x128xf32, #tpu.memory_space<vmem>>, vector<1x16xf32>,
        %get3A_201 = vector.shape_cast %get3A_200 : vector<1x16xf32> to vector<16xf32>
        %add3A_202 = arith.addf %add3A_196, %get3A_201 : vector<16xf32>
        %get3A_203 = arith.constant 125 : i32
        %get3A_204 = arith.index_cast %get3A_203 : i32 to index
        %get3A_205 = arith.index_cast %mul3A_174 : i32 to index
        %get3A_206 = tpu.vector_load %arg6[%get3A_204, %get3A_205] {strides = array<i32>} : memref<264x128xf32, #tpu.memory_space<vmem>>, vector<1x16xf32>,
        %get3A_207 = vector.shape_cast %get3A_206 : vector<1x16xf32> to vector<16xf32>
        %add3A_208 = arith.addf %add3A_202, %get3A_207 : vector<16xf32>
        %get3A_209 = arith.constant 126 : i32
        %get3A_210 = arith.index_cast %get3A_209 : i32 to index
        %get3A_211 = arith.index_cast %mul3A_174 : i32 to index
        %get3A_212 = tpu.vector_load %arg6[%get3A_210, %get3A_211] {strides = array<i32>} : memref<264x128xf32, #tpu.memory_space<vmem>>, vector<1x16xf32>,
        %get3A_213 = vector.shape_cast %get3A_212 : vector<1x16xf32> to vector<16xf32>
        %add3A_214 = arith.addf %add3A_208, %get3A_213 : vector<16xf32>
        %get3A_215 = arith.constant 127 : i32
        %get3A_216 = arith.index_cast %get3A_215 : i32 to index
        %get3A_217 = arith.index_cast %mul3A_174 : i32 to index
        %get3A_218 = tpu.vector_load %arg6[%get3A_216, %get3A_217] {strides = array<i32>} : memref<264x128xf32, #tpu.memory_space<vmem>>, vector<1x16xf32>,
        %get3A_219 = vector.shape_cast %get3A_218 : vector<1x16xf32> to vector<16xf32>
        %add3A_220 = arith.addf %add3A_214, %get3A_219 : vector<16xf32>
        %get3A_221 = arith.constant 128 : i32
        %get3A_222 = arith.index_cast %get3A_221 : i32 to index
        %get3A_223 = arith.index_cast %mul3A_174 : i32 to index
        %get3A_224 = tpu.vector_load %arg6[%get3A_222, %get3A_223] {strides = array<i32>} : memref<264x128xf32, #tpu.memory_space<vmem>>, vector<1x16xf32>,
        %get3A_225 = vector.shape_cast %get3A_224 : vector<1x16xf32> to vector<16xf32>
        %add3A_226 = arith.addf %add3A_220, %get3A_225 : vector<16xf32>
        %get3A_227 = arith.constant 129 : i32
        %get3A_228 = arith.index_cast %get3A_227 : i32 to index
        %get3A_229 = arith.index_cast %mul3A_174 : i32 to index
        %get3A_230 = tpu.vector_load %arg6[%get3A_228, %get3A_229] {strides = array<i32>} : memref<264x128xf32, #tpu.memory_space<vmem>>, vector<1x16xf32>,
        %get3A_231 = vector.shape_cast %get3A_230 : vector<1x16xf32> to vector<16xf32>
        %add3A_232 = arith.addf %add3A_226, %get3A_231 : vector<16xf32>
        %get3A_233 = arith.constant 130 : i32
        %get3A_234 = arith.index_cast %get3A_233 : i32 to index
        %get3A_235 = arith.index_cast %mul3A_174 : i32 to index
        %get3A_236 = tpu.vector_load %arg6[%get3A_234, %get3A_235] {strides = array<i32>} : memref<264x128xf32, #tpu.memory_space<vmem>>, vector<1x16xf32>,
        %get3A_237 = vector.shape_cast %get3A_236 : vector<1x16xf32> to vector<16xf32>
        %add3A_238 = arith.addf %add3A_232, %get3A_237 : vector<16xf32>
        %get3A_239 = arith.constant 131 : i32
        %get3A_240 = arith.index_cast %get3A_239 : i32 to index
        %get3A_241 = arith.index_cast %mul3A_174 : i32 to index
        %get3A_242 = tpu.vector_load %arg6[%get3A_240, %get3A_241] {strides = array<i32>} : memref<264x128xf32, #tpu.memory_space<vmem>>, vector<1x16xf32>,
        %get3A_243 = vector.shape_cast %get3A_242 : vector<1x16xf32> to vector<16xf32>
        %add3A_244 = arith.addf %add3A_238, %get3A_243 : vector<16xf32>
        %get3A_245 = arith.constant 132 : i32
        %get3A_246 = arith.index_cast %get3A_245 : i32 to index
        %get3A_247 = arith.index_cast %mul3A_174 : i32 to index
        %get3A_248 = tpu.vector_load %arg6[%get3A_246, %get3A_247] {strides = array<i32>} : memref<264x128xf32, #tpu.memory_space<vmem>>, vector<1x16xf32>,
        %get3A_249 = vector.shape_cast %get3A_248 : vector<1x16xf32> to vector<16xf32>
        %add3A_250 = arith.addf %add3A_244, %get3A_249 : vector<16xf32>
        %get3A_251 = arith.constant 133 : i32
        %get3A_252 = arith.index_cast %get3A_251 : i32 to index
        %get3A_253 = arith.index_cast %mul3A_174 : i32 to index
        %get3A_254 = tpu.vector_load %arg6[%get3A_252, %get3A_253] {strides = array<i32>} : memref<264x128xf32, #tpu.memory_space<vmem>>, vector<1x16xf32>,
        %get3A_255 = vector.shape_cast %get3A_254 : vector<1x16xf32> to vector<16xf32>
        %add3A_256 = arith.addf %add3A_250, %get3A_255 : vector<16xf32>
        %get3A_257 = arith.constant 134 : i32
        %get3A_258 = arith.index_cast %get3A_257 : i32 to index
        %get3A_259 = arith.index_cast %mul3A_174 : i32 to index
        %get3A_260 = tpu.vector_load %arg6[%get3A_258, %get3A_259] {strides = array<i32>} : memref<264x128xf32, #tpu.memory_space<vmem>>, vector<1x16xf32>,
        %get3A_261 = vector.shape_cast %get3A_260 : vector<1x16xf32> to vector<16xf32>
        %add3A_262 = arith.addf %add3A_256, %get3A_261 : vector<16xf32>
        %get3A_263 = arith.constant 135 : i32
        %get3A_264 = arith.index_cast %get3A_263 : i32 to index
        %get3A_265 = arith.index_cast %mul3A_174 : i32 to index
        %get3A_266 = tpu.vector_load %arg6[%get3A_264, %get3A_265] {strides = array<i32>} : memref<264x128xf32, #tpu.memory_space<vmem>>, vector<1x16xf32>,
        %get3A_267 = vector.shape_cast %get3A_266 : vector<1x16xf32> to vector<16xf32>
        %add3A_268 = arith.addf %add3A_262, %get3A_267 : vector<16xf32>
        %get3A_269 = arith.constant 136 : i32
        %get3A_270 = arith.index_cast %get3A_269 : i32 to index
        %get3A_271 = arith.index_cast %mul3A_174 : i32 to index
        %get3A_272 = tpu.vector_load %arg6[%get3A_270, %get3A_271] {strides = array<i32>} : memref<264x128xf32, #tpu.memory_space<vmem>>, vector<1x16xf32>,
        %get3A_273 = vector.shape_cast %get3A_272 : vector<1x16xf32> to vector<16xf32>
        %add3A_274 = arith.addf %add3A_268, %get3A_273 : vector<16xf32>
        %get3A_275 = arith.constant 137 : i32
        %get3A_276 = arith.index_cast %get3A_275 : i32 to index
        %get3A_277 = arith.index_cast %mul3A_174 : i32 to index
        %get3A_278 = tpu.vector_load %arg6[%get3A_276, %get3A_277] {strides = array<i32>} : memref<264x128xf32, #tpu.memory_space<vmem>>, vector<1x16xf32>,
        %get3A_279 = vector.shape_cast %get3A_278 : vector<1x16xf32> to vector<16xf32>
        %add3A_280 = arith.addf %add3A_274, %get3A_279 : vector<16xf32>
        %get3A_281 = arith.constant 138 : i32
        %get3A_282 = arith.index_cast %get3A_281 : i32 to index
        %get3A_283 = arith.index_cast %mul3A_174 : i32 to index
        %get3A_284 = tpu.vector_load %arg6[%get3A_282, %get3A_283] {strides = array<i32>} : memref<264x128xf32, #tpu.memory_space<vmem>>, vector<1x16xf32>,
        %get3A_285 = vector.shape_cast %get3A_284 : vector<1x16xf32> to vector<16xf32>
        %add3A_286 = arith.addf %add3A_280, %get3A_285 : vector<16xf32>
        %get3A_287 = arith.constant 139 : i32
        %get3A_288 = arith.index_cast %get3A_287 : i32 to index
        %get3A_289 = arith.index_cast %mul3A_174 : i32 to index
        %get3A_290 = tpu.vector_load %arg6[%get3A_288, %get3A_289] {strides = array<i32>} : memref<264x128xf32, #tpu.memory_space<vmem>>, vector<1x16xf32>,
        %get3A_291 = vector.shape_cast %get3A_290 : vector<1x16xf32> to vector<16xf32>
        %add3A_292 = arith.addf %add3A_286, %get3A_291 : vector<16xf32>
        %swap3A = arith.constant 6 : i32
        %swap3A_293 = arith.index_cast %swap3A : i32 to index
        %swap3A_294 = arith.index_cast %mul3A_174 : i32 to index
        %swap3A_295 = tpu.vector_load %arg8[%swap3A_293, %swap3A_294] {strides = array<i32>} : memref<26x128xf32, #tpu.memory_space<vmem>>, vector<1x16xf32>,
        %swap3A_296 = vector.shape_cast %swap3A_295 : vector<1x16xf32> to vector<16xf32>
        %swap3A_297 = vector.shape_cast %add3A_292 : vector<16xf32> to vector<1x16xf32>
        tpu.vector_store %arg8[%swap3A_293, %swap3A_294], %swap3A_297 {strides = array<i32>} : memref<26x128xf32, #tpu.memory_space<vmem>>, vector<1x16xf32>,
        %get3A_298 = arith.constant 140 : i32
        %get3A_299 = arith.index_cast %get3A_298 : i32 to index
        %get3A_300 = arith.index_cast %mul3A_174 : i32 to index
        %get3A_301 = tpu.vector_load %arg6[%get3A_299, %get3A_300] {strides = array<i32>} : memref<264x128xf32, #tpu.memory_space<vmem>>, vector<1x16xf32>,
        %get3A_302 = vector.shape_cast %get3A_301 : vector<1x16xf32> to vector<16xf32>
        %get3A_303 = arith.constant 141 : i32
        %get3A_304 = arith.index_cast %get3A_303 : i32 to index
        %get3A_305 = arith.index_cast %mul3A_174 : i32 to index
        %get3A_306 = tpu.vector_load %arg6[%get3A_304, %get3A_305] {strides = array<i32>} : memref<264x128xf32, #tpu.memory_space<vmem>>, vector<1x16xf32>,
        %get3A_307 = vector.shape_cast %get3A_306 : vector<1x16xf32> to vector<16xf32>
        %add3A_308 = arith.addf %get3A_302, %get3A_307 : vector<16xf32>
        %get3A_309 = arith.constant 142 : i32
        %get3A_310 = arith.index_cast %get3A_309 : i32 to index
        %get3A_311 = arith.index_cast %mul3A_174 : i32 to index
        %get3A_312 = tpu.vector_load %arg6[%get3A_310, %get3A_311] {strides = array<i32>} : memref<264x128xf32, #tpu.memory_space<vmem>>, vector<1x16xf32>,
        %get3A_313 = vector.shape_cast %get3A_312 : vector<1x16xf32> to vector<16xf32>
        %add3A_314 = arith.addf %add3A_308, %get3A_313 : vector<16xf32>
        %get3A_315 = arith.constant 143 : i32
        %get3A_316 = arith.index_cast %get3A_315 : i32 to index
        %get3A_317 = arith.index_cast %mul3A_174 : i32 to index
        %get3A_318 = tpu.vector_load %arg6[%get3A_316, %get3A_317] {strides = array<i32>} : memref<264x128xf32, #tpu.memory_space<vmem>>, vector<1x16xf32>,
        %get3A_319 = vector.shape_cast %get3A_318 : vector<1x16xf32> to vector<16xf32>
        %add3A_320 = arith.addf %add3A_314, %get3A_319 : vector<16xf32>
        %get3A_321 = arith.constant 144 : i32
        %get3A_322 = arith.index_cast %get3A_321 : i32 to index
        %get3A_323 = arith.index_cast %mul3A_174 : i32 to index
        %get3A_324 = tpu.vector_load %arg6[%get3A_322, %get3A_323] {strides = array<i32>} : memref<264x128xf32, #tpu.memory_space<vmem>>, vector<1x16xf32>,
        %get3A_325 = vector.shape_cast %get3A_324 : vector<1x16xf32> to vector<16xf32>
        %add3A_326 = arith.addf %add3A_320, %get3A_325 : vector<16xf32>
        %get3A_327 = arith.constant 145 : i32
        %get3A_328 = arith.index_cast %get3A_327 : i32 to index
        %get3A_329 = arith.index_cast %mul3A_174 : i32 to index
        %get3A_330 = tpu.vector_load %arg6[%get3A_328, %get3A_329] {strides = array<i32>} : memref<264x128xf32, #tpu.memory_space<vmem>>, vector<1x16xf32>,
        %get3A_331 = vector.shape_cast %get3A_330 : vector<1x16xf32> to vector<16xf32>
        %add3A_332 = arith.addf %add3A_326, %get3A_331 : vector<16xf32>
        %get3A_333 = arith.constant 146 : i32
        %get3A_334 = arith.index_cast %get3A_333 : i32 to index
        %get3A_335 = arith.index_cast %mul3A_174 : i32 to index
        %get3A_336 = tpu.vector_load %arg6[%get3A_334, %get3A_335] {strides = array<i32>} : memref<264x128xf32, #tpu.memory_space<vmem>>, vector<1x16xf32>,
        %get3A_337 = vector.shape_cast %get3A_336 : vector<1x16xf32> to vector<16xf32>
        %add3A_338 = arith.addf %add3A_332, %get3A_337 : vector<16xf32>
        %get3A_339 = arith.constant 147 : i32
        %get3A_340 = arith.index_cast %get3A_339 : i32 to index
        %get3A_341 = arith.index_cast %mul3A_174 : i32 to index
        %get3A_342 = tpu.vector_load %arg6[%get3A_340, %get3A_341] {strides = array<i32>} : memref<264x128xf32, #tpu.memory_space<vmem>>, vector<1x16xf32>,
        %get3A_343 = vector.shape_cast %get3A_342 : vector<1x16xf32> to vector<16xf32>
        %add3A_344 = arith.addf %add3A_338, %get3A_343 : vector<16xf32>
        %get3A_345 = arith.constant 148 : i32
        %get3A_346 = arith.index_cast %get3A_345 : i32 to index
        %get3A_347 = arith.index_cast %mul3A_174 : i32 to index
        %get3A_348 = tpu.vector_load %arg6[%get3A_346, %get3A_347] {strides = array<i32>} : memref<264x128xf32, #tpu.memory_space<vmem>>, vector<1x16xf32>,
        %get3A_349 = vector.shape_cast %get3A_348 : vector<1x16xf32> to vector<16xf32>
        %add3A_350 = arith.addf %add3A_344, %get3A_349 : vector<16xf32>
        %get3A_351 = arith.constant 149 : i32
        %get3A_352 = arith.index_cast %get3A_351 : i32 to index
        %get3A_353 = arith.index_cast %mul3A_174 : i32 to index
        %get3A_354 = tpu.vector_load %arg6[%get3A_352, %get3A_353] {strides = array<i32>} : memref<264x128xf32, #tpu.memory_space<vmem>>, vector<1x16xf32>,
        %get3A_355 = vector.shape_cast %get3A_354 : vector<1x16xf32> to vector<16xf32>
        %add3A_356 = arith.addf %add3A_350, %get3A_355 : vector<16xf32>
        %get3A_357 = arith.constant 150 : i32
        %get3A_358 = arith.index_cast %get3A_357 : i32 to index
        %get3A_359 = arith.index_cast %mul3A_174 : i32 to index
        %get3A_360 = tpu.vector_load %arg6[%get3A_358, %get3A_359] {strides = array<i32>} : memref<264x128xf32, #tpu.memory_space<vmem>>, vector<1x16xf32>,
        %get3A_361 = vector.shape_cast %get3A_360 : vector<1x16xf32> to vector<16xf32>
        %add3A_362 = arith.addf %add3A_356, %get3A_361 : vector<16xf32>
        %get3A_363 = arith.constant 151 : i32
        %get3A_364 = arith.index_cast %get3A_363 : i32 to index
        %get3A_365 = arith.index_cast %mul3A_174 : i32 to index
        %get3A_366 = tpu.vector_load %arg6[%get3A_364, %get3A_365] {strides = array<i32>} : memref<264x128xf32, #tpu.memory_space<vmem>>, vector<1x16xf32>,
        %get3A_367 = vector.shape_cast %get3A_366 : vector<1x16xf32> to vector<16xf32>
        %add3A_368 = arith.addf %add3A_362, %get3A_367 : vector<16xf32>
        %get3A_369 = arith.constant 152 : i32
        %get3A_370 = arith.index_cast %get3A_369 : i32 to index
        %get3A_371 = arith.index_cast %mul3A_174 : i32 to index
        %get3A_372 = tpu.vector_load %arg6[%get3A_370, %get3A_371] {strides = array<i32>} : memref<264x128xf32, #tpu.memory_space<vmem>>, vector<1x16xf32>,
        %get3A_373 = vector.shape_cast %get3A_372 : vector<1x16xf32> to vector<16xf32>
        %add3A_374 = arith.addf %add3A_368, %get3A_373 : vector<16xf32>
        %get3A_375 = arith.constant 153 : i32
        %get3A_376 = arith.index_cast %get3A_375 : i32 to index
        %get3A_377 = arith.index_cast %mul3A_174 : i32 to index
        %get3A_378 = tpu.vector_load %arg6[%get3A_376, %get3A_377] {strides = array<i32>} : memref<264x128xf32, #tpu.memory_space<vmem>>, vector<1x16xf32>,
        %get3A_379 = vector.shape_cast %get3A_378 : vector<1x16xf32> to vector<16xf32>
        %add3A_380 = arith.addf %add3A_374, %get3A_379 : vector<16xf32>
        %get3A_381 = arith.constant 154 : i32
        %get3A_382 = arith.index_cast %get3A_381 : i32 to index
        %get3A_383 = arith.index_cast %mul3A_174 : i32 to index
        %get3A_384 = tpu.vector_load %arg6[%get3A_382, %get3A_383] {strides = array<i32>} : memref<264x128xf32, #tpu.memory_space<vmem>>, vector<1x16xf32>,
        %get3A_385 = vector.shape_cast %get3A_384 : vector<1x16xf32> to vector<16xf32>
        %add3A_386 = arith.addf %add3A_380, %get3A_385 : vector<16xf32>
        %get3A_387 = arith.constant 155 : i32
        %get3A_388 = arith.index_cast %get3A_387 : i32 to index
        %get3A_389 = arith.index_cast %mul3A_174 : i32 to index
        %get3A_390 = tpu.vector_load %arg6[%get3A_388, %get3A_389] {strides = array<i32>} : memref<264x128xf32, #tpu.memory_space<vmem>>, vector<1x16xf32>,
        %get3A_391 = vector.shape_cast %get3A_390 : vector<1x16xf32> to vector<16xf32>
        %add3A_392 = arith.addf %add3A_386, %get3A_391 : vector<16xf32>
        %get3A_393 = arith.constant 156 : i32
        %get3A_394 = arith.index_cast %get3A_393 : i32 to index
        %get3A_395 = arith.index_cast %mul3A_174 : i32 to index
        %get3A_396 = tpu.vector_load %arg6[%get3A_394, %get3A_395] {strides = array<i32>} : memref<264x128xf32, #tpu.memory_space<vmem>>, vector<1x16xf32>,
        %get3A_397 = vector.shape_cast %get3A_396 : vector<1x16xf32> to vector<16xf32>
        %add3A_398 = arith.addf %add3A_392, %get3A_397 : vector<16xf32>
        %get3A_399 = arith.constant 157 : i32
        %get3A_400 = arith.index_cast %get3A_399 : i32 to index
        %get3A_401 = arith.index_cast %mul3A_174 : i32 to index
        %get3A_402 = tpu.vector_load %arg6[%get3A_400, %get3A_401] {strides = array<i32>} : memref<264x128xf32, #tpu.memory_space<vmem>>, vector<1x16xf32>,
        %get3A_403 = vector.shape_cast %get3A_402 : vector<1x16xf32> to vector<16xf32>
        %add3A_404 = arith.addf %add3A_398, %get3A_403 : vector<16xf32>
        %get3A_405 = arith.constant 158 : i32
        %get3A_406 = arith.index_cast %get3A_405 : i32 to index
        %get3A_407 = arith.index_cast %mul3A_174 : i32 to index
        %get3A_408 = tpu.vector_load %arg6[%get3A_406, %get3A_407] {strides = array<i32>} : memref<264x128xf32, #tpu.memory_space<vmem>>, vector<1x16xf32>,
        %get3A_409 = vector.shape_cast %get3A_408 : vector<1x16xf32> to vector<16xf32>
        %add3A_410 = arith.addf %add3A_404, %get3A_409 : vector<16xf32>
        %get3A_411 = arith.constant 159 : i32
        %get3A_412 = arith.index_cast %get3A_411 : i32 to index
        %get3A_413 = arith.index_cast %mul3A_174 : i32 to index
        %get3A_414 = tpu.vector_load %arg6[%get3A_412, %get3A_413] {strides = array<i32>} : memref<264x128xf32, #tpu.memory_space<vmem>>, vector<1x16xf32>,
        %get3A_415 = vector.shape_cast %get3A_414 : vector<1x16xf32> to vector<16xf32>
        %add3A_416 = arith.addf %add3A_410, %get3A_415 : vector<16xf32>
        %swap3A_417 = arith.constant 7 : i32
        %swap3A_418 = arith.index_cast %swap3A_417 : i32 to index
        %swap3A_419 = arith.index_cast %mul3A_174 : i32 to index
        %swap3A_420 = tpu.vector_load %arg8[%swap3A_418, %swap3A_419] {strides = array<i32>} : memref<26x128xf32, #tpu.memory_space<vmem>>, vector<1x16xf32>,
        %swap3A_421 = vector.shape_cast %swap3A_420 : vector<1x16xf32> to vector<16xf32>
        %swap3A_422 = vector.shape_cast %add3A_416 : vector<16xf32> to vector<1x16xf32>
        tpu.vector_store %arg8[%swap3A_418, %swap3A_419], %swap3A_422 {strides = array<i32>} : memref<26x128xf32, #tpu.memory_space<vmem>>, vector<1x16xf32>,
        %get3A_423 = arith.constant 160 : i32
        %get3A_424 = arith.index_cast %get3A_423 : i32 to index
        %get3A_425 = arith.index_cast %mul3A_174 : i32 to index
        %get3A_426 = tpu.vector_load %arg6[%get3A_424, %get3A_425] {strides = array<i32>} : memref<264x128xf32, #tpu.memory_space<vmem>>, vector<1x16xf32>,
        %get3A_427 = vector.shape_cast %get3A_426 : vector<1x16xf32> to vector<16xf32>
        %get3A_428 = arith.constant 161 : i32
        %get3A_429 = arith.index_cast %get3A_428 : i32 to index
        %get3A_430 = arith.index_cast %mul3A_174 : i32 to index
        %get3A_431 = tpu.vector_load %arg6[%get3A_429, %get3A_430] {strides = array<i32>} : memref<264x128xf32, #tpu.memory_space<vmem>>, vector<1x16xf32>,
        %get3A_432 = vector.shape_cast %get3A_431 : vector<1x16xf32> to vector<16xf32>
        %add3A_433 = arith.addf %get3A_427, %get3A_432 : vector<16xf32>
        %get3A_434 = arith.constant 162 : i32
        %get3A_435 = arith.index_cast %get3A_434 : i32 to index
        %get3A_436 = arith.index_cast %mul3A_174 : i32 to index
        %get3A_437 = tpu.vector_load %arg6[%get3A_435, %get3A_436] {strides = array<i32>} : memref<264x128xf32, #tpu.memory_space<vmem>>, vector<1x16xf32>,
        %get3A_438 = vector.shape_cast %get3A_437 : vector<1x16xf32> to vector<16xf32>
        %add3A_439 = arith.addf %add3A_433, %get3A_438 : vector<16xf32>
        %get3A_440 = arith.constant 163 : i32
        %get3A_441 = arith.index_cast %get3A_440 : i32 to index
        %get3A_442 = arith.index_cast %mul3A_174 : i32 to index
        %get3A_443 = tpu.vector_load %arg6[%get3A_441, %get3A_442] {strides = array<i32>} : memref<264x128xf32, #tpu.memory_space<vmem>>, vector<1x16xf32>,
        %get3A_444 = vector.shape_cast %get3A_443 : vector<1x16xf32> to vector<16xf32>
        %add3A_445 = arith.addf %add3A_439, %get3A_444 : vector<16xf32>
        %get3A_446 = arith.constant 164 : i32
        %get3A_447 = arith.index_cast %get3A_446 : i32 to index
        %get3A_448 = arith.index_cast %mul3A_174 : i32 to index
        %get3A_449 = tpu.vector_load %arg6[%get3A_447, %get3A_448] {strides = array<i32>} : memref<264x128xf32, #tpu.memory_space<vmem>>, vector<1x16xf32>,
        %get3A_450 = vector.shape_cast %get3A_449 : vector<1x16xf32> to vector<16xf32>
        %add3A_451 = arith.addf %add3A_445, %get3A_450 : vector<16xf32>
        %get3A_452 = arith.constant 165 : i32
        %get3A_453 = arith.index_cast %get3A_452 : i32 to index
        %get3A_454 = arith.index_cast %mul3A_174 : i32 to index
        %get3A_455 = tpu.vector_load %arg6[%get3A_453, %get3A_454] {strides = array<i32>} : memref<264x128xf32, #tpu.memory_space<vmem>>, vector<1x16xf32>,
        %get3A_456 = vector.shape_cast %get3A_455 : vector<1x16xf32> to vector<16xf32>
        %add3A_457 = arith.addf %add3A_451, %get3A_456 : vector<16xf32>
        %get3A_458 = arith.constant 166 : i32
        %get3A_459 = arith.index_cast %get3A_458 : i32 to index
        %get3A_460 = arith.index_cast %mul3A_174 : i32 to index
        %get3A_461 = tpu.vector_load %arg6[%get3A_459, %get3A_460] {strides = array<i32>} : memref<264x128xf32, #tpu.memory_space<vmem>>, vector<1x16xf32>,
        %get3A_462 = vector.shape_cast %get3A_461 : vector<1x16xf32> to vector<16xf32>
        %add3A_463 = arith.addf %add3A_457, %get3A_462 : vector<16xf32>
        %get3A_464 = arith.constant 167 : i32
        %get3A_465 = arith.index_cast %get3A_464 : i32 to index
        %get3A_466 = arith.index_cast %mul3A_174 : i32 to index
        %get3A_467 = tpu.vector_load %arg6[%get3A_465, %get3A_466] {strides = array<i32>} : memref<264x128xf32, #tpu.memory_space<vmem>>, vector<1x16xf32>,
        %get3A_468 = vector.shape_cast %get3A_467 : vector<1x16xf32> to vector<16xf32>
        %add3A_469 = arith.addf %add3A_463, %get3A_468 : vector<16xf32>
        %get3A_470 = arith.constant 168 : i32
        %get3A_471 = arith.index_cast %get3A_470 : i32 to index
        %get3A_472 = arith.index_cast %mul3A_174 : i32 to index
        %get3A_473 = tpu.vector_load %arg6[%get3A_471, %get3A_472] {strides = array<i32>} : memref<264x128xf32, #tpu.memory_space<vmem>>, vector<1x16xf32>,
        %get3A_474 = vector.shape_cast %get3A_473 : vector<1x16xf32> to vector<16xf32>
        %add3A_475 = arith.addf %add3A_469, %get3A_474 : vector<16xf32>
        %get3A_476 = arith.constant 169 : i32
        %get3A_477 = arith.index_cast %get3A_476 : i32 to index
        %get3A_478 = arith.index_cast %mul3A_174 : i32 to index
        %get3A_479 = tpu.vector_load %arg6[%get3A_477, %get3A_478] {strides = array<i32>} : memref<264x128xf32, #tpu.memory_space<vmem>>, vector<1x16xf32>,
        %get3A_480 = vector.shape_cast %get3A_479 : vector<1x16xf32> to vector<16xf32>
        %add3A_481 = arith.addf %add3A_475, %get3A_480 : vector<16xf32>
        %get3A_482 = arith.constant 170 : i32
        %get3A_483 = arith.index_cast %get3A_482 : i32 to index
        %get3A_484 = arith.index_cast %mul3A_174 : i32 to index
        %get3A_485 = tpu.vector_load %arg6[%get3A_483, %get3A_484] {strides = array<i32>} : memref<264x128xf32, #tpu.memory_space<vmem>>, vector<1x16xf32>,
        %get3A_486 = vector.shape_cast %get3A_485 : vector<1x16xf32> to vector<16xf32>
        %add3A_487 = arith.addf %add3A_481, %get3A_486 : vector<16xf32>
        %get3A_488 = arith.constant 171 : i32
        %get3A_489 = arith.index_cast %get3A_488 : i32 to index
        %get3A_490 = arith.index_cast %mul3A_174 : i32 to index
        %get3A_491 = tpu.vector_load %arg6[%get3A_489, %get3A_490] {strides = array<i32>} : memref<264x128xf32, #tpu.memory_space<vmem>>, vector<1x16xf32>,
        %get3A_492 = vector.shape_cast %get3A_491 : vector<1x16xf32> to vector<16xf32>
        %add3A_493 = arith.addf %add3A_487, %get3A_492 : vector<16xf32>
        %get3A_494 = arith.constant 172 : i32
        %get3A_495 = arith.index_cast %get3A_494 : i32 to index
        %get3A_496 = arith.index_cast %mul3A_174 : i32 to index
        %get3A_497 = tpu.vector_load %arg6[%get3A_495, %get3A_496] {strides = array<i32>} : memref<264x128xf32, #tpu.memory_space<vmem>>, vector<1x16xf32>,
        %get3A_498 = vector.shape_cast %get3A_497 : vector<1x16xf32> to vector<16xf32>
        %add3A_499 = arith.addf %add3A_493, %get3A_498 : vector<16xf32>
        %get3A_500 = arith.constant 173 : i32
        %get3A_501 = arith.index_cast %get3A_500 : i32 to index
        %get3A_502 = arith.index_cast %mul3A_174 : i32 to index
        %get3A_503 = tpu.vector_load %arg6[%get3A_501, %get3A_502] {strides = array<i32>} : memref<264x128xf32, #tpu.memory_space<vmem>>, vector<1x16xf32>,
        %get3A_504 = vector.shape_cast %get3A_503 : vector<1x16xf32> to vector<16xf32>
        %add3A_505 = arith.addf %add3A_499, %get3A_504 : vector<16xf32>
        %get3A_506 = arith.constant 174 : i32
        %get3A_507 = arith.index_cast %get3A_506 : i32 to index
        %get3A_508 = arith.index_cast %mul3A_174 : i32 to index
        %get3A_509 = tpu.vector_load %arg6[%get3A_507, %get3A_508] {strides = array<i32>} : memref<264x128xf32, #tpu.memory_space<vmem>>, vector<1x16xf32>,
        %get3A_510 = vector.shape_cast %get3A_509 : vector<1x16xf32> to vector<16xf32>
        %add3A_511 = arith.addf %add3A_505, %get3A_510 : vector<16xf32>
        %get3A_512 = arith.constant 175 : i32
        %get3A_513 = arith.index_cast %get3A_512 : i32 to index
        %get3A_514 = arith.index_cast %mul3A_174 : i32 to index
        %get3A_515 = tpu.vector_load %arg6[%get3A_513, %get3A_514] {strides = array<i32>} : memref<264x128xf32, #tpu.memory_space<vmem>>, vector<1x16xf32>,
        %get3A_516 = vector.shape_cast %get3A_515 : vector<1x16xf32> to vector<16xf32>
        %add3A_517 = arith.addf %add3A_511, %get3A_516 : vector<16xf32>
        %get3A_518 = arith.constant 176 : i32
        %get3A_519 = arith.index_cast %get3A_518 : i32 to index
        %get3A_520 = arith.index_cast %mul3A_174 : i32 to index
        %get3A_521 = tpu.vector_load %arg6[%get3A_519, %get3A_520] {strides = array<i32>} : memref<264x128xf32, #tpu.memory_space<vmem>>, vector<1x16xf32>,
        %get3A_522 = vector.shape_cast %get3A_521 : vector<1x16xf32> to vector<16xf32>
        %add3A_523 = arith.addf %add3A_517, %get3A_522 : vector<16xf32>
        %get3A_524 = arith.constant 177 : i32
        %get3A_525 = arith.index_cast %get3A_524 : i32 to index
        %get3A_526 = arith.index_cast %mul3A_174 : i32 to index
        %get3A_527 = tpu.vector_load %arg6[%get3A_525, %get3A_526] {strides = array<i32>} : memref<264x128xf32, #tpu.memory_space<vmem>>, vector<1x16xf32>,
        %get3A_528 = vector.shape_cast %get3A_527 : vector<1x16xf32> to vector<16xf32>
        %add3A_529 = arith.addf %add3A_523, %get3A_528 : vector<16xf32>
        %get3A_530 = arith.constant 178 : i32
        %get3A_531 = arith.index_cast %get3A_530 : i32 to index
        %get3A_532 = arith.index_cast %mul3A_174 : i32 to index
        %get3A_533 = tpu.vector_load %arg6[%get3A_531, %get3A_532] {strides = array<i32>} : memref<264x128xf32, #tpu.memory_space<vmem>>, vector<1x16xf32>,
        %get3A_534 = vector.shape_cast %get3A_533 : vector<1x16xf32> to vector<16xf32>
        %add3A_535 = arith.addf %add3A_529, %get3A_534 : vector<16xf32>
        %get3A_536 = arith.constant 179 : i32
        %get3A_537 = arith.index_cast %get3A_536 : i32 to index
        %get3A_538 = arith.index_cast %mul3A_174 : i32 to index
        %get3A_539 = tpu.vector_load %arg6[%get3A_537, %get3A_538] {strides = array<i32>} : memref<264x128xf32, #tpu.memory_space<vmem>>, vector<1x16xf32>,
        %get3A_540 = vector.shape_cast %get3A_539 : vector<1x16xf32> to vector<16xf32>
        %add3A_541 = arith.addf %add3A_535, %get3A_540 : vector<16xf32>
        %swap3A_542 = arith.constant 8 : i32
        %swap3A_543 = arith.index_cast %swap3A_542 : i32 to index
        %swap3A_544 = arith.index_cast %mul3A_174 : i32 to index
        %swap3A_545 = tpu.vector_load %arg8[%swap3A_543, %swap3A_544] {strides = array<i32>} : memref<26x128xf32, #tpu.memory_space<vmem>>, vector<1x16xf32>,
        %swap3A_546 = vector.shape_cast %swap3A_545 : vector<1x16xf32> to vector<16xf32>
        %swap3A_547 = vector.shape_cast %add3A_541 : vector<16xf32> to vector<1x16xf32>
        tpu.vector_store %arg8[%swap3A_543, %swap3A_544], %swap3A_547 {strides = array<i32>} : memref<26x128xf32, #tpu.memory_space<vmem>>, vector<1x16xf32>,
        %get3A_548 = arith.constant 180 : i32
        %get3A_549 = arith.index_cast %get3A_548 : i32 to index
        %get3A_550 = arith.index_cast %mul3A_174 : i32 to index
        %get3A_551 = tpu.vector_load %arg6[%get3A_549, %get3A_550] {strides = array<i32>} : memref<264x128xf32, #tpu.memory_space<vmem>>, vector<1x16xf32>,
        %get3A_552 = vector.shape_cast %get3A_551 : vector<1x16xf32> to vector<16xf32>
        %get3A_553 = arith.constant 181 : i32
        %get3A_554 = arith.index_cast %get3A_553 : i32 to index
        %get3A_555 = arith.index_cast %mul3A_174 : i32 to index
        %get3A_556 = tpu.vector_load %arg6[%get3A_554, %get3A_555] {strides = array<i32>} : memref<264x128xf32, #tpu.memory_space<vmem>>, vector<1x16xf32>,
        %get3A_557 = vector.shape_cast %get3A_556 : vector<1x16xf32> to vector<16xf32>
        %add3A_558 = arith.addf %get3A_552, %get3A_557 : vector<16xf32>
        %get3A_559 = arith.constant 182 : i32
        %get3A_560 = arith.index_cast %get3A_559 : i32 to index
        %get3A_561 = arith.index_cast %mul3A_174 : i32 to index
        %get3A_562 = tpu.vector_load %arg6[%get3A_560, %get3A_561] {strides = array<i32>} : memref<264x128xf32, #tpu.memory_space<vmem>>, vector<1x16xf32>,
        %get3A_563 = vector.shape_cast %get3A_562 : vector<1x16xf32> to vector<16xf32>
        %add3A_564 = arith.addf %add3A_558, %get3A_563 : vector<16xf32>
        %get3A_565 = arith.constant 183 : i32
        %get3A_566 = arith.index_cast %get3A_565 : i32 to index
        %get3A_567 = arith.index_cast %mul3A_174 : i32 to index
        %get3A_568 = tpu.vector_load %arg6[%get3A_566, %get3A_567] {strides = array<i32>} : memref<264x128xf32, #tpu.memory_space<vmem>>, vector<1x16xf32>,
        %get3A_569 = vector.shape_cast %get3A_568 : vector<1x16xf32> to vector<16xf32>
        %add3A_570 = arith.addf %add3A_564, %get3A_569 : vector<16xf32>
        %get3A_571 = arith.constant 184 : i32
        %get3A_572 = arith.index_cast %get3A_571 : i32 to index
        %get3A_573 = arith.index_cast %mul3A_174 : i32 to index
        %get3A_574 = tpu.vector_load %arg6[%get3A_572, %get3A_573] {strides = array<i32>} : memref<264x128xf32, #tpu.memory_space<vmem>>, vector<1x16xf32>,
        %get3A_575 = vector.shape_cast %get3A_574 : vector<1x16xf32> to vector<16xf32>
        %add3A_576 = arith.addf %add3A_570, %get3A_575 : vector<16xf32>
        %get3A_577 = arith.constant 185 : i32
        %get3A_578 = arith.index_cast %get3A_577 : i32 to index
        %get3A_579 = arith.index_cast %mul3A_174 : i32 to index
        %get3A_580 = tpu.vector_load %arg6[%get3A_578, %get3A_579] {strides = array<i32>} : memref<264x128xf32, #tpu.memory_space<vmem>>, vector<1x16xf32>,
        %get3A_581 = vector.shape_cast %get3A_580 : vector<1x16xf32> to vector<16xf32>
        %add3A_582 = arith.addf %add3A_576, %get3A_581 : vector<16xf32>
        %get3A_583 = arith.constant 186 : i32
        %get3A_584 = arith.index_cast %get3A_583 : i32 to index
        %get3A_585 = arith.index_cast %mul3A_174 : i32 to index
        %get3A_586 = tpu.vector_load %arg6[%get3A_584, %get3A_585] {strides = array<i32>} : memref<264x128xf32, #tpu.memory_space<vmem>>, vector<1x16xf32>,
        %get3A_587 = vector.shape_cast %get3A_586 : vector<1x16xf32> to vector<16xf32>
        %add3A_588 = arith.addf %add3A_582, %get3A_587 : vector<16xf32>
        %get3A_589 = arith.constant 187 : i32
        %get3A_590 = arith.index_cast %get3A_589 : i32 to index
        %get3A_591 = arith.index_cast %mul3A_174 : i32 to index
        %get3A_592 = tpu.vector_load %arg6[%get3A_590, %get3A_591] {strides = array<i32>} : memref<264x128xf32, #tpu.memory_space<vmem>>, vector<1x16xf32>,
        %get3A_593 = vector.shape_cast %get3A_592 : vector<1x16xf32> to vector<16xf32>
        %add3A_594 = arith.addf %add3A_588, %get3A_593 : vector<16xf32>
        %get3A_595 = arith.constant 188 : i32
        %get3A_596 = arith.index_cast %get3A_595 : i32 to index
        %get3A_597 = arith.index_cast %mul3A_174 : i32 to index
        %get3A_598 = tpu.vector_load %arg6[%get3A_596, %get3A_597] {strides = array<i32>} : memref<264x128xf32, #tpu.memory_space<vmem>>, vector<1x16xf32>,
        %get3A_599 = vector.shape_cast %get3A_598 : vector<1x16xf32> to vector<16xf32>
        %add3A_600 = arith.addf %add3A_594, %get3A_599 : vector<16xf32>
        %get3A_601 = arith.constant 189 : i32
        %get3A_602 = arith.index_cast %get3A_601 : i32 to index
        %get3A_603 = arith.index_cast %mul3A_174 : i32 to index
        %get3A_604 = tpu.vector_load %arg6[%get3A_602, %get3A_603] {strides = array<i32>} : memref<264x128xf32, #tpu.memory_space<vmem>>, vector<1x16xf32>,
        %get3A_605 = vector.shape_cast %get3A_604 : vector<1x16xf32> to vector<16xf32>
        %add3A_606 = arith.addf %add3A_600, %get3A_605 : vector<16xf32>
        %get3A_607 = arith.constant 190 : i32
        %get3A_608 = arith.index_cast %get3A_607 : i32 to index
        %get3A_609 = arith.index_cast %mul3A_174 : i32 to index
        %get3A_610 = tpu.vector_load %arg6[%get3A_608, %get3A_609] {strides = array<i32>} : memref<264x128xf32, #tpu.memory_space<vmem>>, vector<1x16xf32>,
        %get3A_611 = vector.shape_cast %get3A_610 : vector<1x16xf32> to vector<16xf32>
        %add3A_612 = arith.addf %add3A_606, %get3A_611 : vector<16xf32>
        %get3A_613 = arith.constant 191 : i32
        %get3A_614 = arith.index_cast %get3A_613 : i32 to index
        %get3A_615 = arith.index_cast %mul3A_174 : i32 to index
        %get3A_616 = tpu.vector_load %arg6[%get3A_614, %get3A_615] {strides = array<i32>} : memref<264x128xf32, #tpu.memory_space<vmem>>, vector<1x16xf32>,
        %get3A_617 = vector.shape_cast %get3A_616 : vector<1x16xf32> to vector<16xf32>
        %add3A_618 = arith.addf %add3A_612, %get3A_617 : vector<16xf32>
        %get3A_619 = arith.constant 192 : i32
        %get3A_620 = arith.index_cast %get3A_619 : i32 to index
        %get3A_621 = arith.index_cast %mul3A_174 : i32 to index
        %get3A_622 = tpu.vector_load %arg6[%get3A_620, %get3A_621] {strides = array<i32>} : memref<264x128xf32, #tpu.memory_space<vmem>>, vector<1x16xf32>,
        %get3A_623 = vector.shape_cast %get3A_622 : vector<1x16xf32> to vector<16xf32>
        %add3A_624 = arith.addf %add3A_618, %get3A_623 : vector<16xf32>
        %get3A_625 = arith.constant 193 : i32
        %get3A_626 = arith.index_cast %get3A_625 : i32 to index
        %get3A_627 = arith.index_cast %mul3A_174 : i32 to index
        %get3A_628 = tpu.vector_load %arg6[%get3A_626, %get3A_627] {strides = array<i32>} : memref<264x128xf32, #tpu.memory_space<vmem>>, vector<1x16xf32>,
        %get3A_629 = vector.shape_cast %get3A_628 : vector<1x16xf32> to vector<16xf32>
        %add3A_630 = arith.addf %add3A_624, %get3A_629 : vector<16xf32>
        %get3A_631 = arith.constant 194 : i32
        %get3A_632 = arith.index_cast %get3A_631 : i32 to index
        %get3A_633 = arith.index_cast %mul3A_174 : i32 to index
        %get3A_634 = tpu.vector_load %arg6[%get3A_632, %get3A_633] {strides = array<i32>} : memref<264x128xf32, #tpu.memory_space<vmem>>, vector<1x16xf32>,
        %get3A_635 = vector.shape_cast %get3A_634 : vector<1x16xf32> to vector<16xf32>
        %add3A_636 = arith.addf %add3A_630, %get3A_635 : vector<16xf32>
        %get3A_637 = arith.constant 195 : i32
        %get3A_638 = arith.index_cast %get3A_637 : i32 to index
        %get3A_639 = arith.index_cast %mul3A_174 : i32 to index
        %get3A_640 = tpu.vector_load %arg6[%get3A_638, %get3A_639] {strides = array<i32>} : memref<264x128xf32, #tpu.memory_space<vmem>>, vector<1x16xf32>,
        %get3A_641 = vector.shape_cast %get3A_640 : vector<1x16xf32> to vector<16xf32>
        %add3A_642 = arith.addf %add3A_636, %get3A_641 : vector<16xf32>
        %get3A_643 = arith.constant 196 : i32
        %get3A_644 = arith.index_cast %get3A_643 : i32 to index
        %get3A_645 = arith.index_cast %mul3A_174 : i32 to index
        %get3A_646 = tpu.vector_load %arg6[%get3A_644, %get3A_645] {strides = array<i32>} : memref<264x128xf32, #tpu.memory_space<vmem>>, vector<1x16xf32>,
        %get3A_647 = vector.shape_cast %get3A_646 : vector<1x16xf32> to vector<16xf32>
        %add3A_648 = arith.addf %add3A_642, %get3A_647 : vector<16xf32>
        %get3A_649 = arith.constant 197 : i32
        %get3A_650 = arith.index_cast %get3A_649 : i32 to index
        %get3A_651 = arith.index_cast %mul3A_174 : i32 to index
        %get3A_652 = tpu.vector_load %arg6[%get3A_650, %get3A_651] {strides = array<i32>} : memref<264x128xf32, #tpu.memory_space<vmem>>, vector<1x16xf32>,
        %get3A_653 = vector.shape_cast %get3A_652 : vector<1x16xf32> to vector<16xf32>
        %add3A_654 = arith.addf %add3A_648, %get3A_653 : vector<16xf32>
        %get3A_655 = arith.constant 198 : i32
        %get3A_656 = arith.index_cast %get3A_655 : i32 to index
        %get3A_657 = arith.index_cast %mul3A_174 : i32 to index
        %get3A_658 = tpu.vector_load %arg6[%get3A_656, %get3A_657] {strides = array<i32>} : memref<264x128xf32, #tpu.memory_space<vmem>>, vector<1x16xf32>,
        %get3A_659 = vector.shape_cast %get3A_658 : vector<1x16xf32> to vector<16xf32>
        %add3A_660 = arith.addf %add3A_654, %get3A_659 : vector<16xf32>
        %get3A_661 = arith.constant 199 : i32
        %get3A_662 = arith.index_cast %get3A_661 : i32 to index
        %get3A_663 = arith.index_cast %mul3A_174 : i32 to index
        %get3A_664 = tpu.vector_load %arg6[%get3A_662, %get3A_663] {strides = array<i32>} : memref<264x128xf32, #tpu.memory_space<vmem>>, vector<1x16xf32>,
        %get3A_665 = vector.shape_cast %get3A_664 : vector<1x16xf32> to vector<16xf32>
        %add3A_666 = arith.addf %add3A_660, %get3A_665 : vector<16xf32>
        %swap3A_667 = arith.constant 9 : i32
        %swap3A_668 = arith.index_cast %swap3A_667 : i32 to index
        %swap3A_669 = arith.index_cast %mul3A_174 : i32 to index
        %swap3A_670 = tpu.vector_load %arg8[%swap3A_668, %swap3A_669] {strides = array<i32>} : memref<26x128xf32, #tpu.memory_space<vmem>>, vector<1x16xf32>,
        %swap3A_671 = vector.shape_cast %swap3A_670 : vector<1x16xf32> to vector<16xf32>
        %swap3A_672 = vector.shape_cast %add3A_666 : vector<16xf32> to vector<1x16xf32>
        tpu.vector_store %arg8[%swap3A_668, %swap3A_669], %swap3A_672 {strides = array<i32>} : memref<26x128xf32, #tpu.memory_space<vmem>>, vector<1x16xf32>,
        %get3A_673 = arith.constant 200 : i32
        %get3A_674 = arith.index_cast %get3A_673 : i32 to index
        %get3A_675 = arith.index_cast %mul3A_174 : i32 to index
        %get3A_676 = tpu.vector_load %arg6[%get3A_674, %get3A_675] {strides = array<i32>} : memref<264x128xf32, #tpu.memory_space<vmem>>, vector<1x16xf32>,
        %get3A_677 = vector.shape_cast %get3A_676 : vector<1x16xf32> to vector<16xf32>
        %get3A_678 = arith.constant 201 : i32
        %get3A_679 = arith.index_cast %get3A_678 : i32 to index
        %get3A_680 = arith.index_cast %mul3A_174 : i32 to index
        %get3A_681 = tpu.vector_load %arg6[%get3A_679, %get3A_680] {strides = array<i32>} : memref<264x128xf32, #tpu.memory_space<vmem>>, vector<1x16xf32>,
        %get3A_682 = vector.shape_cast %get3A_681 : vector<1x16xf32> to vector<16xf32>
        %add3A_683 = arith.addf %get3A_677, %get3A_682 : vector<16xf32>
        %get3A_684 = arith.constant 202 : i32
        %get3A_685 = arith.index_cast %get3A_684 : i32 to index
        %get3A_686 = arith.index_cast %mul3A_174 : i32 to index
        %get3A_687 = tpu.vector_load %arg6[%get3A_685, %get3A_686] {strides = array<i32>} : memref<264x128xf32, #tpu.memory_space<vmem>>, vector<1x16xf32>,
        %get3A_688 = vector.shape_cast %get3A_687 : vector<1x16xf32> to vector<16xf32>
        %add3A_689 = arith.addf %add3A_683, %get3A_688 : vector<16xf32>
        %get3A_690 = arith.constant 203 : i32
        %get3A_691 = arith.index_cast %get3A_690 : i32 to index
        %get3A_692 = arith.index_cast %mul3A_174 : i32 to index
        %get3A_693 = tpu.vector_load %arg6[%get3A_691, %get3A_692] {strides = array<i32>} : memref<264x128xf32, #tpu.memory_space<vmem>>, vector<1x16xf32>,
        %get3A_694 = vector.shape_cast %get3A_693 : vector<1x16xf32> to vector<16xf32>
        %add3A_695 = arith.addf %add3A_689, %get3A_694 : vector<16xf32>
        %get3A_696 = arith.constant 204 : i32
        %get3A_697 = arith.index_cast %get3A_696 : i32 to index
        %get3A_698 = arith.index_cast %mul3A_174 : i32 to index
        %get3A_699 = tpu.vector_load %arg6[%get3A_697, %get3A_698] {strides = array<i32>} : memref<264x128xf32, #tpu.memory_space<vmem>>, vector<1x16xf32>,
        %get3A_700 = vector.shape_cast %get3A_699 : vector<1x16xf32> to vector<16xf32>
        %add3A_701 = arith.addf %add3A_695, %get3A_700 : vector<16xf32>
        %get3A_702 = arith.constant 205 : i32
        %get3A_703 = arith.index_cast %get3A_702 : i32 to index
        %get3A_704 = arith.index_cast %mul3A_174 : i32 to index
        %get3A_705 = tpu.vector_load %arg6[%get3A_703, %get3A_704] {strides = array<i32>} : memref<264x128xf32, #tpu.memory_space<vmem>>, vector<1x16xf32>,
        %get3A_706 = vector.shape_cast %get3A_705 : vector<1x16xf32> to vector<16xf32>
        %add3A_707 = arith.addf %add3A_701, %get3A_706 : vector<16xf32>
        %get3A_708 = arith.constant 206 : i32
        %get3A_709 = arith.index_cast %get3A_708 : i32 to index
        %get3A_710 = arith.index_cast %mul3A_174 : i32 to index
        %get3A_711 = tpu.vector_load %arg6[%get3A_709, %get3A_710] {strides = array<i32>} : memref<264x128xf32, #tpu.memory_space<vmem>>, vector<1x16xf32>,
        %get3A_712 = vector.shape_cast %get3A_711 : vector<1x16xf32> to vector<16xf32>
        %add3A_713 = arith.addf %add3A_707, %get3A_712 : vector<16xf32>
        %get3A_714 = arith.constant 207 : i32
        %get3A_715 = arith.index_cast %get3A_714 : i32 to index
        %get3A_716 = arith.index_cast %mul3A_174 : i32 to index
        %get3A_717 = tpu.vector_load %arg6[%get3A_715, %get3A_716] {strides = array<i32>} : memref<264x128xf32, #tpu.memory_space<vmem>>, vector<1x16xf32>,
        %get3A_718 = vector.shape_cast %get3A_717 : vector<1x16xf32> to vector<16xf32>
        %add3A_719 = arith.addf %add3A_713, %get3A_718 : vector<16xf32>
        %get3A_720 = arith.constant 208 : i32
        %get3A_721 = arith.index_cast %get3A_720 : i32 to index
        %get3A_722 = arith.index_cast %mul3A_174 : i32 to index
        %get3A_723 = tpu.vector_load %arg6[%get3A_721, %get3A_722] {strides = array<i32>} : memref<264x128xf32, #tpu.memory_space<vmem>>, vector<1x16xf32>,
        %get3A_724 = vector.shape_cast %get3A_723 : vector<1x16xf32> to vector<16xf32>
        %add3A_725 = arith.addf %add3A_719, %get3A_724 : vector<16xf32>
        %get3A_726 = arith.constant 209 : i32
        %get3A_727 = arith.index_cast %get3A_726 : i32 to index
        %get3A_728 = arith.index_cast %mul3A_174 : i32 to index
        %get3A_729 = tpu.vector_load %arg6[%get3A_727, %get3A_728] {strides = array<i32>} : memref<264x128xf32, #tpu.memory_space<vmem>>, vector<1x16xf32>,
        %get3A_730 = vector.shape_cast %get3A_729 : vector<1x16xf32> to vector<16xf32>
        %add3A_731 = arith.addf %add3A_725, %get3A_730 : vector<16xf32>
        %get3A_732 = arith.constant 210 : i32
        %get3A_733 = arith.index_cast %get3A_732 : i32 to index
        %get3A_734 = arith.index_cast %mul3A_174 : i32 to index
        %get3A_735 = tpu.vector_load %arg6[%get3A_733, %get3A_734] {strides = array<i32>} : memref<264x128xf32, #tpu.memory_space<vmem>>, vector<1x16xf32>,
        %get3A_736 = vector.shape_cast %get3A_735 : vector<1x16xf32> to vector<16xf32>
        %add3A_737 = arith.addf %add3A_731, %get3A_736 : vector<16xf32>
        %get3A_738 = arith.constant 211 : i32
        %get3A_739 = arith.index_cast %get3A_738 : i32 to index
        %get3A_740 = arith.index_cast %mul3A_174 : i32 to index
        %get3A_741 = tpu.vector_load %arg6[%get3A_739, %get3A_740] {strides = array<i32>} : memref<264x128xf32, #tpu.memory_space<vmem>>, vector<1x16xf32>,
        %get3A_742 = vector.shape_cast %get3A_741 : vector<1x16xf32> to vector<16xf32>
        %add3A_743 = arith.addf %add3A_737, %get3A_742 : vector<16xf32>
        %get3A_744 = arith.constant 212 : i32
        %get3A_745 = arith.index_cast %get3A_744 : i32 to index
        %get3A_746 = arith.index_cast %mul3A_174 : i32 to index
        %get3A_747 = tpu.vector_load %arg6[%get3A_745, %get3A_746] {strides = array<i32>} : memref<264x128xf32, #tpu.memory_space<vmem>>, vector<1x16xf32>,
        %get3A_748 = vector.shape_cast %get3A_747 : vector<1x16xf32> to vector<16xf32>
        %add3A_749 = arith.addf %add3A_743, %get3A_748 : vector<16xf32>
        %get3A_750 = arith.constant 213 : i32
        %get3A_751 = arith.index_cast %get3A_750 : i32 to index
        %get3A_752 = arith.index_cast %mul3A_174 : i32 to index
        %get3A_753 = tpu.vector_load %arg6[%get3A_751, %get3A_752] {strides = array<i32>} : memref<264x128xf32, #tpu.memory_space<vmem>>, vector<1x16xf32>,
        %get3A_754 = vector.shape_cast %get3A_753 : vector<1x16xf32> to vector<16xf32>
        %add3A_755 = arith.addf %add3A_749, %get3A_754 : vector<16xf32>
        %get3A_756 = arith.constant 214 : i32
        %get3A_757 = arith.index_cast %get3A_756 : i32 to index
        %get3A_758 = arith.index_cast %mul3A_174 : i32 to index
        %get3A_759 = tpu.vector_load %arg6[%get3A_757, %get3A_758] {strides = array<i32>} : memref<264x128xf32, #tpu.memory_space<vmem>>, vector<1x16xf32>,
        %get3A_760 = vector.shape_cast %get3A_759 : vector<1x16xf32> to vector<16xf32>
        %add3A_761 = arith.addf %add3A_755, %get3A_760 : vector<16xf32>
        %get3A_762 = arith.constant 215 : i32
        %get3A_763 = arith.index_cast %get3A_762 : i32 to index
        %get3A_764 = arith.index_cast %mul3A_174 : i32 to index
        %get3A_765 = tpu.vector_load %arg6[%get3A_763, %get3A_764] {strides = array<i32>} : memref<264x128xf32, #tpu.memory_space<vmem>>, vector<1x16xf32>,
        %get3A_766 = vector.shape_cast %get3A_765 : vector<1x16xf32> to vector<16xf32>
        %add3A_767 = arith.addf %add3A_761, %get3A_766 : vector<16xf32>
        %get3A_768 = arith.constant 216 : i32
        %get3A_769 = arith.index_cast %get3A_768 : i32 to index
        %get3A_770 = arith.index_cast %mul3A_174 : i32 to index
        %get3A_771 = tpu.vector_load %arg6[%get3A_769, %get3A_770] {strides = array<i32>} : memref<264x128xf32, #tpu.memory_space<vmem>>, vector<1x16xf32>,
        %get3A_772 = vector.shape_cast %get3A_771 : vector<1x16xf32> to vector<16xf32>
        %add3A_773 = arith.addf %add3A_767, %get3A_772 : vector<16xf32>
        %get3A_774 = arith.constant 217 : i32
        %get3A_775 = arith.index_cast %get3A_774 : i32 to index
        %get3A_776 = arith.index_cast %mul3A_174 : i32 to index
        %get3A_777 = tpu.vector_load %arg6[%get3A_775, %get3A_776] {strides = array<i32>} : memref<264x128xf32, #tpu.memory_space<vmem>>, vector<1x16xf32>,
        %get3A_778 = vector.shape_cast %get3A_777 : vector<1x16xf32> to vector<16xf32>
        %add3A_779 = arith.addf %add3A_773, %get3A_778 : vector<16xf32>
        %get3A_780 = arith.constant 218 : i32
        %get3A_781 = arith.index_cast %get3A_780 : i32 to index
        %get3A_782 = arith.index_cast %mul3A_174 : i32 to index
        %get3A_783 = tpu.vector_load %arg6[%get3A_781, %get3A_782] {strides = array<i32>} : memref<264x128xf32, #tpu.memory_space<vmem>>, vector<1x16xf32>,
        %get3A_784 = vector.shape_cast %get3A_783 : vector<1x16xf32> to vector<16xf32>
        %add3A_785 = arith.addf %add3A_779, %get3A_784 : vector<16xf32>
        %get3A_786 = arith.constant 219 : i32
        %get3A_787 = arith.index_cast %get3A_786 : i32 to index
        %get3A_788 = arith.index_cast %mul3A_174 : i32 to index
        %get3A_789 = tpu.vector_load %arg6[%get3A_787, %get3A_788] {strides = array<i32>} : memref<264x128xf32, #tpu.memory_space<vmem>>, vector<1x16xf32>,
        %get3A_790 = vector.shape_cast %get3A_789 : vector<1x16xf32> to vector<16xf32>
        %add3A_791 = arith.addf %add3A_785, %get3A_790 : vector<16xf32>
        %swap3A_792 = arith.constant 10 : i32
        %swap3A_793 = arith.index_cast %swap3A_792 : i32 to index
        %swap3A_794 = arith.index_cast %mul3A_174 : i32 to index
        %swap3A_795 = tpu.vector_load %arg8[%swap3A_793, %swap3A_794] {strides = array<i32>} : memref<26x128xf32, #tpu.memory_space<vmem>>, vector<1x16xf32>,
        %swap3A_796 = vector.shape_cast %swap3A_795 : vector<1x16xf32> to vector<16xf32>
        %swap3A_797 = vector.shape_cast %add3A_791 : vector<16xf32> to vector<1x16xf32>
        tpu.vector_store %arg8[%swap3A_793, %swap3A_794], %swap3A_797 {strides = array<i32>} : memref<26x128xf32, #tpu.memory_space<vmem>>, vector<1x16xf32>,
        %get3A_798 = arith.constant 220 : i32
        %get3A_799 = arith.index_cast %get3A_798 : i32 to index
        %get3A_800 = arith.index_cast %mul3A_174 : i32 to index
        %get3A_801 = tpu.vector_load %arg6[%get3A_799, %get3A_800] {strides = array<i32>} : memref<264x128xf32, #tpu.memory_space<vmem>>, vector<1x16xf32>,
        %get3A_802 = vector.shape_cast %get3A_801 : vector<1x16xf32> to vector<16xf32>
        %get3A_803 = arith.constant 221 : i32
        %get3A_804 = arith.index_cast %get3A_803 : i32 to index
        %get3A_805 = arith.index_cast %mul3A_174 : i32 to index
        %get3A_806 = tpu.vector_load %arg6[%get3A_804, %get3A_805] {strides = array<i32>} : memref<264x128xf32, #tpu.memory_space<vmem>>, vector<1x16xf32>,
        %get3A_807 = vector.shape_cast %get3A_806 : vector<1x16xf32> to vector<16xf32>
        %add3A_808 = arith.addf %get3A_802, %get3A_807 : vector<16xf32>
        %get3A_809 = arith.constant 222 : i32
        %get3A_810 = arith.index_cast %get3A_809 : i32 to index
        %get3A_811 = arith.index_cast %mul3A_174 : i32 to index
        %get3A_812 = tpu.vector_load %arg6[%get3A_810, %get3A_811] {strides = array<i32>} : memref<264x128xf32, #tpu.memory_space<vmem>>, vector<1x16xf32>,
        %get3A_813 = vector.shape_cast %get3A_812 : vector<1x16xf32> to vector<16xf32>
        %add3A_814 = arith.addf %add3A_808, %get3A_813 : vector<16xf32>
        %get3A_815 = arith.constant 223 : i32
        %get3A_816 = arith.index_cast %get3A_815 : i32 to index
        %get3A_817 = arith.index_cast %mul3A_174 : i32 to index
        %get3A_818 = tpu.vector_load %arg6[%get3A_816, %get3A_817] {strides = array<i32>} : memref<264x128xf32, #tpu.memory_space<vmem>>, vector<1x16xf32>,
        %get3A_819 = vector.shape_cast %get3A_818 : vector<1x16xf32> to vector<16xf32>
        %add3A_820 = arith.addf %add3A_814, %get3A_819 : vector<16xf32>
        %get3A_821 = arith.constant 224 : i32
        %get3A_822 = arith.index_cast %get3A_821 : i32 to index
        %get3A_823 = arith.index_cast %mul3A_174 : i32 to index
        %get3A_824 = tpu.vector_load %arg6[%get3A_822, %get3A_823] {strides = array<i32>} : memref<264x128xf32, #tpu.memory_space<vmem>>, vector<1x16xf32>,
        %get3A_825 = vector.shape_cast %get3A_824 : vector<1x16xf32> to vector<16xf32>
        %add3A_826 = arith.addf %add3A_820, %get3A_825 : vector<16xf32>
        %get3A_827 = arith.constant 225 : i32
        %get3A_828 = arith.index_cast %get3A_827 : i32 to index
        %get3A_829 = arith.index_cast %mul3A_174 : i32 to index
        %get3A_830 = tpu.vector_load %arg6[%get3A_828, %get3A_829] {strides = array<i32>} : memref<264x128xf32, #tpu.memory_space<vmem>>, vector<1x16xf32>,
        %get3A_831 = vector.shape_cast %get3A_830 : vector<1x16xf32> to vector<16xf32>
        %add3A_832 = arith.addf %add3A_826, %get3A_831 : vector<16xf32>
        %get3A_833 = arith.constant 226 : i32
        %get3A_834 = arith.index_cast %get3A_833 : i32 to index
        %get3A_835 = arith.index_cast %mul3A_174 : i32 to index
        %get3A_836 = tpu.vector_load %arg6[%get3A_834, %get3A_835] {strides = array<i32>} : memref<264x128xf32, #tpu.memory_space<vmem>>, vector<1x16xf32>,
        %get3A_837 = vector.shape_cast %get3A_836 : vector<1x16xf32> to vector<16xf32>
        %add3A_838 = arith.addf %add3A_832, %get3A_837 : vector<16xf32>
        %get3A_839 = arith.constant 227 : i32
        %get3A_840 = arith.index_cast %get3A_839 : i32 to index
        %get3A_841 = arith.index_cast %mul3A_174 : i32 to index
        %get3A_842 = tpu.vector_load %arg6[%get3A_840, %get3A_841] {strides = array<i32>} : memref<264x128xf32, #tpu.memory_space<vmem>>, vector<1x16xf32>,
        %get3A_843 = vector.shape_cast %get3A_842 : vector<1x16xf32> to vector<16xf32>
        %add3A_844 = arith.addf %add3A_838, %get3A_843 : vector<16xf32>
        %get3A_845 = arith.constant 228 : i32
        %get3A_846 = arith.index_cast %get3A_845 : i32 to index
        %get3A_847 = arith.index_cast %mul3A_174 : i32 to index
        %get3A_848 = tpu.vector_load %arg6[%get3A_846, %get3A_847] {strides = array<i32>} : memref<264x128xf32, #tpu.memory_space<vmem>>, vector<1x16xf32>,
        %get3A_849 = vector.shape_cast %get3A_848 : vector<1x16xf32> to vector<16xf32>
        %add3A_850 = arith.addf %add3A_844, %get3A_849 : vector<16xf32>
        %get3A_851 = arith.constant 229 : i32
        %get3A_852 = arith.index_cast %get3A_851 : i32 to index
        %get3A_853 = arith.index_cast %mul3A_174 : i32 to index
        %get3A_854 = tpu.vector_load %arg6[%get3A_852, %get3A_853] {strides = array<i32>} : memref<264x128xf32, #tpu.memory_space<vmem>>, vector<1x16xf32>,
        %get3A_855 = vector.shape_cast %get3A_854 : vector<1x16xf32> to vector<16xf32>
        %add3A_856 = arith.addf %add3A_850, %get3A_855 : vector<16xf32>
        %get3A_857 = arith.constant 230 : i32
        %get3A_858 = arith.index_cast %get3A_857 : i32 to index
        %get3A_859 = arith.index_cast %mul3A_174 : i32 to index
        %get3A_860 = tpu.vector_load %arg6[%get3A_858, %get3A_859] {strides = array<i32>} : memref<264x128xf32, #tpu.memory_space<vmem>>, vector<1x16xf32>,
        %get3A_861 = vector.shape_cast %get3A_860 : vector<1x16xf32> to vector<16xf32>
        %add3A_862 = arith.addf %add3A_856, %get3A_861 : vector<16xf32>
        %get3A_863 = arith.constant 231 : i32
        %get3A_864 = arith.index_cast %get3A_863 : i32 to index
        %get3A_865 = arith.index_cast %mul3A_174 : i32 to index
        %get3A_866 = tpu.vector_load %arg6[%get3A_864, %get3A_865] {strides = array<i32>} : memref<264x128xf32, #tpu.memory_space<vmem>>, vector<1x16xf32>,
        %get3A_867 = vector.shape_cast %get3A_866 : vector<1x16xf32> to vector<16xf32>
        %add3A_868 = arith.addf %add3A_862, %get3A_867 : vector<16xf32>
        %get3A_869 = arith.constant 232 : i32
        %get3A_870 = arith.index_cast %get3A_869 : i32 to index
        %get3A_871 = arith.index_cast %mul3A_174 : i32 to index
        %get3A_872 = tpu.vector_load %arg6[%get3A_870, %get3A_871] {strides = array<i32>} : memref<264x128xf32, #tpu.memory_space<vmem>>, vector<1x16xf32>,
        %get3A_873 = vector.shape_cast %get3A_872 : vector<1x16xf32> to vector<16xf32>
        %add3A_874 = arith.addf %add3A_868, %get3A_873 : vector<16xf32>
        %get3A_875 = arith.constant 233 : i32
        %get3A_876 = arith.index_cast %get3A_875 : i32 to index
        %get3A_877 = arith.index_cast %mul3A_174 : i32 to index
        %get3A_878 = tpu.vector_load %arg6[%get3A_876, %get3A_877] {strides = array<i32>} : memref<264x128xf32, #tpu.memory_space<vmem>>, vector<1x16xf32>,
        %get3A_879 = vector.shape_cast %get3A_878 : vector<1x16xf32> to vector<16xf32>
        %add3A_880 = arith.addf %add3A_874, %get3A_879 : vector<16xf32>
        %get3A_881 = arith.constant 234 : i32
        %get3A_882 = arith.index_cast %get3A_881 : i32 to index
        %get3A_883 = arith.index_cast %mul3A_174 : i32 to index
        %get3A_884 = tpu.vector_load %arg6[%get3A_882, %get3A_883] {strides = array<i32>} : memref<264x128xf32, #tpu.memory_space<vmem>>, vector<1x16xf32>,
        %get3A_885 = vector.shape_cast %get3A_884 : vector<1x16xf32> to vector<16xf32>
        %add3A_886 = arith.addf %add3A_880, %get3A_885 : vector<16xf32>
        %get3A_887 = arith.constant 235 : i32
        %get3A_888 = arith.index_cast %get3A_887 : i32 to index
        %get3A_889 = arith.index_cast %mul3A_174 : i32 to index
        %get3A_890 = tpu.vector_load %arg6[%get3A_888, %get3A_889] {strides = array<i32>} : memref<264x128xf32, #tpu.memory_space<vmem>>, vector<1x16xf32>,
        %get3A_891 = vector.shape_cast %get3A_890 : vector<1x16xf32> to vector<16xf32>
        %add3A_892 = arith.addf %add3A_886, %get3A_891 : vector<16xf32>
        %get3A_893 = arith.constant 236 : i32
        %get3A_894 = arith.index_cast %get3A_893 : i32 to index
        %get3A_895 = arith.index_cast %mul3A_174 : i32 to index
        %get3A_896 = tpu.vector_load %arg6[%get3A_894, %get3A_895] {strides = array<i32>} : memref<264x128xf32, #tpu.memory_space<vmem>>, vector<1x16xf32>,
        %get3A_897 = vector.shape_cast %get3A_896 : vector<1x16xf32> to vector<16xf32>
        %add3A_898 = arith.addf %add3A_892, %get3A_897 : vector<16xf32>
        %get3A_899 = arith.constant 237 : i32
        %get3A_900 = arith.index_cast %get3A_899 : i32 to index
        %get3A_901 = arith.index_cast %mul3A_174 : i32 to index
        %get3A_902 = tpu.vector_load %arg6[%get3A_900, %get3A_901] {strides = array<i32>} : memref<264x128xf32, #tpu.memory_space<vmem>>, vector<1x16xf32>,
        %get3A_903 = vector.shape_cast %get3A_902 : vector<1x16xf32> to vector<16xf32>
        %add3A_904 = arith.addf %add3A_898, %get3A_903 : vector<16xf32>
        %get3A_905 = arith.constant 238 : i32
        %get3A_906 = arith.index_cast %get3A_905 : i32 to index
        %get3A_907 = arith.index_cast %mul3A_174 : i32 to index
        %get3A_908 = tpu.vector_load %arg6[%get3A_906, %get3A_907] {strides = array<i32>} : memref<264x128xf32, #tpu.memory_space<vmem>>, vector<1x16xf32>,
        %get3A_909 = vector.shape_cast %get3A_908 : vector<1x16xf32> to vector<16xf32>
        %add3A_910 = arith.addf %add3A_904, %get3A_909 : vector<16xf32>
        %get3A_911 = arith.constant 239 : i32
        %get3A_912 = arith.index_cast %get3A_911 : i32 to index
        %get3A_913 = arith.index_cast %mul3A_174 : i32 to index
        %get3A_914 = tpu.vector_load %arg6[%get3A_912, %get3A_913] {strides = array<i32>} : memref<264x128xf32, #tpu.memory_space<vmem>>, vector<1x16xf32>,
        %get3A_915 = vector.shape_cast %get3A_914 : vector<1x16xf32> to vector<16xf32>
        %add3A_916 = arith.addf %add3A_910, %get3A_915 : vector<16xf32>
        %swap3A_917 = arith.constant 11 : i32
        %swap3A_918 = arith.index_cast %swap3A_917 : i32 to index
        %swap3A_919 = arith.index_cast %mul3A_174 : i32 to index
        %swap3A_920 = tpu.vector_load %arg8[%swap3A_918, %swap3A_919] {strides = array<i32>} : memref<26x128xf32, #tpu.memory_space<vmem>>, vector<1x16xf32>,
        %swap3A_921 = vector.shape_cast %swap3A_920 : vector<1x16xf32> to vector<16xf32>
        %swap3A_922 = vector.shape_cast %add3A_916 : vector<16xf32> to vector<1x16xf32>
        tpu.vector_store %arg8[%swap3A_918, %swap3A_919], %swap3A_922 {strides = array<i32>} : memref<26x128xf32, #tpu.memory_space<vmem>>, vector<1x16xf32>,
      }
      %scan3A_97 = arith.constant 8 : i32
      %add3A_98 = arith.constant 1 : i32
      %add3A_99 = arith.addi %scan3A_65, %add3A_98 : i32
      %lt3A_100 = arith.constant 32 : i32
      %lt3A_101 = arith.cmpi slt, %add3A_99, %lt3A_100 : i32
      %convert_element_type3A_102 = arith.extui %lt3A_101 : i1 to i32
      %cond3A_103 = arith.constant 0 : i32
      %cond3A_104 = arith.cmpi ne, %convert_element_type3A_102, %cond3A_103 : i32
      scf.if %cond3A_104 {
        %add3A_172 = arith.constant 1 : i32
        %add3A_173 = arith.addi %scan3A_65, %add3A_172 : i32
        %mul3A_174 = arith.constant 520 : i32
        %mul3A_175 = arith.muli %add3A_173, %mul3A_174 : i32
        %add3A_176 = arith.constant 0 : i32
        %add3A_177 = arith.addi %mul3A_175, %add3A_176 : i32
        %add3A_178 = arith.constant 120 : i32
        %add3A_179 = arith.addi %add3A_177, %add3A_178 : i32
        %dma_start3A_180 = arith.constant 120 : i32
        %dma_start3A_181 = arith.constant 0 : i32
        %dma_start3A_182 = tpu.memref_slice %arg6[%dma_start3A_180, %dma_start3A_181] : memref<264x128xf32, #tpu.memory_space<vmem>> -> memref<120x128xf32, #tpu.memory_space<vmem>>
        %dma_start3A_183 = tpu.memref_slice %arg5[%add3A_179] : memref<16640xi32, #tpu.memory_space<vmem>> -> memref<120xi32, #tpu.memory_space<vmem>>
        %dma_start3A_184 = arith.constant 0 : i32
        %dma_start3A_185 = arith.constant 0 : i32
        %dma_start3A_186 = tpu.memref_slice %arg3[%dma_start3A_184, %dma_start3A_185] : memref<100000x128xf32, #tpu.memory_space<hbm>> -> memref<100000x128xf32, #tpu.memory_space<hbm>>
        tpu.enqueue_indirect_dma source(%dma_start3A_186 : memref<100000x128xf32, #tpu.memory_space<hbm>>) target(%dma_start3A_182 : memref<120x128xf32, #tpu.memory_space<vmem>>) offsets(%dma_start3A_183 : memref<120xi32, #tpu.memory_space<vmem>>) semaphore(%arg9 : memref<!tpu.dma_semaphore, #tpu.memory_space<semaphore_mem>>)
      } else {
      }
      %scan3A_105 = arith.constant 0 : i32
      %scan3A_106 = arith.constant 0 : i32
      %scan3A_107 = arith.constant 8 : i32
      %scan3A_108 = arith.addi %scan3A_106, %scan3A_107 : i32
      %scan3A_109 = arith.constant 1 : i32
      scf.for %scan3A_172 = %scan3A_106 to %scan3A_108 step %scan3A_109  : i32 {
        %mul3A_173 = arith.constant 16 : i32
        %mul3A_174 = arith.muli %scan3A_172, %mul3A_173 : i32
        %get3A = arith.constant 240 : i32
        %get3A_175 = arith.index_cast %get3A : i32 to index
        %get3A_176 = arith.index_cast %mul3A_174 : i32 to index
        %get3A_177 = tpu.vector_load %arg6[%get3A_175, %get3A_176] {strides = array<i32>} : memref<264x128xf32, #tpu.memory_space<vmem>>, vector<1x16xf32>,
        %get3A_178 = vector.shape_cast %get3A_177 : vector<1x16xf32> to vector<16xf32>
        %get3A_179 = arith.constant 241 : i32
        %get3A_180 = arith.index_cast %get3A_179 : i32 to index
        %get3A_181 = arith.index_cast %mul3A_174 : i32 to index
        %get3A_182 = tpu.vector_load %arg6[%get3A_180, %get3A_181] {strides = array<i32>} : memref<264x128xf32, #tpu.memory_space<vmem>>, vector<1x16xf32>,
        %get3A_183 = vector.shape_cast %get3A_182 : vector<1x16xf32> to vector<16xf32>
        %add3A_184 = arith.addf %get3A_178, %get3A_183 : vector<16xf32>
        %get3A_185 = arith.constant 242 : i32
        %get3A_186 = arith.index_cast %get3A_185 : i32 to index
        %get3A_187 = arith.index_cast %mul3A_174 : i32 to index
        %get3A_188 = tpu.vector_load %arg6[%get3A_186, %get3A_187] {strides = array<i32>} : memref<264x128xf32, #tpu.memory_space<vmem>>, vector<1x16xf32>,
        %get3A_189 = vector.shape_cast %get3A_188 : vector<1x16xf32> to vector<16xf32>
        %add3A_190 = arith.addf %add3A_184, %get3A_189 : vector<16xf32>
        %get3A_191 = arith.constant 243 : i32
        %get3A_192 = arith.index_cast %get3A_191 : i32 to index
        %get3A_193 = arith.index_cast %mul3A_174 : i32 to index
        %get3A_194 = tpu.vector_load %arg6[%get3A_192, %get3A_193] {strides = array<i32>} : memref<264x128xf32, #tpu.memory_space<vmem>>, vector<1x16xf32>,
        %get3A_195 = vector.shape_cast %get3A_194 : vector<1x16xf32> to vector<16xf32>
        %add3A_196 = arith.addf %add3A_190, %get3A_195 : vector<16xf32>
        %get3A_197 = arith.constant 244 : i32
        %get3A_198 = arith.index_cast %get3A_197 : i32 to index
        %get3A_199 = arith.index_cast %mul3A_174 : i32 to index
        %get3A_200 = tpu.vector_load %arg6[%get3A_198, %get3A_199] {strides = array<i32>} : memref<264x128xf32, #tpu.memory_space<vmem>>, vector<1x16xf32>,
        %get3A_201 = vector.shape_cast %get3A_200 : vector<1x16xf32> to vector<16xf32>
        %add3A_202 = arith.addf %add3A_196, %get3A_201 : vector<16xf32>
        %get3A_203 = arith.constant 245 : i32
        %get3A_204 = arith.index_cast %get3A_203 : i32 to index
        %get3A_205 = arith.index_cast %mul3A_174 : i32 to index
        %get3A_206 = tpu.vector_load %arg6[%get3A_204, %get3A_205] {strides = array<i32>} : memref<264x128xf32, #tpu.memory_space<vmem>>, vector<1x16xf32>,
        %get3A_207 = vector.shape_cast %get3A_206 : vector<1x16xf32> to vector<16xf32>
        %add3A_208 = arith.addf %add3A_202, %get3A_207 : vector<16xf32>
        %get3A_209 = arith.constant 246 : i32
        %get3A_210 = arith.index_cast %get3A_209 : i32 to index
        %get3A_211 = arith.index_cast %mul3A_174 : i32 to index
        %get3A_212 = tpu.vector_load %arg6[%get3A_210, %get3A_211] {strides = array<i32>} : memref<264x128xf32, #tpu.memory_space<vmem>>, vector<1x16xf32>,
        %get3A_213 = vector.shape_cast %get3A_212 : vector<1x16xf32> to vector<16xf32>
        %add3A_214 = arith.addf %add3A_208, %get3A_213 : vector<16xf32>
        %get3A_215 = arith.constant 247 : i32
        %get3A_216 = arith.index_cast %get3A_215 : i32 to index
        %get3A_217 = arith.index_cast %mul3A_174 : i32 to index
        %get3A_218 = tpu.vector_load %arg6[%get3A_216, %get3A_217] {strides = array<i32>} : memref<264x128xf32, #tpu.memory_space<vmem>>, vector<1x16xf32>,
        %get3A_219 = vector.shape_cast %get3A_218 : vector<1x16xf32> to vector<16xf32>
        %add3A_220 = arith.addf %add3A_214, %get3A_219 : vector<16xf32>
        %get3A_221 = arith.constant 248 : i32
        %get3A_222 = arith.index_cast %get3A_221 : i32 to index
        %get3A_223 = arith.index_cast %mul3A_174 : i32 to index
        %get3A_224 = tpu.vector_load %arg6[%get3A_222, %get3A_223] {strides = array<i32>} : memref<264x128xf32, #tpu.memory_space<vmem>>, vector<1x16xf32>,
        %get3A_225 = vector.shape_cast %get3A_224 : vector<1x16xf32> to vector<16xf32>
        %add3A_226 = arith.addf %add3A_220, %get3A_225 : vector<16xf32>
        %get3A_227 = arith.constant 249 : i32
        %get3A_228 = arith.index_cast %get3A_227 : i32 to index
        %get3A_229 = arith.index_cast %mul3A_174 : i32 to index
        %get3A_230 = tpu.vector_load %arg6[%get3A_228, %get3A_229] {strides = array<i32>} : memref<264x128xf32, #tpu.memory_space<vmem>>, vector<1x16xf32>,
        %get3A_231 = vector.shape_cast %get3A_230 : vector<1x16xf32> to vector<16xf32>
        %add3A_232 = arith.addf %add3A_226, %get3A_231 : vector<16xf32>
        %get3A_233 = arith.constant 250 : i32
        %get3A_234 = arith.index_cast %get3A_233 : i32 to index
        %get3A_235 = arith.index_cast %mul3A_174 : i32 to index
        %get3A_236 = tpu.vector_load %arg6[%get3A_234, %get3A_235] {strides = array<i32>} : memref<264x128xf32, #tpu.memory_space<vmem>>, vector<1x16xf32>,
        %get3A_237 = vector.shape_cast %get3A_236 : vector<1x16xf32> to vector<16xf32>
        %add3A_238 = arith.addf %add3A_232, %get3A_237 : vector<16xf32>
        %get3A_239 = arith.constant 251 : i32
        %get3A_240 = arith.index_cast %get3A_239 : i32 to index
        %get3A_241 = arith.index_cast %mul3A_174 : i32 to index
        %get3A_242 = tpu.vector_load %arg6[%get3A_240, %get3A_241] {strides = array<i32>} : memref<264x128xf32, #tpu.memory_space<vmem>>, vector<1x16xf32>,
        %get3A_243 = vector.shape_cast %get3A_242 : vector<1x16xf32> to vector<16xf32>
        %add3A_244 = arith.addf %add3A_238, %get3A_243 : vector<16xf32>
        %get3A_245 = arith.constant 252 : i32
        %get3A_246 = arith.index_cast %get3A_245 : i32 to index
        %get3A_247 = arith.index_cast %mul3A_174 : i32 to index
        %get3A_248 = tpu.vector_load %arg6[%get3A_246, %get3A_247] {strides = array<i32>} : memref<264x128xf32, #tpu.memory_space<vmem>>, vector<1x16xf32>,
        %get3A_249 = vector.shape_cast %get3A_248 : vector<1x16xf32> to vector<16xf32>
        %add3A_250 = arith.addf %add3A_244, %get3A_249 : vector<16xf32>
        %get3A_251 = arith.constant 253 : i32
        %get3A_252 = arith.index_cast %get3A_251 : i32 to index
        %get3A_253 = arith.index_cast %mul3A_174 : i32 to index
        %get3A_254 = tpu.vector_load %arg6[%get3A_252, %get3A_253] {strides = array<i32>} : memref<264x128xf32, #tpu.memory_space<vmem>>, vector<1x16xf32>,
        %get3A_255 = vector.shape_cast %get3A_254 : vector<1x16xf32> to vector<16xf32>
        %add3A_256 = arith.addf %add3A_250, %get3A_255 : vector<16xf32>
        %get3A_257 = arith.constant 254 : i32
        %get3A_258 = arith.index_cast %get3A_257 : i32 to index
        %get3A_259 = arith.index_cast %mul3A_174 : i32 to index
        %get3A_260 = tpu.vector_load %arg6[%get3A_258, %get3A_259] {strides = array<i32>} : memref<264x128xf32, #tpu.memory_space<vmem>>, vector<1x16xf32>,
        %get3A_261 = vector.shape_cast %get3A_260 : vector<1x16xf32> to vector<16xf32>
        %add3A_262 = arith.addf %add3A_256, %get3A_261 : vector<16xf32>
        %get3A_263 = arith.constant 255 : i32
        %get3A_264 = arith.index_cast %get3A_263 : i32 to index
        %get3A_265 = arith.index_cast %mul3A_174 : i32 to index
        %get3A_266 = tpu.vector_load %arg6[%get3A_264, %get3A_265] {strides = array<i32>} : memref<264x128xf32, #tpu.memory_space<vmem>>, vector<1x16xf32>,
        %get3A_267 = vector.shape_cast %get3A_266 : vector<1x16xf32> to vector<16xf32>
        %add3A_268 = arith.addf %add3A_262, %get3A_267 : vector<16xf32>
        %get3A_269 = arith.constant 256 : i32
        %get3A_270 = arith.index_cast %get3A_269 : i32 to index
        %get3A_271 = arith.index_cast %mul3A_174 : i32 to index
        %get3A_272 = tpu.vector_load %arg6[%get3A_270, %get3A_271] {strides = array<i32>} : memref<264x128xf32, #tpu.memory_space<vmem>>, vector<1x16xf32>,
        %get3A_273 = vector.shape_cast %get3A_272 : vector<1x16xf32> to vector<16xf32>
        %add3A_274 = arith.addf %add3A_268, %get3A_273 : vector<16xf32>
        %get3A_275 = arith.constant 257 : i32
        %get3A_276 = arith.index_cast %get3A_275 : i32 to index
        %get3A_277 = arith.index_cast %mul3A_174 : i32 to index
        %get3A_278 = tpu.vector_load %arg6[%get3A_276, %get3A_277] {strides = array<i32>} : memref<264x128xf32, #tpu.memory_space<vmem>>, vector<1x16xf32>,
        %get3A_279 = vector.shape_cast %get3A_278 : vector<1x16xf32> to vector<16xf32>
        %add3A_280 = arith.addf %add3A_274, %get3A_279 : vector<16xf32>
        %get3A_281 = arith.constant 258 : i32
        %get3A_282 = arith.index_cast %get3A_281 : i32 to index
        %get3A_283 = arith.index_cast %mul3A_174 : i32 to index
        %get3A_284 = tpu.vector_load %arg6[%get3A_282, %get3A_283] {strides = array<i32>} : memref<264x128xf32, #tpu.memory_space<vmem>>, vector<1x16xf32>,
        %get3A_285 = vector.shape_cast %get3A_284 : vector<1x16xf32> to vector<16xf32>
        %add3A_286 = arith.addf %add3A_280, %get3A_285 : vector<16xf32>
        %get3A_287 = arith.constant 259 : i32
        %get3A_288 = arith.index_cast %get3A_287 : i32 to index
        %get3A_289 = arith.index_cast %mul3A_174 : i32 to index
        %get3A_290 = tpu.vector_load %arg6[%get3A_288, %get3A_289] {strides = array<i32>} : memref<264x128xf32, #tpu.memory_space<vmem>>, vector<1x16xf32>,
        %get3A_291 = vector.shape_cast %get3A_290 : vector<1x16xf32> to vector<16xf32>
        %add3A_292 = arith.addf %add3A_286, %get3A_291 : vector<16xf32>
        %swap3A = arith.constant 12 : i32
        %swap3A_293 = arith.index_cast %swap3A : i32 to index
        %swap3A_294 = arith.index_cast %mul3A_174 : i32 to index
        %swap3A_295 = tpu.vector_load %arg8[%swap3A_293, %swap3A_294] {strides = array<i32>} : memref<26x128xf32, #tpu.memory_space<vmem>>, vector<1x16xf32>,
        %swap3A_296 = vector.shape_cast %swap3A_295 : vector<1x16xf32> to vector<16xf32>
        %swap3A_297 = vector.shape_cast %add3A_292 : vector<16xf32> to vector<1x16xf32>
        tpu.vector_store %arg8[%swap3A_293, %swap3A_294], %swap3A_297 {strides = array<i32>} : memref<26x128xf32, #tpu.memory_space<vmem>>, vector<1x16xf32>,
      }
      %scan3A_110 = arith.constant 8 : i32
      %add3A_111 = arith.constant 1 : i32
      %add3A_112 = arith.addi %scan3A_65, %add3A_111 : i32
      %lt3A_113 = arith.constant 32 : i32
      %lt3A_114 = arith.cmpi slt, %add3A_112, %lt3A_113 : i32
      %convert_element_type3A_115 = arith.extui %lt3A_114 : i1 to i32
      %cond3A_116 = arith.constant 0 : i32
      %cond3A_117 = arith.cmpi ne, %convert_element_type3A_115, %cond3A_116 : i32
      scf.if %cond3A_117 {
        %add3A_172 = arith.constant 1 : i32
        %add3A_173 = arith.addi %scan3A_65, %add3A_172 : i32
        %mul3A_174 = arith.constant 520 : i32
        %mul3A_175 = arith.muli %add3A_173, %mul3A_174 : i32
        %add3A_176 = arith.constant 0 : i32
        %add3A_177 = arith.addi %mul3A_175, %add3A_176 : i32
        %add3A_178 = arith.constant 240 : i32
        %add3A_179 = arith.addi %add3A_177, %add3A_178 : i32
        %dma_start3A_180 = arith.constant 240 : i32
        %dma_start3A_181 = arith.constant 0 : i32
        %dma_start3A_182 = tpu.memref_slice %arg6[%dma_start3A_180, %dma_start3A_181] : memref<264x128xf32, #tpu.memory_space<vmem>> -> memref<24x128xf32, #tpu.memory_space<vmem>>
        %dma_start3A_183 = tpu.memref_slice %arg5[%add3A_179] : memref<16640xi32, #tpu.memory_space<vmem>> -> memref<24xi32, #tpu.memory_space<vmem>>
        %dma_start3A_184 = arith.constant 0 : i32
        %dma_start3A_185 = arith.constant 0 : i32
        %dma_start3A_186 = tpu.memref_slice %arg3[%dma_start3A_184, %dma_start3A_185] : memref<100000x128xf32, #tpu.memory_space<hbm>> -> memref<100000x128xf32, #tpu.memory_space<hbm>>
        tpu.enqueue_indirect_dma source(%dma_start3A_186 : memref<100000x128xf32, #tpu.memory_space<hbm>>) target(%dma_start3A_182 : memref<24x128xf32, #tpu.memory_space<vmem>>) offsets(%dma_start3A_183 : memref<24xi32, #tpu.memory_space<vmem>>) semaphore(%arg9 : memref<!tpu.dma_semaphore, #tpu.memory_space<semaphore_mem>>)
      } else {
      }
      %dma_wait3A_118 = arith.constant 0 : i32
      %dma_wait3A_119 = arith.constant 0 : i32
      %dma_wait3A_120 = tpu.memref_slice %arg7[%dma_wait3A_118, %dma_wait3A_119] : memref<264x128xf32, #tpu.memory_space<vmem>> -> memref<264x128xf32, #tpu.memory_space<vmem>>
      %dma_wait3A_121 = arith.constant 0 : i32
      %dma_wait3A_122 = arith.constant 0 : i32
      %dma_wait3A_123 = tpu.memref_slice %arg3[%dma_wait3A_121, %dma_wait3A_122] : memref<100000x128xf32, #tpu.memory_space<hbm>> -> memref<264x128xf32, #tpu.memory_space<hbm>>
      %dma_wait3A_124 = arith.constant 0 : i32
      %dma_wait3A_125 = arith.constant 0 : i32
      %dma_wait3A_126 = tpu.memref_slice %arg7[%dma_wait3A_124, %dma_wait3A_125] : memref<264x128xf32, #tpu.memory_space<vmem>> -> memref<264x128xf32, #tpu.memory_space<vmem>>
      %dma_wait3A_127 = arith.constant 0 : i32
      %dma_wait3A_128 = arith.constant 0 : i32
      %dma_wait3A_129 = tpu.memref_slice %arg3[%dma_wait3A_127, %dma_wait3A_128] : memref<100000x128xf32, #tpu.memory_space<hbm>> -> memref<264x128xf32, #tpu.memory_space<hbm>>
      tpu.wait_dma2 semaphore(%arg10 : memref<!tpu.dma_semaphore, #tpu.memory_space<semaphore_mem>>) src(%dma_wait3A_129 : memref<264x128xf32, #tpu.memory_space<hbm>>) dst(%dma_wait3A_126 : memref<264x128xf32, #tpu.memory_space<vmem>>)
      %scan3A_130 = arith.constant 0 : i32
      %scan3A_131 = arith.constant 0 : i32
      %scan3A_132 = arith.constant 8 : i32
      %scan3A_133 = arith.addi %scan3A_131, %scan3A_132 : i32
      %scan3A_134 = arith.constant 1 : i32
      scf.for %scan3A_172 = %scan3A_131 to %scan3A_133 step %scan3A_134  : i32 {
        %mul3A_173 = arith.constant 16 : i32
        %mul3A_174 = arith.muli %scan3A_172, %mul3A_173 : i32
        %get3A = arith.constant 4 : i32
        %get3A_175 = arith.index_cast %get3A : i32 to index
        %get3A_176 = arith.index_cast %mul3A_174 : i32 to index
        %get3A_177 = tpu.vector_load %arg7[%get3A_175, %get3A_176] {strides = array<i32>} : memref<264x128xf32, #tpu.memory_space<vmem>>, vector<1x16xf32>,
        %get3A_178 = vector.shape_cast %get3A_177 : vector<1x16xf32> to vector<16xf32>
        %get3A_179 = arith.constant 5 : i32
        %get3A_180 = arith.index_cast %get3A_179 : i32 to index
        %get3A_181 = arith.index_cast %mul3A_174 : i32 to index
        %get3A_182 = tpu.vector_load %arg7[%get3A_180, %get3A_181] {strides = array<i32>} : memref<264x128xf32, #tpu.memory_space<vmem>>, vector<1x16xf32>,
        %get3A_183 = vector.shape_cast %get3A_182 : vector<1x16xf32> to vector<16xf32>
        %add3A_184 = arith.addf %get3A_178, %get3A_183 : vector<16xf32>
        %get3A_185 = arith.constant 6 : i32
        %get3A_186 = arith.index_cast %get3A_185 : i32 to index
        %get3A_187 = arith.index_cast %mul3A_174 : i32 to index
        %get3A_188 = tpu.vector_load %arg7[%get3A_186, %get3A_187] {strides = array<i32>} : memref<264x128xf32, #tpu.memory_space<vmem>>, vector<1x16xf32>,
        %get3A_189 = vector.shape_cast %get3A_188 : vector<1x16xf32> to vector<16xf32>
        %add3A_190 = arith.addf %add3A_184, %get3A_189 : vector<16xf32>
        %get3A_191 = arith.constant 7 : i32
        %get3A_192 = arith.index_cast %get3A_191 : i32 to index
        %get3A_193 = arith.index_cast %mul3A_174 : i32 to index
        %get3A_194 = tpu.vector_load %arg7[%get3A_192, %get3A_193] {strides = array<i32>} : memref<264x128xf32, #tpu.memory_space<vmem>>, vector<1x16xf32>,
        %get3A_195 = vector.shape_cast %get3A_194 : vector<1x16xf32> to vector<16xf32>
        %add3A_196 = arith.addf %add3A_190, %get3A_195 : vector<16xf32>
        %get3A_197 = arith.constant 8 : i32
        %get3A_198 = arith.index_cast %get3A_197 : i32 to index
        %get3A_199 = arith.index_cast %mul3A_174 : i32 to index
        %get3A_200 = tpu.vector_load %arg7[%get3A_198, %get3A_199] {strides = array<i32>} : memref<264x128xf32, #tpu.memory_space<vmem>>, vector<1x16xf32>,
        %get3A_201 = vector.shape_cast %get3A_200 : vector<1x16xf32> to vector<16xf32>
        %add3A_202 = arith.addf %add3A_196, %get3A_201 : vector<16xf32>
        %get3A_203 = arith.constant 9 : i32
        %get3A_204 = arith.index_cast %get3A_203 : i32 to index
        %get3A_205 = arith.index_cast %mul3A_174 : i32 to index
        %get3A_206 = tpu.vector_load %arg7[%get3A_204, %get3A_205] {strides = array<i32>} : memref<264x128xf32, #tpu.memory_space<vmem>>, vector<1x16xf32>,
        %get3A_207 = vector.shape_cast %get3A_206 : vector<1x16xf32> to vector<16xf32>
        %add3A_208 = arith.addf %add3A_202, %get3A_207 : vector<16xf32>
        %get3A_209 = arith.constant 10 : i32
        %get3A_210 = arith.index_cast %get3A_209 : i32 to index
        %get3A_211 = arith.index_cast %mul3A_174 : i32 to index
        %get3A_212 = tpu.vector_load %arg7[%get3A_210, %get3A_211] {strides = array<i32>} : memref<264x128xf32, #tpu.memory_space<vmem>>, vector<1x16xf32>,
        %get3A_213 = vector.shape_cast %get3A_212 : vector<1x16xf32> to vector<16xf32>
        %add3A_214 = arith.addf %add3A_208, %get3A_213 : vector<16xf32>
        %get3A_215 = arith.constant 11 : i32
        %get3A_216 = arith.index_cast %get3A_215 : i32 to index
        %get3A_217 = arith.index_cast %mul3A_174 : i32 to index
        %get3A_218 = tpu.vector_load %arg7[%get3A_216, %get3A_217] {strides = array<i32>} : memref<264x128xf32, #tpu.memory_space<vmem>>, vector<1x16xf32>,
        %get3A_219 = vector.shape_cast %get3A_218 : vector<1x16xf32> to vector<16xf32>
        %add3A_220 = arith.addf %add3A_214, %get3A_219 : vector<16xf32>
        %get3A_221 = arith.constant 12 : i32
        %get3A_222 = arith.index_cast %get3A_221 : i32 to index
        %get3A_223 = arith.index_cast %mul3A_174 : i32 to index
        %get3A_224 = tpu.vector_load %arg7[%get3A_222, %get3A_223] {strides = array<i32>} : memref<264x128xf32, #tpu.memory_space<vmem>>, vector<1x16xf32>,
        %get3A_225 = vector.shape_cast %get3A_224 : vector<1x16xf32> to vector<16xf32>
        %add3A_226 = arith.addf %add3A_220, %get3A_225 : vector<16xf32>
        %get3A_227 = arith.constant 13 : i32
        %get3A_228 = arith.index_cast %get3A_227 : i32 to index
        %get3A_229 = arith.index_cast %mul3A_174 : i32 to index
        %get3A_230 = tpu.vector_load %arg7[%get3A_228, %get3A_229] {strides = array<i32>} : memref<264x128xf32, #tpu.memory_space<vmem>>, vector<1x16xf32>,
        %get3A_231 = vector.shape_cast %get3A_230 : vector<1x16xf32> to vector<16xf32>
        %add3A_232 = arith.addf %add3A_226, %get3A_231 : vector<16xf32>
        %get3A_233 = arith.constant 14 : i32
        %get3A_234 = arith.index_cast %get3A_233 : i32 to index
        %get3A_235 = arith.index_cast %mul3A_174 : i32 to index
        %get3A_236 = tpu.vector_load %arg7[%get3A_234, %get3A_235] {strides = array<i32>} : memref<264x128xf32, #tpu.memory_space<vmem>>, vector<1x16xf32>,
        %get3A_237 = vector.shape_cast %get3A_236 : vector<1x16xf32> to vector<16xf32>
        %add3A_238 = arith.addf %add3A_232, %get3A_237 : vector<16xf32>
        %get3A_239 = arith.constant 15 : i32
        %get3A_240 = arith.index_cast %get3A_239 : i32 to index
        %get3A_241 = arith.index_cast %mul3A_174 : i32 to index
        %get3A_242 = tpu.vector_load %arg7[%get3A_240, %get3A_241] {strides = array<i32>} : memref<264x128xf32, #tpu.memory_space<vmem>>, vector<1x16xf32>,
        %get3A_243 = vector.shape_cast %get3A_242 : vector<1x16xf32> to vector<16xf32>
        %add3A_244 = arith.addf %add3A_238, %get3A_243 : vector<16xf32>
        %get3A_245 = arith.constant 16 : i32
        %get3A_246 = arith.index_cast %get3A_245 : i32 to index
        %get3A_247 = arith.index_cast %mul3A_174 : i32 to index
        %get3A_248 = tpu.vector_load %arg7[%get3A_246, %get3A_247] {strides = array<i32>} : memref<264x128xf32, #tpu.memory_space<vmem>>, vector<1x16xf32>,
        %get3A_249 = vector.shape_cast %get3A_248 : vector<1x16xf32> to vector<16xf32>
        %add3A_250 = arith.addf %add3A_244, %get3A_249 : vector<16xf32>
        %get3A_251 = arith.constant 17 : i32
        %get3A_252 = arith.index_cast %get3A_251 : i32 to index
        %get3A_253 = arith.index_cast %mul3A_174 : i32 to index
        %get3A_254 = tpu.vector_load %arg7[%get3A_252, %get3A_253] {strides = array<i32>} : memref<264x128xf32, #tpu.memory_space<vmem>>, vector<1x16xf32>,
        %get3A_255 = vector.shape_cast %get3A_254 : vector<1x16xf32> to vector<16xf32>
        %add3A_256 = arith.addf %add3A_250, %get3A_255 : vector<16xf32>
        %get3A_257 = arith.constant 18 : i32
        %get3A_258 = arith.index_cast %get3A_257 : i32 to index
        %get3A_259 = arith.index_cast %mul3A_174 : i32 to index
        %get3A_260 = tpu.vector_load %arg7[%get3A_258, %get3A_259] {strides = array<i32>} : memref<264x128xf32, #tpu.memory_space<vmem>>, vector<1x16xf32>,
        %get3A_261 = vector.shape_cast %get3A_260 : vector<1x16xf32> to vector<16xf32>
        %add3A_262 = arith.addf %add3A_256, %get3A_261 : vector<16xf32>
        %get3A_263 = arith.constant 19 : i32
        %get3A_264 = arith.index_cast %get3A_263 : i32 to index
        %get3A_265 = arith.index_cast %mul3A_174 : i32 to index
        %get3A_266 = tpu.vector_load %arg7[%get3A_264, %get3A_265] {strides = array<i32>} : memref<264x128xf32, #tpu.memory_space<vmem>>, vector<1x16xf32>,
        %get3A_267 = vector.shape_cast %get3A_266 : vector<1x16xf32> to vector<16xf32>
        %add3A_268 = arith.addf %add3A_262, %get3A_267 : vector<16xf32>
        %get3A_269 = arith.constant 20 : i32
        %get3A_270 = arith.index_cast %get3A_269 : i32 to index
        %get3A_271 = arith.index_cast %mul3A_174 : i32 to index
        %get3A_272 = tpu.vector_load %arg7[%get3A_270, %get3A_271] {strides = array<i32>} : memref<264x128xf32, #tpu.memory_space<vmem>>, vector<1x16xf32>,
        %get3A_273 = vector.shape_cast %get3A_272 : vector<1x16xf32> to vector<16xf32>
        %add3A_274 = arith.addf %add3A_268, %get3A_273 : vector<16xf32>
        %get3A_275 = arith.constant 21 : i32
        %get3A_276 = arith.index_cast %get3A_275 : i32 to index
        %get3A_277 = arith.index_cast %mul3A_174 : i32 to index
        %get3A_278 = tpu.vector_load %arg7[%get3A_276, %get3A_277] {strides = array<i32>} : memref<264x128xf32, #tpu.memory_space<vmem>>, vector<1x16xf32>,
        %get3A_279 = vector.shape_cast %get3A_278 : vector<1x16xf32> to vector<16xf32>
        %add3A_280 = arith.addf %add3A_274, %get3A_279 : vector<16xf32>
        %get3A_281 = arith.constant 22 : i32
        %get3A_282 = arith.index_cast %get3A_281 : i32 to index
        %get3A_283 = arith.index_cast %mul3A_174 : i32 to index
        %get3A_284 = tpu.vector_load %arg7[%get3A_282, %get3A_283] {strides = array<i32>} : memref<264x128xf32, #tpu.memory_space<vmem>>, vector<1x16xf32>,
        %get3A_285 = vector.shape_cast %get3A_284 : vector<1x16xf32> to vector<16xf32>
        %add3A_286 = arith.addf %add3A_280, %get3A_285 : vector<16xf32>
        %get3A_287 = arith.constant 23 : i32
        %get3A_288 = arith.index_cast %get3A_287 : i32 to index
        %get3A_289 = arith.index_cast %mul3A_174 : i32 to index
        %get3A_290 = tpu.vector_load %arg7[%get3A_288, %get3A_289] {strides = array<i32>} : memref<264x128xf32, #tpu.memory_space<vmem>>, vector<1x16xf32>,
        %get3A_291 = vector.shape_cast %get3A_290 : vector<1x16xf32> to vector<16xf32>
        %add3A_292 = arith.addf %add3A_286, %get3A_291 : vector<16xf32>
        %swap3A = arith.constant 13 : i32
        %swap3A_293 = arith.index_cast %swap3A : i32 to index
        %swap3A_294 = arith.index_cast %mul3A_174 : i32 to index
        %swap3A_295 = tpu.vector_load %arg8[%swap3A_293, %swap3A_294] {strides = array<i32>} : memref<26x128xf32, #tpu.memory_space<vmem>>, vector<1x16xf32>,
        %swap3A_296 = vector.shape_cast %swap3A_295 : vector<1x16xf32> to vector<16xf32>
        %swap3A_297 = vector.shape_cast %add3A_292 : vector<16xf32> to vector<1x16xf32>
        tpu.vector_store %arg8[%swap3A_293, %swap3A_294], %swap3A_297 {strides = array<i32>} : memref<26x128xf32, #tpu.memory_space<vmem>>, vector<1x16xf32>,
        %get3A_298 = arith.constant 24 : i32
        %get3A_299 = arith.index_cast %get3A_298 : i32 to index
        %get3A_300 = arith.index_cast %mul3A_174 : i32 to index
        %get3A_301 = tpu.vector_load %arg7[%get3A_299, %get3A_300] {strides = array<i32>} : memref<264x128xf32, #tpu.memory_space<vmem>>, vector<1x16xf32>,
        %get3A_302 = vector.shape_cast %get3A_301 : vector<1x16xf32> to vector<16xf32>
        %get3A_303 = arith.constant 25 : i32
        %get3A_304 = arith.index_cast %get3A_303 : i32 to index
        %get3A_305 = arith.index_cast %mul3A_174 : i32 to index
        %get3A_306 = tpu.vector_load %arg7[%get3A_304, %get3A_305] {strides = array<i32>} : memref<264x128xf32, #tpu.memory_space<vmem>>, vector<1x16xf32>,
        %get3A_307 = vector.shape_cast %get3A_306 : vector<1x16xf32> to vector<16xf32>
        %add3A_308 = arith.addf %get3A_302, %get3A_307 : vector<16xf32>
        %get3A_309 = arith.constant 26 : i32
        %get3A_310 = arith.index_cast %get3A_309 : i32 to index
        %get3A_311 = arith.index_cast %mul3A_174 : i32 to index
        %get3A_312 = tpu.vector_load %arg7[%get3A_310, %get3A_311] {strides = array<i32>} : memref<264x128xf32, #tpu.memory_space<vmem>>, vector<1x16xf32>,
        %get3A_313 = vector.shape_cast %get3A_312 : vector<1x16xf32> to vector<16xf32>
        %add3A_314 = arith.addf %add3A_308, %get3A_313 : vector<16xf32>
        %get3A_315 = arith.constant 27 : i32
        %get3A_316 = arith.index_cast %get3A_315 : i32 to index
        %get3A_317 = arith.index_cast %mul3A_174 : i32 to index
        %get3A_318 = tpu.vector_load %arg7[%get3A_316, %get3A_317] {strides = array<i32>} : memref<264x128xf32, #tpu.memory_space<vmem>>, vector<1x16xf32>,
        %get3A_319 = vector.shape_cast %get3A_318 : vector<1x16xf32> to vector<16xf32>
        %add3A_320 = arith.addf %add3A_314, %get3A_319 : vector<16xf32>
        %get3A_321 = arith.constant 28 : i32
        %get3A_322 = arith.index_cast %get3A_321 : i32 to index
        %get3A_323 = arith.index_cast %mul3A_174 : i32 to index
        %get3A_324 = tpu.vector_load %arg7[%get3A_322, %get3A_323] {strides = array<i32>} : memref<264x128xf32, #tpu.memory_space<vmem>>, vector<1x16xf32>,
        %get3A_325 = vector.shape_cast %get3A_324 : vector<1x16xf32> to vector<16xf32>
        %add3A_326 = arith.addf %add3A_320, %get3A_325 : vector<16xf32>
        %get3A_327 = arith.constant 29 : i32
        %get3A_328 = arith.index_cast %get3A_327 : i32 to index
        %get3A_329 = arith.index_cast %mul3A_174 : i32 to index
        %get3A_330 = tpu.vector_load %arg7[%get3A_328, %get3A_329] {strides = array<i32>} : memref<264x128xf32, #tpu.memory_space<vmem>>, vector<1x16xf32>,
        %get3A_331 = vector.shape_cast %get3A_330 : vector<1x16xf32> to vector<16xf32>
        %add3A_332 = arith.addf %add3A_326, %get3A_331 : vector<16xf32>
        %get3A_333 = arith.constant 30 : i32
        %get3A_334 = arith.index_cast %get3A_333 : i32 to index
        %get3A_335 = arith.index_cast %mul3A_174 : i32 to index
        %get3A_336 = tpu.vector_load %arg7[%get3A_334, %get3A_335] {strides = array<i32>} : memref<264x128xf32, #tpu.memory_space<vmem>>, vector<1x16xf32>,
        %get3A_337 = vector.shape_cast %get3A_336 : vector<1x16xf32> to vector<16xf32>
        %add3A_338 = arith.addf %add3A_332, %get3A_337 : vector<16xf32>
        %get3A_339 = arith.constant 31 : i32
        %get3A_340 = arith.index_cast %get3A_339 : i32 to index
        %get3A_341 = arith.index_cast %mul3A_174 : i32 to index
        %get3A_342 = tpu.vector_load %arg7[%get3A_340, %get3A_341] {strides = array<i32>} : memref<264x128xf32, #tpu.memory_space<vmem>>, vector<1x16xf32>,
        %get3A_343 = vector.shape_cast %get3A_342 : vector<1x16xf32> to vector<16xf32>
        %add3A_344 = arith.addf %add3A_338, %get3A_343 : vector<16xf32>
        %get3A_345 = arith.constant 32 : i32
        %get3A_346 = arith.index_cast %get3A_345 : i32 to index
        %get3A_347 = arith.index_cast %mul3A_174 : i32 to index
        %get3A_348 = tpu.vector_load %arg7[%get3A_346, %get3A_347] {strides = array<i32>} : memref<264x128xf32, #tpu.memory_space<vmem>>, vector<1x16xf32>,
        %get3A_349 = vector.shape_cast %get3A_348 : vector<1x16xf32> to vector<16xf32>
        %add3A_350 = arith.addf %add3A_344, %get3A_349 : vector<16xf32>
        %get3A_351 = arith.constant 33 : i32
        %get3A_352 = arith.index_cast %get3A_351 : i32 to index
        %get3A_353 = arith.index_cast %mul3A_174 : i32 to index
        %get3A_354 = tpu.vector_load %arg7[%get3A_352, %get3A_353] {strides = array<i32>} : memref<264x128xf32, #tpu.memory_space<vmem>>, vector<1x16xf32>,
        %get3A_355 = vector.shape_cast %get3A_354 : vector<1x16xf32> to vector<16xf32>
        %add3A_356 = arith.addf %add3A_350, %get3A_355 : vector<16xf32>
        %get3A_357 = arith.constant 34 : i32
        %get3A_358 = arith.index_cast %get3A_357 : i32 to index
        %get3A_359 = arith.index_cast %mul3A_174 : i32 to index
        %get3A_360 = tpu.vector_load %arg7[%get3A_358, %get3A_359] {strides = array<i32>} : memref<264x128xf32, #tpu.memory_space<vmem>>, vector<1x16xf32>,
        %get3A_361 = vector.shape_cast %get3A_360 : vector<1x16xf32> to vector<16xf32>
        %add3A_362 = arith.addf %add3A_356, %get3A_361 : vector<16xf32>
        %get3A_363 = arith.constant 35 : i32
        %get3A_364 = arith.index_cast %get3A_363 : i32 to index
        %get3A_365 = arith.index_cast %mul3A_174 : i32 to index
        %get3A_366 = tpu.vector_load %arg7[%get3A_364, %get3A_365] {strides = array<i32>} : memref<264x128xf32, #tpu.memory_space<vmem>>, vector<1x16xf32>,
        %get3A_367 = vector.shape_cast %get3A_366 : vector<1x16xf32> to vector<16xf32>
        %add3A_368 = arith.addf %add3A_362, %get3A_367 : vector<16xf32>
        %get3A_369 = arith.constant 36 : i32
        %get3A_370 = arith.index_cast %get3A_369 : i32 to index
        %get3A_371 = arith.index_cast %mul3A_174 : i32 to index
        %get3A_372 = tpu.vector_load %arg7[%get3A_370, %get3A_371] {strides = array<i32>} : memref<264x128xf32, #tpu.memory_space<vmem>>, vector<1x16xf32>,
        %get3A_373 = vector.shape_cast %get3A_372 : vector<1x16xf32> to vector<16xf32>
        %add3A_374 = arith.addf %add3A_368, %get3A_373 : vector<16xf32>
        %get3A_375 = arith.constant 37 : i32
        %get3A_376 = arith.index_cast %get3A_375 : i32 to index
        %get3A_377 = arith.index_cast %mul3A_174 : i32 to index
        %get3A_378 = tpu.vector_load %arg7[%get3A_376, %get3A_377] {strides = array<i32>} : memref<264x128xf32, #tpu.memory_space<vmem>>, vector<1x16xf32>,
        %get3A_379 = vector.shape_cast %get3A_378 : vector<1x16xf32> to vector<16xf32>
        %add3A_380 = arith.addf %add3A_374, %get3A_379 : vector<16xf32>
        %get3A_381 = arith.constant 38 : i32
        %get3A_382 = arith.index_cast %get3A_381 : i32 to index
        %get3A_383 = arith.index_cast %mul3A_174 : i32 to index
        %get3A_384 = tpu.vector_load %arg7[%get3A_382, %get3A_383] {strides = array<i32>} : memref<264x128xf32, #tpu.memory_space<vmem>>, vector<1x16xf32>,
        %get3A_385 = vector.shape_cast %get3A_384 : vector<1x16xf32> to vector<16xf32>
        %add3A_386 = arith.addf %add3A_380, %get3A_385 : vector<16xf32>
        %get3A_387 = arith.constant 39 : i32
        %get3A_388 = arith.index_cast %get3A_387 : i32 to index
        %get3A_389 = arith.index_cast %mul3A_174 : i32 to index
        %get3A_390 = tpu.vector_load %arg7[%get3A_388, %get3A_389] {strides = array<i32>} : memref<264x128xf32, #tpu.memory_space<vmem>>, vector<1x16xf32>,
        %get3A_391 = vector.shape_cast %get3A_390 : vector<1x16xf32> to vector<16xf32>
        %add3A_392 = arith.addf %add3A_386, %get3A_391 : vector<16xf32>
        %get3A_393 = arith.constant 40 : i32
        %get3A_394 = arith.index_cast %get3A_393 : i32 to index
        %get3A_395 = arith.index_cast %mul3A_174 : i32 to index
        %get3A_396 = tpu.vector_load %arg7[%get3A_394, %get3A_395] {strides = array<i32>} : memref<264x128xf32, #tpu.memory_space<vmem>>, vector<1x16xf32>,
        %get3A_397 = vector.shape_cast %get3A_396 : vector<1x16xf32> to vector<16xf32>
        %add3A_398 = arith.addf %add3A_392, %get3A_397 : vector<16xf32>
        %get3A_399 = arith.constant 41 : i32
        %get3A_400 = arith.index_cast %get3A_399 : i32 to index
        %get3A_401 = arith.index_cast %mul3A_174 : i32 to index
        %get3A_402 = tpu.vector_load %arg7[%get3A_400, %get3A_401] {strides = array<i32>} : memref<264x128xf32, #tpu.memory_space<vmem>>, vector<1x16xf32>,
        %get3A_403 = vector.shape_cast %get3A_402 : vector<1x16xf32> to vector<16xf32>
        %add3A_404 = arith.addf %add3A_398, %get3A_403 : vector<16xf32>
        %get3A_405 = arith.constant 42 : i32
        %get3A_406 = arith.index_cast %get3A_405 : i32 to index
        %get3A_407 = arith.index_cast %mul3A_174 : i32 to index
        %get3A_408 = tpu.vector_load %arg7[%get3A_406, %get3A_407] {strides = array<i32>} : memref<264x128xf32, #tpu.memory_space<vmem>>, vector<1x16xf32>,
        %get3A_409 = vector.shape_cast %get3A_408 : vector<1x16xf32> to vector<16xf32>
        %add3A_410 = arith.addf %add3A_404, %get3A_409 : vector<16xf32>
        %get3A_411 = arith.constant 43 : i32
        %get3A_412 = arith.index_cast %get3A_411 : i32 to index
        %get3A_413 = arith.index_cast %mul3A_174 : i32 to index
        %get3A_414 = tpu.vector_load %arg7[%get3A_412, %get3A_413] {strides = array<i32>} : memref<264x128xf32, #tpu.memory_space<vmem>>, vector<1x16xf32>,
        %get3A_415 = vector.shape_cast %get3A_414 : vector<1x16xf32> to vector<16xf32>
        %add3A_416 = arith.addf %add3A_410, %get3A_415 : vector<16xf32>
        %swap3A_417 = arith.constant 14 : i32
        %swap3A_418 = arith.index_cast %swap3A_417 : i32 to index
        %swap3A_419 = arith.index_cast %mul3A_174 : i32 to index
        %swap3A_420 = tpu.vector_load %arg8[%swap3A_418, %swap3A_419] {strides = array<i32>} : memref<26x128xf32, #tpu.memory_space<vmem>>, vector<1x16xf32>,
        %swap3A_421 = vector.shape_cast %swap3A_420 : vector<1x16xf32> to vector<16xf32>
        %swap3A_422 = vector.shape_cast %add3A_416 : vector<16xf32> to vector<1x16xf32>
        tpu.vector_store %arg8[%swap3A_418, %swap3A_419], %swap3A_422 {strides = array<i32>} : memref<26x128xf32, #tpu.memory_space<vmem>>, vector<1x16xf32>,
        %get3A_423 = arith.constant 44 : i32
        %get3A_424 = arith.index_cast %get3A_423 : i32 to index
        %get3A_425 = arith.index_cast %mul3A_174 : i32 to index
        %get3A_426 = tpu.vector_load %arg7[%get3A_424, %get3A_425] {strides = array<i32>} : memref<264x128xf32, #tpu.memory_space<vmem>>, vector<1x16xf32>,
        %get3A_427 = vector.shape_cast %get3A_426 : vector<1x16xf32> to vector<16xf32>
        %get3A_428 = arith.constant 45 : i32
        %get3A_429 = arith.index_cast %get3A_428 : i32 to index
        %get3A_430 = arith.index_cast %mul3A_174 : i32 to index
        %get3A_431 = tpu.vector_load %arg7[%get3A_429, %get3A_430] {strides = array<i32>} : memref<264x128xf32, #tpu.memory_space<vmem>>, vector<1x16xf32>,
        %get3A_432 = vector.shape_cast %get3A_431 : vector<1x16xf32> to vector<16xf32>
        %add3A_433 = arith.addf %get3A_427, %get3A_432 : vector<16xf32>
        %get3A_434 = arith.constant 46 : i32
        %get3A_435 = arith.index_cast %get3A_434 : i32 to index
        %get3A_436 = arith.index_cast %mul3A_174 : i32 to index
        %get3A_437 = tpu.vector_load %arg7[%get3A_435, %get3A_436] {strides = array<i32>} : memref<264x128xf32, #tpu.memory_space<vmem>>, vector<1x16xf32>,
        %get3A_438 = vector.shape_cast %get3A_437 : vector<1x16xf32> to vector<16xf32>
        %add3A_439 = arith.addf %add3A_433, %get3A_438 : vector<16xf32>
        %get3A_440 = arith.constant 47 : i32
        %get3A_441 = arith.index_cast %get3A_440 : i32 to index
        %get3A_442 = arith.index_cast %mul3A_174 : i32 to index
        %get3A_443 = tpu.vector_load %arg7[%get3A_441, %get3A_442] {strides = array<i32>} : memref<264x128xf32, #tpu.memory_space<vmem>>, vector<1x16xf32>,
        %get3A_444 = vector.shape_cast %get3A_443 : vector<1x16xf32> to vector<16xf32>
        %add3A_445 = arith.addf %add3A_439, %get3A_444 : vector<16xf32>
        %get3A_446 = arith.constant 48 : i32
        %get3A_447 = arith.index_cast %get3A_446 : i32 to index
        %get3A_448 = arith.index_cast %mul3A_174 : i32 to index
        %get3A_449 = tpu.vector_load %arg7[%get3A_447, %get3A_448] {strides = array<i32>} : memref<264x128xf32, #tpu.memory_space<vmem>>, vector<1x16xf32>,
        %get3A_450 = vector.shape_cast %get3A_449 : vector<1x16xf32> to vector<16xf32>
        %add3A_451 = arith.addf %add3A_445, %get3A_450 : vector<16xf32>
        %get3A_452 = arith.constant 49 : i32
        %get3A_453 = arith.index_cast %get3A_452 : i32 to index
        %get3A_454 = arith.index_cast %mul3A_174 : i32 to index
        %get3A_455 = tpu.vector_load %arg7[%get3A_453, %get3A_454] {strides = array<i32>} : memref<264x128xf32, #tpu.memory_space<vmem>>, vector<1x16xf32>,
        %get3A_456 = vector.shape_cast %get3A_455 : vector<1x16xf32> to vector<16xf32>
        %add3A_457 = arith.addf %add3A_451, %get3A_456 : vector<16xf32>
        %get3A_458 = arith.constant 50 : i32
        %get3A_459 = arith.index_cast %get3A_458 : i32 to index
        %get3A_460 = arith.index_cast %mul3A_174 : i32 to index
        %get3A_461 = tpu.vector_load %arg7[%get3A_459, %get3A_460] {strides = array<i32>} : memref<264x128xf32, #tpu.memory_space<vmem>>, vector<1x16xf32>,
        %get3A_462 = vector.shape_cast %get3A_461 : vector<1x16xf32> to vector<16xf32>
        %add3A_463 = arith.addf %add3A_457, %get3A_462 : vector<16xf32>
        %get3A_464 = arith.constant 51 : i32
        %get3A_465 = arith.index_cast %get3A_464 : i32 to index
        %get3A_466 = arith.index_cast %mul3A_174 : i32 to index
        %get3A_467 = tpu.vector_load %arg7[%get3A_465, %get3A_466] {strides = array<i32>} : memref<264x128xf32, #tpu.memory_space<vmem>>, vector<1x16xf32>,
        %get3A_468 = vector.shape_cast %get3A_467 : vector<1x16xf32> to vector<16xf32>
        %add3A_469 = arith.addf %add3A_463, %get3A_468 : vector<16xf32>
        %get3A_470 = arith.constant 52 : i32
        %get3A_471 = arith.index_cast %get3A_470 : i32 to index
        %get3A_472 = arith.index_cast %mul3A_174 : i32 to index
        %get3A_473 = tpu.vector_load %arg7[%get3A_471, %get3A_472] {strides = array<i32>} : memref<264x128xf32, #tpu.memory_space<vmem>>, vector<1x16xf32>,
        %get3A_474 = vector.shape_cast %get3A_473 : vector<1x16xf32> to vector<16xf32>
        %add3A_475 = arith.addf %add3A_469, %get3A_474 : vector<16xf32>
        %get3A_476 = arith.constant 53 : i32
        %get3A_477 = arith.index_cast %get3A_476 : i32 to index
        %get3A_478 = arith.index_cast %mul3A_174 : i32 to index
        %get3A_479 = tpu.vector_load %arg7[%get3A_477, %get3A_478] {strides = array<i32>} : memref<264x128xf32, #tpu.memory_space<vmem>>, vector<1x16xf32>,
        %get3A_480 = vector.shape_cast %get3A_479 : vector<1x16xf32> to vector<16xf32>
        %add3A_481 = arith.addf %add3A_475, %get3A_480 : vector<16xf32>
        %get3A_482 = arith.constant 54 : i32
        %get3A_483 = arith.index_cast %get3A_482 : i32 to index
        %get3A_484 = arith.index_cast %mul3A_174 : i32 to index
        %get3A_485 = tpu.vector_load %arg7[%get3A_483, %get3A_484] {strides = array<i32>} : memref<264x128xf32, #tpu.memory_space<vmem>>, vector<1x16xf32>,
        %get3A_486 = vector.shape_cast %get3A_485 : vector<1x16xf32> to vector<16xf32>
        %add3A_487 = arith.addf %add3A_481, %get3A_486 : vector<16xf32>
        %get3A_488 = arith.constant 55 : i32
        %get3A_489 = arith.index_cast %get3A_488 : i32 to index
        %get3A_490 = arith.index_cast %mul3A_174 : i32 to index
        %get3A_491 = tpu.vector_load %arg7[%get3A_489, %get3A_490] {strides = array<i32>} : memref<264x128xf32, #tpu.memory_space<vmem>>, vector<1x16xf32>,
        %get3A_492 = vector.shape_cast %get3A_491 : vector<1x16xf32> to vector<16xf32>
        %add3A_493 = arith.addf %add3A_487, %get3A_492 : vector<16xf32>
        %get3A_494 = arith.constant 56 : i32
        %get3A_495 = arith.index_cast %get3A_494 : i32 to index
        %get3A_496 = arith.index_cast %mul3A_174 : i32 to index
        %get3A_497 = tpu.vector_load %arg7[%get3A_495, %get3A_496] {strides = array<i32>} : memref<264x128xf32, #tpu.memory_space<vmem>>, vector<1x16xf32>,
        %get3A_498 = vector.shape_cast %get3A_497 : vector<1x16xf32> to vector<16xf32>
        %add3A_499 = arith.addf %add3A_493, %get3A_498 : vector<16xf32>
        %get3A_500 = arith.constant 57 : i32
        %get3A_501 = arith.index_cast %get3A_500 : i32 to index
        %get3A_502 = arith.index_cast %mul3A_174 : i32 to index
        %get3A_503 = tpu.vector_load %arg7[%get3A_501, %get3A_502] {strides = array<i32>} : memref<264x128xf32, #tpu.memory_space<vmem>>, vector<1x16xf32>,
        %get3A_504 = vector.shape_cast %get3A_503 : vector<1x16xf32> to vector<16xf32>
        %add3A_505 = arith.addf %add3A_499, %get3A_504 : vector<16xf32>
        %get3A_506 = arith.constant 58 : i32
        %get3A_507 = arith.index_cast %get3A_506 : i32 to index
        %get3A_508 = arith.index_cast %mul3A_174 : i32 to index
        %get3A_509 = tpu.vector_load %arg7[%get3A_507, %get3A_508] {strides = array<i32>} : memref<264x128xf32, #tpu.memory_space<vmem>>, vector<1x16xf32>,
        %get3A_510 = vector.shape_cast %get3A_509 : vector<1x16xf32> to vector<16xf32>
        %add3A_511 = arith.addf %add3A_505, %get3A_510 : vector<16xf32>
        %get3A_512 = arith.constant 59 : i32
        %get3A_513 = arith.index_cast %get3A_512 : i32 to index
        %get3A_514 = arith.index_cast %mul3A_174 : i32 to index
        %get3A_515 = tpu.vector_load %arg7[%get3A_513, %get3A_514] {strides = array<i32>} : memref<264x128xf32, #tpu.memory_space<vmem>>, vector<1x16xf32>,
        %get3A_516 = vector.shape_cast %get3A_515 : vector<1x16xf32> to vector<16xf32>
        %add3A_517 = arith.addf %add3A_511, %get3A_516 : vector<16xf32>
        %get3A_518 = arith.constant 60 : i32
        %get3A_519 = arith.index_cast %get3A_518 : i32 to index
        %get3A_520 = arith.index_cast %mul3A_174 : i32 to index
        %get3A_521 = tpu.vector_load %arg7[%get3A_519, %get3A_520] {strides = array<i32>} : memref<264x128xf32, #tpu.memory_space<vmem>>, vector<1x16xf32>,
        %get3A_522 = vector.shape_cast %get3A_521 : vector<1x16xf32> to vector<16xf32>
        %add3A_523 = arith.addf %add3A_517, %get3A_522 : vector<16xf32>
        %get3A_524 = arith.constant 61 : i32
        %get3A_525 = arith.index_cast %get3A_524 : i32 to index
        %get3A_526 = arith.index_cast %mul3A_174 : i32 to index
        %get3A_527 = tpu.vector_load %arg7[%get3A_525, %get3A_526] {strides = array<i32>} : memref<264x128xf32, #tpu.memory_space<vmem>>, vector<1x16xf32>,
        %get3A_528 = vector.shape_cast %get3A_527 : vector<1x16xf32> to vector<16xf32>
        %add3A_529 = arith.addf %add3A_523, %get3A_528 : vector<16xf32>
        %get3A_530 = arith.constant 62 : i32
        %get3A_531 = arith.index_cast %get3A_530 : i32 to index
        %get3A_532 = arith.index_cast %mul3A_174 : i32 to index
        %get3A_533 = tpu.vector_load %arg7[%get3A_531, %get3A_532] {strides = array<i32>} : memref<264x128xf32, #tpu.memory_space<vmem>>, vector<1x16xf32>,
        %get3A_534 = vector.shape_cast %get3A_533 : vector<1x16xf32> to vector<16xf32>
        %add3A_535 = arith.addf %add3A_529, %get3A_534 : vector<16xf32>
        %get3A_536 = arith.constant 63 : i32
        %get3A_537 = arith.index_cast %get3A_536 : i32 to index
        %get3A_538 = arith.index_cast %mul3A_174 : i32 to index
        %get3A_539 = tpu.vector_load %arg7[%get3A_537, %get3A_538] {strides = array<i32>} : memref<264x128xf32, #tpu.memory_space<vmem>>, vector<1x16xf32>,
        %get3A_540 = vector.shape_cast %get3A_539 : vector<1x16xf32> to vector<16xf32>
        %add3A_541 = arith.addf %add3A_535, %get3A_540 : vector<16xf32>
        %swap3A_542 = arith.constant 15 : i32
        %swap3A_543 = arith.index_cast %swap3A_542 : i32 to index
        %swap3A_544 = arith.index_cast %mul3A_174 : i32 to index
        %swap3A_545 = tpu.vector_load %arg8[%swap3A_543, %swap3A_544] {strides = array<i32>} : memref<26x128xf32, #tpu.memory_space<vmem>>, vector<1x16xf32>,
        %swap3A_546 = vector.shape_cast %swap3A_545 : vector<1x16xf32> to vector<16xf32>
        %swap3A_547 = vector.shape_cast %add3A_541 : vector<16xf32> to vector<1x16xf32>
        tpu.vector_store %arg8[%swap3A_543, %swap3A_544], %swap3A_547 {strides = array<i32>} : memref<26x128xf32, #tpu.memory_space<vmem>>, vector<1x16xf32>,
        %get3A_548 = arith.constant 64 : i32
        %get3A_549 = arith.index_cast %get3A_548 : i32 to index
        %get3A_550 = arith.index_cast %mul3A_174 : i32 to index
        %get3A_551 = tpu.vector_load %arg7[%get3A_549, %get3A_550] {strides = array<i32>} : memref<264x128xf32, #tpu.memory_space<vmem>>, vector<1x16xf32>,
        %get3A_552 = vector.shape_cast %get3A_551 : vector<1x16xf32> to vector<16xf32>
        %get3A_553 = arith.constant 65 : i32
        %get3A_554 = arith.index_cast %get3A_553 : i32 to index
        %get3A_555 = arith.index_cast %mul3A_174 : i32 to index
        %get3A_556 = tpu.vector_load %arg7[%get3A_554, %get3A_555] {strides = array<i32>} : memref<264x128xf32, #tpu.memory_space<vmem>>, vector<1x16xf32>,
        %get3A_557 = vector.shape_cast %get3A_556 : vector<1x16xf32> to vector<16xf32>
        %add3A_558 = arith.addf %get3A_552, %get3A_557 : vector<16xf32>
        %get3A_559 = arith.constant 66 : i32
        %get3A_560 = arith.index_cast %get3A_559 : i32 to index
        %get3A_561 = arith.index_cast %mul3A_174 : i32 to index
        %get3A_562 = tpu.vector_load %arg7[%get3A_560, %get3A_561] {strides = array<i32>} : memref<264x128xf32, #tpu.memory_space<vmem>>, vector<1x16xf32>,
        %get3A_563 = vector.shape_cast %get3A_562 : vector<1x16xf32> to vector<16xf32>
        %add3A_564 = arith.addf %add3A_558, %get3A_563 : vector<16xf32>
        %get3A_565 = arith.constant 67 : i32
        %get3A_566 = arith.index_cast %get3A_565 : i32 to index
        %get3A_567 = arith.index_cast %mul3A_174 : i32 to index
        %get3A_568 = tpu.vector_load %arg7[%get3A_566, %get3A_567] {strides = array<i32>} : memref<264x128xf32, #tpu.memory_space<vmem>>, vector<1x16xf32>,
        %get3A_569 = vector.shape_cast %get3A_568 : vector<1x16xf32> to vector<16xf32>
        %add3A_570 = arith.addf %add3A_564, %get3A_569 : vector<16xf32>
        %get3A_571 = arith.constant 68 : i32
        %get3A_572 = arith.index_cast %get3A_571 : i32 to index
        %get3A_573 = arith.index_cast %mul3A_174 : i32 to index
        %get3A_574 = tpu.vector_load %arg7[%get3A_572, %get3A_573] {strides = array<i32>} : memref<264x128xf32, #tpu.memory_space<vmem>>, vector<1x16xf32>,
        %get3A_575 = vector.shape_cast %get3A_574 : vector<1x16xf32> to vector<16xf32>
        %add3A_576 = arith.addf %add3A_570, %get3A_575 : vector<16xf32>
        %get3A_577 = arith.constant 69 : i32
        %get3A_578 = arith.index_cast %get3A_577 : i32 to index
        %get3A_579 = arith.index_cast %mul3A_174 : i32 to index
        %get3A_580 = tpu.vector_load %arg7[%get3A_578, %get3A_579] {strides = array<i32>} : memref<264x128xf32, #tpu.memory_space<vmem>>, vector<1x16xf32>,
        %get3A_581 = vector.shape_cast %get3A_580 : vector<1x16xf32> to vector<16xf32>
        %add3A_582 = arith.addf %add3A_576, %get3A_581 : vector<16xf32>
        %get3A_583 = arith.constant 70 : i32
        %get3A_584 = arith.index_cast %get3A_583 : i32 to index
        %get3A_585 = arith.index_cast %mul3A_174 : i32 to index
        %get3A_586 = tpu.vector_load %arg7[%get3A_584, %get3A_585] {strides = array<i32>} : memref<264x128xf32, #tpu.memory_space<vmem>>, vector<1x16xf32>,
        %get3A_587 = vector.shape_cast %get3A_586 : vector<1x16xf32> to vector<16xf32>
        %add3A_588 = arith.addf %add3A_582, %get3A_587 : vector<16xf32>
        %get3A_589 = arith.constant 71 : i32
        %get3A_590 = arith.index_cast %get3A_589 : i32 to index
        %get3A_591 = arith.index_cast %mul3A_174 : i32 to index
        %get3A_592 = tpu.vector_load %arg7[%get3A_590, %get3A_591] {strides = array<i32>} : memref<264x128xf32, #tpu.memory_space<vmem>>, vector<1x16xf32>,
        %get3A_593 = vector.shape_cast %get3A_592 : vector<1x16xf32> to vector<16xf32>
        %add3A_594 = arith.addf %add3A_588, %get3A_593 : vector<16xf32>
        %get3A_595 = arith.constant 72 : i32
        %get3A_596 = arith.index_cast %get3A_595 : i32 to index
        %get3A_597 = arith.index_cast %mul3A_174 : i32 to index
        %get3A_598 = tpu.vector_load %arg7[%get3A_596, %get3A_597] {strides = array<i32>} : memref<264x128xf32, #tpu.memory_space<vmem>>, vector<1x16xf32>,
        %get3A_599 = vector.shape_cast %get3A_598 : vector<1x16xf32> to vector<16xf32>
        %add3A_600 = arith.addf %add3A_594, %get3A_599 : vector<16xf32>
        %get3A_601 = arith.constant 73 : i32
        %get3A_602 = arith.index_cast %get3A_601 : i32 to index
        %get3A_603 = arith.index_cast %mul3A_174 : i32 to index
        %get3A_604 = tpu.vector_load %arg7[%get3A_602, %get3A_603] {strides = array<i32>} : memref<264x128xf32, #tpu.memory_space<vmem>>, vector<1x16xf32>,
        %get3A_605 = vector.shape_cast %get3A_604 : vector<1x16xf32> to vector<16xf32>
        %add3A_606 = arith.addf %add3A_600, %get3A_605 : vector<16xf32>
        %get3A_607 = arith.constant 74 : i32
        %get3A_608 = arith.index_cast %get3A_607 : i32 to index
        %get3A_609 = arith.index_cast %mul3A_174 : i32 to index
        %get3A_610 = tpu.vector_load %arg7[%get3A_608, %get3A_609] {strides = array<i32>} : memref<264x128xf32, #tpu.memory_space<vmem>>, vector<1x16xf32>,
        %get3A_611 = vector.shape_cast %get3A_610 : vector<1x16xf32> to vector<16xf32>
        %add3A_612 = arith.addf %add3A_606, %get3A_611 : vector<16xf32>
        %get3A_613 = arith.constant 75 : i32
        %get3A_614 = arith.index_cast %get3A_613 : i32 to index
        %get3A_615 = arith.index_cast %mul3A_174 : i32 to index
        %get3A_616 = tpu.vector_load %arg7[%get3A_614, %get3A_615] {strides = array<i32>} : memref<264x128xf32, #tpu.memory_space<vmem>>, vector<1x16xf32>,
        %get3A_617 = vector.shape_cast %get3A_616 : vector<1x16xf32> to vector<16xf32>
        %add3A_618 = arith.addf %add3A_612, %get3A_617 : vector<16xf32>
        %get3A_619 = arith.constant 76 : i32
        %get3A_620 = arith.index_cast %get3A_619 : i32 to index
        %get3A_621 = arith.index_cast %mul3A_174 : i32 to index
        %get3A_622 = tpu.vector_load %arg7[%get3A_620, %get3A_621] {strides = array<i32>} : memref<264x128xf32, #tpu.memory_space<vmem>>, vector<1x16xf32>,
        %get3A_623 = vector.shape_cast %get3A_622 : vector<1x16xf32> to vector<16xf32>
        %add3A_624 = arith.addf %add3A_618, %get3A_623 : vector<16xf32>
        %get3A_625 = arith.constant 77 : i32
        %get3A_626 = arith.index_cast %get3A_625 : i32 to index
        %get3A_627 = arith.index_cast %mul3A_174 : i32 to index
        %get3A_628 = tpu.vector_load %arg7[%get3A_626, %get3A_627] {strides = array<i32>} : memref<264x128xf32, #tpu.memory_space<vmem>>, vector<1x16xf32>,
        %get3A_629 = vector.shape_cast %get3A_628 : vector<1x16xf32> to vector<16xf32>
        %add3A_630 = arith.addf %add3A_624, %get3A_629 : vector<16xf32>
        %get3A_631 = arith.constant 78 : i32
        %get3A_632 = arith.index_cast %get3A_631 : i32 to index
        %get3A_633 = arith.index_cast %mul3A_174 : i32 to index
        %get3A_634 = tpu.vector_load %arg7[%get3A_632, %get3A_633] {strides = array<i32>} : memref<264x128xf32, #tpu.memory_space<vmem>>, vector<1x16xf32>,
        %get3A_635 = vector.shape_cast %get3A_634 : vector<1x16xf32> to vector<16xf32>
        %add3A_636 = arith.addf %add3A_630, %get3A_635 : vector<16xf32>
        %get3A_637 = arith.constant 79 : i32
        %get3A_638 = arith.index_cast %get3A_637 : i32 to index
        %get3A_639 = arith.index_cast %mul3A_174 : i32 to index
        %get3A_640 = tpu.vector_load %arg7[%get3A_638, %get3A_639] {strides = array<i32>} : memref<264x128xf32, #tpu.memory_space<vmem>>, vector<1x16xf32>,
        %get3A_641 = vector.shape_cast %get3A_640 : vector<1x16xf32> to vector<16xf32>
        %add3A_642 = arith.addf %add3A_636, %get3A_641 : vector<16xf32>
        %get3A_643 = arith.constant 80 : i32
        %get3A_644 = arith.index_cast %get3A_643 : i32 to index
        %get3A_645 = arith.index_cast %mul3A_174 : i32 to index
        %get3A_646 = tpu.vector_load %arg7[%get3A_644, %get3A_645] {strides = array<i32>} : memref<264x128xf32, #tpu.memory_space<vmem>>, vector<1x16xf32>,
        %get3A_647 = vector.shape_cast %get3A_646 : vector<1x16xf32> to vector<16xf32>
        %add3A_648 = arith.addf %add3A_642, %get3A_647 : vector<16xf32>
        %get3A_649 = arith.constant 81 : i32
        %get3A_650 = arith.index_cast %get3A_649 : i32 to index
        %get3A_651 = arith.index_cast %mul3A_174 : i32 to index
        %get3A_652 = tpu.vector_load %arg7[%get3A_650, %get3A_651] {strides = array<i32>} : memref<264x128xf32, #tpu.memory_space<vmem>>, vector<1x16xf32>,
        %get3A_653 = vector.shape_cast %get3A_652 : vector<1x16xf32> to vector<16xf32>
        %add3A_654 = arith.addf %add3A_648, %get3A_653 : vector<16xf32>
        %get3A_655 = arith.constant 82 : i32
        %get3A_656 = arith.index_cast %get3A_655 : i32 to index
        %get3A_657 = arith.index_cast %mul3A_174 : i32 to index
        %get3A_658 = tpu.vector_load %arg7[%get3A_656, %get3A_657] {strides = array<i32>} : memref<264x128xf32, #tpu.memory_space<vmem>>, vector<1x16xf32>,
        %get3A_659 = vector.shape_cast %get3A_658 : vector<1x16xf32> to vector<16xf32>
        %add3A_660 = arith.addf %add3A_654, %get3A_659 : vector<16xf32>
        %get3A_661 = arith.constant 83 : i32
        %get3A_662 = arith.index_cast %get3A_661 : i32 to index
        %get3A_663 = arith.index_cast %mul3A_174 : i32 to index
        %get3A_664 = tpu.vector_load %arg7[%get3A_662, %get3A_663] {strides = array<i32>} : memref<264x128xf32, #tpu.memory_space<vmem>>, vector<1x16xf32>,
        %get3A_665 = vector.shape_cast %get3A_664 : vector<1x16xf32> to vector<16xf32>
        %add3A_666 = arith.addf %add3A_660, %get3A_665 : vector<16xf32>
        %swap3A_667 = arith.constant 16 : i32
        %swap3A_668 = arith.index_cast %swap3A_667 : i32 to index
        %swap3A_669 = arith.index_cast %mul3A_174 : i32 to index
        %swap3A_670 = tpu.vector_load %arg8[%swap3A_668, %swap3A_669] {strides = array<i32>} : memref<26x128xf32, #tpu.memory_space<vmem>>, vector<1x16xf32>,
        %swap3A_671 = vector.shape_cast %swap3A_670 : vector<1x16xf32> to vector<16xf32>
        %swap3A_672 = vector.shape_cast %add3A_666 : vector<16xf32> to vector<1x16xf32>
        tpu.vector_store %arg8[%swap3A_668, %swap3A_669], %swap3A_672 {strides = array<i32>} : memref<26x128xf32, #tpu.memory_space<vmem>>, vector<1x16xf32>,
        %get3A_673 = arith.constant 84 : i32
        %get3A_674 = arith.index_cast %get3A_673 : i32 to index
        %get3A_675 = arith.index_cast %mul3A_174 : i32 to index
        %get3A_676 = tpu.vector_load %arg7[%get3A_674, %get3A_675] {strides = array<i32>} : memref<264x128xf32, #tpu.memory_space<vmem>>, vector<1x16xf32>,
        %get3A_677 = vector.shape_cast %get3A_676 : vector<1x16xf32> to vector<16xf32>
        %get3A_678 = arith.constant 85 : i32
        %get3A_679 = arith.index_cast %get3A_678 : i32 to index
        %get3A_680 = arith.index_cast %mul3A_174 : i32 to index
        %get3A_681 = tpu.vector_load %arg7[%get3A_679, %get3A_680] {strides = array<i32>} : memref<264x128xf32, #tpu.memory_space<vmem>>, vector<1x16xf32>,
        %get3A_682 = vector.shape_cast %get3A_681 : vector<1x16xf32> to vector<16xf32>
        %add3A_683 = arith.addf %get3A_677, %get3A_682 : vector<16xf32>
        %get3A_684 = arith.constant 86 : i32
        %get3A_685 = arith.index_cast %get3A_684 : i32 to index
        %get3A_686 = arith.index_cast %mul3A_174 : i32 to index
        %get3A_687 = tpu.vector_load %arg7[%get3A_685, %get3A_686] {strides = array<i32>} : memref<264x128xf32, #tpu.memory_space<vmem>>, vector<1x16xf32>,
        %get3A_688 = vector.shape_cast %get3A_687 : vector<1x16xf32> to vector<16xf32>
        %add3A_689 = arith.addf %add3A_683, %get3A_688 : vector<16xf32>
        %get3A_690 = arith.constant 87 : i32
        %get3A_691 = arith.index_cast %get3A_690 : i32 to index
        %get3A_692 = arith.index_cast %mul3A_174 : i32 to index
        %get3A_693 = tpu.vector_load %arg7[%get3A_691, %get3A_692] {strides = array<i32>} : memref<264x128xf32, #tpu.memory_space<vmem>>, vector<1x16xf32>,
        %get3A_694 = vector.shape_cast %get3A_693 : vector<1x16xf32> to vector<16xf32>
        %add3A_695 = arith.addf %add3A_689, %get3A_694 : vector<16xf32>
        %get3A_696 = arith.constant 88 : i32
        %get3A_697 = arith.index_cast %get3A_696 : i32 to index
        %get3A_698 = arith.index_cast %mul3A_174 : i32 to index
        %get3A_699 = tpu.vector_load %arg7[%get3A_697, %get3A_698] {strides = array<i32>} : memref<264x128xf32, #tpu.memory_space<vmem>>, vector<1x16xf32>,
        %get3A_700 = vector.shape_cast %get3A_699 : vector<1x16xf32> to vector<16xf32>
        %add3A_701 = arith.addf %add3A_695, %get3A_700 : vector<16xf32>
        %get3A_702 = arith.constant 89 : i32
        %get3A_703 = arith.index_cast %get3A_702 : i32 to index
        %get3A_704 = arith.index_cast %mul3A_174 : i32 to index
        %get3A_705 = tpu.vector_load %arg7[%get3A_703, %get3A_704] {strides = array<i32>} : memref<264x128xf32, #tpu.memory_space<vmem>>, vector<1x16xf32>,
        %get3A_706 = vector.shape_cast %get3A_705 : vector<1x16xf32> to vector<16xf32>
        %add3A_707 = arith.addf %add3A_701, %get3A_706 : vector<16xf32>
        %get3A_708 = arith.constant 90 : i32
        %get3A_709 = arith.index_cast %get3A_708 : i32 to index
        %get3A_710 = arith.index_cast %mul3A_174 : i32 to index
        %get3A_711 = tpu.vector_load %arg7[%get3A_709, %get3A_710] {strides = array<i32>} : memref<264x128xf32, #tpu.memory_space<vmem>>, vector<1x16xf32>,
        %get3A_712 = vector.shape_cast %get3A_711 : vector<1x16xf32> to vector<16xf32>
        %add3A_713 = arith.addf %add3A_707, %get3A_712 : vector<16xf32>
        %get3A_714 = arith.constant 91 : i32
        %get3A_715 = arith.index_cast %get3A_714 : i32 to index
        %get3A_716 = arith.index_cast %mul3A_174 : i32 to index
        %get3A_717 = tpu.vector_load %arg7[%get3A_715, %get3A_716] {strides = array<i32>} : memref<264x128xf32, #tpu.memory_space<vmem>>, vector<1x16xf32>,
        %get3A_718 = vector.shape_cast %get3A_717 : vector<1x16xf32> to vector<16xf32>
        %add3A_719 = arith.addf %add3A_713, %get3A_718 : vector<16xf32>
        %get3A_720 = arith.constant 92 : i32
        %get3A_721 = arith.index_cast %get3A_720 : i32 to index
        %get3A_722 = arith.index_cast %mul3A_174 : i32 to index
        %get3A_723 = tpu.vector_load %arg7[%get3A_721, %get3A_722] {strides = array<i32>} : memref<264x128xf32, #tpu.memory_space<vmem>>, vector<1x16xf32>,
        %get3A_724 = vector.shape_cast %get3A_723 : vector<1x16xf32> to vector<16xf32>
        %add3A_725 = arith.addf %add3A_719, %get3A_724 : vector<16xf32>
        %get3A_726 = arith.constant 93 : i32
        %get3A_727 = arith.index_cast %get3A_726 : i32 to index
        %get3A_728 = arith.index_cast %mul3A_174 : i32 to index
        %get3A_729 = tpu.vector_load %arg7[%get3A_727, %get3A_728] {strides = array<i32>} : memref<264x128xf32, #tpu.memory_space<vmem>>, vector<1x16xf32>,
        %get3A_730 = vector.shape_cast %get3A_729 : vector<1x16xf32> to vector<16xf32>
        %add3A_731 = arith.addf %add3A_725, %get3A_730 : vector<16xf32>
        %get3A_732 = arith.constant 94 : i32
        %get3A_733 = arith.index_cast %get3A_732 : i32 to index
        %get3A_734 = arith.index_cast %mul3A_174 : i32 to index
        %get3A_735 = tpu.vector_load %arg7[%get3A_733, %get3A_734] {strides = array<i32>} : memref<264x128xf32, #tpu.memory_space<vmem>>, vector<1x16xf32>,
        %get3A_736 = vector.shape_cast %get3A_735 : vector<1x16xf32> to vector<16xf32>
        %add3A_737 = arith.addf %add3A_731, %get3A_736 : vector<16xf32>
        %get3A_738 = arith.constant 95 : i32
        %get3A_739 = arith.index_cast %get3A_738 : i32 to index
        %get3A_740 = arith.index_cast %mul3A_174 : i32 to index
        %get3A_741 = tpu.vector_load %arg7[%get3A_739, %get3A_740] {strides = array<i32>} : memref<264x128xf32, #tpu.memory_space<vmem>>, vector<1x16xf32>,
        %get3A_742 = vector.shape_cast %get3A_741 : vector<1x16xf32> to vector<16xf32>
        %add3A_743 = arith.addf %add3A_737, %get3A_742 : vector<16xf32>
        %get3A_744 = arith.constant 96 : i32
        %get3A_745 = arith.index_cast %get3A_744 : i32 to index
        %get3A_746 = arith.index_cast %mul3A_174 : i32 to index
        %get3A_747 = tpu.vector_load %arg7[%get3A_745, %get3A_746] {strides = array<i32>} : memref<264x128xf32, #tpu.memory_space<vmem>>, vector<1x16xf32>,
        %get3A_748 = vector.shape_cast %get3A_747 : vector<1x16xf32> to vector<16xf32>
        %add3A_749 = arith.addf %add3A_743, %get3A_748 : vector<16xf32>
        %get3A_750 = arith.constant 97 : i32
        %get3A_751 = arith.index_cast %get3A_750 : i32 to index
        %get3A_752 = arith.index_cast %mul3A_174 : i32 to index
        %get3A_753 = tpu.vector_load %arg7[%get3A_751, %get3A_752] {strides = array<i32>} : memref<264x128xf32, #tpu.memory_space<vmem>>, vector<1x16xf32>,
        %get3A_754 = vector.shape_cast %get3A_753 : vector<1x16xf32> to vector<16xf32>
        %add3A_755 = arith.addf %add3A_749, %get3A_754 : vector<16xf32>
        %get3A_756 = arith.constant 98 : i32
        %get3A_757 = arith.index_cast %get3A_756 : i32 to index
        %get3A_758 = arith.index_cast %mul3A_174 : i32 to index
        %get3A_759 = tpu.vector_load %arg7[%get3A_757, %get3A_758] {strides = array<i32>} : memref<264x128xf32, #tpu.memory_space<vmem>>, vector<1x16xf32>,
        %get3A_760 = vector.shape_cast %get3A_759 : vector<1x16xf32> to vector<16xf32>
        %add3A_761 = arith.addf %add3A_755, %get3A_760 : vector<16xf32>
        %get3A_762 = arith.constant 99 : i32
        %get3A_763 = arith.index_cast %get3A_762 : i32 to index
        %get3A_764 = arith.index_cast %mul3A_174 : i32 to index
        %get3A_765 = tpu.vector_load %arg7[%get3A_763, %get3A_764] {strides = array<i32>} : memref<264x128xf32, #tpu.memory_space<vmem>>, vector<1x16xf32>,
        %get3A_766 = vector.shape_cast %get3A_765 : vector<1x16xf32> to vector<16xf32>
        %add3A_767 = arith.addf %add3A_761, %get3A_766 : vector<16xf32>
        %get3A_768 = arith.constant 100 : i32
        %get3A_769 = arith.index_cast %get3A_768 : i32 to index
        %get3A_770 = arith.index_cast %mul3A_174 : i32 to index
        %get3A_771 = tpu.vector_load %arg7[%get3A_769, %get3A_770] {strides = array<i32>} : memref<264x128xf32, #tpu.memory_space<vmem>>, vector<1x16xf32>,
        %get3A_772 = vector.shape_cast %get3A_771 : vector<1x16xf32> to vector<16xf32>
        %add3A_773 = arith.addf %add3A_767, %get3A_772 : vector<16xf32>
        %get3A_774 = arith.constant 101 : i32
        %get3A_775 = arith.index_cast %get3A_774 : i32 to index
        %get3A_776 = arith.index_cast %mul3A_174 : i32 to index
        %get3A_777 = tpu.vector_load %arg7[%get3A_775, %get3A_776] {strides = array<i32>} : memref<264x128xf32, #tpu.memory_space<vmem>>, vector<1x16xf32>,
        %get3A_778 = vector.shape_cast %get3A_777 : vector<1x16xf32> to vector<16xf32>
        %add3A_779 = arith.addf %add3A_773, %get3A_778 : vector<16xf32>
        %get3A_780 = arith.constant 102 : i32
        %get3A_781 = arith.index_cast %get3A_780 : i32 to index
        %get3A_782 = arith.index_cast %mul3A_174 : i32 to index
        %get3A_783 = tpu.vector_load %arg7[%get3A_781, %get3A_782] {strides = array<i32>} : memref<264x128xf32, #tpu.memory_space<vmem>>, vector<1x16xf32>,
        %get3A_784 = vector.shape_cast %get3A_783 : vector<1x16xf32> to vector<16xf32>
        %add3A_785 = arith.addf %add3A_779, %get3A_784 : vector<16xf32>
        %get3A_786 = arith.constant 103 : i32
        %get3A_787 = arith.index_cast %get3A_786 : i32 to index
        %get3A_788 = arith.index_cast %mul3A_174 : i32 to index
        %get3A_789 = tpu.vector_load %arg7[%get3A_787, %get3A_788] {strides = array<i32>} : memref<264x128xf32, #tpu.memory_space<vmem>>, vector<1x16xf32>,
        %get3A_790 = vector.shape_cast %get3A_789 : vector<1x16xf32> to vector<16xf32>
        %add3A_791 = arith.addf %add3A_785, %get3A_790 : vector<16xf32>
        %swap3A_792 = arith.constant 17 : i32
        %swap3A_793 = arith.index_cast %swap3A_792 : i32 to index
        %swap3A_794 = arith.index_cast %mul3A_174 : i32 to index
        %swap3A_795 = tpu.vector_load %arg8[%swap3A_793, %swap3A_794] {strides = array<i32>} : memref<26x128xf32, #tpu.memory_space<vmem>>, vector<1x16xf32>,
        %swap3A_796 = vector.shape_cast %swap3A_795 : vector<1x16xf32> to vector<16xf32>
        %swap3A_797 = vector.shape_cast %add3A_791 : vector<16xf32> to vector<1x16xf32>
        tpu.vector_store %arg8[%swap3A_793, %swap3A_794], %swap3A_797 {strides = array<i32>} : memref<26x128xf32, #tpu.memory_space<vmem>>, vector<1x16xf32>,
        %get3A_798 = arith.constant 104 : i32
        %get3A_799 = arith.index_cast %get3A_798 : i32 to index
        %get3A_800 = arith.index_cast %mul3A_174 : i32 to index
        %get3A_801 = tpu.vector_load %arg7[%get3A_799, %get3A_800] {strides = array<i32>} : memref<264x128xf32, #tpu.memory_space<vmem>>, vector<1x16xf32>,
        %get3A_802 = vector.shape_cast %get3A_801 : vector<1x16xf32> to vector<16xf32>
        %get3A_803 = arith.constant 105 : i32
        %get3A_804 = arith.index_cast %get3A_803 : i32 to index
        %get3A_805 = arith.index_cast %mul3A_174 : i32 to index
        %get3A_806 = tpu.vector_load %arg7[%get3A_804, %get3A_805] {strides = array<i32>} : memref<264x128xf32, #tpu.memory_space<vmem>>, vector<1x16xf32>,
        %get3A_807 = vector.shape_cast %get3A_806 : vector<1x16xf32> to vector<16xf32>
        %add3A_808 = arith.addf %get3A_802, %get3A_807 : vector<16xf32>
        %get3A_809 = arith.constant 106 : i32
        %get3A_810 = arith.index_cast %get3A_809 : i32 to index
        %get3A_811 = arith.index_cast %mul3A_174 : i32 to index
        %get3A_812 = tpu.vector_load %arg7[%get3A_810, %get3A_811] {strides = array<i32>} : memref<264x128xf32, #tpu.memory_space<vmem>>, vector<1x16xf32>,
        %get3A_813 = vector.shape_cast %get3A_812 : vector<1x16xf32> to vector<16xf32>
        %add3A_814 = arith.addf %add3A_808, %get3A_813 : vector<16xf32>
        %get3A_815 = arith.constant 107 : i32
        %get3A_816 = arith.index_cast %get3A_815 : i32 to index
        %get3A_817 = arith.index_cast %mul3A_174 : i32 to index
        %get3A_818 = tpu.vector_load %arg7[%get3A_816, %get3A_817] {strides = array<i32>} : memref<264x128xf32, #tpu.memory_space<vmem>>, vector<1x16xf32>,
        %get3A_819 = vector.shape_cast %get3A_818 : vector<1x16xf32> to vector<16xf32>
        %add3A_820 = arith.addf %add3A_814, %get3A_819 : vector<16xf32>
        %get3A_821 = arith.constant 108 : i32
        %get3A_822 = arith.index_cast %get3A_821 : i32 to index
        %get3A_823 = arith.index_cast %mul3A_174 : i32 to index
        %get3A_824 = tpu.vector_load %arg7[%get3A_822, %get3A_823] {strides = array<i32>} : memref<264x128xf32, #tpu.memory_space<vmem>>, vector<1x16xf32>,
        %get3A_825 = vector.shape_cast %get3A_824 : vector<1x16xf32> to vector<16xf32>
        %add3A_826 = arith.addf %add3A_820, %get3A_825 : vector<16xf32>
        %get3A_827 = arith.constant 109 : i32
        %get3A_828 = arith.index_cast %get3A_827 : i32 to index
        %get3A_829 = arith.index_cast %mul3A_174 : i32 to index
        %get3A_830 = tpu.vector_load %arg7[%get3A_828, %get3A_829] {strides = array<i32>} : memref<264x128xf32, #tpu.memory_space<vmem>>, vector<1x16xf32>,
        %get3A_831 = vector.shape_cast %get3A_830 : vector<1x16xf32> to vector<16xf32>
        %add3A_832 = arith.addf %add3A_826, %get3A_831 : vector<16xf32>
        %get3A_833 = arith.constant 110 : i32
        %get3A_834 = arith.index_cast %get3A_833 : i32 to index
        %get3A_835 = arith.index_cast %mul3A_174 : i32 to index
        %get3A_836 = tpu.vector_load %arg7[%get3A_834, %get3A_835] {strides = array<i32>} : memref<264x128xf32, #tpu.memory_space<vmem>>, vector<1x16xf32>,
        %get3A_837 = vector.shape_cast %get3A_836 : vector<1x16xf32> to vector<16xf32>
        %add3A_838 = arith.addf %add3A_832, %get3A_837 : vector<16xf32>
        %get3A_839 = arith.constant 111 : i32
        %get3A_840 = arith.index_cast %get3A_839 : i32 to index
        %get3A_841 = arith.index_cast %mul3A_174 : i32 to index
        %get3A_842 = tpu.vector_load %arg7[%get3A_840, %get3A_841] {strides = array<i32>} : memref<264x128xf32, #tpu.memory_space<vmem>>, vector<1x16xf32>,
        %get3A_843 = vector.shape_cast %get3A_842 : vector<1x16xf32> to vector<16xf32>
        %add3A_844 = arith.addf %add3A_838, %get3A_843 : vector<16xf32>
        %get3A_845 = arith.constant 112 : i32
        %get3A_846 = arith.index_cast %get3A_845 : i32 to index
        %get3A_847 = arith.index_cast %mul3A_174 : i32 to index
        %get3A_848 = tpu.vector_load %arg7[%get3A_846, %get3A_847] {strides = array<i32>} : memref<264x128xf32, #tpu.memory_space<vmem>>, vector<1x16xf32>,
        %get3A_849 = vector.shape_cast %get3A_848 : vector<1x16xf32> to vector<16xf32>
        %add3A_850 = arith.addf %add3A_844, %get3A_849 : vector<16xf32>
        %get3A_851 = arith.constant 113 : i32
        %get3A_852 = arith.index_cast %get3A_851 : i32 to index
        %get3A_853 = arith.index_cast %mul3A_174 : i32 to index
        %get3A_854 = tpu.vector_load %arg7[%get3A_852, %get3A_853] {strides = array<i32>} : memref<264x128xf32, #tpu.memory_space<vmem>>, vector<1x16xf32>,
        %get3A_855 = vector.shape_cast %get3A_854 : vector<1x16xf32> to vector<16xf32>
        %add3A_856 = arith.addf %add3A_850, %get3A_855 : vector<16xf32>
        %get3A_857 = arith.constant 114 : i32
        %get3A_858 = arith.index_cast %get3A_857 : i32 to index
        %get3A_859 = arith.index_cast %mul3A_174 : i32 to index
        %get3A_860 = tpu.vector_load %arg7[%get3A_858, %get3A_859] {strides = array<i32>} : memref<264x128xf32, #tpu.memory_space<vmem>>, vector<1x16xf32>,
        %get3A_861 = vector.shape_cast %get3A_860 : vector<1x16xf32> to vector<16xf32>
        %add3A_862 = arith.addf %add3A_856, %get3A_861 : vector<16xf32>
        %get3A_863 = arith.constant 115 : i32
        %get3A_864 = arith.index_cast %get3A_863 : i32 to index
        %get3A_865 = arith.index_cast %mul3A_174 : i32 to index
        %get3A_866 = tpu.vector_load %arg7[%get3A_864, %get3A_865] {strides = array<i32>} : memref<264x128xf32, #tpu.memory_space<vmem>>, vector<1x16xf32>,
        %get3A_867 = vector.shape_cast %get3A_866 : vector<1x16xf32> to vector<16xf32>
        %add3A_868 = arith.addf %add3A_862, %get3A_867 : vector<16xf32>
        %get3A_869 = arith.constant 116 : i32
        %get3A_870 = arith.index_cast %get3A_869 : i32 to index
        %get3A_871 = arith.index_cast %mul3A_174 : i32 to index
        %get3A_872 = tpu.vector_load %arg7[%get3A_870, %get3A_871] {strides = array<i32>} : memref<264x128xf32, #tpu.memory_space<vmem>>, vector<1x16xf32>,
        %get3A_873 = vector.shape_cast %get3A_872 : vector<1x16xf32> to vector<16xf32>
        %add3A_874 = arith.addf %add3A_868, %get3A_873 : vector<16xf32>
        %get3A_875 = arith.constant 117 : i32
        %get3A_876 = arith.index_cast %get3A_875 : i32 to index
        %get3A_877 = arith.index_cast %mul3A_174 : i32 to index
        %get3A_878 = tpu.vector_load %arg7[%get3A_876, %get3A_877] {strides = array<i32>} : memref<264x128xf32, #tpu.memory_space<vmem>>, vector<1x16xf32>,
        %get3A_879 = vector.shape_cast %get3A_878 : vector<1x16xf32> to vector<16xf32>
        %add3A_880 = arith.addf %add3A_874, %get3A_879 : vector<16xf32>
        %get3A_881 = arith.constant 118 : i32
        %get3A_882 = arith.index_cast %get3A_881 : i32 to index
        %get3A_883 = arith.index_cast %mul3A_174 : i32 to index
        %get3A_884 = tpu.vector_load %arg7[%get3A_882, %get3A_883] {strides = array<i32>} : memref<264x128xf32, #tpu.memory_space<vmem>>, vector<1x16xf32>,
        %get3A_885 = vector.shape_cast %get3A_884 : vector<1x16xf32> to vector<16xf32>
        %add3A_886 = arith.addf %add3A_880, %get3A_885 : vector<16xf32>
        %get3A_887 = arith.constant 119 : i32
        %get3A_888 = arith.index_cast %get3A_887 : i32 to index
        %get3A_889 = arith.index_cast %mul3A_174 : i32 to index
        %get3A_890 = tpu.vector_load %arg7[%get3A_888, %get3A_889] {strides = array<i32>} : memref<264x128xf32, #tpu.memory_space<vmem>>, vector<1x16xf32>,
        %get3A_891 = vector.shape_cast %get3A_890 : vector<1x16xf32> to vector<16xf32>
        %add3A_892 = arith.addf %add3A_886, %get3A_891 : vector<16xf32>
        %get3A_893 = arith.constant 120 : i32
        %get3A_894 = arith.index_cast %get3A_893 : i32 to index
        %get3A_895 = arith.index_cast %mul3A_174 : i32 to index
        %get3A_896 = tpu.vector_load %arg7[%get3A_894, %get3A_895] {strides = array<i32>} : memref<264x128xf32, #tpu.memory_space<vmem>>, vector<1x16xf32>,
        %get3A_897 = vector.shape_cast %get3A_896 : vector<1x16xf32> to vector<16xf32>
        %add3A_898 = arith.addf %add3A_892, %get3A_897 : vector<16xf32>
        %get3A_899 = arith.constant 121 : i32
        %get3A_900 = arith.index_cast %get3A_899 : i32 to index
        %get3A_901 = arith.index_cast %mul3A_174 : i32 to index
        %get3A_902 = tpu.vector_load %arg7[%get3A_900, %get3A_901] {strides = array<i32>} : memref<264x128xf32, #tpu.memory_space<vmem>>, vector<1x16xf32>,
        %get3A_903 = vector.shape_cast %get3A_902 : vector<1x16xf32> to vector<16xf32>
        %add3A_904 = arith.addf %add3A_898, %get3A_903 : vector<16xf32>
        %get3A_905 = arith.constant 122 : i32
        %get3A_906 = arith.index_cast %get3A_905 : i32 to index
        %get3A_907 = arith.index_cast %mul3A_174 : i32 to index
        %get3A_908 = tpu.vector_load %arg7[%get3A_906, %get3A_907] {strides = array<i32>} : memref<264x128xf32, #tpu.memory_space<vmem>>, vector<1x16xf32>,
        %get3A_909 = vector.shape_cast %get3A_908 : vector<1x16xf32> to vector<16xf32>
        %add3A_910 = arith.addf %add3A_904, %get3A_909 : vector<16xf32>
        %get3A_911 = arith.constant 123 : i32
        %get3A_912 = arith.index_cast %get3A_911 : i32 to index
        %get3A_913 = arith.index_cast %mul3A_174 : i32 to index
        %get3A_914 = tpu.vector_load %arg7[%get3A_912, %get3A_913] {strides = array<i32>} : memref<264x128xf32, #tpu.memory_space<vmem>>, vector<1x16xf32>,
        %get3A_915 = vector.shape_cast %get3A_914 : vector<1x16xf32> to vector<16xf32>
        %add3A_916 = arith.addf %add3A_910, %get3A_915 : vector<16xf32>
        %swap3A_917 = arith.constant 18 : i32
        %swap3A_918 = arith.index_cast %swap3A_917 : i32 to index
        %swap3A_919 = arith.index_cast %mul3A_174 : i32 to index
        %swap3A_920 = tpu.vector_load %arg8[%swap3A_918, %swap3A_919] {strides = array<i32>} : memref<26x128xf32, #tpu.memory_space<vmem>>, vector<1x16xf32>,
        %swap3A_921 = vector.shape_cast %swap3A_920 : vector<1x16xf32> to vector<16xf32>
        %swap3A_922 = vector.shape_cast %add3A_916 : vector<16xf32> to vector<1x16xf32>
        tpu.vector_store %arg8[%swap3A_918, %swap3A_919], %swap3A_922 {strides = array<i32>} : memref<26x128xf32, #tpu.memory_space<vmem>>, vector<1x16xf32>,
        %get3A_923 = arith.constant 124 : i32
        %get3A_924 = arith.index_cast %get3A_923 : i32 to index
        %get3A_925 = arith.index_cast %mul3A_174 : i32 to index
        %get3A_926 = tpu.vector_load %arg7[%get3A_924, %get3A_925] {strides = array<i32>} : memref<264x128xf32, #tpu.memory_space<vmem>>, vector<1x16xf32>,
        %get3A_927 = vector.shape_cast %get3A_926 : vector<1x16xf32> to vector<16xf32>
        %get3A_928 = arith.constant 125 : i32
        %get3A_929 = arith.index_cast %get3A_928 : i32 to index
        %get3A_930 = arith.index_cast %mul3A_174 : i32 to index
        %get3A_931 = tpu.vector_load %arg7[%get3A_929, %get3A_930] {strides = array<i32>} : memref<264x128xf32, #tpu.memory_space<vmem>>, vector<1x16xf32>,
        %get3A_932 = vector.shape_cast %get3A_931 : vector<1x16xf32> to vector<16xf32>
        %add3A_933 = arith.addf %get3A_927, %get3A_932 : vector<16xf32>
        %get3A_934 = arith.constant 126 : i32
        %get3A_935 = arith.index_cast %get3A_934 : i32 to index
        %get3A_936 = arith.index_cast %mul3A_174 : i32 to index
        %get3A_937 = tpu.vector_load %arg7[%get3A_935, %get3A_936] {strides = array<i32>} : memref<264x128xf32, #tpu.memory_space<vmem>>, vector<1x16xf32>,
        %get3A_938 = vector.shape_cast %get3A_937 : vector<1x16xf32> to vector<16xf32>
        %add3A_939 = arith.addf %add3A_933, %get3A_938 : vector<16xf32>
        %get3A_940 = arith.constant 127 : i32
        %get3A_941 = arith.index_cast %get3A_940 : i32 to index
        %get3A_942 = arith.index_cast %mul3A_174 : i32 to index
        %get3A_943 = tpu.vector_load %arg7[%get3A_941, %get3A_942] {strides = array<i32>} : memref<264x128xf32, #tpu.memory_space<vmem>>, vector<1x16xf32>,
        %get3A_944 = vector.shape_cast %get3A_943 : vector<1x16xf32> to vector<16xf32>
        %add3A_945 = arith.addf %add3A_939, %get3A_944 : vector<16xf32>
        %get3A_946 = arith.constant 128 : i32
        %get3A_947 = arith.index_cast %get3A_946 : i32 to index
        %get3A_948 = arith.index_cast %mul3A_174 : i32 to index
        %get3A_949 = tpu.vector_load %arg7[%get3A_947, %get3A_948] {strides = array<i32>} : memref<264x128xf32, #tpu.memory_space<vmem>>, vector<1x16xf32>,
        %get3A_950 = vector.shape_cast %get3A_949 : vector<1x16xf32> to vector<16xf32>
        %add3A_951 = arith.addf %add3A_945, %get3A_950 : vector<16xf32>
        %get3A_952 = arith.constant 129 : i32
        %get3A_953 = arith.index_cast %get3A_952 : i32 to index
        %get3A_954 = arith.index_cast %mul3A_174 : i32 to index
        %get3A_955 = tpu.vector_load %arg7[%get3A_953, %get3A_954] {strides = array<i32>} : memref<264x128xf32, #tpu.memory_space<vmem>>, vector<1x16xf32>,
        %get3A_956 = vector.shape_cast %get3A_955 : vector<1x16xf32> to vector<16xf32>
        %add3A_957 = arith.addf %add3A_951, %get3A_956 : vector<16xf32>
        %get3A_958 = arith.constant 130 : i32
        %get3A_959 = arith.index_cast %get3A_958 : i32 to index
        %get3A_960 = arith.index_cast %mul3A_174 : i32 to index
        %get3A_961 = tpu.vector_load %arg7[%get3A_959, %get3A_960] {strides = array<i32>} : memref<264x128xf32, #tpu.memory_space<vmem>>, vector<1x16xf32>,
        %get3A_962 = vector.shape_cast %get3A_961 : vector<1x16xf32> to vector<16xf32>
        %add3A_963 = arith.addf %add3A_957, %get3A_962 : vector<16xf32>
        %get3A_964 = arith.constant 131 : i32
        %get3A_965 = arith.index_cast %get3A_964 : i32 to index
        %get3A_966 = arith.index_cast %mul3A_174 : i32 to index
        %get3A_967 = tpu.vector_load %arg7[%get3A_965, %get3A_966] {strides = array<i32>} : memref<264x128xf32, #tpu.memory_space<vmem>>, vector<1x16xf32>,
        %get3A_968 = vector.shape_cast %get3A_967 : vector<1x16xf32> to vector<16xf32>
        %add3A_969 = arith.addf %add3A_963, %get3A_968 : vector<16xf32>
        %get3A_970 = arith.constant 132 : i32
        %get3A_971 = arith.index_cast %get3A_970 : i32 to index
        %get3A_972 = arith.index_cast %mul3A_174 : i32 to index
        %get3A_973 = tpu.vector_load %arg7[%get3A_971, %get3A_972] {strides = array<i32>} : memref<264x128xf32, #tpu.memory_space<vmem>>, vector<1x16xf32>,
        %get3A_974 = vector.shape_cast %get3A_973 : vector<1x16xf32> to vector<16xf32>
        %add3A_975 = arith.addf %add3A_969, %get3A_974 : vector<16xf32>
        %get3A_976 = arith.constant 133 : i32
        %get3A_977 = arith.index_cast %get3A_976 : i32 to index
        %get3A_978 = arith.index_cast %mul3A_174 : i32 to index
        %get3A_979 = tpu.vector_load %arg7[%get3A_977, %get3A_978] {strides = array<i32>} : memref<264x128xf32, #tpu.memory_space<vmem>>, vector<1x16xf32>,
        %get3A_980 = vector.shape_cast %get3A_979 : vector<1x16xf32> to vector<16xf32>
        %add3A_981 = arith.addf %add3A_975, %get3A_980 : vector<16xf32>
        %get3A_982 = arith.constant 134 : i32
        %get3A_983 = arith.index_cast %get3A_982 : i32 to index
        %get3A_984 = arith.index_cast %mul3A_174 : i32 to index
        %get3A_985 = tpu.vector_load %arg7[%get3A_983, %get3A_984] {strides = array<i32>} : memref<264x128xf32, #tpu.memory_space<vmem>>, vector<1x16xf32>,
        %get3A_986 = vector.shape_cast %get3A_985 : vector<1x16xf32> to vector<16xf32>
        %add3A_987 = arith.addf %add3A_981, %get3A_986 : vector<16xf32>
        %get3A_988 = arith.constant 135 : i32
        %get3A_989 = arith.index_cast %get3A_988 : i32 to index
        %get3A_990 = arith.index_cast %mul3A_174 : i32 to index
        %get3A_991 = tpu.vector_load %arg7[%get3A_989, %get3A_990] {strides = array<i32>} : memref<264x128xf32, #tpu.memory_space<vmem>>, vector<1x16xf32>,
        %get3A_992 = vector.shape_cast %get3A_991 : vector<1x16xf32> to vector<16xf32>
        %add3A_993 = arith.addf %add3A_987, %get3A_992 : vector<16xf32>
        %get3A_994 = arith.constant 136 : i32
        %get3A_995 = arith.index_cast %get3A_994 : i32 to index
        %get3A_996 = arith.index_cast %mul3A_174 : i32 to index
        %get3A_997 = tpu.vector_load %arg7[%get3A_995, %get3A_996] {strides = array<i32>} : memref<264x128xf32, #tpu.memory_space<vmem>>, vector<1x16xf32>,
        %get3A_998 = vector.shape_cast %get3A_997 : vector<1x16xf32> to vector<16xf32>
        %add3A_999 = arith.addf %add3A_993, %get3A_998 : vector<16xf32>
        %get3A_1000 = arith.constant 137 : i32
        %get3A_1001 = arith.index_cast %get3A_1000 : i32 to index
        %get3A_1002 = arith.index_cast %mul3A_174 : i32 to index
        %get3A_1003 = tpu.vector_load %arg7[%get3A_1001, %get3A_1002] {strides = array<i32>} : memref<264x128xf32, #tpu.memory_space<vmem>>, vector<1x16xf32>,
        %get3A_1004 = vector.shape_cast %get3A_1003 : vector<1x16xf32> to vector<16xf32>
        %add3A_1005 = arith.addf %add3A_999, %get3A_1004 : vector<16xf32>
        %get3A_1006 = arith.constant 138 : i32
        %get3A_1007 = arith.index_cast %get3A_1006 : i32 to index
        %get3A_1008 = arith.index_cast %mul3A_174 : i32 to index
        %get3A_1009 = tpu.vector_load %arg7[%get3A_1007, %get3A_1008] {strides = array<i32>} : memref<264x128xf32, #tpu.memory_space<vmem>>, vector<1x16xf32>,
        %get3A_1010 = vector.shape_cast %get3A_1009 : vector<1x16xf32> to vector<16xf32>
        %add3A_1011 = arith.addf %add3A_1005, %get3A_1010 : vector<16xf32>
        %get3A_1012 = arith.constant 139 : i32
        %get3A_1013 = arith.index_cast %get3A_1012 : i32 to index
        %get3A_1014 = arith.index_cast %mul3A_174 : i32 to index
        %get3A_1015 = tpu.vector_load %arg7[%get3A_1013, %get3A_1014] {strides = array<i32>} : memref<264x128xf32, #tpu.memory_space<vmem>>, vector<1x16xf32>,
        %get3A_1016 = vector.shape_cast %get3A_1015 : vector<1x16xf32> to vector<16xf32>
        %add3A_1017 = arith.addf %add3A_1011, %get3A_1016 : vector<16xf32>
        %get3A_1018 = arith.constant 140 : i32
        %get3A_1019 = arith.index_cast %get3A_1018 : i32 to index
        %get3A_1020 = arith.index_cast %mul3A_174 : i32 to index
        %get3A_1021 = tpu.vector_load %arg7[%get3A_1019, %get3A_1020] {strides = array<i32>} : memref<264x128xf32, #tpu.memory_space<vmem>>, vector<1x16xf32>,
        %get3A_1022 = vector.shape_cast %get3A_1021 : vector<1x16xf32> to vector<16xf32>
        %add3A_1023 = arith.addf %add3A_1017, %get3A_1022 : vector<16xf32>
        %get3A_1024 = arith.constant 141 : i32
        %get3A_1025 = arith.index_cast %get3A_1024 : i32 to index
        %get3A_1026 = arith.index_cast %mul3A_174 : i32 to index
        %get3A_1027 = tpu.vector_load %arg7[%get3A_1025, %get3A_1026] {strides = array<i32>} : memref<264x128xf32, #tpu.memory_space<vmem>>, vector<1x16xf32>,
        %get3A_1028 = vector.shape_cast %get3A_1027 : vector<1x16xf32> to vector<16xf32>
        %add3A_1029 = arith.addf %add3A_1023, %get3A_1028 : vector<16xf32>
        %get3A_1030 = arith.constant 142 : i32
        %get3A_1031 = arith.index_cast %get3A_1030 : i32 to index
        %get3A_1032 = arith.index_cast %mul3A_174 : i32 to index
        %get3A_1033 = tpu.vector_load %arg7[%get3A_1031, %get3A_1032] {strides = array<i32>} : memref<264x128xf32, #tpu.memory_space<vmem>>, vector<1x16xf32>,
        %get3A_1034 = vector.shape_cast %get3A_1033 : vector<1x16xf32> to vector<16xf32>
        %add3A_1035 = arith.addf %add3A_1029, %get3A_1034 : vector<16xf32>
        %get3A_1036 = arith.constant 143 : i32
        %get3A_1037 = arith.index_cast %get3A_1036 : i32 to index
        %get3A_1038 = arith.index_cast %mul3A_174 : i32 to index
        %get3A_1039 = tpu.vector_load %arg7[%get3A_1037, %get3A_1038] {strides = array<i32>} : memref<264x128xf32, #tpu.memory_space<vmem>>, vector<1x16xf32>,
        %get3A_1040 = vector.shape_cast %get3A_1039 : vector<1x16xf32> to vector<16xf32>
        %add3A_1041 = arith.addf %add3A_1035, %get3A_1040 : vector<16xf32>
        %swap3A_1042 = arith.constant 19 : i32
        %swap3A_1043 = arith.index_cast %swap3A_1042 : i32 to index
        %swap3A_1044 = arith.index_cast %mul3A_174 : i32 to index
        %swap3A_1045 = tpu.vector_load %arg8[%swap3A_1043, %swap3A_1044] {strides = array<i32>} : memref<26x128xf32, #tpu.memory_space<vmem>>, vector<1x16xf32>,
        %swap3A_1046 = vector.shape_cast %swap3A_1045 : vector<1x16xf32> to vector<16xf32>
        %swap3A_1047 = vector.shape_cast %add3A_1041 : vector<16xf32> to vector<1x16xf32>
        tpu.vector_store %arg8[%swap3A_1043, %swap3A_1044], %swap3A_1047 {strides = array<i32>} : memref<26x128xf32, #tpu.memory_space<vmem>>, vector<1x16xf32>,
      }
      %scan3A_135 = arith.constant 8 : i32
      %add3A_136 = arith.constant 1 : i32
      %add3A_137 = arith.addi %scan3A_65, %add3A_136 : i32
      %lt3A_138 = arith.constant 32 : i32
      %lt3A_139 = arith.cmpi slt, %add3A_137, %lt3A_138 : i32
      %convert_element_type3A_140 = arith.extui %lt3A_139 : i1 to i32
      %cond3A_141 = arith.constant 0 : i32
      %cond3A_142 = arith.cmpi ne, %convert_element_type3A_140, %cond3A_141 : i32
      scf.if %cond3A_142 {
        %add3A_172 = arith.constant 1 : i32
        %add3A_173 = arith.addi %scan3A_65, %add3A_172 : i32
        %mul3A_174 = arith.constant 520 : i32
        %mul3A_175 = arith.muli %add3A_173, %mul3A_174 : i32
        %add3A_176 = arith.constant 256 : i32
        %add3A_177 = arith.addi %mul3A_175, %add3A_176 : i32
        %add3A_178 = arith.constant 0 : i32
        %add3A_179 = arith.addi %add3A_177, %add3A_178 : i32
        %dma_start3A_180 = arith.constant 0 : i32
        %dma_start3A_181 = arith.constant 0 : i32
        %dma_start3A_182 = tpu.memref_slice %arg7[%dma_start3A_180, %dma_start3A_181] : memref<264x128xf32, #tpu.memory_space<vmem>> -> memref<128x128xf32, #tpu.memory_space<vmem>>
        %dma_start3A_183 = tpu.memref_slice %arg5[%add3A_179] : memref<16640xi32, #tpu.memory_space<vmem>> -> memref<128xi32, #tpu.memory_space<vmem>>
        %dma_start3A_184 = arith.constant 0 : i32
        %dma_start3A_185 = arith.constant 0 : i32
        %dma_start3A_186 = tpu.memref_slice %arg3[%dma_start3A_184, %dma_start3A_185] : memref<100000x128xf32, #tpu.memory_space<hbm>> -> memref<100000x128xf32, #tpu.memory_space<hbm>>
        tpu.enqueue_indirect_dma source(%dma_start3A_186 : memref<100000x128xf32, #tpu.memory_space<hbm>>) target(%dma_start3A_182 : memref<128x128xf32, #tpu.memory_space<vmem>>) offsets(%dma_start3A_183 : memref<128xi32, #tpu.memory_space<vmem>>) semaphore(%arg10 : memref<!tpu.dma_semaphore, #tpu.memory_space<semaphore_mem>>)
      } else {
      }
      %scan3A_143 = arith.constant 0 : i32
      %scan3A_144 = arith.constant 0 : i32
      %scan3A_145 = arith.constant 8 : i32
      %scan3A_146 = arith.addi %scan3A_144, %scan3A_145 : i32
      %scan3A_147 = arith.constant 1 : i32
      scf.for %scan3A_172 = %scan3A_144 to %scan3A_146 step %scan3A_147  : i32 {
        %mul3A_173 = arith.constant 16 : i32
        %mul3A_174 = arith.muli %scan3A_172, %mul3A_173 : i32
        %get3A = arith.constant 144 : i32
        %get3A_175 = arith.index_cast %get3A : i32 to index
        %get3A_176 = arith.index_cast %mul3A_174 : i32 to index
        %get3A_177 = tpu.vector_load %arg7[%get3A_175, %get3A_176] {strides = array<i32>} : memref<264x128xf32, #tpu.memory_space<vmem>>, vector<1x16xf32>,
        %get3A_178 = vector.shape_cast %get3A_177 : vector<1x16xf32> to vector<16xf32>
        %get3A_179 = arith.constant 145 : i32
        %get3A_180 = arith.index_cast %get3A_179 : i32 to index
        %get3A_181 = arith.index_cast %mul3A_174 : i32 to index
        %get3A_182 = tpu.vector_load %arg7[%get3A_180, %get3A_181] {strides = array<i32>} : memref<264x128xf32, #tpu.memory_space<vmem>>, vector<1x16xf32>,
        %get3A_183 = vector.shape_cast %get3A_182 : vector<1x16xf32> to vector<16xf32>
        %add3A_184 = arith.addf %get3A_178, %get3A_183 : vector<16xf32>
        %get3A_185 = arith.constant 146 : i32
        %get3A_186 = arith.index_cast %get3A_185 : i32 to index
        %get3A_187 = arith.index_cast %mul3A_174 : i32 to index
        %get3A_188 = tpu.vector_load %arg7[%get3A_186, %get3A_187] {strides = array<i32>} : memref<264x128xf32, #tpu.memory_space<vmem>>, vector<1x16xf32>,
        %get3A_189 = vector.shape_cast %get3A_188 : vector<1x16xf32> to vector<16xf32>
        %add3A_190 = arith.addf %add3A_184, %get3A_189 : vector<16xf32>
        %get3A_191 = arith.constant 147 : i32
        %get3A_192 = arith.index_cast %get3A_191 : i32 to index
        %get3A_193 = arith.index_cast %mul3A_174 : i32 to index
        %get3A_194 = tpu.vector_load %arg7[%get3A_192, %get3A_193] {strides = array<i32>} : memref<264x128xf32, #tpu.memory_space<vmem>>, vector<1x16xf32>,
        %get3A_195 = vector.shape_cast %get3A_194 : vector<1x16xf32> to vector<16xf32>
        %add3A_196 = arith.addf %add3A_190, %get3A_195 : vector<16xf32>
        %get3A_197 = arith.constant 148 : i32
        %get3A_198 = arith.index_cast %get3A_197 : i32 to index
        %get3A_199 = arith.index_cast %mul3A_174 : i32 to index
        %get3A_200 = tpu.vector_load %arg7[%get3A_198, %get3A_199] {strides = array<i32>} : memref<264x128xf32, #tpu.memory_space<vmem>>, vector<1x16xf32>,
        %get3A_201 = vector.shape_cast %get3A_200 : vector<1x16xf32> to vector<16xf32>
        %add3A_202 = arith.addf %add3A_196, %get3A_201 : vector<16xf32>
        %get3A_203 = arith.constant 149 : i32
        %get3A_204 = arith.index_cast %get3A_203 : i32 to index
        %get3A_205 = arith.index_cast %mul3A_174 : i32 to index
        %get3A_206 = tpu.vector_load %arg7[%get3A_204, %get3A_205] {strides = array<i32>} : memref<264x128xf32, #tpu.memory_space<vmem>>, vector<1x16xf32>,
        %get3A_207 = vector.shape_cast %get3A_206 : vector<1x16xf32> to vector<16xf32>
        %add3A_208 = arith.addf %add3A_202, %get3A_207 : vector<16xf32>
        %get3A_209 = arith.constant 150 : i32
        %get3A_210 = arith.index_cast %get3A_209 : i32 to index
        %get3A_211 = arith.index_cast %mul3A_174 : i32 to index
        %get3A_212 = tpu.vector_load %arg7[%get3A_210, %get3A_211] {strides = array<i32>} : memref<264x128xf32, #tpu.memory_space<vmem>>, vector<1x16xf32>,
        %get3A_213 = vector.shape_cast %get3A_212 : vector<1x16xf32> to vector<16xf32>
        %add3A_214 = arith.addf %add3A_208, %get3A_213 : vector<16xf32>
        %get3A_215 = arith.constant 151 : i32
        %get3A_216 = arith.index_cast %get3A_215 : i32 to index
        %get3A_217 = arith.index_cast %mul3A_174 : i32 to index
        %get3A_218 = tpu.vector_load %arg7[%get3A_216, %get3A_217] {strides = array<i32>} : memref<264x128xf32, #tpu.memory_space<vmem>>, vector<1x16xf32>,
        %get3A_219 = vector.shape_cast %get3A_218 : vector<1x16xf32> to vector<16xf32>
        %add3A_220 = arith.addf %add3A_214, %get3A_219 : vector<16xf32>
        %get3A_221 = arith.constant 152 : i32
        %get3A_222 = arith.index_cast %get3A_221 : i32 to index
        %get3A_223 = arith.index_cast %mul3A_174 : i32 to index
        %get3A_224 = tpu.vector_load %arg7[%get3A_222, %get3A_223] {strides = array<i32>} : memref<264x128xf32, #tpu.memory_space<vmem>>, vector<1x16xf32>,
        %get3A_225 = vector.shape_cast %get3A_224 : vector<1x16xf32> to vector<16xf32>
        %add3A_226 = arith.addf %add3A_220, %get3A_225 : vector<16xf32>
        %get3A_227 = arith.constant 153 : i32
        %get3A_228 = arith.index_cast %get3A_227 : i32 to index
        %get3A_229 = arith.index_cast %mul3A_174 : i32 to index
        %get3A_230 = tpu.vector_load %arg7[%get3A_228, %get3A_229] {strides = array<i32>} : memref<264x128xf32, #tpu.memory_space<vmem>>, vector<1x16xf32>,
        %get3A_231 = vector.shape_cast %get3A_230 : vector<1x16xf32> to vector<16xf32>
        %add3A_232 = arith.addf %add3A_226, %get3A_231 : vector<16xf32>
        %get3A_233 = arith.constant 154 : i32
        %get3A_234 = arith.index_cast %get3A_233 : i32 to index
        %get3A_235 = arith.index_cast %mul3A_174 : i32 to index
        %get3A_236 = tpu.vector_load %arg7[%get3A_234, %get3A_235] {strides = array<i32>} : memref<264x128xf32, #tpu.memory_space<vmem>>, vector<1x16xf32>,
        %get3A_237 = vector.shape_cast %get3A_236 : vector<1x16xf32> to vector<16xf32>
        %add3A_238 = arith.addf %add3A_232, %get3A_237 : vector<16xf32>
        %get3A_239 = arith.constant 155 : i32
        %get3A_240 = arith.index_cast %get3A_239 : i32 to index
        %get3A_241 = arith.index_cast %mul3A_174 : i32 to index
        %get3A_242 = tpu.vector_load %arg7[%get3A_240, %get3A_241] {strides = array<i32>} : memref<264x128xf32, #tpu.memory_space<vmem>>, vector<1x16xf32>,
        %get3A_243 = vector.shape_cast %get3A_242 : vector<1x16xf32> to vector<16xf32>
        %add3A_244 = arith.addf %add3A_238, %get3A_243 : vector<16xf32>
        %get3A_245 = arith.constant 156 : i32
        %get3A_246 = arith.index_cast %get3A_245 : i32 to index
        %get3A_247 = arith.index_cast %mul3A_174 : i32 to index
        %get3A_248 = tpu.vector_load %arg7[%get3A_246, %get3A_247] {strides = array<i32>} : memref<264x128xf32, #tpu.memory_space<vmem>>, vector<1x16xf32>,
        %get3A_249 = vector.shape_cast %get3A_248 : vector<1x16xf32> to vector<16xf32>
        %add3A_250 = arith.addf %add3A_244, %get3A_249 : vector<16xf32>
        %get3A_251 = arith.constant 157 : i32
        %get3A_252 = arith.index_cast %get3A_251 : i32 to index
        %get3A_253 = arith.index_cast %mul3A_174 : i32 to index
        %get3A_254 = tpu.vector_load %arg7[%get3A_252, %get3A_253] {strides = array<i32>} : memref<264x128xf32, #tpu.memory_space<vmem>>, vector<1x16xf32>,
        %get3A_255 = vector.shape_cast %get3A_254 : vector<1x16xf32> to vector<16xf32>
        %add3A_256 = arith.addf %add3A_250, %get3A_255 : vector<16xf32>
        %get3A_257 = arith.constant 158 : i32
        %get3A_258 = arith.index_cast %get3A_257 : i32 to index
        %get3A_259 = arith.index_cast %mul3A_174 : i32 to index
        %get3A_260 = tpu.vector_load %arg7[%get3A_258, %get3A_259] {strides = array<i32>} : memref<264x128xf32, #tpu.memory_space<vmem>>, vector<1x16xf32>,
        %get3A_261 = vector.shape_cast %get3A_260 : vector<1x16xf32> to vector<16xf32>
        %add3A_262 = arith.addf %add3A_256, %get3A_261 : vector<16xf32>
        %get3A_263 = arith.constant 159 : i32
        %get3A_264 = arith.index_cast %get3A_263 : i32 to index
        %get3A_265 = arith.index_cast %mul3A_174 : i32 to index
        %get3A_266 = tpu.vector_load %arg7[%get3A_264, %get3A_265] {strides = array<i32>} : memref<264x128xf32, #tpu.memory_space<vmem>>, vector<1x16xf32>,
        %get3A_267 = vector.shape_cast %get3A_266 : vector<1x16xf32> to vector<16xf32>
        %add3A_268 = arith.addf %add3A_262, %get3A_267 : vector<16xf32>
        %get3A_269 = arith.constant 160 : i32
        %get3A_270 = arith.index_cast %get3A_269 : i32 to index
        %get3A_271 = arith.index_cast %mul3A_174 : i32 to index
        %get3A_272 = tpu.vector_load %arg7[%get3A_270, %get3A_271] {strides = array<i32>} : memref<264x128xf32, #tpu.memory_space<vmem>>, vector<1x16xf32>,
        %get3A_273 = vector.shape_cast %get3A_272 : vector<1x16xf32> to vector<16xf32>
        %add3A_274 = arith.addf %add3A_268, %get3A_273 : vector<16xf32>
        %get3A_275 = arith.constant 161 : i32
        %get3A_276 = arith.index_cast %get3A_275 : i32 to index
        %get3A_277 = arith.index_cast %mul3A_174 : i32 to index
        %get3A_278 = tpu.vector_load %arg7[%get3A_276, %get3A_277] {strides = array<i32>} : memref<264x128xf32, #tpu.memory_space<vmem>>, vector<1x16xf32>,
        %get3A_279 = vector.shape_cast %get3A_278 : vector<1x16xf32> to vector<16xf32>
        %add3A_280 = arith.addf %add3A_274, %get3A_279 : vector<16xf32>
        %get3A_281 = arith.constant 162 : i32
        %get3A_282 = arith.index_cast %get3A_281 : i32 to index
        %get3A_283 = arith.index_cast %mul3A_174 : i32 to index
        %get3A_284 = tpu.vector_load %arg7[%get3A_282, %get3A_283] {strides = array<i32>} : memref<264x128xf32, #tpu.memory_space<vmem>>, vector<1x16xf32>,
        %get3A_285 = vector.shape_cast %get3A_284 : vector<1x16xf32> to vector<16xf32>
        %add3A_286 = arith.addf %add3A_280, %get3A_285 : vector<16xf32>
        %get3A_287 = arith.constant 163 : i32
        %get3A_288 = arith.index_cast %get3A_287 : i32 to index
        %get3A_289 = arith.index_cast %mul3A_174 : i32 to index
        %get3A_290 = tpu.vector_load %arg7[%get3A_288, %get3A_289] {strides = array<i32>} : memref<264x128xf32, #tpu.memory_space<vmem>>, vector<1x16xf32>,
        %get3A_291 = vector.shape_cast %get3A_290 : vector<1x16xf32> to vector<16xf32>
        %add3A_292 = arith.addf %add3A_286, %get3A_291 : vector<16xf32>
        %swap3A = arith.constant 20 : i32
        %swap3A_293 = arith.index_cast %swap3A : i32 to index
        %swap3A_294 = arith.index_cast %mul3A_174 : i32 to index
        %swap3A_295 = tpu.vector_load %arg8[%swap3A_293, %swap3A_294] {strides = array<i32>} : memref<26x128xf32, #tpu.memory_space<vmem>>, vector<1x16xf32>,
        %swap3A_296 = vector.shape_cast %swap3A_295 : vector<1x16xf32> to vector<16xf32>
        %swap3A_297 = vector.shape_cast %add3A_292 : vector<16xf32> to vector<1x16xf32>
        tpu.vector_store %arg8[%swap3A_293, %swap3A_294], %swap3A_297 {strides = array<i32>} : memref<26x128xf32, #tpu.memory_space<vmem>>, vector<1x16xf32>,
        %get3A_298 = arith.constant 164 : i32
        %get3A_299 = arith.index_cast %get3A_298 : i32 to index
        %get3A_300 = arith.index_cast %mul3A_174 : i32 to index
        %get3A_301 = tpu.vector_load %arg7[%get3A_299, %get3A_300] {strides = array<i32>} : memref<264x128xf32, #tpu.memory_space<vmem>>, vector<1x16xf32>,
        %get3A_302 = vector.shape_cast %get3A_301 : vector<1x16xf32> to vector<16xf32>
        %get3A_303 = arith.constant 165 : i32
        %get3A_304 = arith.index_cast %get3A_303 : i32 to index
        %get3A_305 = arith.index_cast %mul3A_174 : i32 to index
        %get3A_306 = tpu.vector_load %arg7[%get3A_304, %get3A_305] {strides = array<i32>} : memref<264x128xf32, #tpu.memory_space<vmem>>, vector<1x16xf32>,
        %get3A_307 = vector.shape_cast %get3A_306 : vector<1x16xf32> to vector<16xf32>
        %add3A_308 = arith.addf %get3A_302, %get3A_307 : vector<16xf32>
        %get3A_309 = arith.constant 166 : i32
        %get3A_310 = arith.index_cast %get3A_309 : i32 to index
        %get3A_311 = arith.index_cast %mul3A_174 : i32 to index
        %get3A_312 = tpu.vector_load %arg7[%get3A_310, %get3A_311] {strides = array<i32>} : memref<264x128xf32, #tpu.memory_space<vmem>>, vector<1x16xf32>,
        %get3A_313 = vector.shape_cast %get3A_312 : vector<1x16xf32> to vector<16xf32>
        %add3A_314 = arith.addf %add3A_308, %get3A_313 : vector<16xf32>
        %get3A_315 = arith.constant 167 : i32
        %get3A_316 = arith.index_cast %get3A_315 : i32 to index
        %get3A_317 = arith.index_cast %mul3A_174 : i32 to index
        %get3A_318 = tpu.vector_load %arg7[%get3A_316, %get3A_317] {strides = array<i32>} : memref<264x128xf32, #tpu.memory_space<vmem>>, vector<1x16xf32>,
        %get3A_319 = vector.shape_cast %get3A_318 : vector<1x16xf32> to vector<16xf32>
        %add3A_320 = arith.addf %add3A_314, %get3A_319 : vector<16xf32>
        %get3A_321 = arith.constant 168 : i32
        %get3A_322 = arith.index_cast %get3A_321 : i32 to index
        %get3A_323 = arith.index_cast %mul3A_174 : i32 to index
        %get3A_324 = tpu.vector_load %arg7[%get3A_322, %get3A_323] {strides = array<i32>} : memref<264x128xf32, #tpu.memory_space<vmem>>, vector<1x16xf32>,
        %get3A_325 = vector.shape_cast %get3A_324 : vector<1x16xf32> to vector<16xf32>
        %add3A_326 = arith.addf %add3A_320, %get3A_325 : vector<16xf32>
        %get3A_327 = arith.constant 169 : i32
        %get3A_328 = arith.index_cast %get3A_327 : i32 to index
        %get3A_329 = arith.index_cast %mul3A_174 : i32 to index
        %get3A_330 = tpu.vector_load %arg7[%get3A_328, %get3A_329] {strides = array<i32>} : memref<264x128xf32, #tpu.memory_space<vmem>>, vector<1x16xf32>,
        %get3A_331 = vector.shape_cast %get3A_330 : vector<1x16xf32> to vector<16xf32>
        %add3A_332 = arith.addf %add3A_326, %get3A_331 : vector<16xf32>
        %get3A_333 = arith.constant 170 : i32
        %get3A_334 = arith.index_cast %get3A_333 : i32 to index
        %get3A_335 = arith.index_cast %mul3A_174 : i32 to index
        %get3A_336 = tpu.vector_load %arg7[%get3A_334, %get3A_335] {strides = array<i32>} : memref<264x128xf32, #tpu.memory_space<vmem>>, vector<1x16xf32>,
        %get3A_337 = vector.shape_cast %get3A_336 : vector<1x16xf32> to vector<16xf32>
        %add3A_338 = arith.addf %add3A_332, %get3A_337 : vector<16xf32>
        %get3A_339 = arith.constant 171 : i32
        %get3A_340 = arith.index_cast %get3A_339 : i32 to index
        %get3A_341 = arith.index_cast %mul3A_174 : i32 to index
        %get3A_342 = tpu.vector_load %arg7[%get3A_340, %get3A_341] {strides = array<i32>} : memref<264x128xf32, #tpu.memory_space<vmem>>, vector<1x16xf32>,
        %get3A_343 = vector.shape_cast %get3A_342 : vector<1x16xf32> to vector<16xf32>
        %add3A_344 = arith.addf %add3A_338, %get3A_343 : vector<16xf32>
        %get3A_345 = arith.constant 172 : i32
        %get3A_346 = arith.index_cast %get3A_345 : i32 to index
        %get3A_347 = arith.index_cast %mul3A_174 : i32 to index
        %get3A_348 = tpu.vector_load %arg7[%get3A_346, %get3A_347] {strides = array<i32>} : memref<264x128xf32, #tpu.memory_space<vmem>>, vector<1x16xf32>,
        %get3A_349 = vector.shape_cast %get3A_348 : vector<1x16xf32> to vector<16xf32>
        %add3A_350 = arith.addf %add3A_344, %get3A_349 : vector<16xf32>
        %get3A_351 = arith.constant 173 : i32
        %get3A_352 = arith.index_cast %get3A_351 : i32 to index
        %get3A_353 = arith.index_cast %mul3A_174 : i32 to index
        %get3A_354 = tpu.vector_load %arg7[%get3A_352, %get3A_353] {strides = array<i32>} : memref<264x128xf32, #tpu.memory_space<vmem>>, vector<1x16xf32>,
        %get3A_355 = vector.shape_cast %get3A_354 : vector<1x16xf32> to vector<16xf32>
        %add3A_356 = arith.addf %add3A_350, %get3A_355 : vector<16xf32>
        %get3A_357 = arith.constant 174 : i32
        %get3A_358 = arith.index_cast %get3A_357 : i32 to index
        %get3A_359 = arith.index_cast %mul3A_174 : i32 to index
        %get3A_360 = tpu.vector_load %arg7[%get3A_358, %get3A_359] {strides = array<i32>} : memref<264x128xf32, #tpu.memory_space<vmem>>, vector<1x16xf32>,
        %get3A_361 = vector.shape_cast %get3A_360 : vector<1x16xf32> to vector<16xf32>
        %add3A_362 = arith.addf %add3A_356, %get3A_361 : vector<16xf32>
        %get3A_363 = arith.constant 175 : i32
        %get3A_364 = arith.index_cast %get3A_363 : i32 to index
        %get3A_365 = arith.index_cast %mul3A_174 : i32 to index
        %get3A_366 = tpu.vector_load %arg7[%get3A_364, %get3A_365] {strides = array<i32>} : memref<264x128xf32, #tpu.memory_space<vmem>>, vector<1x16xf32>,
        %get3A_367 = vector.shape_cast %get3A_366 : vector<1x16xf32> to vector<16xf32>
        %add3A_368 = arith.addf %add3A_362, %get3A_367 : vector<16xf32>
        %get3A_369 = arith.constant 176 : i32
        %get3A_370 = arith.index_cast %get3A_369 : i32 to index
        %get3A_371 = arith.index_cast %mul3A_174 : i32 to index
        %get3A_372 = tpu.vector_load %arg7[%get3A_370, %get3A_371] {strides = array<i32>} : memref<264x128xf32, #tpu.memory_space<vmem>>, vector<1x16xf32>,
        %get3A_373 = vector.shape_cast %get3A_372 : vector<1x16xf32> to vector<16xf32>
        %add3A_374 = arith.addf %add3A_368, %get3A_373 : vector<16xf32>
        %get3A_375 = arith.constant 177 : i32
        %get3A_376 = arith.index_cast %get3A_375 : i32 to index
        %get3A_377 = arith.index_cast %mul3A_174 : i32 to index
        %get3A_378 = tpu.vector_load %arg7[%get3A_376, %get3A_377] {strides = array<i32>} : memref<264x128xf32, #tpu.memory_space<vmem>>, vector<1x16xf32>,
        %get3A_379 = vector.shape_cast %get3A_378 : vector<1x16xf32> to vector<16xf32>
        %add3A_380 = arith.addf %add3A_374, %get3A_379 : vector<16xf32>
        %get3A_381 = arith.constant 178 : i32
        %get3A_382 = arith.index_cast %get3A_381 : i32 to index
        %get3A_383 = arith.index_cast %mul3A_174 : i32 to index
        %get3A_384 = tpu.vector_load %arg7[%get3A_382, %get3A_383] {strides = array<i32>} : memref<264x128xf32, #tpu.memory_space<vmem>>, vector<1x16xf32>,
        %get3A_385 = vector.shape_cast %get3A_384 : vector<1x16xf32> to vector<16xf32>
        %add3A_386 = arith.addf %add3A_380, %get3A_385 : vector<16xf32>
        %get3A_387 = arith.constant 179 : i32
        %get3A_388 = arith.index_cast %get3A_387 : i32 to index
        %get3A_389 = arith.index_cast %mul3A_174 : i32 to index
        %get3A_390 = tpu.vector_load %arg7[%get3A_388, %get3A_389] {strides = array<i32>} : memref<264x128xf32, #tpu.memory_space<vmem>>, vector<1x16xf32>,
        %get3A_391 = vector.shape_cast %get3A_390 : vector<1x16xf32> to vector<16xf32>
        %add3A_392 = arith.addf %add3A_386, %get3A_391 : vector<16xf32>
        %get3A_393 = arith.constant 180 : i32
        %get3A_394 = arith.index_cast %get3A_393 : i32 to index
        %get3A_395 = arith.index_cast %mul3A_174 : i32 to index
        %get3A_396 = tpu.vector_load %arg7[%get3A_394, %get3A_395] {strides = array<i32>} : memref<264x128xf32, #tpu.memory_space<vmem>>, vector<1x16xf32>,
        %get3A_397 = vector.shape_cast %get3A_396 : vector<1x16xf32> to vector<16xf32>
        %add3A_398 = arith.addf %add3A_392, %get3A_397 : vector<16xf32>
        %get3A_399 = arith.constant 181 : i32
        %get3A_400 = arith.index_cast %get3A_399 : i32 to index
        %get3A_401 = arith.index_cast %mul3A_174 : i32 to index
        %get3A_402 = tpu.vector_load %arg7[%get3A_400, %get3A_401] {strides = array<i32>} : memref<264x128xf32, #tpu.memory_space<vmem>>, vector<1x16xf32>,
        %get3A_403 = vector.shape_cast %get3A_402 : vector<1x16xf32> to vector<16xf32>
        %add3A_404 = arith.addf %add3A_398, %get3A_403 : vector<16xf32>
        %get3A_405 = arith.constant 182 : i32
        %get3A_406 = arith.index_cast %get3A_405 : i32 to index
        %get3A_407 = arith.index_cast %mul3A_174 : i32 to index
        %get3A_408 = tpu.vector_load %arg7[%get3A_406, %get3A_407] {strides = array<i32>} : memref<264x128xf32, #tpu.memory_space<vmem>>, vector<1x16xf32>,
        %get3A_409 = vector.shape_cast %get3A_408 : vector<1x16xf32> to vector<16xf32>
        %add3A_410 = arith.addf %add3A_404, %get3A_409 : vector<16xf32>
        %get3A_411 = arith.constant 183 : i32
        %get3A_412 = arith.index_cast %get3A_411 : i32 to index
        %get3A_413 = arith.index_cast %mul3A_174 : i32 to index
        %get3A_414 = tpu.vector_load %arg7[%get3A_412, %get3A_413] {strides = array<i32>} : memref<264x128xf32, #tpu.memory_space<vmem>>, vector<1x16xf32>,
        %get3A_415 = vector.shape_cast %get3A_414 : vector<1x16xf32> to vector<16xf32>
        %add3A_416 = arith.addf %add3A_410, %get3A_415 : vector<16xf32>
        %swap3A_417 = arith.constant 21 : i32
        %swap3A_418 = arith.index_cast %swap3A_417 : i32 to index
        %swap3A_419 = arith.index_cast %mul3A_174 : i32 to index
        %swap3A_420 = tpu.vector_load %arg8[%swap3A_418, %swap3A_419] {strides = array<i32>} : memref<26x128xf32, #tpu.memory_space<vmem>>, vector<1x16xf32>,
        %swap3A_421 = vector.shape_cast %swap3A_420 : vector<1x16xf32> to vector<16xf32>
        %swap3A_422 = vector.shape_cast %add3A_416 : vector<16xf32> to vector<1x16xf32>
        tpu.vector_store %arg8[%swap3A_418, %swap3A_419], %swap3A_422 {strides = array<i32>} : memref<26x128xf32, #tpu.memory_space<vmem>>, vector<1x16xf32>,
        %get3A_423 = arith.constant 184 : i32
        %get3A_424 = arith.index_cast %get3A_423 : i32 to index
        %get3A_425 = arith.index_cast %mul3A_174 : i32 to index
        %get3A_426 = tpu.vector_load %arg7[%get3A_424, %get3A_425] {strides = array<i32>} : memref<264x128xf32, #tpu.memory_space<vmem>>, vector<1x16xf32>,
        %get3A_427 = vector.shape_cast %get3A_426 : vector<1x16xf32> to vector<16xf32>
        %get3A_428 = arith.constant 185 : i32
        %get3A_429 = arith.index_cast %get3A_428 : i32 to index
        %get3A_430 = arith.index_cast %mul3A_174 : i32 to index
        %get3A_431 = tpu.vector_load %arg7[%get3A_429, %get3A_430] {strides = array<i32>} : memref<264x128xf32, #tpu.memory_space<vmem>>, vector<1x16xf32>,
        %get3A_432 = vector.shape_cast %get3A_431 : vector<1x16xf32> to vector<16xf32>
        %add3A_433 = arith.addf %get3A_427, %get3A_432 : vector<16xf32>
        %get3A_434 = arith.constant 186 : i32
        %get3A_435 = arith.index_cast %get3A_434 : i32 to index
        %get3A_436 = arith.index_cast %mul3A_174 : i32 to index
        %get3A_437 = tpu.vector_load %arg7[%get3A_435, %get3A_436] {strides = array<i32>} : memref<264x128xf32, #tpu.memory_space<vmem>>, vector<1x16xf32>,
        %get3A_438 = vector.shape_cast %get3A_437 : vector<1x16xf32> to vector<16xf32>
        %add3A_439 = arith.addf %add3A_433, %get3A_438 : vector<16xf32>
        %get3A_440 = arith.constant 187 : i32
        %get3A_441 = arith.index_cast %get3A_440 : i32 to index
        %get3A_442 = arith.index_cast %mul3A_174 : i32 to index
        %get3A_443 = tpu.vector_load %arg7[%get3A_441, %get3A_442] {strides = array<i32>} : memref<264x128xf32, #tpu.memory_space<vmem>>, vector<1x16xf32>,
        %get3A_444 = vector.shape_cast %get3A_443 : vector<1x16xf32> to vector<16xf32>
        %add3A_445 = arith.addf %add3A_439, %get3A_444 : vector<16xf32>
        %get3A_446 = arith.constant 188 : i32
        %get3A_447 = arith.index_cast %get3A_446 : i32 to index
        %get3A_448 = arith.index_cast %mul3A_174 : i32 to index
        %get3A_449 = tpu.vector_load %arg7[%get3A_447, %get3A_448] {strides = array<i32>} : memref<264x128xf32, #tpu.memory_space<vmem>>, vector<1x16xf32>,
        %get3A_450 = vector.shape_cast %get3A_449 : vector<1x16xf32> to vector<16xf32>
        %add3A_451 = arith.addf %add3A_445, %get3A_450 : vector<16xf32>
        %get3A_452 = arith.constant 189 : i32
        %get3A_453 = arith.index_cast %get3A_452 : i32 to index
        %get3A_454 = arith.index_cast %mul3A_174 : i32 to index
        %get3A_455 = tpu.vector_load %arg7[%get3A_453, %get3A_454] {strides = array<i32>} : memref<264x128xf32, #tpu.memory_space<vmem>>, vector<1x16xf32>,
        %get3A_456 = vector.shape_cast %get3A_455 : vector<1x16xf32> to vector<16xf32>
        %add3A_457 = arith.addf %add3A_451, %get3A_456 : vector<16xf32>
        %get3A_458 = arith.constant 190 : i32
        %get3A_459 = arith.index_cast %get3A_458 : i32 to index
        %get3A_460 = arith.index_cast %mul3A_174 : i32 to index
        %get3A_461 = tpu.vector_load %arg7[%get3A_459, %get3A_460] {strides = array<i32>} : memref<264x128xf32, #tpu.memory_space<vmem>>, vector<1x16xf32>,
        %get3A_462 = vector.shape_cast %get3A_461 : vector<1x16xf32> to vector<16xf32>
        %add3A_463 = arith.addf %add3A_457, %get3A_462 : vector<16xf32>
        %get3A_464 = arith.constant 191 : i32
        %get3A_465 = arith.index_cast %get3A_464 : i32 to index
        %get3A_466 = arith.index_cast %mul3A_174 : i32 to index
        %get3A_467 = tpu.vector_load %arg7[%get3A_465, %get3A_466] {strides = array<i32>} : memref<264x128xf32, #tpu.memory_space<vmem>>, vector<1x16xf32>,
        %get3A_468 = vector.shape_cast %get3A_467 : vector<1x16xf32> to vector<16xf32>
        %add3A_469 = arith.addf %add3A_463, %get3A_468 : vector<16xf32>
        %get3A_470 = arith.constant 192 : i32
        %get3A_471 = arith.index_cast %get3A_470 : i32 to index
        %get3A_472 = arith.index_cast %mul3A_174 : i32 to index
        %get3A_473 = tpu.vector_load %arg7[%get3A_471, %get3A_472] {strides = array<i32>} : memref<264x128xf32, #tpu.memory_space<vmem>>, vector<1x16xf32>,
        %get3A_474 = vector.shape_cast %get3A_473 : vector<1x16xf32> to vector<16xf32>
        %add3A_475 = arith.addf %add3A_469, %get3A_474 : vector<16xf32>
        %get3A_476 = arith.constant 193 : i32
        %get3A_477 = arith.index_cast %get3A_476 : i32 to index
        %get3A_478 = arith.index_cast %mul3A_174 : i32 to index
        %get3A_479 = tpu.vector_load %arg7[%get3A_477, %get3A_478] {strides = array<i32>} : memref<264x128xf32, #tpu.memory_space<vmem>>, vector<1x16xf32>,
        %get3A_480 = vector.shape_cast %get3A_479 : vector<1x16xf32> to vector<16xf32>
        %add3A_481 = arith.addf %add3A_475, %get3A_480 : vector<16xf32>
        %get3A_482 = arith.constant 194 : i32
        %get3A_483 = arith.index_cast %get3A_482 : i32 to index
        %get3A_484 = arith.index_cast %mul3A_174 : i32 to index
        %get3A_485 = tpu.vector_load %arg7[%get3A_483, %get3A_484] {strides = array<i32>} : memref<264x128xf32, #tpu.memory_space<vmem>>, vector<1x16xf32>,
        %get3A_486 = vector.shape_cast %get3A_485 : vector<1x16xf32> to vector<16xf32>
        %add3A_487 = arith.addf %add3A_481, %get3A_486 : vector<16xf32>
        %get3A_488 = arith.constant 195 : i32
        %get3A_489 = arith.index_cast %get3A_488 : i32 to index
        %get3A_490 = arith.index_cast %mul3A_174 : i32 to index
        %get3A_491 = tpu.vector_load %arg7[%get3A_489, %get3A_490] {strides = array<i32>} : memref<264x128xf32, #tpu.memory_space<vmem>>, vector<1x16xf32>,
        %get3A_492 = vector.shape_cast %get3A_491 : vector<1x16xf32> to vector<16xf32>
        %add3A_493 = arith.addf %add3A_487, %get3A_492 : vector<16xf32>
        %get3A_494 = arith.constant 196 : i32
        %get3A_495 = arith.index_cast %get3A_494 : i32 to index
        %get3A_496 = arith.index_cast %mul3A_174 : i32 to index
        %get3A_497 = tpu.vector_load %arg7[%get3A_495, %get3A_496] {strides = array<i32>} : memref<264x128xf32, #tpu.memory_space<vmem>>, vector<1x16xf32>,
        %get3A_498 = vector.shape_cast %get3A_497 : vector<1x16xf32> to vector<16xf32>
        %add3A_499 = arith.addf %add3A_493, %get3A_498 : vector<16xf32>
        %get3A_500 = arith.constant 197 : i32
        %get3A_501 = arith.index_cast %get3A_500 : i32 to index
        %get3A_502 = arith.index_cast %mul3A_174 : i32 to index
        %get3A_503 = tpu.vector_load %arg7[%get3A_501, %get3A_502] {strides = array<i32>} : memref<264x128xf32, #tpu.memory_space<vmem>>, vector<1x16xf32>,
        %get3A_504 = vector.shape_cast %get3A_503 : vector<1x16xf32> to vector<16xf32>
        %add3A_505 = arith.addf %add3A_499, %get3A_504 : vector<16xf32>
        %get3A_506 = arith.constant 198 : i32
        %get3A_507 = arith.index_cast %get3A_506 : i32 to index
        %get3A_508 = arith.index_cast %mul3A_174 : i32 to index
        %get3A_509 = tpu.vector_load %arg7[%get3A_507, %get3A_508] {strides = array<i32>} : memref<264x128xf32, #tpu.memory_space<vmem>>, vector<1x16xf32>,
        %get3A_510 = vector.shape_cast %get3A_509 : vector<1x16xf32> to vector<16xf32>
        %add3A_511 = arith.addf %add3A_505, %get3A_510 : vector<16xf32>
        %get3A_512 = arith.constant 199 : i32
        %get3A_513 = arith.index_cast %get3A_512 : i32 to index
        %get3A_514 = arith.index_cast %mul3A_174 : i32 to index
        %get3A_515 = tpu.vector_load %arg7[%get3A_513, %get3A_514] {strides = array<i32>} : memref<264x128xf32, #tpu.memory_space<vmem>>, vector<1x16xf32>,
        %get3A_516 = vector.shape_cast %get3A_515 : vector<1x16xf32> to vector<16xf32>
        %add3A_517 = arith.addf %add3A_511, %get3A_516 : vector<16xf32>
        %get3A_518 = arith.constant 200 : i32
        %get3A_519 = arith.index_cast %get3A_518 : i32 to index
        %get3A_520 = arith.index_cast %mul3A_174 : i32 to index
        %get3A_521 = tpu.vector_load %arg7[%get3A_519, %get3A_520] {strides = array<i32>} : memref<264x128xf32, #tpu.memory_space<vmem>>, vector<1x16xf32>,
        %get3A_522 = vector.shape_cast %get3A_521 : vector<1x16xf32> to vector<16xf32>
        %add3A_523 = arith.addf %add3A_517, %get3A_522 : vector<16xf32>
        %get3A_524 = arith.constant 201 : i32
        %get3A_525 = arith.index_cast %get3A_524 : i32 to index
        %get3A_526 = arith.index_cast %mul3A_174 : i32 to index
        %get3A_527 = tpu.vector_load %arg7[%get3A_525, %get3A_526] {strides = array<i32>} : memref<264x128xf32, #tpu.memory_space<vmem>>, vector<1x16xf32>,
        %get3A_528 = vector.shape_cast %get3A_527 : vector<1x16xf32> to vector<16xf32>
        %add3A_529 = arith.addf %add3A_523, %get3A_528 : vector<16xf32>
        %get3A_530 = arith.constant 202 : i32
        %get3A_531 = arith.index_cast %get3A_530 : i32 to index
        %get3A_532 = arith.index_cast %mul3A_174 : i32 to index
        %get3A_533 = tpu.vector_load %arg7[%get3A_531, %get3A_532] {strides = array<i32>} : memref<264x128xf32, #tpu.memory_space<vmem>>, vector<1x16xf32>,
        %get3A_534 = vector.shape_cast %get3A_533 : vector<1x16xf32> to vector<16xf32>
        %add3A_535 = arith.addf %add3A_529, %get3A_534 : vector<16xf32>
        %get3A_536 = arith.constant 203 : i32
        %get3A_537 = arith.index_cast %get3A_536 : i32 to index
        %get3A_538 = arith.index_cast %mul3A_174 : i32 to index
        %get3A_539 = tpu.vector_load %arg7[%get3A_537, %get3A_538] {strides = array<i32>} : memref<264x128xf32, #tpu.memory_space<vmem>>, vector<1x16xf32>,
        %get3A_540 = vector.shape_cast %get3A_539 : vector<1x16xf32> to vector<16xf32>
        %add3A_541 = arith.addf %add3A_535, %get3A_540 : vector<16xf32>
        %swap3A_542 = arith.constant 22 : i32
        %swap3A_543 = arith.index_cast %swap3A_542 : i32 to index
        %swap3A_544 = arith.index_cast %mul3A_174 : i32 to index
        %swap3A_545 = tpu.vector_load %arg8[%swap3A_543, %swap3A_544] {strides = array<i32>} : memref<26x128xf32, #tpu.memory_space<vmem>>, vector<1x16xf32>,
        %swap3A_546 = vector.shape_cast %swap3A_545 : vector<1x16xf32> to vector<16xf32>
        %swap3A_547 = vector.shape_cast %add3A_541 : vector<16xf32> to vector<1x16xf32>
        tpu.vector_store %arg8[%swap3A_543, %swap3A_544], %swap3A_547 {strides = array<i32>} : memref<26x128xf32, #tpu.memory_space<vmem>>, vector<1x16xf32>,
        %get3A_548 = arith.constant 204 : i32
        %get3A_549 = arith.index_cast %get3A_548 : i32 to index
        %get3A_550 = arith.index_cast %mul3A_174 : i32 to index
        %get3A_551 = tpu.vector_load %arg7[%get3A_549, %get3A_550] {strides = array<i32>} : memref<264x128xf32, #tpu.memory_space<vmem>>, vector<1x16xf32>,
        %get3A_552 = vector.shape_cast %get3A_551 : vector<1x16xf32> to vector<16xf32>
        %get3A_553 = arith.constant 205 : i32
        %get3A_554 = arith.index_cast %get3A_553 : i32 to index
        %get3A_555 = arith.index_cast %mul3A_174 : i32 to index
        %get3A_556 = tpu.vector_load %arg7[%get3A_554, %get3A_555] {strides = array<i32>} : memref<264x128xf32, #tpu.memory_space<vmem>>, vector<1x16xf32>,
        %get3A_557 = vector.shape_cast %get3A_556 : vector<1x16xf32> to vector<16xf32>
        %add3A_558 = arith.addf %get3A_552, %get3A_557 : vector<16xf32>
        %get3A_559 = arith.constant 206 : i32
        %get3A_560 = arith.index_cast %get3A_559 : i32 to index
        %get3A_561 = arith.index_cast %mul3A_174 : i32 to index
        %get3A_562 = tpu.vector_load %arg7[%get3A_560, %get3A_561] {strides = array<i32>} : memref<264x128xf32, #tpu.memory_space<vmem>>, vector<1x16xf32>,
        %get3A_563 = vector.shape_cast %get3A_562 : vector<1x16xf32> to vector<16xf32>
        %add3A_564 = arith.addf %add3A_558, %get3A_563 : vector<16xf32>
        %get3A_565 = arith.constant 207 : i32
        %get3A_566 = arith.index_cast %get3A_565 : i32 to index
        %get3A_567 = arith.index_cast %mul3A_174 : i32 to index
        %get3A_568 = tpu.vector_load %arg7[%get3A_566, %get3A_567] {strides = array<i32>} : memref<264x128xf32, #tpu.memory_space<vmem>>, vector<1x16xf32>,
        %get3A_569 = vector.shape_cast %get3A_568 : vector<1x16xf32> to vector<16xf32>
        %add3A_570 = arith.addf %add3A_564, %get3A_569 : vector<16xf32>
        %get3A_571 = arith.constant 208 : i32
        %get3A_572 = arith.index_cast %get3A_571 : i32 to index
        %get3A_573 = arith.index_cast %mul3A_174 : i32 to index
        %get3A_574 = tpu.vector_load %arg7[%get3A_572, %get3A_573] {strides = array<i32>} : memref<264x128xf32, #tpu.memory_space<vmem>>, vector<1x16xf32>,
        %get3A_575 = vector.shape_cast %get3A_574 : vector<1x16xf32> to vector<16xf32>
        %add3A_576 = arith.addf %add3A_570, %get3A_575 : vector<16xf32>
        %get3A_577 = arith.constant 209 : i32
        %get3A_578 = arith.index_cast %get3A_577 : i32 to index
        %get3A_579 = arith.index_cast %mul3A_174 : i32 to index
        %get3A_580 = tpu.vector_load %arg7[%get3A_578, %get3A_579] {strides = array<i32>} : memref<264x128xf32, #tpu.memory_space<vmem>>, vector<1x16xf32>,
        %get3A_581 = vector.shape_cast %get3A_580 : vector<1x16xf32> to vector<16xf32>
        %add3A_582 = arith.addf %add3A_576, %get3A_581 : vector<16xf32>
        %get3A_583 = arith.constant 210 : i32
        %get3A_584 = arith.index_cast %get3A_583 : i32 to index
        %get3A_585 = arith.index_cast %mul3A_174 : i32 to index
        %get3A_586 = tpu.vector_load %arg7[%get3A_584, %get3A_585] {strides = array<i32>} : memref<264x128xf32, #tpu.memory_space<vmem>>, vector<1x16xf32>,
        %get3A_587 = vector.shape_cast %get3A_586 : vector<1x16xf32> to vector<16xf32>
        %add3A_588 = arith.addf %add3A_582, %get3A_587 : vector<16xf32>
        %get3A_589 = arith.constant 211 : i32
        %get3A_590 = arith.index_cast %get3A_589 : i32 to index
        %get3A_591 = arith.index_cast %mul3A_174 : i32 to index
        %get3A_592 = tpu.vector_load %arg7[%get3A_590, %get3A_591] {strides = array<i32>} : memref<264x128xf32, #tpu.memory_space<vmem>>, vector<1x16xf32>,
        %get3A_593 = vector.shape_cast %get3A_592 : vector<1x16xf32> to vector<16xf32>
        %add3A_594 = arith.addf %add3A_588, %get3A_593 : vector<16xf32>
        %get3A_595 = arith.constant 212 : i32
        %get3A_596 = arith.index_cast %get3A_595 : i32 to index
        %get3A_597 = arith.index_cast %mul3A_174 : i32 to index
        %get3A_598 = tpu.vector_load %arg7[%get3A_596, %get3A_597] {strides = array<i32>} : memref<264x128xf32, #tpu.memory_space<vmem>>, vector<1x16xf32>,
        %get3A_599 = vector.shape_cast %get3A_598 : vector<1x16xf32> to vector<16xf32>
        %add3A_600 = arith.addf %add3A_594, %get3A_599 : vector<16xf32>
        %get3A_601 = arith.constant 213 : i32
        %get3A_602 = arith.index_cast %get3A_601 : i32 to index
        %get3A_603 = arith.index_cast %mul3A_174 : i32 to index
        %get3A_604 = tpu.vector_load %arg7[%get3A_602, %get3A_603] {strides = array<i32>} : memref<264x128xf32, #tpu.memory_space<vmem>>, vector<1x16xf32>,
        %get3A_605 = vector.shape_cast %get3A_604 : vector<1x16xf32> to vector<16xf32>
        %add3A_606 = arith.addf %add3A_600, %get3A_605 : vector<16xf32>
        %get3A_607 = arith.constant 214 : i32
        %get3A_608 = arith.index_cast %get3A_607 : i32 to index
        %get3A_609 = arith.index_cast %mul3A_174 : i32 to index
        %get3A_610 = tpu.vector_load %arg7[%get3A_608, %get3A_609] {strides = array<i32>} : memref<264x128xf32, #tpu.memory_space<vmem>>, vector<1x16xf32>,
        %get3A_611 = vector.shape_cast %get3A_610 : vector<1x16xf32> to vector<16xf32>
        %add3A_612 = arith.addf %add3A_606, %get3A_611 : vector<16xf32>
        %get3A_613 = arith.constant 215 : i32
        %get3A_614 = arith.index_cast %get3A_613 : i32 to index
        %get3A_615 = arith.index_cast %mul3A_174 : i32 to index
        %get3A_616 = tpu.vector_load %arg7[%get3A_614, %get3A_615] {strides = array<i32>} : memref<264x128xf32, #tpu.memory_space<vmem>>, vector<1x16xf32>,
        %get3A_617 = vector.shape_cast %get3A_616 : vector<1x16xf32> to vector<16xf32>
        %add3A_618 = arith.addf %add3A_612, %get3A_617 : vector<16xf32>
        %get3A_619 = arith.constant 216 : i32
        %get3A_620 = arith.index_cast %get3A_619 : i32 to index
        %get3A_621 = arith.index_cast %mul3A_174 : i32 to index
        %get3A_622 = tpu.vector_load %arg7[%get3A_620, %get3A_621] {strides = array<i32>} : memref<264x128xf32, #tpu.memory_space<vmem>>, vector<1x16xf32>,
        %get3A_623 = vector.shape_cast %get3A_622 : vector<1x16xf32> to vector<16xf32>
        %add3A_624 = arith.addf %add3A_618, %get3A_623 : vector<16xf32>
        %get3A_625 = arith.constant 217 : i32
        %get3A_626 = arith.index_cast %get3A_625 : i32 to index
        %get3A_627 = arith.index_cast %mul3A_174 : i32 to index
        %get3A_628 = tpu.vector_load %arg7[%get3A_626, %get3A_627] {strides = array<i32>} : memref<264x128xf32, #tpu.memory_space<vmem>>, vector<1x16xf32>,
        %get3A_629 = vector.shape_cast %get3A_628 : vector<1x16xf32> to vector<16xf32>
        %add3A_630 = arith.addf %add3A_624, %get3A_629 : vector<16xf32>
        %get3A_631 = arith.constant 218 : i32
        %get3A_632 = arith.index_cast %get3A_631 : i32 to index
        %get3A_633 = arith.index_cast %mul3A_174 : i32 to index
        %get3A_634 = tpu.vector_load %arg7[%get3A_632, %get3A_633] {strides = array<i32>} : memref<264x128xf32, #tpu.memory_space<vmem>>, vector<1x16xf32>,
        %get3A_635 = vector.shape_cast %get3A_634 : vector<1x16xf32> to vector<16xf32>
        %add3A_636 = arith.addf %add3A_630, %get3A_635 : vector<16xf32>
        %get3A_637 = arith.constant 219 : i32
        %get3A_638 = arith.index_cast %get3A_637 : i32 to index
        %get3A_639 = arith.index_cast %mul3A_174 : i32 to index
        %get3A_640 = tpu.vector_load %arg7[%get3A_638, %get3A_639] {strides = array<i32>} : memref<264x128xf32, #tpu.memory_space<vmem>>, vector<1x16xf32>,
        %get3A_641 = vector.shape_cast %get3A_640 : vector<1x16xf32> to vector<16xf32>
        %add3A_642 = arith.addf %add3A_636, %get3A_641 : vector<16xf32>
        %get3A_643 = arith.constant 220 : i32
        %get3A_644 = arith.index_cast %get3A_643 : i32 to index
        %get3A_645 = arith.index_cast %mul3A_174 : i32 to index
        %get3A_646 = tpu.vector_load %arg7[%get3A_644, %get3A_645] {strides = array<i32>} : memref<264x128xf32, #tpu.memory_space<vmem>>, vector<1x16xf32>,
        %get3A_647 = vector.shape_cast %get3A_646 : vector<1x16xf32> to vector<16xf32>
        %add3A_648 = arith.addf %add3A_642, %get3A_647 : vector<16xf32>
        %get3A_649 = arith.constant 221 : i32
        %get3A_650 = arith.index_cast %get3A_649 : i32 to index
        %get3A_651 = arith.index_cast %mul3A_174 : i32 to index
        %get3A_652 = tpu.vector_load %arg7[%get3A_650, %get3A_651] {strides = array<i32>} : memref<264x128xf32, #tpu.memory_space<vmem>>, vector<1x16xf32>,
        %get3A_653 = vector.shape_cast %get3A_652 : vector<1x16xf32> to vector<16xf32>
        %add3A_654 = arith.addf %add3A_648, %get3A_653 : vector<16xf32>
        %get3A_655 = arith.constant 222 : i32
        %get3A_656 = arith.index_cast %get3A_655 : i32 to index
        %get3A_657 = arith.index_cast %mul3A_174 : i32 to index
        %get3A_658 = tpu.vector_load %arg7[%get3A_656, %get3A_657] {strides = array<i32>} : memref<264x128xf32, #tpu.memory_space<vmem>>, vector<1x16xf32>,
        %get3A_659 = vector.shape_cast %get3A_658 : vector<1x16xf32> to vector<16xf32>
        %add3A_660 = arith.addf %add3A_654, %get3A_659 : vector<16xf32>
        %get3A_661 = arith.constant 223 : i32
        %get3A_662 = arith.index_cast %get3A_661 : i32 to index
        %get3A_663 = arith.index_cast %mul3A_174 : i32 to index
        %get3A_664 = tpu.vector_load %arg7[%get3A_662, %get3A_663] {strides = array<i32>} : memref<264x128xf32, #tpu.memory_space<vmem>>, vector<1x16xf32>,
        %get3A_665 = vector.shape_cast %get3A_664 : vector<1x16xf32> to vector<16xf32>
        %add3A_666 = arith.addf %add3A_660, %get3A_665 : vector<16xf32>
        %swap3A_667 = arith.constant 23 : i32
        %swap3A_668 = arith.index_cast %swap3A_667 : i32 to index
        %swap3A_669 = arith.index_cast %mul3A_174 : i32 to index
        %swap3A_670 = tpu.vector_load %arg8[%swap3A_668, %swap3A_669] {strides = array<i32>} : memref<26x128xf32, #tpu.memory_space<vmem>>, vector<1x16xf32>,
        %swap3A_671 = vector.shape_cast %swap3A_670 : vector<1x16xf32> to vector<16xf32>
        %swap3A_672 = vector.shape_cast %add3A_666 : vector<16xf32> to vector<1x16xf32>
        tpu.vector_store %arg8[%swap3A_668, %swap3A_669], %swap3A_672 {strides = array<i32>} : memref<26x128xf32, #tpu.memory_space<vmem>>, vector<1x16xf32>,
        %get3A_673 = arith.constant 224 : i32
        %get3A_674 = arith.index_cast %get3A_673 : i32 to index
        %get3A_675 = arith.index_cast %mul3A_174 : i32 to index
        %get3A_676 = tpu.vector_load %arg7[%get3A_674, %get3A_675] {strides = array<i32>} : memref<264x128xf32, #tpu.memory_space<vmem>>, vector<1x16xf32>,
        %get3A_677 = vector.shape_cast %get3A_676 : vector<1x16xf32> to vector<16xf32>
        %get3A_678 = arith.constant 225 : i32
        %get3A_679 = arith.index_cast %get3A_678 : i32 to index
        %get3A_680 = arith.index_cast %mul3A_174 : i32 to index
        %get3A_681 = tpu.vector_load %arg7[%get3A_679, %get3A_680] {strides = array<i32>} : memref<264x128xf32, #tpu.memory_space<vmem>>, vector<1x16xf32>,
        %get3A_682 = vector.shape_cast %get3A_681 : vector<1x16xf32> to vector<16xf32>
        %add3A_683 = arith.addf %get3A_677, %get3A_682 : vector<16xf32>
        %get3A_684 = arith.constant 226 : i32
        %get3A_685 = arith.index_cast %get3A_684 : i32 to index
        %get3A_686 = arith.index_cast %mul3A_174 : i32 to index
        %get3A_687 = tpu.vector_load %arg7[%get3A_685, %get3A_686] {strides = array<i32>} : memref<264x128xf32, #tpu.memory_space<vmem>>, vector<1x16xf32>,
        %get3A_688 = vector.shape_cast %get3A_687 : vector<1x16xf32> to vector<16xf32>
        %add3A_689 = arith.addf %add3A_683, %get3A_688 : vector<16xf32>
        %get3A_690 = arith.constant 227 : i32
        %get3A_691 = arith.index_cast %get3A_690 : i32 to index
        %get3A_692 = arith.index_cast %mul3A_174 : i32 to index
        %get3A_693 = tpu.vector_load %arg7[%get3A_691, %get3A_692] {strides = array<i32>} : memref<264x128xf32, #tpu.memory_space<vmem>>, vector<1x16xf32>,
        %get3A_694 = vector.shape_cast %get3A_693 : vector<1x16xf32> to vector<16xf32>
        %add3A_695 = arith.addf %add3A_689, %get3A_694 : vector<16xf32>
        %get3A_696 = arith.constant 228 : i32
        %get3A_697 = arith.index_cast %get3A_696 : i32 to index
        %get3A_698 = arith.index_cast %mul3A_174 : i32 to index
        %get3A_699 = tpu.vector_load %arg7[%get3A_697, %get3A_698] {strides = array<i32>} : memref<264x128xf32, #tpu.memory_space<vmem>>, vector<1x16xf32>,
        %get3A_700 = vector.shape_cast %get3A_699 : vector<1x16xf32> to vector<16xf32>
        %add3A_701 = arith.addf %add3A_695, %get3A_700 : vector<16xf32>
        %get3A_702 = arith.constant 229 : i32
        %get3A_703 = arith.index_cast %get3A_702 : i32 to index
        %get3A_704 = arith.index_cast %mul3A_174 : i32 to index
        %get3A_705 = tpu.vector_load %arg7[%get3A_703, %get3A_704] {strides = array<i32>} : memref<264x128xf32, #tpu.memory_space<vmem>>, vector<1x16xf32>,
        %get3A_706 = vector.shape_cast %get3A_705 : vector<1x16xf32> to vector<16xf32>
        %add3A_707 = arith.addf %add3A_701, %get3A_706 : vector<16xf32>
        %get3A_708 = arith.constant 230 : i32
        %get3A_709 = arith.index_cast %get3A_708 : i32 to index
        %get3A_710 = arith.index_cast %mul3A_174 : i32 to index
        %get3A_711 = tpu.vector_load %arg7[%get3A_709, %get3A_710] {strides = array<i32>} : memref<264x128xf32, #tpu.memory_space<vmem>>, vector<1x16xf32>,
        %get3A_712 = vector.shape_cast %get3A_711 : vector<1x16xf32> to vector<16xf32>
        %add3A_713 = arith.addf %add3A_707, %get3A_712 : vector<16xf32>
        %get3A_714 = arith.constant 231 : i32
        %get3A_715 = arith.index_cast %get3A_714 : i32 to index
        %get3A_716 = arith.index_cast %mul3A_174 : i32 to index
        %get3A_717 = tpu.vector_load %arg7[%get3A_715, %get3A_716] {strides = array<i32>} : memref<264x128xf32, #tpu.memory_space<vmem>>, vector<1x16xf32>,
        %get3A_718 = vector.shape_cast %get3A_717 : vector<1x16xf32> to vector<16xf32>
        %add3A_719 = arith.addf %add3A_713, %get3A_718 : vector<16xf32>
        %get3A_720 = arith.constant 232 : i32
        %get3A_721 = arith.index_cast %get3A_720 : i32 to index
        %get3A_722 = arith.index_cast %mul3A_174 : i32 to index
        %get3A_723 = tpu.vector_load %arg7[%get3A_721, %get3A_722] {strides = array<i32>} : memref<264x128xf32, #tpu.memory_space<vmem>>, vector<1x16xf32>,
        %get3A_724 = vector.shape_cast %get3A_723 : vector<1x16xf32> to vector<16xf32>
        %add3A_725 = arith.addf %add3A_719, %get3A_724 : vector<16xf32>
        %get3A_726 = arith.constant 233 : i32
        %get3A_727 = arith.index_cast %get3A_726 : i32 to index
        %get3A_728 = arith.index_cast %mul3A_174 : i32 to index
        %get3A_729 = tpu.vector_load %arg7[%get3A_727, %get3A_728] {strides = array<i32>} : memref<264x128xf32, #tpu.memory_space<vmem>>, vector<1x16xf32>,
        %get3A_730 = vector.shape_cast %get3A_729 : vector<1x16xf32> to vector<16xf32>
        %add3A_731 = arith.addf %add3A_725, %get3A_730 : vector<16xf32>
        %get3A_732 = arith.constant 234 : i32
        %get3A_733 = arith.index_cast %get3A_732 : i32 to index
        %get3A_734 = arith.index_cast %mul3A_174 : i32 to index
        %get3A_735 = tpu.vector_load %arg7[%get3A_733, %get3A_734] {strides = array<i32>} : memref<264x128xf32, #tpu.memory_space<vmem>>, vector<1x16xf32>,
        %get3A_736 = vector.shape_cast %get3A_735 : vector<1x16xf32> to vector<16xf32>
        %add3A_737 = arith.addf %add3A_731, %get3A_736 : vector<16xf32>
        %get3A_738 = arith.constant 235 : i32
        %get3A_739 = arith.index_cast %get3A_738 : i32 to index
        %get3A_740 = arith.index_cast %mul3A_174 : i32 to index
        %get3A_741 = tpu.vector_load %arg7[%get3A_739, %get3A_740] {strides = array<i32>} : memref<264x128xf32, #tpu.memory_space<vmem>>, vector<1x16xf32>,
        %get3A_742 = vector.shape_cast %get3A_741 : vector<1x16xf32> to vector<16xf32>
        %add3A_743 = arith.addf %add3A_737, %get3A_742 : vector<16xf32>
        %get3A_744 = arith.constant 236 : i32
        %get3A_745 = arith.index_cast %get3A_744 : i32 to index
        %get3A_746 = arith.index_cast %mul3A_174 : i32 to index
        %get3A_747 = tpu.vector_load %arg7[%get3A_745, %get3A_746] {strides = array<i32>} : memref<264x128xf32, #tpu.memory_space<vmem>>, vector<1x16xf32>,
        %get3A_748 = vector.shape_cast %get3A_747 : vector<1x16xf32> to vector<16xf32>
        %add3A_749 = arith.addf %add3A_743, %get3A_748 : vector<16xf32>
        %get3A_750 = arith.constant 237 : i32
        %get3A_751 = arith.index_cast %get3A_750 : i32 to index
        %get3A_752 = arith.index_cast %mul3A_174 : i32 to index
        %get3A_753 = tpu.vector_load %arg7[%get3A_751, %get3A_752] {strides = array<i32>} : memref<264x128xf32, #tpu.memory_space<vmem>>, vector<1x16xf32>,
        %get3A_754 = vector.shape_cast %get3A_753 : vector<1x16xf32> to vector<16xf32>
        %add3A_755 = arith.addf %add3A_749, %get3A_754 : vector<16xf32>
        %get3A_756 = arith.constant 238 : i32
        %get3A_757 = arith.index_cast %get3A_756 : i32 to index
        %get3A_758 = arith.index_cast %mul3A_174 : i32 to index
        %get3A_759 = tpu.vector_load %arg7[%get3A_757, %get3A_758] {strides = array<i32>} : memref<264x128xf32, #tpu.memory_space<vmem>>, vector<1x16xf32>,
        %get3A_760 = vector.shape_cast %get3A_759 : vector<1x16xf32> to vector<16xf32>
        %add3A_761 = arith.addf %add3A_755, %get3A_760 : vector<16xf32>
        %get3A_762 = arith.constant 239 : i32
        %get3A_763 = arith.index_cast %get3A_762 : i32 to index
        %get3A_764 = arith.index_cast %mul3A_174 : i32 to index
        %get3A_765 = tpu.vector_load %arg7[%get3A_763, %get3A_764] {strides = array<i32>} : memref<264x128xf32, #tpu.memory_space<vmem>>, vector<1x16xf32>,
        %get3A_766 = vector.shape_cast %get3A_765 : vector<1x16xf32> to vector<16xf32>
        %add3A_767 = arith.addf %add3A_761, %get3A_766 : vector<16xf32>
        %get3A_768 = arith.constant 240 : i32
        %get3A_769 = arith.index_cast %get3A_768 : i32 to index
        %get3A_770 = arith.index_cast %mul3A_174 : i32 to index
        %get3A_771 = tpu.vector_load %arg7[%get3A_769, %get3A_770] {strides = array<i32>} : memref<264x128xf32, #tpu.memory_space<vmem>>, vector<1x16xf32>,
        %get3A_772 = vector.shape_cast %get3A_771 : vector<1x16xf32> to vector<16xf32>
        %add3A_773 = arith.addf %add3A_767, %get3A_772 : vector<16xf32>
        %get3A_774 = arith.constant 241 : i32
        %get3A_775 = arith.index_cast %get3A_774 : i32 to index
        %get3A_776 = arith.index_cast %mul3A_174 : i32 to index
        %get3A_777 = tpu.vector_load %arg7[%get3A_775, %get3A_776] {strides = array<i32>} : memref<264x128xf32, #tpu.memory_space<vmem>>, vector<1x16xf32>,
        %get3A_778 = vector.shape_cast %get3A_777 : vector<1x16xf32> to vector<16xf32>
        %add3A_779 = arith.addf %add3A_773, %get3A_778 : vector<16xf32>
        %get3A_780 = arith.constant 242 : i32
        %get3A_781 = arith.index_cast %get3A_780 : i32 to index
        %get3A_782 = arith.index_cast %mul3A_174 : i32 to index
        %get3A_783 = tpu.vector_load %arg7[%get3A_781, %get3A_782] {strides = array<i32>} : memref<264x128xf32, #tpu.memory_space<vmem>>, vector<1x16xf32>,
        %get3A_784 = vector.shape_cast %get3A_783 : vector<1x16xf32> to vector<16xf32>
        %add3A_785 = arith.addf %add3A_779, %get3A_784 : vector<16xf32>
        %get3A_786 = arith.constant 243 : i32
        %get3A_787 = arith.index_cast %get3A_786 : i32 to index
        %get3A_788 = arith.index_cast %mul3A_174 : i32 to index
        %get3A_789 = tpu.vector_load %arg7[%get3A_787, %get3A_788] {strides = array<i32>} : memref<264x128xf32, #tpu.memory_space<vmem>>, vector<1x16xf32>,
        %get3A_790 = vector.shape_cast %get3A_789 : vector<1x16xf32> to vector<16xf32>
        %add3A_791 = arith.addf %add3A_785, %get3A_790 : vector<16xf32>
        %swap3A_792 = arith.constant 24 : i32
        %swap3A_793 = arith.index_cast %swap3A_792 : i32 to index
        %swap3A_794 = arith.index_cast %mul3A_174 : i32 to index
        %swap3A_795 = tpu.vector_load %arg8[%swap3A_793, %swap3A_794] {strides = array<i32>} : memref<26x128xf32, #tpu.memory_space<vmem>>, vector<1x16xf32>,
        %swap3A_796 = vector.shape_cast %swap3A_795 : vector<1x16xf32> to vector<16xf32>
        %swap3A_797 = vector.shape_cast %add3A_791 : vector<16xf32> to vector<1x16xf32>
        tpu.vector_store %arg8[%swap3A_793, %swap3A_794], %swap3A_797 {strides = array<i32>} : memref<26x128xf32, #tpu.memory_space<vmem>>, vector<1x16xf32>,
        %get3A_798 = arith.constant 244 : i32
        %get3A_799 = arith.index_cast %get3A_798 : i32 to index
        %get3A_800 = arith.index_cast %mul3A_174 : i32 to index
        %get3A_801 = tpu.vector_load %arg7[%get3A_799, %get3A_800] {strides = array<i32>} : memref<264x128xf32, #tpu.memory_space<vmem>>, vector<1x16xf32>,
        %get3A_802 = vector.shape_cast %get3A_801 : vector<1x16xf32> to vector<16xf32>
        %get3A_803 = arith.constant 245 : i32
        %get3A_804 = arith.index_cast %get3A_803 : i32 to index
        %get3A_805 = arith.index_cast %mul3A_174 : i32 to index
        %get3A_806 = tpu.vector_load %arg7[%get3A_804, %get3A_805] {strides = array<i32>} : memref<264x128xf32, #tpu.memory_space<vmem>>, vector<1x16xf32>,
        %get3A_807 = vector.shape_cast %get3A_806 : vector<1x16xf32> to vector<16xf32>
        %add3A_808 = arith.addf %get3A_802, %get3A_807 : vector<16xf32>
        %get3A_809 = arith.constant 246 : i32
        %get3A_810 = arith.index_cast %get3A_809 : i32 to index
        %get3A_811 = arith.index_cast %mul3A_174 : i32 to index
        %get3A_812 = tpu.vector_load %arg7[%get3A_810, %get3A_811] {strides = array<i32>} : memref<264x128xf32, #tpu.memory_space<vmem>>, vector<1x16xf32>,
        %get3A_813 = vector.shape_cast %get3A_812 : vector<1x16xf32> to vector<16xf32>
        %add3A_814 = arith.addf %add3A_808, %get3A_813 : vector<16xf32>
        %get3A_815 = arith.constant 247 : i32
        %get3A_816 = arith.index_cast %get3A_815 : i32 to index
        %get3A_817 = arith.index_cast %mul3A_174 : i32 to index
        %get3A_818 = tpu.vector_load %arg7[%get3A_816, %get3A_817] {strides = array<i32>} : memref<264x128xf32, #tpu.memory_space<vmem>>, vector<1x16xf32>,
        %get3A_819 = vector.shape_cast %get3A_818 : vector<1x16xf32> to vector<16xf32>
        %add3A_820 = arith.addf %add3A_814, %get3A_819 : vector<16xf32>
        %get3A_821 = arith.constant 248 : i32
        %get3A_822 = arith.index_cast %get3A_821 : i32 to index
        %get3A_823 = arith.index_cast %mul3A_174 : i32 to index
        %get3A_824 = tpu.vector_load %arg7[%get3A_822, %get3A_823] {strides = array<i32>} : memref<264x128xf32, #tpu.memory_space<vmem>>, vector<1x16xf32>,
        %get3A_825 = vector.shape_cast %get3A_824 : vector<1x16xf32> to vector<16xf32>
        %add3A_826 = arith.addf %add3A_820, %get3A_825 : vector<16xf32>
        %get3A_827 = arith.constant 249 : i32
        %get3A_828 = arith.index_cast %get3A_827 : i32 to index
        %get3A_829 = arith.index_cast %mul3A_174 : i32 to index
        %get3A_830 = tpu.vector_load %arg7[%get3A_828, %get3A_829] {strides = array<i32>} : memref<264x128xf32, #tpu.memory_space<vmem>>, vector<1x16xf32>,
        %get3A_831 = vector.shape_cast %get3A_830 : vector<1x16xf32> to vector<16xf32>
        %add3A_832 = arith.addf %add3A_826, %get3A_831 : vector<16xf32>
        %get3A_833 = arith.constant 250 : i32
        %get3A_834 = arith.index_cast %get3A_833 : i32 to index
        %get3A_835 = arith.index_cast %mul3A_174 : i32 to index
        %get3A_836 = tpu.vector_load %arg7[%get3A_834, %get3A_835] {strides = array<i32>} : memref<264x128xf32, #tpu.memory_space<vmem>>, vector<1x16xf32>,
        %get3A_837 = vector.shape_cast %get3A_836 : vector<1x16xf32> to vector<16xf32>
        %add3A_838 = arith.addf %add3A_832, %get3A_837 : vector<16xf32>
        %get3A_839 = arith.constant 251 : i32
        %get3A_840 = arith.index_cast %get3A_839 : i32 to index
        %get3A_841 = arith.index_cast %mul3A_174 : i32 to index
        %get3A_842 = tpu.vector_load %arg7[%get3A_840, %get3A_841] {strides = array<i32>} : memref<264x128xf32, #tpu.memory_space<vmem>>, vector<1x16xf32>,
        %get3A_843 = vector.shape_cast %get3A_842 : vector<1x16xf32> to vector<16xf32>
        %add3A_844 = arith.addf %add3A_838, %get3A_843 : vector<16xf32>
        %get3A_845 = arith.constant 252 : i32
        %get3A_846 = arith.index_cast %get3A_845 : i32 to index
        %get3A_847 = arith.index_cast %mul3A_174 : i32 to index
        %get3A_848 = tpu.vector_load %arg7[%get3A_846, %get3A_847] {strides = array<i32>} : memref<264x128xf32, #tpu.memory_space<vmem>>, vector<1x16xf32>,
        %get3A_849 = vector.shape_cast %get3A_848 : vector<1x16xf32> to vector<16xf32>
        %add3A_850 = arith.addf %add3A_844, %get3A_849 : vector<16xf32>
        %get3A_851 = arith.constant 253 : i32
        %get3A_852 = arith.index_cast %get3A_851 : i32 to index
        %get3A_853 = arith.index_cast %mul3A_174 : i32 to index
        %get3A_854 = tpu.vector_load %arg7[%get3A_852, %get3A_853] {strides = array<i32>} : memref<264x128xf32, #tpu.memory_space<vmem>>, vector<1x16xf32>,
        %get3A_855 = vector.shape_cast %get3A_854 : vector<1x16xf32> to vector<16xf32>
        %add3A_856 = arith.addf %add3A_850, %get3A_855 : vector<16xf32>
        %get3A_857 = arith.constant 254 : i32
        %get3A_858 = arith.index_cast %get3A_857 : i32 to index
        %get3A_859 = arith.index_cast %mul3A_174 : i32 to index
        %get3A_860 = tpu.vector_load %arg7[%get3A_858, %get3A_859] {strides = array<i32>} : memref<264x128xf32, #tpu.memory_space<vmem>>, vector<1x16xf32>,
        %get3A_861 = vector.shape_cast %get3A_860 : vector<1x16xf32> to vector<16xf32>
        %add3A_862 = arith.addf %add3A_856, %get3A_861 : vector<16xf32>
        %get3A_863 = arith.constant 255 : i32
        %get3A_864 = arith.index_cast %get3A_863 : i32 to index
        %get3A_865 = arith.index_cast %mul3A_174 : i32 to index
        %get3A_866 = tpu.vector_load %arg7[%get3A_864, %get3A_865] {strides = array<i32>} : memref<264x128xf32, #tpu.memory_space<vmem>>, vector<1x16xf32>,
        %get3A_867 = vector.shape_cast %get3A_866 : vector<1x16xf32> to vector<16xf32>
        %add3A_868 = arith.addf %add3A_862, %get3A_867 : vector<16xf32>
        %get3A_869 = arith.constant 256 : i32
        %get3A_870 = arith.index_cast %get3A_869 : i32 to index
        %get3A_871 = arith.index_cast %mul3A_174 : i32 to index
        %get3A_872 = tpu.vector_load %arg7[%get3A_870, %get3A_871] {strides = array<i32>} : memref<264x128xf32, #tpu.memory_space<vmem>>, vector<1x16xf32>,
        %get3A_873 = vector.shape_cast %get3A_872 : vector<1x16xf32> to vector<16xf32>
        %add3A_874 = arith.addf %add3A_868, %get3A_873 : vector<16xf32>
        %get3A_875 = arith.constant 257 : i32
        %get3A_876 = arith.index_cast %get3A_875 : i32 to index
        %get3A_877 = arith.index_cast %mul3A_174 : i32 to index
        %get3A_878 = tpu.vector_load %arg7[%get3A_876, %get3A_877] {strides = array<i32>} : memref<264x128xf32, #tpu.memory_space<vmem>>, vector<1x16xf32>,
        %get3A_879 = vector.shape_cast %get3A_878 : vector<1x16xf32> to vector<16xf32>
        %add3A_880 = arith.addf %add3A_874, %get3A_879 : vector<16xf32>
        %get3A_881 = arith.constant 258 : i32
        %get3A_882 = arith.index_cast %get3A_881 : i32 to index
        %get3A_883 = arith.index_cast %mul3A_174 : i32 to index
        %get3A_884 = tpu.vector_load %arg7[%get3A_882, %get3A_883] {strides = array<i32>} : memref<264x128xf32, #tpu.memory_space<vmem>>, vector<1x16xf32>,
        %get3A_885 = vector.shape_cast %get3A_884 : vector<1x16xf32> to vector<16xf32>
        %add3A_886 = arith.addf %add3A_880, %get3A_885 : vector<16xf32>
        %get3A_887 = arith.constant 259 : i32
        %get3A_888 = arith.index_cast %get3A_887 : i32 to index
        %get3A_889 = arith.index_cast %mul3A_174 : i32 to index
        %get3A_890 = tpu.vector_load %arg7[%get3A_888, %get3A_889] {strides = array<i32>} : memref<264x128xf32, #tpu.memory_space<vmem>>, vector<1x16xf32>,
        %get3A_891 = vector.shape_cast %get3A_890 : vector<1x16xf32> to vector<16xf32>
        %add3A_892 = arith.addf %add3A_886, %get3A_891 : vector<16xf32>
        %get3A_893 = arith.constant 260 : i32
        %get3A_894 = arith.index_cast %get3A_893 : i32 to index
        %get3A_895 = arith.index_cast %mul3A_174 : i32 to index
        %get3A_896 = tpu.vector_load %arg7[%get3A_894, %get3A_895] {strides = array<i32>} : memref<264x128xf32, #tpu.memory_space<vmem>>, vector<1x16xf32>,
        %get3A_897 = vector.shape_cast %get3A_896 : vector<1x16xf32> to vector<16xf32>
        %add3A_898 = arith.addf %add3A_892, %get3A_897 : vector<16xf32>
        %get3A_899 = arith.constant 261 : i32
        %get3A_900 = arith.index_cast %get3A_899 : i32 to index
        %get3A_901 = arith.index_cast %mul3A_174 : i32 to index
        %get3A_902 = tpu.vector_load %arg7[%get3A_900, %get3A_901] {strides = array<i32>} : memref<264x128xf32, #tpu.memory_space<vmem>>, vector<1x16xf32>,
        %get3A_903 = vector.shape_cast %get3A_902 : vector<1x16xf32> to vector<16xf32>
        %add3A_904 = arith.addf %add3A_898, %get3A_903 : vector<16xf32>
        %get3A_905 = arith.constant 262 : i32
        %get3A_906 = arith.index_cast %get3A_905 : i32 to index
        %get3A_907 = arith.index_cast %mul3A_174 : i32 to index
        %get3A_908 = tpu.vector_load %arg7[%get3A_906, %get3A_907] {strides = array<i32>} : memref<264x128xf32, #tpu.memory_space<vmem>>, vector<1x16xf32>,
        %get3A_909 = vector.shape_cast %get3A_908 : vector<1x16xf32> to vector<16xf32>
        %add3A_910 = arith.addf %add3A_904, %get3A_909 : vector<16xf32>
        %get3A_911 = arith.constant 263 : i32
        %get3A_912 = arith.index_cast %get3A_911 : i32 to index
        %get3A_913 = arith.index_cast %mul3A_174 : i32 to index
        %get3A_914 = tpu.vector_load %arg7[%get3A_912, %get3A_913] {strides = array<i32>} : memref<264x128xf32, #tpu.memory_space<vmem>>, vector<1x16xf32>,
        %get3A_915 = vector.shape_cast %get3A_914 : vector<1x16xf32> to vector<16xf32>
        %add3A_916 = arith.addf %add3A_910, %get3A_915 : vector<16xf32>
        %swap3A_917 = arith.constant 25 : i32
        %swap3A_918 = arith.index_cast %swap3A_917 : i32 to index
        %swap3A_919 = arith.index_cast %mul3A_174 : i32 to index
        %swap3A_920 = tpu.vector_load %arg8[%swap3A_918, %swap3A_919] {strides = array<i32>} : memref<26x128xf32, #tpu.memory_space<vmem>>, vector<1x16xf32>,
        %swap3A_921 = vector.shape_cast %swap3A_920 : vector<1x16xf32> to vector<16xf32>
        %swap3A_922 = vector.shape_cast %add3A_916 : vector<16xf32> to vector<1x16xf32>
        tpu.vector_store %arg8[%swap3A_918, %swap3A_919], %swap3A_922 {strides = array<i32>} : memref<26x128xf32, #tpu.memory_space<vmem>>, vector<1x16xf32>,
      }
      %scan3A_148 = arith.constant 8 : i32
      %add3A_149 = arith.constant 1 : i32
      %add3A_150 = arith.addi %scan3A_65, %add3A_149 : i32
      %lt3A_151 = arith.constant 32 : i32
      %lt3A_152 = arith.cmpi slt, %add3A_150, %lt3A_151 : i32
      %convert_element_type3A_153 = arith.extui %lt3A_152 : i1 to i32
      %cond3A_154 = arith.constant 0 : i32
      %cond3A_155 = arith.cmpi ne, %convert_element_type3A_153, %cond3A_154 : i32
      scf.if %cond3A_155 {
        %add3A_172 = arith.constant 1 : i32
        %add3A_173 = arith.addi %scan3A_65, %add3A_172 : i32
        %mul3A_174 = arith.constant 520 : i32
        %mul3A_175 = arith.muli %add3A_173, %mul3A_174 : i32
        %add3A_176 = arith.constant 256 : i32
        %add3A_177 = arith.addi %mul3A_175, %add3A_176 : i32
        %add3A_178 = arith.constant 128 : i32
        %add3A_179 = arith.addi %add3A_177, %add3A_178 : i32
        %dma_start3A_180 = arith.constant 128 : i32
        %dma_start3A_181 = arith.constant 0 : i32
        %dma_start3A_182 = tpu.memref_slice %arg7[%dma_start3A_180, %dma_start3A_181] : memref<264x128xf32, #tpu.memory_space<vmem>> -> memref<128x128xf32, #tpu.memory_space<vmem>>
        %dma_start3A_183 = tpu.memref_slice %arg5[%add3A_179] : memref<16640xi32, #tpu.memory_space<vmem>> -> memref<128xi32, #tpu.memory_space<vmem>>
        %dma_start3A_184 = arith.constant 0 : i32
        %dma_start3A_185 = arith.constant 0 : i32
        %dma_start3A_186 = tpu.memref_slice %arg3[%dma_start3A_184, %dma_start3A_185] : memref<100000x128xf32, #tpu.memory_space<hbm>> -> memref<100000x128xf32, #tpu.memory_space<hbm>>
        tpu.enqueue_indirect_dma source(%dma_start3A_186 : memref<100000x128xf32, #tpu.memory_space<hbm>>) target(%dma_start3A_182 : memref<128x128xf32, #tpu.memory_space<vmem>>) offsets(%dma_start3A_183 : memref<128xi32, #tpu.memory_space<vmem>>) semaphore(%arg10 : memref<!tpu.dma_semaphore, #tpu.memory_space<semaphore_mem>>)
      } else {
      }
      %add3A_156 = arith.constant 1 : i32
      %add3A_157 = arith.addi %scan3A_65, %add3A_156 : i32
      %lt3A_158 = arith.constant 32 : i32
      %lt3A_159 = arith.cmpi slt, %add3A_157, %lt3A_158 : i32
      %convert_element_type3A_160 = arith.extui %lt3A_159 : i1 to i32
      %cond3A_161 = arith.constant 0 : i32
      %cond3A_162 = arith.cmpi ne, %convert_element_type3A_160, %cond3A_161 : i32
      scf.if %cond3A_162 {
        %add3A_172 = arith.constant 1 : i32
        %add3A_173 = arith.addi %scan3A_65, %add3A_172 : i32
        %mul3A_174 = arith.constant 520 : i32
        %mul3A_175 = arith.muli %add3A_173, %mul3A_174 : i32
        %add3A_176 = arith.constant 256 : i32
        %add3A_177 = arith.addi %mul3A_175, %add3A_176 : i32
        %add3A_178 = arith.constant 256 : i32
        %add3A_179 = arith.addi %add3A_177, %add3A_178 : i32
        %dma_start3A_180 = arith.constant 256 : i32
        %dma_start3A_181 = arith.constant 0 : i32
        %dma_start3A_182 = tpu.memref_slice %arg7[%dma_start3A_180, %dma_start3A_181] : memref<264x128xf32, #tpu.memory_space<vmem>> -> memref<8x128xf32, #tpu.memory_space<vmem>>
        %dma_start3A_183 = tpu.memref_slice %arg5[%add3A_179] : memref<16640xi32, #tpu.memory_space<vmem>> -> memref<8xi32, #tpu.memory_space<vmem>>
        %dma_start3A_184 = arith.constant 0 : i32
        %dma_start3A_185 = arith.constant 0 : i32
        %dma_start3A_186 = tpu.memref_slice %arg3[%dma_start3A_184, %dma_start3A_185] : memref<100000x128xf32, #tpu.memory_space<hbm>> -> memref<100000x128xf32, #tpu.memory_space<hbm>>
        tpu.enqueue_indirect_dma source(%dma_start3A_186 : memref<100000x128xf32, #tpu.memory_space<hbm>>) target(%dma_start3A_182 : memref<8x128xf32, #tpu.memory_space<vmem>>) offsets(%dma_start3A_183 : memref<8xi32, #tpu.memory_space<vmem>>) semaphore(%arg10 : memref<!tpu.dma_semaphore, #tpu.memory_space<semaphore_mem>>)
      } else {
      }
      %add3A_163 = arith.addi %mul3A_2, %scan3A_65 : i32
      %dma_start3A_164 = arith.constant 0 : i32
      %dma_start3A_165 = arith.constant 0 : i32
      %dma_start3A_166 = tpu.memref_slice %arg4[%add3A_163, %dma_start3A_164, %dma_start3A_165] : memref<1024x26x128xf32, #tpu.memory_space<hbm>> -> memref<1x26x128xf32, #tpu.memory_space<hbm>>
      %dma_start3A_167 = tpu.memref_squeeze %dma_start3A_166 : memref<1x26x128xf32, #tpu.memory_space<hbm>> -> memref<26x128xf32, #tpu.memory_space<hbm>>
      %dma_start3A_168 = arith.constant 0 : i32
      %dma_start3A_169 = arith.constant 0 : i32
      %dma_start3A_170 = tpu.memref_slice %arg4[%add3A_163, %dma_start3A_168, %dma_start3A_169] : memref<1024x26x128xf32, #tpu.memory_space<hbm>> -> memref<1x26x128xf32, #tpu.memory_space<hbm>>
      %dma_start3A_171 = tpu.memref_squeeze %dma_start3A_170 : memref<1x26x128xf32, #tpu.memory_space<hbm>> -> memref<26x128xf32, #tpu.memory_space<hbm>>
      tpu.enqueue_dma source(%arg8 : memref<26x128xf32, #tpu.memory_space<vmem>>) target(%dma_start3A_171 : memref<26x128xf32, #tpu.memory_space<hbm>>) target_semaphore(%arg11 : memref<!tpu.dma_semaphore, #tpu.memory_space<semaphore_mem>>)
    }
    %scan3A_56 = arith.constant 32 : i32
    %dma_wait3A = arith.constant 0 : i32
    %dma_wait3A_57 = arith.constant 0 : i32
    %dma_wait3A_58 = arith.constant 0 : i32
    %dma_wait3A_59 = tpu.memref_slice %arg4[%dma_wait3A, %dma_wait3A_57, %dma_wait3A_58] : memref<1024x26x128xf32, #tpu.memory_space<hbm>> -> memref<1x26x128xf32, #tpu.memory_space<hbm>>
    %dma_wait3A_60 = tpu.memref_squeeze %dma_wait3A_59 : memref<1x26x128xf32, #tpu.memory_space<hbm>> -> memref<26x128xf32, #tpu.memory_space<hbm>>
    %dma_wait3A_61 = arith.constant 0 : i32
    %dma_wait3A_62 = arith.constant 0 : i32
    %dma_wait3A_63 = tpu.memref_slice %arg4[%dma_wait3A, %dma_wait3A_61, %dma_wait3A_62] : memref<1024x26x128xf32, #tpu.memory_space<hbm>> -> memref<1x26x128xf32, #tpu.memory_space<hbm>>
    %dma_wait3A_64 = tpu.memref_squeeze %dma_wait3A_63 : memref<1x26x128xf32, #tpu.memory_space<hbm>> -> memref<26x128xf32, #tpu.memory_space<hbm>>
    tpu.wait_dma2 semaphore(%arg11 : memref<!tpu.dma_semaphore, #tpu.memory_space<semaphore_mem>>) src(%arg8 : memref<26x128xf32, #tpu.memory_space<vmem>>) dst(%dma_wait3A_64 : memref<26x128xf32, #tpu.memory_space<hbm>>)
    return
  }
}

</mosaic_0001>

<sc_bundles>
// kernel: kernel.3.cloned.1.call-start
scs
__scs_entry_jumppad:
0x0: {  	(pc) =	sbr.rel $0x88, $3  }
0x1: {  	(tag) =	ssettag $0x0;
	lr =	simm.s32 $0x1  }
0x2: {  	[smem:$0x3F9F] =	sst lr;
	_ =	strace $0xD0000000  }
0x3: {  	_ = 	snop  }
0x4: {  	_ = 	snop  }
0x5: {  	_ = 	snop  }
0x6: {  	_ = 	snop  }
0x7: {  	_ = 	snop  }
__scs_overlays_trampoline_lowered:
0x8: {  	[smem:$0x3FAE] =	sst s0  }
0x9: {  	[smem:$0x3FAF] =	sst s1  }
0xa: {  	[smem:$0x3FB0] =	sst s2  }
0xb: {  	[smem:$0x3FB1] =	sst s3  }
0xc: {  	[smem:$0x3FB2] =	sst s4  }
0xd: {  	[smem:$0x3FB3] =	sst s5  }
0xe: {  	[smem:$0x3FB4] =	sst s6  }
0xf: {  	[smem:$0x3FB5] =	sst s7  }
0x10: {  	[smem:$0x3FB6] =	sst s8  }
0x11: {  	[smem:$0x3FB7] =	sst s9;
	s0 =	simm.s32 @!p0 $0x0  }
0x12: {  	s1 =	sld [smem:$0x3F9D];
	s0 =	simm.s32 @p0 $0x1  }
0x13: {  	[smem:$0x3FB8] =	sst s0;
	s0 =	simm.s32 @!p1 $0x0  }
0x14: {  	s2 =	sld [smem:$0x3F9C];
	s0 =	simm.s32 @p1 $0x1  }
0x15: {  	[smem:$0x3FB9] =	sst s0;
	s0 =	simm.s32 @!p2 $0x0  }
0x16: {  	s3 =	sld [smem:$0x3FDB];
	s0 =	simm.s32 @p2 $0x1  }
0x17: {  	s4 =	simm.s32 $0x1BF5;
	[smem:$0x3FBB] =	sst s0  }
0x18: {  	s0 =	sld [smem:$0x3F9E];
	_ =	swait.ge [sflag:s4], $0x0  }
0x19: {  	s7 =	sld [smem:$0x3F9F]  }
0x1a: {  	s8 =	sadd.s32 $0xFFFFE003, lr  }
0x1b: {  	s9 =	sadd.s32 $0xFFFFFEF7, lr;
	s5 =	simm.s32 $0xFFFFFFFF;
	p2 =	slt.u32 s8, $0xFFFFF086  }
0x1c: {  	p1 =	slt.u32 s9, $0xF7A;
	s5 =	simm.s32 @!p2 $0x0  }
0x1d: {  	s5 =	simm.s32 @p1 $0x1;
	p0 =	seq.s32 s7, s2  }
0x1e: {  	s7 =	smul.u32 @!p0 $0xF7A, s2;
	p2 =	seq.s32 @!p0 s5, $0x0  }
0x1f: {  	s9 =	smul.u32 $0xF7A, s1;
	s8 =	simm.s32 @!p0 $0x1BF5;
	p2 =	por !p2, p0  }
0x20: {  	[sflag:s8] =	ssyncset.s32 @!p0 $0xFFFFF086;
	s6 =	sadd.s32 @!p0 s3, s7;
	s7 =	simm.s32 @!p0 $0x108  }
0x21: {  	s3 =	sadd.s32 s3, s9;
	s6 =	sadd.s32 @!p0 $0x88, s6;
	s7 =	simm.s32 @p2 $0x1082  }
0x22: {  	[simem:s7], [sflag:s8] =	dma.local @!p0 [hbm:s6], $0xF7A  }
0x23: {  	s9 =	sor.u32 $0xD0000000, s2;
	s6 =	simm.s32 $0x108;
	_ =	swait.ge @!p0 [sflag:s8], $0x0  }
0x24: {  	s3 =	sadd.s32 $0x88, s3;
	s6 =	simm.s32 @!p1 $0x1082;
	[sflag:s4] =	ssyncset.s32 $0xFFFFF086  }
0x25: {  	[simem:s6], [sflag:s4] =	dma.local [hbm:s3], $0xF7A  }
0x26: {  	[smem:$0x3F9F] =	sst s1;
	(tag) =	ssettag s2;
	_ =	strace s9  }
0x27: {  	s1 =	sld [smem:$0x3FAF]  }
0x28: {  	s2 =	sld [smem:$0x3FB0]  }
0x29: {  	s4 =	sld [smem:$0x3FB2]  }
0x2a: {  	p0 =	seq.s32 s5, $0x0;
	s5 =	sld [smem:$0x3FB3]  }
0x2b: {  	s6 =	sld [smem:$0x3FB4]  }
0x2c: {  	s7 =	sld [smem:$0x3FB5]  }
0x2d: {  	s3 =	simm.s32 $0x108;
	s8 =	sld [smem:$0x3FB6]  }
0x2e: {  	s3 =	simm.s32 @!p0 $0x1082;
	s9 =	sld [smem:$0x3FB7]  }
0x2f: {  	lr =	sadd.s32 s0, s3;
	s0 =	sld [smem:$0x3FAE]  }
0x30: {  	s3 =	sld [smem:$0x3FB1]  }
0x31: {  	[smem:$0x3FBA] =	sst s10  }
0x32: {  	s10 =	sld [smem:$0x3FB8];
	_ =	sdelay $0x3  }
0x33: {  	p0 =	seq.s32 s10, $0x1;
	s10 =	sld [smem:$0x3FBA];
	_ =	sdelay $0x3  }
0x34: {  	[smem:$0x3FBA] =	sst s10  }
0x35: {  	s10 =	sld [smem:$0x3FB9];
	_ =	sdelay $0x3  }
0x36: {  	p1 =	seq.s32 s10, $0x1;
	s10 =	sld [smem:$0x3FBA];
	_ =	sdelay $0x3  }
0x37: {  	[smem:$0x3FBA] =	sst s10  }
0x38: {  	s10 =	sld [smem:$0x3FBB]  }
0x39: {  	_ = 	snop;
	(pc) =	sbr.ind lr, $3  }
0x3a: {  	_ = 	snop  }
0x3b: {  	_ = 	snop  }
0x3c: {  	p2 =	seq.s32 s10, $0x1;
	s10 =	sld [smem:$0x3FBA]  }
0x3d: {  	_ =	shalt  }
0x3e: {  	_ =	shalt  }
0x3f: {  	_ =	shalt  }
0x40: {  	_ =	shalt  }
0x41: {  	_ =	shalt  }
0x42: {  	_ =	shalt  }
0x43: {  	_ =	shalt  }
0x44: {  	_ =	shalt  }
0x45: {  	_ =	shalt  }
0x46: {  	_ =	shalt  }
0x47: {  	_ =	shalt  }
0x48: {  	_ =	shalt  }
0x49: {  	_ =	shalt  }
0x4a: {  	_ =	shalt  }
0x4b: {  	_ =	shalt  }
0x4c: {  	_ =	shalt  }
0x4d: {  	_ =	shalt  }
0x4e: {  	_ =	shalt  }
0x4f: {  	_ =	shalt  }
0x50: {  	_ =	shalt  }
0x51: {  	_ =	shalt  }
0x52: {  	_ =	shalt  }
0x53: {  	_ =	shalt  }
0x54: {  	_ =	shalt  }
0x55: {  	_ =	shalt  }
0x56: {  	_ =	shalt  }
0x57: {  	_ =	shalt  }
0x58: {  	_ =	shalt  }
0x59: {  	_ =	shalt  }
0x5a: {  	_ =	shalt  }
0x5b: {  	_ =	shalt  }
0x5c: {  	_ =	shalt  }
0x5d: {  	_ =	shalt  }
0x5e: {  	_ =	shalt  }
0x5f: {  	_ =	shalt  }
0x60: {  	_ =	shalt  }
0x61: {  	_ =	shalt  }
0x62: {  	_ =	shalt  }
0x63: {  	_ =	shalt  }
0x64: {  	_ =	shalt  }
0x65: {  	_ =	shalt  }
0x66: {  	_ =	shalt  }
0x67: {  	_ =	shalt  }
0x68: {  	_ =	shalt  }
0x69: {  	_ =	shalt  }
0x6a: {  	_ =	shalt  }
0x6b: {  	_ =	shalt  }
0x6c: {  	_ =	shalt  }
0x6d: {  	_ =	shalt  }
0x6e: {  	_ =	shalt  }
0x6f: {  	_ =	shalt  }
0x70: {  	_ =	shalt  }
0x71: {  	_ =	shalt  }
0x72: {  	_ =	shalt  }
0x73: {  	_ =	shalt  }
0x74: {  	_ =	shalt  }
0x75: {  	_ =	shalt  }
0x76: {  	_ =	shalt  }
0x77: {  	_ =	shalt  }
0x78: {  	_ =	shalt  }
0x79: {  	_ =	shalt  }
0x7a: {  	_ =	shalt  }
0x7b: {  	_ =	shalt  }
0x7c: {  	_ =	shalt  }
0x7d: {  	_ =	shalt  }
0x7e: {  	_ =	shalt  }
0x7f: {  	_ =	shalt  }
0x80: {  	_ =	shalt  }
0x81: {  	_ =	shalt  }
0x82: {  	_ =	shalt  }
0x83: {  	_ =	shalt  }
0x84: {  	_ =	shalt  }
0x85: {  	_ =	shalt  }
0x86: {  	_ =	shalt  }
0x87: {  	_ =	shalt  }
.Lfunc_end0:
.L_simem_size_0:
called_computation_lowered:
.L_overlay_start_0:
0x88: {  	s2 =	sld [smem:$0x3FD9]  }
0x89: {  	s3 =	sld [smem:$0x3FFE];
	_ =	sdelay $0x1  }
0x8a: {  	s1 =	srdreg.scid  }
0x8b: {  	s0 =	sand.u32 $0x1, s1  }
0x8c: {  	s17 =	sshll.u32 s0, $0xA;
	s2 =	sadd.s32 s3, s2  }
0x8d: {  	s2 =	sadd.s32 s2, s17  }
0x8e: {  	[smem:$0x3FC6] =	sst s2  }
0x8f: {  	_ = 	snop  }
0x90: {  	s2 =	sld [smem:$0x3FC8]  }
0x91: {  	s18 =	sld [smem:$0x3FD0];
	(tm) =	ssettm $0x1  }
0x92: {  	s4 =	sld [smem:$0x3FFB];
	_ =	sdelay $0x3  }
0x93: {  	_ =	strace s4  }
0x94: {  	s4 =	sld [smem:$0x3FFC];
	_ =	sdelay $0x3  }
0x95: {  	_ =	strace s4  }
0x96: {  	s4 =	sld [smem:$0x3FFD];
	_ =	sdelay $0x3  }
0x97: {  	_ =	strace s4  }
0x98: {  	_ =	strace $0x8FFFFFFF  }
0x99: {  	s19 =	sld [smem:$0x3FDB];
	_ =	sdelay $0x1  }
0x9a: {  	s5 =	simm.s32 $_scs_section_size  }
0x9b: {  	s6 =	simm.s32 $_size__tile_overlayer_lowered;
	s7 =	simm.s32 $_tile_overlayer_lowered  }
0x9c: {  	s22 =	simm.s32 $0x1BFF;
	s21 =	sshll.u32 s7, $0x1;
	s4 =	sadd.s32 s5, s19  }
0x9d: {  	s8 =	simm.s32 $0x0;
	s20 =	sshll.u32 s6, $0x1;
	s6 =	sadd.s32 s21, s4  }
0x9e: {  	[timem:s8], [sflag:s22] =	dma.local [hbm:s6], s20  }
0x9f: {  	_ =	swait.ge [sflag:s22], s20  }
0xa0: {  	s5 =	ssub.s32 $0x0, s20;
	[sflag:s22] =	ssyncset.done $0x0  }
0xa1: {  	[sflag:s22] =	ssyncadd.s32 s5;
	_ =	sdelay $0x1  }
0xa2: {  	s23 =	simm.s32 $0x1B8B  }
0xa3: {  	_ =	swait.ge [sflag:s23], $0x1  }
0xa4: {  	[sflag:s23] =	ssyncset.done $0x0  }
0xa5: {  	s25 =	simm.s32 $0x1B8E;
	s24 =	sld [smem:$0x3FFE];
	[sflag:s23] =	ssyncadd.s32 $0xFFFFFFFF  }
0xa6: {  	s26 =	simm.s32 $execute0_lowered;
	[smem:$0x3FD2] =	sst s25  }
0xa7: {  	s6 =	sshll.u32 s26, $0x1;
	_ =	strace $0x80000046;
	[dreg:$0x1] =	wrdreg $0xFFFFFFFF  }
0xa8: {  	s28 =	simm.s32 $_size_execute0_lowered;
	s4 =	sadd.s32 s4, s6;
	[dreg:$0x0] =	wrdreg $0x0  }
0xa9: {  	s6 =	sshll.u32 s28, $0x1;
	[dreg:$0x2] =	wrdreg s4  }
0xaa: {  	[dreg:$0x3] =	wrdreg s6  }
0xab: {  	[dreg:$0x4] =	wrdreg $0xC0  }
0xac: {  	_ =	task [dreg:s8], $0x5FFFF  }
0xad: {  	[dreg:$0x1] =	wrdreg $0xFFFFFFFF  }
0xae: {  	[dreg:$0x0] =	wrdreg $0x60  }
0xaf: {  	[dreg:$0x2] =	wrdreg s18  }
0xb0: {  	[dreg:$0x3] =	wrdreg s2  }
0xb1: {  	[dreg:$0x4] =	wrdreg s24  }
0xb2: {  	[dreg:$0x5] =	wrdreg $0x9  }
0xb3: {  	_ =	task.clear_ibuf [dreg:s8], $0x6FFFF;
	_ =	strace $0x90000046  }
0xb4: {  	s29 =	simm.s32 $0x9;
	_ =	strace $0x80000048  }
0xb5: {  	_ =	swait.ge [sflag:s29], $0x1  }
0xb6: {  	[sflag:s29] =	ssyncadd.s32 $0xFFFFFFFF  }
0xb7: {  	_ =	strace $0x90000048  }
0xb8: {  	_ =	sfence  }
0xb9: {  	s30 =	sld [smem:$0x0];
	_ =	sdelay $0x2  }
0xba: {  	s31 =	sshll.u32 s1, $0xD;
	s1 =	sshrl.u32 s1, $0x2  }
0xbb: {  	s3 =	sand.u32 $0x4000, s31;
	s1 =	sadd.s32 s1, s30  }
0xbc: {  	s0 =	sor.u32 s3, s0;
	s1 =	sshll.u32 s1, $0x11  }
0xbd: {  	s0 =	sor.u32 s1, s0  }
0xbe: {  	s0 =	sadd.s32 $0x8F2B, s0  }
0xbf: {  	[sflag:s0] =	ssyncadd.remote.s32 $0x1  }
0xc0: {  	_ =	sfence.sel $0xFFFF  }
0xc1: {  	[dreg:$0x0] =	wrdreg $0xFFFFFFFF;
	(pc) =	sbr.abs _section_cstart, $3  }
0xc2: {  	[dreg:$0x1] =	wrdreg $0xFFFFFFFF  }
0xc3: {  	_ =	task.clear_ibuf [dreg:s8], $0x2FFFF;
	_ =	strace $0x9FFFFFFF  }
0xc4: {  	(tm) =	ssettm $0x7FFFFFFF  }
0xc5: {  	_ =	shalt  }
tec
execute0_lowered:
.L_overlay_start_1:
0x0: {  	(tag) =	ssettag $0x1  }
0x1: {  	s0 =	rddreg [dreg:$0x0]  }
0x2: {  	s2 =	rddreg [dreg:$0x1]  }
0x3: {  	s1 =	rddreg [dreg:$0x2]  }
0x4: {  	s4 =	srdreg.scid;
	s5 =	stileid.u32;
	s3 =	simm.s32 $0x0  }
0x5: {  	s7 =	simm.s32 $0x4;
	s8 =	simm.s32 $0x78;
	s10 =	simm.s32 $0x7D00  }
0x6: {  	s11 =	simm.s32 $0x18;
	s12 =	simm.s32 $0xF0;
	s13 =	simm.s32 $0xB900  }
0x7: {  	s14 =	simm.s32 $0x80;
	s15 =	simm.s32 $0x100;
	s16 =	simm.s32 $0xC500  }
0x8: {  	s17 =	simm.s32 $0x180;
	s18 =	simm.s32 $0x10500;
	s19 =	simm.s32 $0x8  }
0x9: {  	s20 =	simm.s32 $0x200;
	s21 =	simm.s32 $0x14500;
	s22 =	simm.s32 $0x1  }
0xa: {  	s23 =	simm.s32 $0x2;
	s24 =	simm.s32 $0x14900;
	s25 =	simm.s32 $0x3  }
0xb: {  	s26 =	simm.s32 $0x0;
	s4 =	sand.u32 $0x1, s4;
	s5 =	sshll.u32 s5, $0x1  }
0xc: {  	[smem:$0x7FF] =	sst s3;
	s5 =	sor.u32 s4, s5;
	s4 =	ssub.s32 $0x2, s4  }
0xd: {  	s6 =	sshll.u32 s5, $0xE;
	s5 =	smul.u32 $0x820, s5;
	s31 =	sshrl.u32 s4, $0x1  }
0xe: {  	_ =	strace $0x80000047;
	s1 =	sadd.s32 s6, s1;
	s6 =	ssub.s32 s4, s31  }
0xf: {  	s4 =	sadd.s32 s0, s5;
	s5 =	sadd.s32 $0x400, s1;
	s6 =	smax.u32 s6, $0x1  }
.LBB2_1:
0x10: {  	[tilespmem:s3], [sflag:$0x4] =	stream.linear.gather [hbm4b:s4+s3], $0x4100, $0x38;
	[tilespmem:$0x15900] =	vst v63  }
0x11: {  	_ =	swait.ge [sflag:s7], $0x4100  }
0x12: {  	[sflag:s7] =	ssyncset.done $0x0  }
0x13: {  	s0 =	simm.s32 $0x4100;
	[sflag:s7] =	ssyncadd.s32 $0xFFFFBF00  }
0x14: {  	[tilespmem:s0], [sflag:$0x1] =	stream.indirect.gather [hbm4b:s2+s8], $0x80, s3, s8, $0xb8;
	[tilespmem:$0x15900] =	vst v63  }
0x15: {  	_ = 	snop  }
0x16: {  	[tilespmem:s10], [sflag:$0x1] =	stream.indirect.gather [hbm4b:s2+s8], $0x80, s8, s8, $0xb8;
	[tilespmem:$0x15900] =	vst v63  }
0x17: {  	_ = 	snop  }
0x18: {  	[tilespmem:s13], [sflag:$0x1] =	stream.indirect.gather [hbm4b:s2+s11], $0x80, s12, s11, $0xb8;
	[tilespmem:$0x15900] =	vst v63  }
0x19: {  	_ = 	snop  }
0x1a: {  	[tilespmem:s16], [sflag:$0x2] =	stream.indirect.gather [hbm4b:s2+s14], $0x80, s15, s14, $0xb8;
	[tilespmem:$0x15900] =	vst v63  }
0x1b: {  	_ = 	snop  }
0x1c: {  	[tilespmem:s18], [sflag:$0x2] =	stream.indirect.gather [hbm4b:s2+s14], $0x80, s17, s14, $0xb8;
	[tilespmem:$0x15900] =	vst v63  }
0x1d: {  	s28 =	simm.s32 $0x0  }
0x1e: {  	[tilespmem:s21], [sflag:$0x2] =	stream.indirect.gather [hbm4b:s2+s19], $0x80, s20, s19, $0xb8;
	[tilespmem:$0x15900] =	vst v63  }
.LBB2_2:
0x1f: {  	_ =	swait.ge [sflag:s22], $0x8400  }
0x20: {  	p0 =	seq.s32 s28, $0x0;
	[sflag:s22] =	ssyncset.done $0x0  }
0x21: {  	s0 =	simm.s32 @!p0 $0x3;
	[sflag:s22] =	ssyncadd.s32 $0xFFFF7C00  }
0x22: {  	_ =	swait.ge @!p0 [sflag:s0], $0xD00  }
0x23: {  	[sflag:s0] =	ssyncset.done @!p0 $0x0  }
0x24: {  	s29 =	simm.s32 $0xFFFFFF80;
	[sflag:s0] =	ssyncadd.s32 @!p0 $0xFFFFF300  }
0x25: {  	v0 =	vld [tilespmem:s29+$0x7380]  }
0x26: {  	v1 =	vld [tilespmem:s29+$0x7400]  }
0x27: {  	v2 =	vld [tilespmem:s29+$0x4180]  }
0x28: {  	v3 =	vld [tilespmem:s29+$0x7480]  }
0x29: {  	v4 =	vld [tilespmem:s29+$0x4200]  }
0x2a: {  	v5 =	vld [tilespmem:s29+$0x7500]  }
0x2b: {  	v6 =	vld [tilespmem:s29+$0x4B80]  }
0x2c: {  	v7 =	vld [tilespmem:s29+$0x4C00]  }
0x2d: {  	v8 =	vld [tilespmem:s29+$0x5580]  }
0x2e: {  	v9 =	vld [tilespmem:s29+$0x5600]  }
0x2f: {  	v10 =	vld [tilespmem:s29+$0x5F80]  }
0x30: {  	v11 =	vld [tilespmem:s29+$0x6000]  }
0x31: {  	v12 =	vld [tilespmem:s29+$0x6980]  }
0x32: {  	v13 =	vld [tilespmem:s29+$0x6A00]  }
0x33: {  	v14 =	vld [tilespmem:s29+$0x4280]  }
0x34: {  	v15 =	vld [tilespmem:s29+$0x4C80]  }
0x35: {  	v16 =	vld [tilespmem:s29+$0x5680]  }
0x36: {  	v17 =	vld [tilespmem:s29+$0x6080]  }
0x37: {  	v18 =	vld [tilespmem:s29+$0x6A80]  }
0x38: {  	v19 =	vld [tilespmem:s29+$0x4300]  }
0x39: {  	v20 =	vld [tilespmem:s29+$0x4D00]  }
0x3a: {  	v21 =	vld [tilespmem:s29+$0x5700]  }
0x3b: {  	v22 =	vld [tilespmem:s29+$0x6100]  }
0x3c: {  	v23 =	vld [tilespmem:s29+$0x4380]  }
0x3d: {  	v24 =	vld [tilespmem:s29+$0x5780]  }
0x3e: {  	v25 =	vld [tilespmem:s29+$0x6B80]  }
0x3f: {  	v26 =	vld [tilespmem:s29+$0x4E00]  }
0x40: {  	v27 =	vld [tilespmem:s29+$0x5800]  }
0x41: {  	v28 =	vld [tilespmem:s29+$0x6200]  }
0x42: {  	v29 =	vld [tilespmem:s29+$0x6C00]  }
0x43: {  	v30 =	vld [tilespmem:s29+$0x4480]  }
0x44: {  	v31 =	vld [tilespmem:s29+$0x4E80]  }
0x45: {  	v32 =	vld [tilespmem:s29+$0x5880]  }
0x46: {  	v33 =	vld [tilespmem:s29+$0x6280]  }
0x47: {  	v34 =	vld [tilespmem:s29+$0x6C80]  }
0x48: {  	v35 =	vld [tilespmem:s29+$0x4500]  }
0x49: {  	v36 =	vld [tilespmem:s29+$0x4F00]  }
0x4a: {  	v37 =	vld [tilespmem:s29+$0x5900]  }
0x4b: {  	v38 =	vld [tilespmem:s29+$0x6300]  }
0x4c: {  	v39 =	vld [tilespmem:s29+$0x6D00]  }
0x4d: {  	v40 =	vld [tilespmem:s29+$0x4580]  }
0x4e: {  	v41 =	vld [tilespmem:s29+$0x4F80]  }
0x4f: {  	v42 =	vld [tilespmem:s29+$0x5980]  }
0x50: {  	v43 =	vld [tilespmem:s29+$0x6380]  }
0x51: {  	v44 =	vld [tilespmem:s29+$0x6D80]  }
0x52: {  	v45 =	vld [tilespmem:s29+$0x4600]  }
0x53: {  	v46 =	vld [tilespmem:s29+$0x5000]  }
0x54: {  	v47 =	vld [tilespmem:s29+$0x5A00];
	v0 =	vadd.f32 v1, v0  }
0x55: {  	v1 =	vld [tilespmem:s29+$0x7580]  }
0x56: {  	v48 =	vld [tilespmem:s29+$0x6400];
	v0 =	vadd.f32 v3, v0  }
0x57: {  	v3 =	vld [tilespmem:s29+$0x7600]  }
0x58: {  	v49 =	vld [tilespmem:s29+$0x6E00];
	v0 =	vadd.f32 v5, v0  }
0x59: {  	v5 =	vld [tilespmem:s29+$0x7680]  }
0x5a: {  	v50 =	vld [tilespmem:s29+$0x4680];
	v0 =	vadd.f32 v1, v0  }
0x5b: {  	v1 =	vld [tilespmem:s29+$0x7700]  }
0x5c: {  	v51 =	vld [tilespmem:s29+$0x5080];
	v0 =	vadd.f32 v3, v0  }
0x5d: {  	v3 =	vld [tilespmem:s29+$0x7780]  }
0x5e: {  	v52 =	vld [tilespmem:s29+$0x5A80];
	v0 =	vadd.f32 v5, v0  }
0x5f: {  	v5 =	vld [tilespmem:s29+$0x7800]  }
0x60: {  	v53 =	vld [tilespmem:s29+$0x6480];
	v0 =	vadd.f32 v1, v0  }
0x61: {  	v1 =	vld [tilespmem:s29+$0x7880]  }
0x62: {  	v54 =	vld [tilespmem:s29+$0x6E80];
	v0 =	vadd.f32 v3, v0  }
0x63: {  	v3 =	vld [tilespmem:s29+$0x7900]  }
0x64: {  	v57 =	vld [tilespmem:s29+$0x6500];
	v0 =	vadd.f32 v5, v0  }
0x65: {  	v5 =	vld [tilespmem:s29+$0x7980]  }
0x66: {  	v58 =	vld [tilespmem:s29+$0x6F00];
	v0 =	vadd.f32 v1, v0  }
0x67: {  	v1 =	vld [tilespmem:s29+$0x7A00]  }
0x68: {  	v59 =	vld [tilespmem:s29+$0x4780];
	v0 =	vadd.f32 v3, v0  }
0x69: {  	v6 =	vadd.f32 v7, v6;
	v7 =	vadd.f32 v9, v8;
	v3 =	vld [tilespmem:s29+$0x7A80]  }
0x6a: {  	v60 =	vld [tilespmem:s29+$0x5180];
	v0 =	vadd.f32 v5, v0  }
0x6b: {  	v7 =	vadd.f32 v16, v7;
	v5 =	vld [tilespmem:s29+$0x7B00]  }
0x6c: {  	v61 =	vld [tilespmem:s29+$0x5200];
	v0 =	vadd.f32 v1, v0  }
0x6d: {  	v7 =	vadd.f32 v21, v7;
	v1 =	vld [tilespmem:s29+$0x7B80]  }
0x6e: {  	v62 =	vld [tilespmem:s29+$0x5C00];
	v0 =	vadd.f32 v3, v0  }
0x6f: {  	v7 =	vadd.f32 v24, v7;
	v3 =	vld [tilespmem:s29+$0x7C00]  }
0x70: {  	v63 =	vld [tilespmem:s29+$0x6600];
	v0 =	vadd.f32 v5, v0  }
0x71: {  	v2 =	vadd.f32 v4, v2;
	v7 =	vadd.f32 v27, v7;
	v5 =	vld [tilespmem:s29+$0x7C80]  }
0x72: {  	v55 =	vld [tilespmem:s29+$0x7100];
	v9 =	vadd.f32 v11, v10;
	v0 =	vadd.f32 v1, v0  }
0x73: {  	v10 =	vadd.f32 v13, v12;
	v7 =	vadd.f32 v32, v7;
	v1 =	vld [tilespmem:s29+$0x7D00]  }
0x74: {  	v2 =	vadd.f32 v14, v2;
	v0 =	vadd.f32 v3, v0;
	v3 =	vld [tilespmem:s29+$0x6B00]  }
0x75: {  	v56 =	vld [tilespmem:s29+$0x6780];
	v6 =	vadd.f32 v15, v6;
	v7 =	vadd.f32 v37, v7  }
0x76: {  	v11 =	vld [tilespmem:s29+$0x5B00];
	v9 =	vadd.f32 v17, v9;
	v0 =	vadd.f32 v5, v0  }
0x77: {  	v10 =	vadd.f32 v18, v10;
	v7 =	vadd.f32 v42, v7;
	v5 =	vld [tilespmem:s29+$0x4D80]  }
0x78: {  	v2 =	vadd.f32 v19, v2;
	v0 =	vadd.f32 v1, v0;
	v1 =	vld [tilespmem:s29+$0x6180]  }
0x79: {  	v7 =	vadd.f32 v47, v7;
	v3 =	vadd.f32 v3, v10;
	v10 =	vld [tilespmem:s29+$0x5B80]  }
0x7a: {  	v6 =	vadd.f32 v20, v6;
	v9 =	vadd.f32 v22, v9;
	[tilespmem:s29+$0x14C00] =	vst v0;
	v0 =	vld [tilespmem:s29+$0x4400]  }
0x7b: {  	v4 =	vld [tilespmem:s29+$0x4700];
	v2 =	vadd.f32 v23, v2;
	v7 =	vadd.f32 v52, v7  }
0x7c: {  	v8 =	vld [tilespmem:s29+$0x5100];
	v5 =	vadd.f32 v5, v6;
	v3 =	vadd.f32 v25, v3  }
0x7d: {  	v37 =	vld [tilespmem:s29+$0x5280];
	v7 =	vadd.f32 v11, v7;
	v1 =	vadd.f32 v1, v9  }
0x7e: {  	v47 =	vld [tilespmem:s29+$0x5300];
	v5 =	vadd.f32 v26, v5;
	v3 =	vadd.f32 v29, v3  }
0x7f: {  	v11 =	vld [tilespmem:s29+$0x5D80];
	v7 =	vadd.f32 v10, v7;
	v0 =	vadd.f32 v0, v2  }
0x80: {  	v6 =	vld [tilespmem:s29+$0x6580];
	v1 =	vadd.f32 v28, v1;
	v5 =	vadd.f32 v31, v5  }
0x81: {  	v9 =	vld [tilespmem:s29+$0x6F80];
	v3 =	vadd.f32 v34, v3;
	v7 =	vadd.f32 v62, v7  }
0x82: {  	v10 =	vld [tilespmem:s29+$0x5E00];
	v0 =	vadd.f32 v30, v0;
	v1 =	vadd.f32 v33, v1  }
0x83: {  	v5 =	vadd.f32 v36, v5;
	v3 =	vadd.f32 v39, v3;
	v39 =	vld [tilespmem:s29+$0x5C80]  }
0x84: {  	v2 =	vld [tilespmem:s29+$0x4800];
	v0 =	vadd.f32 v35, v0;
	v1 =	vadd.f32 v38, v1  }
0x85: {  	v62 =	vld [tilespmem:s29+$0x4B00];
	v5 =	vadd.f32 v41, v5;
	v3 =	vadd.f32 v44, v3  }
0x86: {  	v33 =	vld [tilespmem:s29+$0x7000];
	v0 =	vadd.f32 v40, v0;
	v1 =	vadd.f32 v43, v1  }
0x87: {  	v5 =	vadd.f32 v46, v5;
	v3 =	vadd.f32 v49, v3;
	v49 =	vld [tilespmem:s29+$0x5D00]  }
0x88: {  	v35 =	vld [tilespmem:s29+$0x4880];
	v7 =	vadd.f32 v39, v7;
	v0 =	vadd.f32 v45, v0  }
0x89: {  	v41 =	vld [tilespmem:s29+$0x6680];
	v1 =	vadd.f32 v48, v1;
	v5 =	vadd.f32 v51, v5  }
0x8a: {  	v43 =	vld [tilespmem:s29+$0x7080];
	v3 =	vadd.f32 v54, v3;
	v0 =	vadd.f32 v50, v0  }
0x8b: {  	v45 =	vld [tilespmem:s29+$0x4900];
	v1 =	vadd.f32 v53, v1;
	v5 =	vadd.f32 v8, v5  }
0x8c: {  	v51 =	vld [tilespmem:s29+$0x6700];
	v3 =	vadd.f32 v58, v3;
	v7 =	vadd.f32 v49, v7  }
0x8d: {  	v8 =	vld [tilespmem:s29+$0x5380];
	v0 =	vadd.f32 v4, v0;
	v1 =	vadd.f32 v57, v1  }
0x8e: {  	v58 =	vld [tilespmem:s29+$0x7200];
	v5 =	vadd.f32 v60, v5;
	v3 =	vadd.f32 v9, v3  }
0x8f: {  	v4 =	vld [tilespmem:s29+$0x4980];
	v7 =	vadd.f32 v11, v7;
	v0 =	vadd.f32 v59, v0  }
0x90: {  	v9 =	vld [tilespmem:s29+$0x5400];
	v1 =	vadd.f32 v6, v1;
	v5 =	vadd.f32 v61, v5  }
0x91: {  	v57 =	vld [tilespmem:s29+$0x6800];
	v3 =	vadd.f32 v33, v3;
	v0 =	vadd.f32 v2, v0  }
0x92: {  	v6 =	vld [tilespmem:s29+$0x7180];
	v7 =	vadd.f32 v10, v7;
	v1 =	vadd.f32 v63, v1  }
0x93: {  	v61 =	vld [tilespmem:s29+$0x5E80];
	v5 =	vadd.f32 v37, v5;
	v0 =	vadd.f32 v35, v0  }
0x94: {  	v2 =	vld [tilespmem:s29+$0x4A00];
	v3 =	vadd.f32 v43, v3;
	v1 =	vadd.f32 v41, v1  }
0x95: {  	v60 =	vld [tilespmem:s29+$0x5480];
	v5 =	vadd.f32 v47, v5;
	v0 =	vadd.f32 v45, v0  }
0x96: {  	v59 =	vld [tilespmem:s29+$0x4A80];
	v3 =	vadd.f32 v55, v3;
	v1 =	vadd.f32 v51, v1  }
0x97: {  	v0 =	vadd.f32 v4, v0;
	v4 =	vadd.f32 v8, v5;
	v5 =	vld [tilespmem:s29+$0x6880]  }
0x98: {  	v11 =	vld [tilespmem:s29+$0x7280];
	v7 =	vadd.f32 v61, v7;
	v1 =	vadd.f32 v56, v1  }
0x99: {  	v3 =	vadd.f32 v6, v3;
	v6 =	vld [tilespmem:s29+$0x5500];
	v0 =	vadd.f32 v2, v0  }
0x9a: {  	v4 =	vadd.f32 v9, v4;
	v9 =	vadd.f32 v57, v1;
	v2 =	vld [tilespmem:s29+$0x5F00]  }
0x9b: {  	v10 =	vadd.f32 v58, v3;
	v1 =	vld [tilespmem:s29+$0x6900];
	v63 =	vadd.f32 v59, v0  }
0x9c: {  	s1 =	simm.s32 $0xFFFFFF90;
	v8 =	vadd.f32 v60, v4;
	v3 =	vadd.f32 v5, v9;
	v5 =	vld [tilespmem:s29+$0x7300]  }
0x9d: {  	s0 =	simm.s32 $0xFFFFFE80;
	v4 =	vadd.f32 v11, v10;
	v0 =	vld [tilespmem:s1+$0x7380];
	v9 =	vadd.f32 v62, v63  }
.LBB2_3:
0x9e: {  	p0 =	sne.s32 s0, $0xFFFFFFC0;
	v10 =	vld [tilespmem:s1+$0x7400];
	v6 =	vadd.f32 v6, v8  }
0x9f: {  	v8 =	vld [tilespmem:s1+$0x4180];
	[tilespmem:s29+$0x14980] =	vst v9;
	v2 =	vadd.f32 v2, v7  }
0xa0: {  	v7 =	vld [tilespmem:s1+$0x7480];
	[tilespmem:s29+$0x14A00] =	vst v6;
	v1 =	vadd.f32 v1, v3  }
0xa1: {  	v3 =	vld [tilespmem:s1+$0x4200];
	[tilespmem:s29+$0x14A80] =	vst v2;
	v2 =	vadd.f32 v5, v4  }
0xa2: {  	v4 =	vld [tilespmem:s1+$0x7500];
	[tilespmem:s29+$0x14B00] =	vst v1  }
0xa3: {  	v1 =	vld [tilespmem:s1+$0x4B80];
	v0 =	vadd.f32 v10, v0;
	[tilespmem:s29+$0x14B80] =	vst v2;
	s29 =	smov.u32 s1  }
0xa4: {  	v2 =	vld [tilespmem:s29+$0x7580]  }
0xa5: {  	v5 =	vld [tilespmem:s29+$0x4C00];
	v0 =	vadd.f32 v7, v0  }
0xa6: {  	v3 =	vadd.f32 v3, v8;
	v6 =	vld [tilespmem:s29+$0x7600]  }
0xa7: {  	v7 =	vld [tilespmem:s29+$0x5580];
	v0 =	vadd.f32 v4, v0  }
0xa8: {  	v4 =	vld [tilespmem:s29+$0x7680]  }
0xa9: {  	v8 =	vld [tilespmem:s29+$0x5600];
	v0 =	vadd.f32 v2, v0  }
0xaa: {  	v1 =	vadd.f32 v5, v1;
	v2 =	vld [tilespmem:s29+$0x7700]  }
0xab: {  	v5 =	vld [tilespmem:s29+$0x5F80];
	v0 =	vadd.f32 v6, v0  }
0xac: {  	v6 =	vld [tilespmem:s29+$0x7780]  }
0xad: {  	v9 =	vld [tilespmem:s29+$0x6000];
	v0 =	vadd.f32 v4, v0  }
0xae: {  	v4 =	vadd.f32 v8, v7;
	v7 =	vld [tilespmem:s29+$0x7800]  }
0xaf: {  	v8 =	vld [tilespmem:s29+$0x6980];
	v0 =	vadd.f32 v2, v0  }
0xb0: {  	v2 =	vld [tilespmem:s29+$0x7880]  }
0xb1: {  	v10 =	vld [tilespmem:s29+$0x6A00];
	v0 =	vadd.f32 v6, v0  }
0xb2: {  	v5 =	vadd.f32 v9, v5;
	v6 =	vld [tilespmem:s29+$0x7900]  }
0xb3: {  	v9 =	vld [tilespmem:s29+$0x4280];
	v0 =	vadd.f32 v7, v0  }
0xb4: {  	v7 =	vld [tilespmem:s29+$0x7980]  }
0xb5: {  	v11 =	vld [tilespmem:s29+$0x4C80];
	v0 =	vadd.f32 v2, v0  }
0xb6: {  	v2 =	vadd.f32 v10, v8;
	v8 =	vld [tilespmem:s29+$0x7A00]  }
0xb7: {  	v10 =	vld [tilespmem:s29+$0x5680];
	v0 =	vadd.f32 v6, v0  }
0xb8: {  	v3 =	vadd.f32 v9, v3;
	v6 =	vld [tilespmem:s29+$0x7A80]  }
0xb9: {  	v9 =	vld [tilespmem:s29+$0x6080];
	v0 =	vadd.f32 v7, v0  }
0xba: {  	v1 =	vadd.f32 v11, v1;
	v7 =	vld [tilespmem:s29+$0x7B00]  }
0xbb: {  	v11 =	vld [tilespmem:s29+$0x6A80];
	v0 =	vadd.f32 v8, v0  }
0xbc: {  	v4 =	vadd.f32 v10, v4;
	v8 =	vld [tilespmem:s29+$0x7B80]  }
0xbd: {  	v10 =	vld [tilespmem:s29+$0x4300];
	v0 =	vadd.f32 v6, v0  }
0xbe: {  	v5 =	vadd.f32 v9, v5;
	v6 =	vld [tilespmem:s29+$0x7C00]  }
0xbf: {  	v9 =	vld [tilespmem:s29+$0x4D00];
	v0 =	vadd.f32 v7, v0  }
0xc0: {  	v2 =	vadd.f32 v11, v2;
	v7 =	vld [tilespmem:s29+$0x7C80]  }
0xc1: {  	v11 =	vld [tilespmem:s29+$0x5700];
	v0 =	vadd.f32 v8, v0  }
0xc2: {  	v3 =	vadd.f32 v10, v3;
	v8 =	vld [tilespmem:s29+$0x7D00]  }
0xc3: {  	v10 =	vld [tilespmem:s29+$0x6100];
	v0 =	vadd.f32 v6, v0  }
0xc4: {  	v1 =	vadd.f32 v9, v1;
	v6 =	vld [tilespmem:s29+$0x6B00]  }
0xc5: {  	v9 =	vld [tilespmem:s29+$0x4380];
	v0 =	vadd.f32 v7, v0  }
0xc6: {  	v7 =	vld [tilespmem:s29+$0x4D80];
	v4 =	vadd.f32 v11, v4  }
0xc7: {  	v11 =	vld [tilespmem:s29+$0x5780];
	v0 =	vadd.f32 v8, v0  }
0xc8: {  	v5 =	vadd.f32 v10, v5;
	v8 =	vld [tilespmem:s29+$0x6180]  }
0xc9: {  	v2 =	vadd.f32 v6, v2;
	v6 =	vld [tilespmem:s29+$0x6B80];
	[tilespmem:s29+$0x14C00] =	vst v0  }
0xca: {  	v0 =	vadd.f32 v9, v3;
	v3 =	vld [tilespmem:s29+$0x4400]  }
0xcb: {  	v1 =	vadd.f32 v7, v1;
	v7 =	vld [tilespmem:s29+$0x4E00]  }
0xcc: {  	v4 =	vadd.f32 v11, v4;
	v9 =	vld [tilespmem:s29+$0x5800]  }
0xcd: {  	v5 =	vadd.f32 v8, v5;
	v8 =	vld [tilespmem:s29+$0x6200]  }
0xce: {  	v2 =	vadd.f32 v6, v2;
	v6 =	vld [tilespmem:s29+$0x6C00]  }
0xcf: {  	v0 =	vadd.f32 v3, v0;
	v3 =	vld [tilespmem:s29+$0x4480]  }
0xd0: {  	v1 =	vadd.f32 v7, v1;
	v7 =	vld [tilespmem:s29+$0x4E80]  }
0xd1: {  	v4 =	vadd.f32 v9, v4;
	v9 =	vld [tilespmem:s29+$0x5880]  }
0xd2: {  	v5 =	vadd.f32 v8, v5;
	v8 =	vld [tilespmem:s29+$0x6280]  }
0xd3: {  	v2 =	vadd.f32 v6, v2;
	v6 =	vld [tilespmem:s29+$0x6C80]  }
0xd4: {  	v0 =	vadd.f32 v3, v0;
	v3 =	vld [tilespmem:s29+$0x4500]  }
0xd5: {  	v1 =	vadd.f32 v7, v1;
	v7 =	vld [tilespmem:s29+$0x4F00]  }
0xd6: {  	v4 =	vadd.f32 v9, v4;
	v9 =	vld [tilespmem:s29+$0x5900]  }
0xd7: {  	v5 =	vadd.f32 v8, v5;
	v8 =	vld [tilespmem:s29+$0x6300]  }
0xd8: {  	v2 =	vadd.f32 v6, v2;
	v6 =	vld [tilespmem:s29+$0x6D00]  }
0xd9: {  	v0 =	vadd.f32 v3, v0;
	v3 =	vld [tilespmem:s29+$0x4580]  }
0xda: {  	v1 =	vadd.f32 v7, v1;
	v7 =	vld [tilespmem:s29+$0x4F80]  }
0xdb: {  	v4 =	vadd.f32 v9, v4;
	v9 =	vld [tilespmem:s29+$0x5980]  }
0xdc: {  	v5 =	vadd.f32 v8, v5;
	v8 =	vld [tilespmem:s29+$0x6380]  }
0xdd: {  	v2 =	vadd.f32 v6, v2;
	v6 =	vld [tilespmem:s29+$0x6D80]  }
0xde: {  	v0 =	vadd.f32 v3, v0;
	v3 =	vld [tilespmem:s29+$0x4600]  }
0xdf: {  	v1 =	vadd.f32 v7, v1;
	v7 =	vld [tilespmem:s29+$0x5000]  }
0xe0: {  	v4 =	vadd.f32 v9, v4;
	v9 =	vld [tilespmem:s29+$0x5A00]  }
0xe1: {  	v5 =	vadd.f32 v8, v5;
	v8 =	vld [tilespmem:s29+$0x6400]  }
0xe2: {  	v2 =	vadd.f32 v6, v2;
	v6 =	vld [tilespmem:s29+$0x6E00]  }
0xe3: {  	v0 =	vadd.f32 v3, v0;
	v3 =	vld [tilespmem:s29+$0x4680]  }
0xe4: {  	v1 =	vadd.f32 v7, v1;
	v7 =	vld [tilespmem:s29+$0x5080]  }
0xe5: {  	v4 =	vadd.f32 v9, v4;
	v9 =	vld [tilespmem:s29+$0x5A80]  }
0xe6: {  	v5 =	vadd.f32 v8, v5;
	v8 =	vld [tilespmem:s29+$0x6480]  }
0xe7: {  	v2 =	vadd.f32 v6, v2;
	v6 =	vld [tilespmem:s29+$0x6E80]  }
0xe8: {  	v0 =	vadd.f32 v3, v0;
	v3 =	vld [tilespmem:s29+$0x4700]  }
0xe9: {  	v1 =	vadd.f32 v7, v1;
	v7 =	vld [tilespmem:s29+$0x5100]  }
0xea: {  	v4 =	vadd.f32 v9, v4;
	v9 =	vld [tilespmem:s29+$0x5B00]  }
0xeb: {  	v5 =	vadd.f32 v8, v5;
	v8 =	vld [tilespmem:s29+$0x6500]  }
0xec: {  	v2 =	vadd.f32 v6, v2;
	v6 =	vld [tilespmem:s29+$0x6F00]  }
0xed: {  	v0 =	vadd.f32 v3, v0;
	v3 =	vld [tilespmem:s29+$0x4780]  }
0xee: {  	v1 =	vadd.f32 v7, v1;
	v7 =	vld [tilespmem:s29+$0x5180]  }
0xef: {  	v4 =	vadd.f32 v9, v4;
	v9 =	vld [tilespmem:s29+$0x5B80]  }
0xf0: {  	v5 =	vadd.f32 v8, v5;
	v8 =	vld [tilespmem:s29+$0x6580]  }
0xf1: {  	v2 =	vadd.f32 v6, v2;
	v6 =	vld [tilespmem:s29+$0x6F80]  }
0xf2: {  	v0 =	vadd.f32 v3, v0;
	v3 =	vld [tilespmem:s29+$0x4800]  }
0xf3: {  	v1 =	vadd.f32 v7, v1;
	v7 =	vld [tilespmem:s29+$0x5200]  }
0xf4: {  	v4 =	vadd.f32 v9, v4;
	v9 =	vld [tilespmem:s29+$0x5C00]  }
0xf5: {  	v5 =	vadd.f32 v8, v5;
	v8 =	vld [tilespmem:s29+$0x6600]  }
0xf6: {  	v2 =	vadd.f32 v6, v2;
	v6 =	vld [tilespmem:s29+$0x7000]  }
0xf7: {  	v0 =	vadd.f32 v3, v0;
	v3 =	vld [tilespmem:s29+$0x4880]  }
0xf8: {  	v1 =	vadd.f32 v7, v1;
	v7 =	vld [tilespmem:s29+$0x5280]  }
0xf9: {  	v4 =	vadd.f32 v9, v4;
	v9 =	vld [tilespmem:s29+$0x5C80]  }
0xfa: {  	v5 =	vadd.f32 v8, v5;
	v8 =	vld [tilespmem:s29+$0x6680]  }
0xfb: {  	v2 =	vadd.f32 v6, v2;
	v6 =	vld [tilespmem:s29+$0x7080]  }
0xfc: {  	v0 =	vadd.f32 v3, v0;
	v3 =	vld [tilespmem:s29+$0x4900]  }
0xfd: {  	v1 =	vadd.f32 v7, v1;
	v7 =	vld [tilespmem:s29+$0x5300]  }
0xfe: {  	v4 =	vadd.f32 v9, v4;
	v9 =	vld [tilespmem:s29+$0x5D00]  }
0xff: {  	v5 =	vadd.f32 v8, v5;
	v8 =	vld [tilespmem:s29+$0x6700]  }
0x100: {  	v2 =	vadd.f32 v6, v2;
	v6 =	vld [tilespmem:s29+$0x7100]  }
0x101: {  	v0 =	vadd.f32 v3, v0;
	v3 =	vld [tilespmem:s29+$0x4980]  }
0x102: {  	v1 =	vadd.f32 v7, v1;
	v7 =	vld [tilespmem:s29+$0x5380]  }
0x103: {  	v4 =	vadd.f32 v9, v4;
	v9 =	vld [tilespmem:s29+$0x5D80]  }
0x104: {  	v5 =	vadd.f32 v8, v5;
	v8 =	vld [tilespmem:s29+$0x6780]  }
0x105: {  	v2 =	vadd.f32 v6, v2;
	v6 =	vld [tilespmem:s29+$0x7180]  }
0x106: {  	v0 =	vadd.f32 v3, v0;
	v3 =	vld [tilespmem:s29+$0x4A00]  }
0x107: {  	v1 =	vadd.f32 v7, v1;
	v7 =	vld [tilespmem:s29+$0x5400]  }
0x108: {  	v4 =	vadd.f32 v9, v4;
	v9 =	vld [tilespmem:s29+$0x5E00]  }
0x109: {  	v5 =	vadd.f32 v8, v5;
	v8 =	vld [tilespmem:s29+$0x6800]  }
0x10a: {  	v2 =	vadd.f32 v6, v2;
	v6 =	vld [tilespmem:s29+$0x7200]  }
0x10b: {  	v0 =	vadd.f32 v3, v0;
	v3 =	vld [tilespmem:s29+$0x4A80]  }
0x10c: {  	v1 =	vadd.f32 v7, v1;
	v7 =	vld [tilespmem:s29+$0x5480]  }
0x10d: {  	v4 =	vadd.f32 v9, v4;
	v9 =	vld [tilespmem:s29+$0x5E80]  }
0x10e: {  	v5 =	vadd.f32 v8, v5;
	v10 =	vld [tilespmem:s29+$0x6880]  }
0x10f: {  	v11 =	vadd.f32 v6, v2;
	v12 =	vld [tilespmem:s29+$0x7280]  }
0x110: {  	v13 =	vadd.f32 v3, v0;
	v14 =	vld [tilespmem:s29+$0x4B00]  }
.Ltmp0:
0x111: {  	v8 =	vadd.f32 v7, v1;
	v6 =	vld [tilespmem:s29+$0x5500];
	(pc) =	sbr.rel @p0 .LBB2_3-.Ltmp0, $4  }
0x112: {  	v7 =	vadd.f32 v9, v4;
	v2 =	vld [tilespmem:s29+$0x5F00]  }
0x113: {  	v3 =	vadd.f32 v10, v5;
	v1 =	vld [tilespmem:s29+$0x6900]  }
0x114: {  	s1 =	sshra.s32 s0, $0x2;
	v4 =	vadd.f32 v12, v11;
	v5 =	vld [tilespmem:s29+$0x7300]  }
0x115: {  	s0 =	sadd.s32 $0x40, s0;
	v0 =	vld [tilespmem:s1+$0x7380];
	v9 =	vadd.f32 v14, v13  }
0x116: {  	v10 =	vld [tilespmem:s1+$0x7400];
	v6 =	vadd.f32 v6, v8  }
0x117: {  	v11 =	vld [tilespmem:s1+$0x4180];
	[tilespmem:s29+$0x14980] =	vst v9;
	v2 =	vadd.f32 v2, v7  }
0x118: {  	v8 =	vld [tilespmem:s1+$0x7480];
	[tilespmem:s29+$0x14A00] =	vst v6;
	v1 =	vadd.f32 v1, v3  }
0x119: {  	v6 =	vld [tilespmem:s1+$0x4200];
	[tilespmem:s29+$0x14A80] =	vst v2;
	v3 =	vadd.f32 v5, v4  }
0x11a: {  	v2 =	vld [tilespmem:s1+$0x7500];
	[tilespmem:s29+$0x14B00] =	vst v1  }
0x11b: {  	v1 =	vld [tilespmem:s1+$0x4B80];
	[tilespmem:s29+$0x14B80] =	vst v3  }
0x11c: {  	v3 =	vld [tilespmem:s1+$0x7580]  }
0x11d: {  	v4 =	vld [tilespmem:s1+$0x4C00]  }
0x11e: {  	v5 =	vld [tilespmem:s1+$0x7600]  }
0x11f: {  	v7 =	vld [tilespmem:s1+$0x5580]  }
0x120: {  	v9 =	vld [tilespmem:s1+$0x5F80]  }
0x121: {  	v0 =	vadd.f32 v10, v0;
	v10 =	vld [tilespmem:s1+$0x6000]  }
0x122: {  	v12 =	vld [tilespmem:s1+$0x6980]  }
0x123: {  	v13 =	vld [tilespmem:s1+$0x6A00]  }
0x124: {  	v14 =	vld [tilespmem:s1+$0x4280]  }
0x125: {  	v15 =	vld [tilespmem:s1+$0x4C80]  }
0x126: {  	v16 =	vld [tilespmem:s1+$0x5680]  }
0x127: {  	v17 =	vld [tilespmem:s1+$0x6080]  }
0x128: {  	v18 =	vld [tilespmem:s1+$0x6A80]  }
0x129: {  	v19 =	vld [tilespmem:s1+$0x4300]  }
0x12a: {  	v20 =	vld [tilespmem:s1+$0x4D00]  }
0x12b: {  	v21 =	vld [tilespmem:s1+$0x5700]  }
0x12c: {  	v22 =	vld [tilespmem:s1+$0x6100]  }
0x12d: {  	v23 =	vld [tilespmem:s1+$0x4380]  }
0x12e: {  	v24 =	vld [tilespmem:s1+$0x5780]  }
0x12f: {  	v25 =	vld [tilespmem:s1+$0x6B80]  }
0x130: {  	v26 =	vld [tilespmem:s1+$0x4E00]  }
0x131: {  	v27 =	vld [tilespmem:s1+$0x5800]  }
0x132: {  	v28 =	vld [tilespmem:s1+$0x6200]  }
0x133: {  	v29 =	vld [tilespmem:s1+$0x6C00]  }
0x134: {  	v30 =	vld [tilespmem:s1+$0x4480]  }
0x135: {  	v31 =	vld [tilespmem:s1+$0x4E80]  }
0x136: {  	v32 =	vld [tilespmem:s1+$0x5880]  }
0x137: {  	v33 =	vld [tilespmem:s1+$0x6280]  }
0x138: {  	v34 =	vld [tilespmem:s1+$0x6C80]  }
0x139: {  	v35 =	vld [tilespmem:s1+$0x4500]  }
0x13a: {  	v36 =	vld [tilespmem:s1+$0x4F00]  }
0x13b: {  	v37 =	vld [tilespmem:s1+$0x5900]  }
0x13c: {  	v38 =	vld [tilespmem:s1+$0x6300]  }
0x13d: {  	v39 =	vld [tilespmem:s1+$0x6D00]  }
0x13e: {  	v40 =	vld [tilespmem:s1+$0x4580]  }
0x13f: {  	v41 =	vld [tilespmem:s1+$0x4F80]  }
0x140: {  	v42 =	vld [tilespmem:s1+$0x5980]  }
0x141: {  	v43 =	vld [tilespmem:s1+$0x6380]  }
0x142: {  	v44 =	vld [tilespmem:s1+$0x6D80]  }
0x143: {  	v45 =	vld [tilespmem:s1+$0x4600]  }
0x144: {  	v46 =	vld [tilespmem:s1+$0x5000]  }
0x145: {  	v47 =	vld [tilespmem:s1+$0x5A00]  }
0x146: {  	v48 =	vld [tilespmem:s1+$0x6400]  }
0x147: {  	v49 =	vld [tilespmem:s1+$0x6E00]  }
0x148: {  	v50 =	vld [tilespmem:s1+$0x4680];
	v0 =	vadd.f32 v8, v0  }
0x149: {  	v51 =	vld [tilespmem:s1+$0x5080]  }
0x14a: {  	v52 =	vld [tilespmem:s1+$0x5A80];
	v0 =	vadd.f32 v2, v0  }
0x14b: {  	v2 =	vld [tilespmem:s1+$0x7680]  }
0x14c: {  	v53 =	vld [tilespmem:s1+$0x6480];
	v0 =	vadd.f32 v3, v0  }
0x14d: {  	v3 =	vld [tilespmem:s1+$0x7700]  }
0x14e: {  	v54 =	vld [tilespmem:s1+$0x6E80];
	v0 =	vadd.f32 v5, v0  }
0x14f: {  	v5 =	vld [tilespmem:s1+$0x7780]  }
0x150: {  	v8 =	vld [tilespmem:s1+$0x5600];
	v0 =	vadd.f32 v2, v0  }
0x151: {  	v2 =	vld [tilespmem:s1+$0x7800]  }
0x152: {  	v55 =	vld [tilespmem:s1+$0x4700];
	v0 =	vadd.f32 v3, v0  }
0x153: {  	v3 =	vld [tilespmem:s1+$0x7880]  }
0x154: {  	v57 =	vld [tilespmem:s1+$0x6F00];
	v0 =	vadd.f32 v5, v0  }
0x155: {  	v1 =	vadd.f32 v4, v1;
	v4 =	vadd.f32 v8, v7;
	v5 =	vld [tilespmem:s1+$0x7900]  }
0x156: {  	v58 =	vld [tilespmem:s1+$0x4780];
	v0 =	vadd.f32 v2, v0  }
0x157: {  	v4 =	vadd.f32 v16, v4;
	v2 =	vld [tilespmem:s1+$0x7980]  }
0x158: {  	v59 =	vld [tilespmem:s1+$0x5180];
	v0 =	vadd.f32 v3, v0  }
0x159: {  	v4 =	vadd.f32 v21, v4;
	v3 =	vld [tilespmem:s1+$0x7A00]  }
0x15a: {  	v60 =	vld [tilespmem:s1+$0x5B80];
	v0 =	vadd.f32 v5, v0  }
0x15b: {  	v4 =	vadd.f32 v24, v4;
	v5 =	vld [tilespmem:s1+$0x7A80]  }
0x15c: {  	v61 =	vld [tilespmem:s1+$0x5C00];
	v0 =	vadd.f32 v2, v0  }
0x15d: {  	v4 =	vadd.f32 v27, v4;
	v2 =	vld [tilespmem:s1+$0x7B00]  }
0x15e: {  	v62 =	vld [tilespmem:s1+$0x6600];
	v0 =	vadd.f32 v3, v0  }
0x15f: {  	v4 =	vadd.f32 v32, v4;
	v3 =	vld [tilespmem:s1+$0x7B80]  }
0x160: {  	v63 =	vld [tilespmem:s1+$0x7000];
	v0 =	vadd.f32 v5, v0  }
0x161: {  	v4 =	vadd.f32 v37, v4;
	v5 =	vld [tilespmem:s1+$0x7C00]  }
0x162: {  	v56 =	vld [tilespmem:s1+$0x7280];
	v0 =	vadd.f32 v2, v0  }
0x163: {  	v6 =	vadd.f32 v6, v11;
	v4 =	vadd.f32 v42, v4;
	v2 =	vld [tilespmem:s1+$0x7C80]  }
0x164: {  	v7 =	vld [tilespmem:s1+$0x5B00];
	v0 =	vadd.f32 v3, v0  }
0x165: {  	v6 =	vadd.f32 v14, v6;
	v4 =	vadd.f32 v47, v4;
	v3 =	vld [tilespmem:s1+$0x7D00]  }
0x166: {  	v11 =	vld [tilespmem:s1+$0x5100];
	v8 =	vadd.f32 v10, v9;
	v0 =	vadd.f32 v5, v0  }
0x167: {  	v9 =	vadd.f32 v13, v12;
	v10 =	vld [tilespmem:s1+$0x6500];
	v4 =	vadd.f32 v52, v4  }
0x168: {  	v1 =	vadd.f32 v15, v1;
	v5 =	vld [tilespmem:s1+$0x6B00];
	v0 =	vadd.f32 v2, v0  }
0x169: {  	v6 =	vadd.f32 v19, v6;
	v4 =	vadd.f32 v7, v4;
	v2 =	vld [tilespmem:s1+$0x4D80]  }
0x16a: {  	v8 =	vadd.f32 v17, v8;
	v37 =	vld [tilespmem:s1+$0x5C80];
	v0 =	vadd.f32 v3, v0  }
0x16b: {  	v9 =	vadd.f32 v18, v9;
	v4 =	vadd.f32 v60, v4;
	v3 =	vld [tilespmem:s1+$0x6180]  }
0x16c: {  	v1 =	vadd.f32 v20, v1;
	v6 =	vadd.f32 v23, v6;
	[tilespmem:s1+$0x14C00] =	vst v0;
	v0 =	vld [tilespmem:s1+$0x4400]  }
0x16d: {  	v47 =	vld [tilespmem:s1+$0x6700];
	v4 =	vadd.f32 v61, v4;
	v5 =	vadd.f32 v5, v9  }
0x16e: {  	v8 =	vadd.f32 v22, v8;
	v52 =	vld [tilespmem:s1+$0x4A80];
	v1 =	vadd.f32 v2, v1  }
0x16f: {  	v7 =	vld [tilespmem:s1+$0x5D80];
	v4 =	vadd.f32 v37, v4;
	v5 =	vadd.f32 v25, v5  }
0x170: {  	v9 =	vld [tilespmem:s1+$0x6580];
	v3 =	vadd.f32 v3, v8;
	v1 =	vadd.f32 v26, v1  }
0x171: {  	v2 =	vld [tilespmem:s1+$0x6F80];
	v5 =	vadd.f32 v29, v5;
	v0 =	vadd.f32 v0, v6  }
0x172: {  	v8 =	vld [tilespmem:s1+$0x4800];
	v3 =	vadd.f32 v28, v3;
	v1 =	vadd.f32 v31, v1  }
0x173: {  	v6 =	vld [tilespmem:s1+$0x5200];
	v5 =	vadd.f32 v34, v5;
	v0 =	vadd.f32 v30, v0  }
0x174: {  	v3 =	vadd.f32 v33, v3;
	v33 =	vld [tilespmem:s1+$0x4880];
	v1 =	vadd.f32 v36, v1  }
0x175: {  	v5 =	vadd.f32 v39, v5;
	v39 =	vld [tilespmem:s1+$0x6680];
	v0 =	vadd.f32 v35, v0  }
0x176: {  	v35 =	vld [tilespmem:s1+$0x5280];
	v3 =	vadd.f32 v38, v3;
	v1 =	vadd.f32 v41, v1  }
0x177: {  	v41 =	vld [tilespmem:s1+$0x7080];
	v5 =	vadd.f32 v44, v5;
	v0 =	vadd.f32 v40, v0  }
0x178: {  	v3 =	vadd.f32 v43, v3;
	v43 =	vld [tilespmem:s1+$0x4900];
	v1 =	vadd.f32 v46, v1  }
0x179: {  	v46 =	vld [tilespmem:s1+$0x5D00];
	v5 =	vadd.f32 v49, v5;
	v0 =	vadd.f32 v45, v0  }
0x17a: {  	v49 =	vld [tilespmem:s1+$0x4980];
	v3 =	vadd.f32 v48, v3;
	v1 =	vadd.f32 v51, v1  }
0x17b: {  	v45 =	vld [tilespmem:s1+$0x5300];
	v5 =	vadd.f32 v54, v5;
	v0 =	vadd.f32 v50, v0  }
0x17c: {  	v48 =	vld [tilespmem:s1+$0x7100];
	v3 =	vadd.f32 v53, v3;
	v1 =	vadd.f32 v11, v1  }
0x17d: {  	v51 =	vld [tilespmem:s1+$0x7200];
	v5 =	vadd.f32 v57, v5;
	v0 =	vadd.f32 v55, v0  }
0x17e: {  	v54 =	vld [tilespmem:s1+$0x5E80];
	v4 =	vadd.f32 v46, v4;
	v3 =	vadd.f32 v10, v3  }
0x17f: {  	v50 =	vld [tilespmem:s1+$0x5380];
	v1 =	vadd.f32 v59, v1;
	v0 =	vadd.f32 v58, v0  }
0x180: {  	v11 =	vld [tilespmem:s1+$0x7180];
	v2 =	vadd.f32 v2, v5;
	v4 =	vadd.f32 v7, v4  }
0x181: {  	v53 =	vld [tilespmem:s1+$0x5480];
	v3 =	vadd.f32 v9, v3;
	v0 =	vadd.f32 v8, v0  }
0x182: {  	v1 =	vadd.f32 v6, v1;
	v6 =	vld [tilespmem:s1+$0x5E00];
	v2 =	vadd.f32 v63, v2  }
0x183: {  	v10 =	vld [tilespmem:s1+$0x6780];
	v3 =	vadd.f32 v62, v3;
	v0 =	vadd.f32 v33, v0  }
0x184: {  	v9 =	vld [tilespmem:s1+$0x4A00];
	v1 =	vadd.f32 v35, v1;
	v2 =	vadd.f32 v41, v2  }
0x185: {  	v5 =	vld [tilespmem:s1+$0x5400];
	v3 =	vadd.f32 v39, v3;
	v0 =	vadd.f32 v43, v0  }
0x186: {  	v55 =	vld [tilespmem:s1+$0x6880];
	v1 =	vadd.f32 v45, v1;
	v2 =	vadd.f32 v48, v2  }
0x187: {  	v8 =	vld [tilespmem:s1+$0x6800];
	v4 =	vadd.f32 v6, v4;
	v0 =	vadd.f32 v49, v0  }
0x188: {  	v7 =	vld [tilespmem:s1+$0x4B00];
	v3 =	vadd.f32 v47, v3;
	v1 =	vadd.f32 v50, v1  }
0x189: {  	v2 =	vadd.f32 v11, v2;
	v0 =	vadd.f32 v9, v0;
	v9 =	vld [tilespmem:s1+$0x5500]  }
0x18a: {  	v3 =	vadd.f32 v10, v3;
	v1 =	vadd.f32 v5, v1;
	v5 =	vld [tilespmem:s1+$0x5F00]  }
0x18b: {  	v6 =	vld [tilespmem:s1+$0x6900];
	v4 =	vadd.f32 v54, v4;
	v0 =	vadd.f32 v52, v0  }
0x18c: {  	v3 =	vadd.f32 v8, v3;
	v1 =	vadd.f32 v53, v1;
	v8 =	vld [tilespmem:s1+$0x7300]  }
0x18d: {  	v2 =	vadd.f32 v51, v2;
	v0 =	vadd.f32 v7, v0  }
0x18e: {  	v3 =	vadd.f32 v55, v3;
	v1 =	vadd.f32 v9, v1  }
0x18f: {  	v2 =	vadd.f32 v56, v2;
	[tilespmem:s1+$0x14980] =	vst v0;
	v0 =	vadd.f32 v5, v4  }
0x190: {  	p0 =	seq.s32 s28, $0x1F;
	s29 =	sadd.s32 $0x1, s28;
	[tilespmem:s1+$0x14A00] =	vst v1;
	v1 =	vadd.f32 v6, v3  }
0x191: {  	s0 =	smul.u32 @!p0 $0x820, s29;
	[tilespmem:s1+$0x14A80] =	vst v0;
	v0 =	vadd.f32 v8, v2  }
0x192: {  	s31 =	simm.s32 $0x0;
	[tilespmem:s1+$0x14B00] =	vst v1  }
0x193: {  	s30 =	sshra.s32 @!p0 s0, $0x2;
	s0 =	simm.s32 @!p0 $0x78;
	[tilespmem:s1+$0x14B80] =	vst v0;
	s1 =	simm.s32 @!p0 $0x4100  }
0x194: {  	[tilespmem:s1], [sflag:$0x1] =	stream.indirect.gather @!p0 [hbm4b:s2+s0], $0x80, s30, s0, $0xb8;
	[tilespmem:$0x15900] =	vst v63  }
0x195: {  	v0 =	vld [tilespmem:s31+$0xAF00]  }
0x196: {  	v1 =	vld [tilespmem:s31+$0xAF80]  }
0x197: {  	v2 =	vld [tilespmem:s31+$0x7D00]  }
0x198: {  	v3 =	vld [tilespmem:s31+$0xB000]  }
0x199: {  	v4 =	vld [tilespmem:s31+$0x7D80]  }
0x19a: {  	v5 =	vld [tilespmem:s31+$0xB080]  }
0x19b: {  	v6 =	vld [tilespmem:s31+$0x8700]  }
0x19c: {  	v7 =	vld [tilespmem:s31+$0x8780]  }
0x19d: {  	v8 =	vld [tilespmem:s31+$0x9100]  }
0x19e: {  	v9 =	vld [tilespmem:s31+$0x9180]  }
0x19f: {  	v10 =	vld [tilespmem:s31+$0x9B00]  }
0x1a0: {  	v11 =	vld [tilespmem:s31+$0x9B80]  }
0x1a1: {  	v12 =	vld [tilespmem:s31+$0xA500]  }
0x1a2: {  	v13 =	vld [tilespmem:s31+$0xA580]  }
0x1a3: {  	v14 =	vld [tilespmem:s31+$0x7E00]  }
0x1a4: {  	v57 =	vld [tilespmem:s31+$0x8800]  }
0x1a5: {  	v16 =	vld [tilespmem:s31+$0x9200]  }
0x1a6: {  	v58 =	vld [tilespmem:s31+$0x9C00]  }
0x1a7: {  	v18 =	vld [tilespmem:s31+$0xA600]  }
0x1a8: {  	v59 =	vld [tilespmem:s31+$0x7E80]  }
0x1a9: {  	v20 =	vld [tilespmem:s31+$0x8880]  }
0x1aa: {  	v60 =	vld [tilespmem:s31+$0x9280]  }
0x1ab: {  	v22 =	vld [tilespmem:s31+$0x9C80]  }
0x1ac: {  	v23 =	vld [tilespmem:s31+$0x7F00]  }
0x1ad: {  	v24 =	vld [tilespmem:s31+$0x9300]  }
0x1ae: {  	v25 =	vld [tilespmem:s31+$0xA700]  }
0x1af: {  	v26 =	vld [tilespmem:s31+$0x8980]  }
0x1b0: {  	v61 =	vld [tilespmem:s31+$0x9380]  }
0x1b1: {  	v28 =	vld [tilespmem:s31+$0x9D80]  }
0x1b2: {  	v62 =	vld [tilespmem:s31+$0xA780]  }
0x1b3: {  	v30 =	vld [tilespmem:s31+$0x8000]  }
0x1b4: {  	v63 =	vld [tilespmem:s31+$0x8A00]  }
0x1b5: {  	v32 =	vld [tilespmem:s31+$0x9400]  }
0x1b6: {  	v33 =	vld [tilespmem:s31+$0x9E00]  }
0x1b7: {  	v34 =	vld [tilespmem:s31+$0xA800]  }
0x1b8: {  	v35 =	vld [tilespmem:s31+$0x8080]  }
0x1b9: {  	v36 =	vld [tilespmem:s31+$0x8A80]  }
0x1ba: {  	v37 =	vld [tilespmem:s31+$0x9480]  }
0x1bb: {  	v38 =	vld [tilespmem:s31+$0x9E80]  }
0x1bc: {  	v39 =	vld [tilespmem:s31+$0xA880]  }
0x1bd: {  	v40 =	vld [tilespmem:s31+$0x8100]  }
0x1be: {  	v41 =	vld [tilespmem:s31+$0x8B00]  }
0x1bf: {  	v42 =	vld [tilespmem:s31+$0x9500]  }
0x1c0: {  	v43 =	vld [tilespmem:s31+$0x9F00]  }
0x1c1: {  	v44 =	vld [tilespmem:s31+$0xA900]  }
0x1c2: {  	v45 =	vld [tilespmem:s31+$0x8180]  }
0x1c3: {  	v46 =	vld [tilespmem:s31+$0x8B80]  }
0x1c4: {  	v47 =	vld [tilespmem:s31+$0x9580];
	v0 =	vadd.f32 v1, v0  }
0x1c5: {  	v1 =	vld [tilespmem:s31+$0xB100]  }
0x1c6: {  	v48 =	vld [tilespmem:s31+$0x9F80];
	v0 =	vadd.f32 v3, v0  }
0x1c7: {  	v3 =	vld [tilespmem:s31+$0xB180]  }
0x1c8: {  	v49 =	vld [tilespmem:s31+$0xA980];
	v0 =	vadd.f32 v5, v0  }
0x1c9: {  	v5 =	vld [tilespmem:s31+$0xB200]  }
0x1ca: {  	v50 =	vld [tilespmem:s31+$0x8200];
	v0 =	vadd.f32 v1, v0  }
0x1cb: {  	v1 =	vld [tilespmem:s31+$0xB280]  }
0x1cc: {  	v51 =	vld [tilespmem:s31+$0x8C00];
	v0 =	vadd.f32 v3, v0  }
0x1cd: {  	v3 =	vld [tilespmem:s31+$0xB300]  }
0x1ce: {  	v52 =	vld [tilespmem:s31+$0x9600];
	v0 =	vadd.f32 v5, v0  }
0x1cf: {  	v5 =	vld [tilespmem:s31+$0xB380]  }
0x1d0: {  	v53 =	vld [tilespmem:s31+$0xA000];
	v0 =	vadd.f32 v1, v0  }
0x1d1: {  	v1 =	vld [tilespmem:s31+$0xB400]  }
0x1d2: {  	v54 =	vld [tilespmem:s31+$0xAA00];
	v0 =	vadd.f32 v3, v0  }
0x1d3: {  	v3 =	vld [tilespmem:s31+$0xB480]  }
0x1d4: {  	v55 =	vld [tilespmem:s31+$0xAC80];
	v0 =	vadd.f32 v5, v0  }
0x1d5: {  	v5 =	vld [tilespmem:s31+$0xB500]  }
0x1d6: {  	v56 =	vld [tilespmem:s31+$0xA300];
	v0 =	vadd.f32 v1, v0  }
0x1d7: {  	v1 =	vld [tilespmem:s31+$0xB580]  }
0x1d8: {  	v2 =	vadd.f32 v4, v2;
	v4 =	vld [tilespmem:s31+$0x8280];
	v0 =	vadd.f32 v3, v0  }
0x1d9: {  	v6 =	vadd.f32 v7, v6;
	v7 =	vadd.f32 v9, v8;
	v3 =	vld [tilespmem:s31+$0xB600]  }
0x1da: {  	v8 =	vld [tilespmem:s31+$0x8C80];
	v0 =	vadd.f32 v5, v0  }
0x1db: {  	v7 =	vadd.f32 v16, v7;
	v5 =	vld [tilespmem:s31+$0xB680]  }
0x1dc: {  	v9 =	vadd.f32 v11, v10;
	v11 =	vld [tilespmem:s31+$0x9680];
	v0 =	vadd.f32 v1, v0  }
0x1dd: {  	v7 =	vadd.f32 v60, v7;
	v1 =	vld [tilespmem:s31+$0xB700]  }
0x1de: {  	v6 =	vadd.f32 v57, v6;
	v57 =	vld [tilespmem:s31+$0xA080];
	v0 =	vadd.f32 v3, v0  }
0x1df: {  	v2 =	vadd.f32 v14, v2;
	v7 =	vadd.f32 v24, v7;
	v3 =	vld [tilespmem:s31+$0xB780]  }
0x1e0: {  	v9 =	vadd.f32 v58, v9;
	v58 =	vld [tilespmem:s31+$0xAA80];
	v0 =	vadd.f32 v5, v0  }
0x1e1: {  	v7 =	vadd.f32 v61, v7;
	v5 =	vld [tilespmem:s31+$0xB800]  }
0x1e2: {  	v2 =	vadd.f32 v59, v2;
	v59 =	vld [tilespmem:s31+$0x8300];
	v0 =	vadd.f32 v1, v0  }
0x1e3: {  	v7 =	vadd.f32 v32, v7;
	v1 =	vld [tilespmem:s31+$0xB880]  }
0x1e4: {  	v0 =	vadd.f32 v3, v0;
	v3 =	vld [tilespmem:s31+$0xA680]  }
0x1e5: {  	v10 =	vadd.f32 v13, v12;
	v60 =	vld [tilespmem:s31+$0x8D00];
	v7 =	vadd.f32 v37, v7  }
0x1e6: {  	v61 =	vld [tilespmem:s31+$0x8D80];
	v0 =	vadd.f32 v5, v0  }
0x1e7: {  	v10 =	vadd.f32 v18, v10;
	v7 =	vadd.f32 v42, v7;
	v5 =	vld [tilespmem:s31+$0x8900]  }
0x1e8: {  	v0 =	vadd.f32 v1, v0;
	v1 =	vld [tilespmem:s31+$0x9D00]  }
0x1e9: {  	v7 =	vadd.f32 v47, v7;
	v3 =	vadd.f32 v3, v10;
	v10 =	vld [tilespmem:s31+$0x9700]  }
0x1ea: {  	v6 =	vadd.f32 v20, v6;
	v9 =	vadd.f32 v22, v9;
	[tilespmem:s31+$0x14E80] =	vst v0;
	v0 =	vld [tilespmem:s31+$0x7F80]  }
0x1eb: {  	v2 =	vadd.f32 v23, v2;
	v37 =	vld [tilespmem:s31+$0x8E00];
	v7 =	vadd.f32 v52, v7  }
0x1ec: {  	v47 =	vld [tilespmem:s31+$0x8E80];
	v5 =	vadd.f32 v5, v6;
	v3 =	vadd.f32 v25, v3  }
0x1ed: {  	v7 =	vadd.f32 v11, v7;
	v11 =	vld [tilespmem:s31+$0x9900];
	v1 =	vadd.f32 v1, v9  }
0x1ee: {  	v5 =	vadd.f32 v26, v5;
	v3 =	vadd.f32 v62, v3;
	v62 =	vld [tilespmem:s31+$0x9780]  }
0x1ef: {  	v6 =	vld [tilespmem:s31+$0xA100];
	v7 =	vadd.f32 v10, v7;
	v0 =	vadd.f32 v0, v2  }
0x1f0: {  	v9 =	vld [tilespmem:s31+$0xAB00];
	v1 =	vadd.f32 v28, v1;
	v5 =	vadd.f32 v63, v5  }
0x1f1: {  	v10 =	vld [tilespmem:s31+$0x9980];
	v3 =	vadd.f32 v34, v3;
	v0 =	vadd.f32 v30, v0  }
0x1f2: {  	v2 =	vld [tilespmem:s31+$0x8380];
	v1 =	vadd.f32 v33, v1;
	v5 =	vadd.f32 v36, v5  }
0x1f3: {  	v3 =	vadd.f32 v39, v3;
	v39 =	vld [tilespmem:s31+$0x9800];
	v7 =	vadd.f32 v62, v7  }
0x1f4: {  	v63 =	vld [tilespmem:s31+$0xA180];
	v0 =	vadd.f32 v35, v0;
	v1 =	vadd.f32 v38, v1  }
0x1f5: {  	v33 =	vld [tilespmem:s31+$0xAB80];
	v5 =	vadd.f32 v41, v5;
	v3 =	vadd.f32 v44, v3  }
0x1f6: {  	v62 =	vld [tilespmem:s31+$0x8680];
	v0 =	vadd.f32 v40, v0;
	v1 =	vadd.f32 v43, v1  }
0x1f7: {  	v5 =	vadd.f32 v46, v5;
	v3 =	vadd.f32 v49, v3;
	v49 =	vld [tilespmem:s31+$0x9880]  }
0x1f8: {  	v35 =	vld [tilespmem:s31+$0x8400];
	v7 =	vadd.f32 v39, v7;
	v0 =	vadd.f32 v45, v0  }
0x1f9: {  	v41 =	vld [tilespmem:s31+$0xA200];
	v1 =	vadd.f32 v48, v1;
	v5 =	vadd.f32 v51, v5  }
0x1fa: {  	v43 =	vld [tilespmem:s31+$0xAC00];
	v3 =	vadd.f32 v54, v3;
	v0 =	vadd.f32 v50, v0  }
0x1fb: {  	v45 =	vld [tilespmem:s31+$0x8480];
	v1 =	vadd.f32 v53, v1;
	v5 =	vadd.f32 v8, v5  }
0x1fc: {  	v51 =	vld [tilespmem:s31+$0xA280];
	v3 =	vadd.f32 v58, v3;
	v7 =	vadd.f32 v49, v7  }
0x1fd: {  	v8 =	vld [tilespmem:s31+$0x8F00];
	v0 =	vadd.f32 v4, v0;
	v1 =	vadd.f32 v57, v1  }
0x1fe: {  	v58 =	vld [tilespmem:s31+$0xAD80];
	v5 =	vadd.f32 v60, v5;
	v3 =	vadd.f32 v9, v3  }
0x1ff: {  	v4 =	vld [tilespmem:s31+$0x8500];
	v7 =	vadd.f32 v11, v7;
	v0 =	vadd.f32 v59, v0  }
0x200: {  	v9 =	vld [tilespmem:s31+$0x8F80];
	v1 =	vadd.f32 v6, v1;
	v5 =	vadd.f32 v61, v5  }
0x201: {  	v57 =	vld [tilespmem:s31+$0xA380];
	v3 =	vadd.f32 v33, v3;
	v0 =	vadd.f32 v2, v0  }
0x202: {  	v6 =	vld [tilespmem:s31+$0xAD00];
	v7 =	vadd.f32 v10, v7;
	v1 =	vadd.f32 v63, v1  }
0x203: {  	v61 =	vld [tilespmem:s31+$0x9A00];
	v5 =	vadd.f32 v37, v5;
	v0 =	vadd.f32 v35, v0  }
0x204: {  	v2 =	vld [tilespmem:s31+$0x8580];
	v3 =	vadd.f32 v43, v3;
	v1 =	vadd.f32 v41, v1  }
0x205: {  	v60 =	vld [tilespmem:s31+$0x9000];
	v5 =	vadd.f32 v47, v5;
	v0 =	vadd.f32 v45, v0  }
0x206: {  	v59 =	vld [tilespmem:s31+$0x8600];
	v3 =	vadd.f32 v55, v3;
	v1 =	vadd.f32 v51, v1  }
0x207: {  	v0 =	vadd.f32 v4, v0;
	v4 =	vadd.f32 v8, v5;
	v5 =	vld [tilespmem:s31+$0xA400]  }
0x208: {  	v11 =	vld [tilespmem:s31+$0xAE00];
	v7 =	vadd.f32 v61, v7;
	v1 =	vadd.f32 v56, v1  }
0x209: {  	v3 =	vadd.f32 v6, v3;
	v6 =	vld [tilespmem:s31+$0x9080];
	v0 =	vadd.f32 v2, v0  }
0x20a: {  	v4 =	vadd.f32 v9, v4;
	v9 =	vadd.f32 v57, v1;
	v2 =	vld [tilespmem:s31+$0x9A80]  }
0x20b: {  	v10 =	vadd.f32 v58, v3;
	v1 =	vld [tilespmem:s31+$0xA480];
	v63 =	vadd.f32 v59, v0  }
0x20c: {  	s1 =	simm.s32 $0x10;
	v8 =	vadd.f32 v60, v4;
	v3 =	vadd.f32 v5, v9;
	v5 =	vld [tilespmem:s31+$0xAE80]  }
0x20d: {  	s0 =	simm.s32 $0x80;
	v4 =	vadd.f32 v11, v10;
	v0 =	vld [tilespmem:s1+$0xAF00];
	v9 =	vadd.f32 v62, v63  }
.LBB2_5:
0x20e: {  	p1 =	sne.s32 s0, $0x1C0;
	v10 =	vld [tilespmem:s1+$0xAF80];
	v6 =	vadd.f32 v6, v8  }
0x20f: {  	v8 =	vld [tilespmem:s1+$0x7D00];
	[tilespmem:s31+$0x14C00] =	vst v9;
	v2 =	vadd.f32 v2, v7  }
0x210: {  	v7 =	vld [tilespmem:s1+$0xB000];
	[tilespmem:s31+$0x14C80] =	vst v6;
	v1 =	vadd.f32 v1, v3  }
0x211: {  	v3 =	vld [tilespmem:s1+$0x7D80];
	[tilespmem:s31+$0x14D00] =	vst v2;
	v2 =	vadd.f32 v5, v4  }
0x212: {  	v4 =	vld [tilespmem:s1+$0xB080];
	[tilespmem:s31+$0x14D80] =	vst v1  }
0x213: {  	v1 =	vld [tilespmem:s1+$0x8700];
	v0 =	vadd.f32 v10, v0;
	[tilespmem:s31+$0x14E00] =	vst v2;
	s31 =	smov.u32 s1  }
0x214: {  	v2 =	vld [tilespmem:s31+$0xB100]  }
0x215: {  	v5 =	vld [tilespmem:s31+$0x8780];
	v0 =	vadd.f32 v7, v0  }
0x216: {  	v3 =	vadd.f32 v3, v8;
	v6 =	vld [tilespmem:s31+$0xB180]  }
0x217: {  	v7 =	vld [tilespmem:s31+$0x9100];
	v0 =	vadd.f32 v4, v0  }
0x218: {  	v4 =	vld [tilespmem:s31+$0xB200]  }
0x219: {  	v8 =	vld [tilespmem:s31+$0x9180];
	v0 =	vadd.f32 v2, v0  }
0x21a: {  	v1 =	vadd.f32 v5, v1;
	v2 =	vld [tilespmem:s31+$0xB280]  }
0x21b: {  	v5 =	vld [tilespmem:s31+$0x9B00];
	v0 =	vadd.f32 v6, v0  }
0x21c: {  	v6 =	vld [tilespmem:s31+$0xB300]  }
0x21d: {  	v9 =	vld [tilespmem:s31+$0x9B80];
	v0 =	vadd.f32 v4, v0  }
0x21e: {  	v4 =	vadd.f32 v8, v7;
	v7 =	vld [tilespmem:s31+$0xB380]  }
0x21f: {  	v8 =	vld [tilespmem:s31+$0xA500];
	v0 =	vadd.f32 v2, v0  }
0x220: {  	v2 =	vld [tilespmem:s31+$0xB400]  }
0x221: {  	v10 =	vld [tilespmem:s31+$0xA580];
	v0 =	vadd.f32 v6, v0  }
0x222: {  	v5 =	vadd.f32 v9, v5;
	v6 =	vld [tilespmem:s31+$0xB480]  }
0x223: {  	v9 =	vld [tilespmem:s31+$0x7E00];
	v0 =	vadd.f32 v7, v0  }
0x224: {  	v7 =	vld [tilespmem:s31+$0xB500]  }
0x225: {  	v11 =	vld [tilespmem:s31+$0x8800];
	v0 =	vadd.f32 v2, v0  }
0x226: {  	v2 =	vadd.f32 v10, v8;
	v8 =	vld [tilespmem:s31+$0xB580]  }
0x227: {  	v10 =	vld [tilespmem:s31+$0x9200];
	v0 =	vadd.f32 v6, v0  }
0x228: {  	v3 =	vadd.f32 v9, v3;
	v6 =	vld [tilespmem:s31+$0xB600]  }
0x229: {  	v9 =	vld [tilespmem:s31+$0x9C00];
	v0 =	vadd.f32 v7, v0  }
0x22a: {  	v1 =	vadd.f32 v11, v1;
	v7 =	vld [tilespmem:s31+$0xB680]  }
0x22b: {  	v11 =	vld [tilespmem:s31+$0xA600];
	v0 =	vadd.f32 v8, v0  }
0x22c: {  	v4 =	vadd.f32 v10, v4;
	v8 =	vld [tilespmem:s31+$0xB700]  }
0x22d: {  	v10 =	vld [tilespmem:s31+$0x7E80];
	v0 =	vadd.f32 v6, v0  }
0x22e: {  	v5 =	vadd.f32 v9, v5;
	v6 =	vld [tilespmem:s31+$0xB780]  }
0x22f: {  	v9 =	vld [tilespmem:s31+$0x8880];
	v0 =	vadd.f32 v7, v0  }
0x230: {  	v2 =	vadd.f32 v11, v2;
	v7 =	vld [tilespmem:s31+$0xB800]  }
0x231: {  	v11 =	vld [tilespmem:s31+$0x9280];
	v0 =	vadd.f32 v8, v0  }
0x232: {  	v3 =	vadd.f32 v10, v3;
	v8 =	vld [tilespmem:s31+$0xB880]  }
0x233: {  	v10 =	vld [tilespmem:s31+$0x9C80];
	v0 =	vadd.f32 v6, v0  }
0x234: {  	v1 =	vadd.f32 v9, v1;
	v6 =	vld [tilespmem:s31+$0xA680]  }
0x235: {  	v9 =	vld [tilespmem:s31+$0x7F00];
	v0 =	vadd.f32 v7, v0  }
0x236: {  	v7 =	vld [tilespmem:s31+$0x8900];
	v4 =	vadd.f32 v11, v4  }
0x237: {  	v11 =	vld [tilespmem:s31+$0x9300];
	v0 =	vadd.f32 v8, v0  }
0x238: {  	v5 =	vadd.f32 v10, v5;
	v8 =	vld [tilespmem:s31+$0x9D00]  }
0x239: {  	v2 =	vadd.f32 v6, v2;
	v6 =	vld [tilespmem:s31+$0xA700];
	[tilespmem:s31+$0x14E80] =	vst v0  }
0x23a: {  	v0 =	vadd.f32 v9, v3;
	v3 =	vld [tilespmem:s31+$0x7F80]  }
0x23b: {  	v1 =	vadd.f32 v7, v1;
	v7 =	vld [tilespmem:s31+$0x8980]  }
0x23c: {  	v4 =	vadd.f32 v11, v4;
	v9 =	vld [tilespmem:s31+$0x9380]  }
0x23d: {  	v5 =	vadd.f32 v8, v5;
	v8 =	vld [tilespmem:s31+$0x9D80]  }
0x23e: {  	v2 =	vadd.f32 v6, v2;
	v6 =	vld [tilespmem:s31+$0xA780]  }
0x23f: {  	v0 =	vadd.f32 v3, v0;
	v3 =	vld [tilespmem:s31+$0x8000]  }
0x240: {  	v1 =	vadd.f32 v7, v1;
	v7 =	vld [tilespmem:s31+$0x8A00]  }
0x241: {  	v4 =	vadd.f32 v9, v4;
	v9 =	vld [tilespmem:s31+$0x9400]  }
0x242: {  	v5 =	vadd.f32 v8, v5;
	v8 =	vld [tilespmem:s31+$0x9E00]  }
0x243: {  	v2 =	vadd.f32 v6, v2;
	v6 =	vld [tilespmem:s31+$0xA800]  }
0x244: {  	v0 =	vadd.f32 v3, v0;
	v3 =	vld [tilespmem:s31+$0x8080]  }
0x245: {  	v1 =	vadd.f32 v7, v1;
	v7 =	vld [tilespmem:s31+$0x8A80]  }
0x246: {  	v4 =	vadd.f32 v9, v4;
	v9 =	vld [tilespmem:s31+$0x9480]  }
0x247: {  	v5 =	vadd.f32 v8, v5;
	v8 =	vld [tilespmem:s31+$0x9E80]  }
0x248: {  	v2 =	vadd.f32 v6, v2;
	v6 =	vld [tilespmem:s31+$0xA880]  }
0x249: {  	v0 =	vadd.f32 v3, v0;
	v3 =	vld [tilespmem:s31+$0x8100]  }
0x24a: {  	v1 =	vadd.f32 v7, v1;
	v7 =	vld [tilespmem:s31+$0x8B00]  }
0x24b: {  	v4 =	vadd.f32 v9, v4;
	v9 =	vld [tilespmem:s31+$0x9500]  }
0x24c: {  	v5 =	vadd.f32 v8, v5;
	v8 =	vld [tilespmem:s31+$0x9F00]  }
0x24d: {  	v2 =	vadd.f32 v6, v2;
	v6 =	vld [tilespmem:s31+$0xA900]  }
0x24e: {  	v0 =	vadd.f32 v3, v0;
	v3 =	vld [tilespmem:s31+$0x8180]  }
0x24f: {  	v1 =	vadd.f32 v7, v1;
	v7 =	vld [tilespmem:s31+$0x8B80]  }
0x250: {  	v4 =	vadd.f32 v9, v4;
	v9 =	vld [tilespmem:s31+$0x9580]  }
0x251: {  	v5 =	vadd.f32 v8, v5;
	v8 =	vld [tilespmem:s31+$0x9F80]  }
0x252: {  	v2 =	vadd.f32 v6, v2;
	v6 =	vld [tilespmem:s31+$0xA980]  }
0x253: {  	v0 =	vadd.f32 v3, v0;
	v3 =	vld [tilespmem:s31+$0x8200]  }
0x254: {  	v1 =	vadd.f32 v7, v1;
	v7 =	vld [tilespmem:s31+$0x8C00]  }
0x255: {  	v4 =	vadd.f32 v9, v4;
	v9 =	vld [tilespmem:s31+$0x9600]  }
0x256: {  	v5 =	vadd.f32 v8, v5;
	v8 =	vld [tilespmem:s31+$0xA000]  }
0x257: {  	v2 =	vadd.f32 v6, v2;
	v6 =	vld [tilespmem:s31+$0xAA00]  }
0x258: {  	v0 =	vadd.f32 v3, v0;
	v3 =	vld [tilespmem:s31+$0x8280]  }
0x259: {  	v1 =	vadd.f32 v7, v1;
	v7 =	vld [tilespmem:s31+$0x8C80]  }
0x25a: {  	v4 =	vadd.f32 v9, v4;
	v9 =	vld [tilespmem:s31+$0x9680]  }
0x25b: {  	v5 =	vadd.f32 v8, v5;
	v8 =	vld [tilespmem:s31+$0xA080]  }
0x25c: {  	v2 =	vadd.f32 v6, v2;
	v6 =	vld [tilespmem:s31+$0xAA80]  }
0x25d: {  	v0 =	vadd.f32 v3, v0;
	v3 =	vld [tilespmem:s31+$0x8300]  }
0x25e: {  	v1 =	vadd.f32 v7, v1;
	v7 =	vld [tilespmem:s31+$0x8D00]  }
0x25f: {  	v4 =	vadd.f32 v9, v4;
	v9 =	vld [tilespmem:s31+$0x9700]  }
0x260: {  	v5 =	vadd.f32 v8, v5;
	v8 =	vld [tilespmem:s31+$0xA100]  }
0x261: {  	v2 =	vadd.f32 v6, v2;
	v6 =	vld [tilespmem:s31+$0xAB00]  }
0x262: {  	v0 =	vadd.f32 v3, v0;
	v3 =	vld [tilespmem:s31+$0x8380]  }
0x263: {  	v1 =	vadd.f32 v7, v1;
	v7 =	vld [tilespmem:s31+$0x8D80]  }
0x264: {  	v4 =	vadd.f32 v9, v4;
	v9 =	vld [tilespmem:s31+$0x9780]  }
0x265: {  	v5 =	vadd.f32 v8, v5;
	v8 =	vld [tilespmem:s31+$0xA180]  }
0x266: {  	v2 =	vadd.f32 v6, v2;
	v6 =	vld [tilespmem:s31+$0xAB80]  }
0x267: {  	v0 =	vadd.f32 v3, v0;
	v3 =	vld [tilespmem:s31+$0x8400]  }
0x268: {  	v1 =	vadd.f32 v7, v1;
	v7 =	vld [tilespmem:s31+$0x8E00]  }
0x269: {  	v4 =	vadd.f32 v9, v4;
	v9 =	vld [tilespmem:s31+$0x9800]  }
0x26a: {  	v5 =	vadd.f32 v8, v5;
	v8 =	vld [tilespmem:s31+$0xA200]  }
0x26b: {  	v2 =	vadd.f32 v6, v2;
	v6 =	vld [tilespmem:s31+$0xAC00]  }
0x26c: {  	v0 =	vadd.f32 v3, v0;
	v3 =	vld [tilespmem:s31+$0x8480]  }
0x26d: {  	v1 =	vadd.f32 v7, v1;
	v7 =	vld [tilespmem:s31+$0x8E80]  }
0x26e: {  	v4 =	vadd.f32 v9, v4;
	v9 =	vld [tilespmem:s31+$0x9880]  }
0x26f: {  	v5 =	vadd.f32 v8, v5;
	v8 =	vld [tilespmem:s31+$0xA280]  }
0x270: {  	v2 =	vadd.f32 v6, v2;
	v6 =	vld [tilespmem:s31+$0xAC80]  }
0x271: {  	v0 =	vadd.f32 v3, v0;
	v3 =	vld [tilespmem:s31+$0x8500]  }
0x272: {  	v1 =	vadd.f32 v7, v1;
	v7 =	vld [tilespmem:s31+$0x8F00]  }
0x273: {  	v4 =	vadd.f32 v9, v4;
	v9 =	vld [tilespmem:s31+$0x9900]  }
0x274: {  	v5 =	vadd.f32 v8, v5;
	v8 =	vld [tilespmem:s31+$0xA300]  }
0x275: {  	v2 =	vadd.f32 v6, v2;
	v6 =	vld [tilespmem:s31+$0xAD00]  }
0x276: {  	v0 =	vadd.f32 v3, v0;
	v3 =	vld [tilespmem:s31+$0x8580]  }
0x277: {  	v1 =	vadd.f32 v7, v1;
	v7 =	vld [tilespmem:s31+$0x8F80]  }
0x278: {  	v4 =	vadd.f32 v9, v4;
	v9 =	vld [tilespmem:s31+$0x9980]  }
0x279: {  	v5 =	vadd.f32 v8, v5;
	v8 =	vld [tilespmem:s31+$0xA380]  }
0x27a: {  	v2 =	vadd.f32 v6, v2;
	v6 =	vld [tilespmem:s31+$0xAD80]  }
0x27b: {  	v0 =	vadd.f32 v3, v0;
	v3 =	vld [tilespmem:s31+$0x8600]  }
0x27c: {  	v1 =	vadd.f32 v7, v1;
	v7 =	vld [tilespmem:s31+$0x9000]  }
0x27d: {  	v4 =	vadd.f32 v9, v4;
	v9 =	vld [tilespmem:s31+$0x9A00]  }
0x27e: {  	v5 =	vadd.f32 v8, v5;
	v10 =	vld [tilespmem:s31+$0xA400]  }
0x27f: {  	v11 =	vadd.f32 v6, v2;
	v12 =	vld [tilespmem:s31+$0xAE00]  }
0x280: {  	v13 =	vadd.f32 v3, v0;
	v14 =	vld [tilespmem:s31+$0x8680]  }
.Ltmp1:
0x281: {  	v8 =	vadd.f32 v7, v1;
	v6 =	vld [tilespmem:s31+$0x9080];
	(pc) =	sbr.rel @p1 .LBB2_5-.Ltmp1, $4  }
0x282: {  	v7 =	vadd.f32 v9, v4;
	v2 =	vld [tilespmem:s31+$0x9A80]  }
0x283: {  	v3 =	vadd.f32 v10, v5;
	v1 =	vld [tilespmem:s31+$0xA480]  }
0x284: {  	s1 =	sshra.s32 s0, $0x2;
	v4 =	vadd.f32 v12, v11;
	v5 =	vld [tilespmem:s31+$0xAE80]  }
0x285: {  	s0 =	sadd.s32 $0x40, s0;
	v0 =	vld [tilespmem:s1+$0xAF00];
	v9 =	vadd.f32 v14, v13  }
0x286: {  	v10 =	vld [tilespmem:s1+$0xAF80];
	v6 =	vadd.f32 v6, v8  }
0x287: {  	v11 =	vld [tilespmem:s1+$0x7D00];
	[tilespmem:s31+$0x14C00] =	vst v9;
	v2 =	vadd.f32 v2, v7  }
0x288: {  	v8 =	vld [tilespmem:s1+$0xB000];
	[tilespmem:s31+$0x14C80] =	vst v6;
	v1 =	vadd.f32 v1, v3  }
0x289: {  	v6 =	vld [tilespmem:s1+$0x7D80];
	[tilespmem:s31+$0x14D00] =	vst v2;
	v3 =	vadd.f32 v5, v4  }
0x28a: {  	v2 =	vld [tilespmem:s1+$0xB080];
	[tilespmem:s31+$0x14D80] =	vst v1  }
0x28b: {  	v1 =	vld [tilespmem:s1+$0x8700];
	[tilespmem:s31+$0x14E00] =	vst v3  }
0x28c: {  	v3 =	vld [tilespmem:s1+$0xB100]  }
0x28d: {  	v4 =	vld [tilespmem:s1+$0x8780]  }
0x28e: {  	v5 =	vld [tilespmem:s1+$0xB180]  }
0x28f: {  	v7 =	vld [tilespmem:s1+$0x9100]  }
0x290: {  	v9 =	vld [tilespmem:s1+$0x9B00]  }
0x291: {  	v62 =	vld [tilespmem:s1+$0x9B80]  }
0x292: {  	v12 =	vld [tilespmem:s1+$0xA500]  }
0x293: {  	v13 =	vld [tilespmem:s1+$0xA580]  }
0x294: {  	v14 =	vld [tilespmem:s1+$0x7E00]  }
0x295: {  	v15 =	vld [tilespmem:s1+$0x8800]  }
0x296: {  	v16 =	vld [tilespmem:s1+$0x9200]  }
0x297: {  	v17 =	vld [tilespmem:s1+$0x9C00]  }
0x298: {  	v18 =	vld [tilespmem:s1+$0xA600]  }
0x299: {  	v19 =	vld [tilespmem:s1+$0x7E80]  }
0x29a: {  	v20 =	vld [tilespmem:s1+$0x8880]  }
0x29b: {  	v21 =	vld [tilespmem:s1+$0x9280]  }
0x29c: {  	v22 =	vld [tilespmem:s1+$0x9C80]  }
0x29d: {  	v23 =	vld [tilespmem:s1+$0x7F00]  }
0x29e: {  	v24 =	vld [tilespmem:s1+$0x9300]  }
0x29f: {  	v25 =	vld [tilespmem:s1+$0xA700]  }
0x2a0: {  	v26 =	vld [tilespmem:s1+$0x8980]  }
0x2a1: {  	v27 =	vld [tilespmem:s1+$0x9380]  }
0x2a2: {  	v28 =	vld [tilespmem:s1+$0x9D80]  }
0x2a3: {  	v29 =	vld [tilespmem:s1+$0xA780]  }
0x2a4: {  	v30 =	vld [tilespmem:s1+$0x8000]  }
0x2a5: {  	v31 =	vld [tilespmem:s1+$0x8A00]  }
0x2a6: {  	v32 =	vld [tilespmem:s1+$0x9400]  }
0x2a7: {  	v33 =	vld [tilespmem:s1+$0x9E00]  }
0x2a8: {  	v34 =	vld [tilespmem:s1+$0xA800]  }
0x2a9: {  	v35 =	vld [tilespmem:s1+$0x8080]  }
0x2aa: {  	v36 =	vld [tilespmem:s1+$0x8A80]  }
0x2ab: {  	v37 =	vld [tilespmem:s1+$0x9480]  }
0x2ac: {  	v38 =	vld [tilespmem:s1+$0x9E80]  }
0x2ad: {  	v39 =	vld [tilespmem:s1+$0xA880]  }
0x2ae: {  	v40 =	vld [tilespmem:s1+$0x8100]  }
0x2af: {  	v41 =	vld [tilespmem:s1+$0x8B00]  }
0x2b0: {  	v42 =	vld [tilespmem:s1+$0x9500]  }
0x2b1: {  	v43 =	vld [tilespmem:s1+$0x9F00]  }
0x2b2: {  	v44 =	vld [tilespmem:s1+$0xA900]  }
0x2b3: {  	v45 =	vld [tilespmem:s1+$0x8180]  }
0x2b4: {  	v46 =	vld [tilespmem:s1+$0x8B80]  }
0x2b5: {  	v47 =	vld [tilespmem:s1+$0x9580]  }
0x2b6: {  	v0 =	vadd.f32 v10, v0;
	v48 =	vld [tilespmem:s1+$0x9F80]  }
0x2b7: {  	v49 =	vld [tilespmem:s1+$0xA980]  }
0x2b8: {  	v50 =	vld [tilespmem:s1+$0x8200];
	v0 =	vadd.f32 v8, v0  }
0x2b9: {  	v51 =	vld [tilespmem:s1+$0x8C00]  }
0x2ba: {  	v52 =	vld [tilespmem:s1+$0x9600];
	v0 =	vadd.f32 v2, v0  }
0x2bb: {  	v2 =	vld [tilespmem:s1+$0xB200]  }
0x2bc: {  	v8 =	vld [tilespmem:s1+$0x9180];
	v0 =	vadd.f32 v3, v0  }
0x2bd: {  	v3 =	vld [tilespmem:s1+$0xB280]  }
0x2be: {  	v53 =	vld [tilespmem:s1+$0xA000];
	v0 =	vadd.f32 v5, v0  }
0x2bf: {  	v5 =	vld [tilespmem:s1+$0xB300]  }
0x2c0: {  	v54 =	vld [tilespmem:s1+$0xAA00];
	v0 =	vadd.f32 v2, v0  }
0x2c1: {  	v1 =	vadd.f32 v4, v1;
	v4 =	vadd.f32 v8, v7;
	v2 =	vld [tilespmem:s1+$0xB380]  }
0x2c2: {  	v55 =	vld [tilespmem:s1+$0x8280];
	v0 =	vadd.f32 v3, v0  }
0x2c3: {  	v4 =	vadd.f32 v16, v4;
	v3 =	vld [tilespmem:s1+$0xB400]  }
0x2c4: {  	v10 =	vld [tilespmem:s1+$0xA080];
	v0 =	vadd.f32 v5, v0  }
0x2c5: {  	v4 =	vadd.f32 v21, v4;
	v5 =	vld [tilespmem:s1+$0xB480]  }
0x2c6: {  	v56 =	vld [tilespmem:s1+$0xAA80];
	v0 =	vadd.f32 v2, v0  }
0x2c7: {  	v4 =	vadd.f32 v24, v4;
	v2 =	vld [tilespmem:s1+$0xB500]  }
0x2c8: {  	v57 =	vld [tilespmem:s1+$0x8300];
	v0 =	vadd.f32 v3, v0  }
0x2c9: {  	v4 =	vadd.f32 v27, v4;
	v3 =	vld [tilespmem:s1+$0xB580]  }
0x2ca: {  	v58 =	vld [tilespmem:s1+$0x8D00];
	v0 =	vadd.f32 v5, v0  }
0x2cb: {  	v4 =	vadd.f32 v32, v4;
	v5 =	vld [tilespmem:s1+$0xB600]  }
0x2cc: {  	v59 =	vld [tilespmem:s1+$0x9700];
	v0 =	vadd.f32 v2, v0  }
0x2cd: {  	v4 =	vadd.f32 v37, v4;
	v2 =	vld [tilespmem:s1+$0xB680]  }
0x2ce: {  	v60 =	vld [tilespmem:s1+$0xA100];
	v0 =	vadd.f32 v3, v0  }
0x2cf: {  	v4 =	vadd.f32 v42, v4;
	v3 =	vld [tilespmem:s1+$0xB700]  }
0x2d0: {  	v7 =	vld [tilespmem:s1+$0x9680];
	v0 =	vadd.f32 v5, v0  }
0x2d1: {  	v4 =	vadd.f32 v47, v4;
	v5 =	vld [tilespmem:s1+$0xB780]  }
0x2d2: {  	v61 =	vld [tilespmem:s1+$0x9780];
	v0 =	vadd.f32 v2, v0  }
0x2d3: {  	v4 =	vadd.f32 v52, v4;
	v2 =	vld [tilespmem:s1+$0xB800]  }
0x2d4: {  	v6 =	vadd.f32 v6, v11;
	v11 =	vld [tilespmem:s1+$0x8C80];
	v0 =	vadd.f32 v3, v0  }
0x2d5: {  	v4 =	vadd.f32 v7, v4;
	v3 =	vld [tilespmem:s1+$0xB880]  }
0x2d6: {  	v37 =	vld [tilespmem:s1+$0x9800];
	v0 =	vadd.f32 v5, v0  }
0x2d7: {  	v63 =	vadd.f32 v13, v12;
	v47 =	vld [tilespmem:s1+$0x9880];
	v4 =	vadd.f32 v59, v4  }
0x2d8: {  	v6 =	vadd.f32 v14, v6;
	v7 =	vld [tilespmem:s1+$0x9900];
	v0 =	vadd.f32 v2, v0  }
0x2d9: {  	v8 =	vadd.f32 v62, v9;
	v4 =	vadd.f32 v61, v4;
	v5 =	vld [tilespmem:s1+$0xA680]  }
0x2da: {  	v1 =	vadd.f32 v15, v1;
	v2 =	vld [tilespmem:s1+$0x8900];
	v0 =	vadd.f32 v3, v0  }
0x2db: {  	v9 =	vadd.f32 v18, v63;
	v4 =	vadd.f32 v37, v4;
	v3 =	vld [tilespmem:s1+$0x9D00]  }
0x2dc: {  	v6 =	vadd.f32 v19, v6;
	v8 =	vadd.f32 v17, v8;
	[tilespmem:s1+$0x14E80] =	vst v0;
	v0 =	vld [tilespmem:s1+$0x7F80]  }
0x2dd: {  	v62 =	vld [tilespmem:s1+$0xA180];
	v1 =	vadd.f32 v20, v1;
	v4 =	vadd.f32 v47, v4  }
0x2de: {  	v63 =	vld [tilespmem:s1+$0xAB80];
	v6 =	vadd.f32 v23, v6;
	v5 =	vadd.f32 v5, v9  }
0x2df: {  	v8 =	vadd.f32 v22, v8;
	v52 =	vld [tilespmem:s1+$0x8500];
	v4 =	vadd.f32 v7, v4  }
0x2e0: {  	v59 =	vld [tilespmem:s1+$0x9000];
	v1 =	vadd.f32 v2, v1;
	v5 =	vadd.f32 v25, v5  }
0x2e1: {  	v61 =	vld [tilespmem:s1+$0xA400];
	v3 =	vadd.f32 v3, v8;
	v0 =	vadd.f32 v0, v6  }
0x2e2: {  	v7 =	vld [tilespmem:s1+$0x8680];
	v1 =	vadd.f32 v26, v1;
	v5 =	vadd.f32 v29, v5  }
0x2e3: {  	v2 =	vld [tilespmem:s1+$0xAB00];
	v3 =	vadd.f32 v28, v3;
	v0 =	vadd.f32 v30, v0  }
0x2e4: {  	v8 =	vld [tilespmem:s1+$0x8380];
	v1 =	vadd.f32 v31, v1;
	v5 =	vadd.f32 v34, v5  }
0x2e5: {  	v6 =	vld [tilespmem:s1+$0x8D80];
	v3 =	vadd.f32 v33, v3;
	v0 =	vadd.f32 v35, v0  }
0x2e6: {  	v33 =	vld [tilespmem:s1+$0x8400];
	v1 =	vadd.f32 v36, v1;
	v5 =	vadd.f32 v39, v5  }
0x2e7: {  	v39 =	vld [tilespmem:s1+$0xA200];
	v3 =	vadd.f32 v38, v3;
	v0 =	vadd.f32 v40, v0  }
0x2e8: {  	v35 =	vld [tilespmem:s1+$0x8E00];
	v1 =	vadd.f32 v41, v1;
	v5 =	vadd.f32 v44, v5  }
0x2e9: {  	v41 =	vld [tilespmem:s1+$0xAC00];
	v3 =	vadd.f32 v43, v3;
	v0 =	vadd.f32 v45, v0  }
0x2ea: {  	v43 =	vld [tilespmem:s1+$0x8480];
	v1 =	vadd.f32 v46, v1;
	v5 =	vadd.f32 v49, v5  }
0x2eb: {  	v49 =	vld [tilespmem:s1+$0xA280];
	v3 =	vadd.f32 v48, v3;
	v0 =	vadd.f32 v50, v0  }
0x2ec: {  	v45 =	vld [tilespmem:s1+$0x8E80];
	v1 =	vadd.f32 v51, v1;
	v5 =	vadd.f32 v54, v5  }
0x2ed: {  	v51 =	vld [tilespmem:s1+$0xAC80];
	v3 =	vadd.f32 v53, v3;
	v0 =	vadd.f32 v55, v0  }
0x2ee: {  	v54 =	vld [tilespmem:s1+$0xA300];
	v1 =	vadd.f32 v11, v1;
	v5 =	vadd.f32 v56, v5  }
0x2ef: {  	v53 =	vld [tilespmem:s1+$0x8F00];
	v3 =	vadd.f32 v10, v3;
	v0 =	vadd.f32 v57, v0  }
0x2f0: {  	v56 =	vld [tilespmem:s1+$0x8580];
	v1 =	vadd.f32 v58, v1;
	v2 =	vadd.f32 v2, v5  }
0x2f1: {  	v55 =	vld [tilespmem:s1+$0xAD00];
	v3 =	vadd.f32 v60, v3;
	v0 =	vadd.f32 v8, v0  }
0x2f2: {  	v1 =	vadd.f32 v6, v1;
	v6 =	vld [tilespmem:s1+$0x9980];
	v2 =	vadd.f32 v63, v2  }
0x2f3: {  	v5 =	vld [tilespmem:s1+$0x8F80];
	v3 =	vadd.f32 v62, v3;
	v0 =	vadd.f32 v33, v0  }
0x2f4: {  	v58 =	vld [tilespmem:s1+$0x8600];
	v1 =	vadd.f32 v35, v1;
	v2 =	vadd.f32 v41, v2  }
0x2f5: {  	v57 =	vld [tilespmem:s1+$0xAD80];
	v3 =	vadd.f32 v39, v3;
	v0 =	vadd.f32 v43, v0  }
0x2f6: {  	v60 =	vld [tilespmem:s1+$0x9A00];
	v1 =	vadd.f32 v45, v1;
	v2 =	vadd.f32 v51, v2  }
0x2f7: {  	v8 =	vld [tilespmem:s1+$0xA380];
	v4 =	vadd.f32 v6, v4;
	v0 =	vadd.f32 v52, v0  }
0x2f8: {  	v63 =	vld [tilespmem:s1+$0x9080];
	v3 =	vadd.f32 v49, v3;
	v1 =	vadd.f32 v53, v1  }
0x2f9: {  	v62 =	vld [tilespmem:s1+$0xAE00];
	v2 =	vadd.f32 v55, v2;
	v0 =	vadd.f32 v56, v0  }
0x2fa: {  	v3 =	vadd.f32 v54, v3;
	v1 =	vadd.f32 v5, v1;
	v5 =	vld [tilespmem:s1+$0x9A80]  }
0x2fb: {  	v6 =	vld [tilespmem:s1+$0xA480];
	v4 =	vadd.f32 v60, v4;
	v0 =	vadd.f32 v58, v0  }
0x2fc: {  	v3 =	vadd.f32 v8, v3;
	v1 =	vadd.f32 v59, v1;
	v8 =	vld [tilespmem:s1+$0xAE80]  }
0x2fd: {  	v2 =	vadd.f32 v57, v2;
	v0 =	vadd.f32 v7, v0  }
0x2fe: {  	v3 =	vadd.f32 v61, v3;
	v1 =	vadd.f32 v63, v1  }
0x2ff: {  	v2 =	vadd.f32 v62, v2;
	[tilespmem:s1+$0x14C00] =	vst v0;
	v0 =	vadd.f32 v5, v4  }
0x300: {  	[tilespmem:s1+$0x14C80] =	vst v1;
	v1 =	vadd.f32 v6, v3  }
0x301: {  	[tilespmem:s1+$0x14D00] =	vst v0;
	v0 =	vadd.f32 v8, v2  }
0x302: {  	[tilespmem:s1+$0x14D80] =	vst v1  }
0x303: {  	s0 =	sadd.s32 @!p0 $0x78, s30;
	s9 =	simm.s32 @!p0 $0x7D00;
	[tilespmem:s1+$0x14E00] =	vst v0;
	s1 =	simm.s32 @!p0 $0x78  }
0x304: {  	[tilespmem:s9], [sflag:$0x1] =	stream.indirect.gather @!p0 [hbm4b:s2+s1], $0x80, s0, s1, $0xb8;
	[tilespmem:$0x15900] =	vst v63  }
0x305: {  	s1 =	simm.s32 $0x0  }
0x306: {  	v0 =	vld [tilespmem:s1+$0xB900]  }
0x307: {  	v1 =	vld [tilespmem:s1+$0xB980];
	_ =	sdelay $0x1  }
0x308: {  	v2 =	vld [tilespmem:s1+$0xBA00];
	_ =	sdelay $0x1  }
0x309: {  	v3 =	vld [tilespmem:s1+$0xBA80]  }
0x30a: {  	v0 =	vadd.f32 v1, v0  }
0x30b: {  	v1 =	vld [tilespmem:s1+$0xBB00]  }
0x30c: {  	v0 =	vadd.f32 v2, v0  }
0x30d: {  	v2 =	vld [tilespmem:s1+$0xBB80]  }
0x30e: {  	v0 =	vadd.f32 v3, v0  }
0x30f: {  	v3 =	vld [tilespmem:s1+$0xBC00]  }
0x310: {  	v0 =	vadd.f32 v1, v0  }
0x311: {  	v1 =	vld [tilespmem:s1+$0xBC80]  }
0x312: {  	v0 =	vadd.f32 v2, v0  }
0x313: {  	v2 =	vld [tilespmem:s1+$0xBD00]  }
0x314: {  	v0 =	vadd.f32 v3, v0  }
0x315: {  	v3 =	vld [tilespmem:s1+$0xBD80]  }
0x316: {  	s0 =	simm.s32 $0x10;
	v4 =	vld [tilespmem:s1+$0xBE00];
	v0 =	vadd.f32 v1, v0  }
0x317: {  	v5 =	vld [tilespmem:s0+$0xB900]  }
0x318: {  	v1 =	vld [tilespmem:s1+$0xBE80];
	v0 =	vadd.f32 v2, v0  }
0x319: {  	v2 =	vld [tilespmem:s0+$0xB980]  }
0x31a: {  	v6 =	vld [tilespmem:s0+$0xBA00];
	v0 =	vadd.f32 v3, v0  }
0x31b: {  	v3 =	vld [tilespmem:s1+$0xBF00]  }
0x31c: {  	v7 =	vld [tilespmem:s0+$0xBA80];
	v0 =	vadd.f32 v4, v0  }
0x31d: {  	v4 =	vld [tilespmem:s1+$0xBF80]  }
0x31e: {  	v2 =	vadd.f32 v2, v5;
	v5 =	vld [tilespmem:s0+$0xBB00];
	v0 =	vadd.f32 v1, v0  }
0x31f: {  	v1 =	vld [tilespmem:s1+$0xC000]  }
0x320: {  	v2 =	vadd.f32 v6, v2;
	v6 =	vld [tilespmem:s0+$0xBB80];
	v0 =	vadd.f32 v3, v0  }
0x321: {  	v3 =	vld [tilespmem:s1+$0xC080]  }
0x322: {  	v2 =	vadd.f32 v7, v2;
	v7 =	vld [tilespmem:s0+$0xBC00];
	v0 =	vadd.f32 v4, v0  }
0x323: {  	v4 =	vld [tilespmem:s1+$0xC100]  }
0x324: {  	v2 =	vadd.f32 v5, v2;
	v5 =	vld [tilespmem:s0+$0xBC80];
	v0 =	vadd.f32 v1, v0  }
0x325: {  	v1 =	vld [tilespmem:s1+$0xC180]  }
0x326: {  	v8 =	vld [tilespmem:s0+$0xBD00];
	v2 =	vadd.f32 v6, v2;
	v0 =	vadd.f32 v3, v0  }
0x327: {  	v6 =	vld [tilespmem:s1+$0xC200]  }
0x328: {  	v3 =	vld [tilespmem:s0+$0xBD80];
	v7 =	vadd.f32 v7, v2;
	v4 =	vadd.f32 v4, v0  }
0x329: {  	v2 =	vld [tilespmem:s1+$0xC280]  }
0x32a: {  	v0 =	vld [tilespmem:s0+$0xBE80];
	v5 =	vadd.f32 v5, v7;
	v7 =	vadd.f32 v1, v4  }
0x32b: {  	s31 =	simm.s32 $0x20;
	v4 =	vld [tilespmem:s0+$0xBE00]  }
0x32c: {  	s9 =	simm.s32 $0xC0;
	v1 =	vld [tilespmem:s31+$0xB900];
	v5 =	vadd.f32 v8, v5;
	v6 =	vadd.f32 v6, v7  }
.LBB2_7:
0x32d: {  	p1 =	sne.s32 s9, $0x1C0;
	v7 =	vld [tilespmem:s31+$0xB980]  }
0x32e: {  	v3 =	vadd.f32 v3, v5;
	v5 =	vld [tilespmem:s0+$0xBF00];
	v2 =	vadd.f32 v2, v6  }
0x32f: {  	v6 =	vld [tilespmem:s31+$0xBA00]  }
0x330: {  	v3 =	vadd.f32 v4, v3;
	v4 =	vld [tilespmem:s0+$0xBF80];
	[tilespmem:s1+$0x14F00] =	vst v2;
	s1 =	smov.u32 s0;
	s0 =	smov.u32 s31  }
0x331: {  	v2 =	vld [tilespmem:s0+$0xBA80]  }
0x332: {  	v1 =	vadd.f32 v7, v1;
	v0 =	vadd.f32 v0, v3;
	v3 =	vld [tilespmem:s1+$0xC000]  }
0x333: {  	v7 =	vld [tilespmem:s0+$0xBB00]  }
0x334: {  	v1 =	vadd.f32 v6, v1;
	v0 =	vadd.f32 v5, v0;
	v5 =	vld [tilespmem:s1+$0xC080]  }
0x335: {  	v6 =	vld [tilespmem:s0+$0xBB80]  }
0x336: {  	v1 =	vadd.f32 v2, v1;
	v0 =	vadd.f32 v4, v0;
	v2 =	vld [tilespmem:s1+$0xC100]  }
0x337: {  	v4 =	vld [tilespmem:s0+$0xBC00]  }
0x338: {  	v1 =	vadd.f32 v7, v1;
	v0 =	vadd.f32 v3, v0;
	v7 =	vld [tilespmem:s1+$0xC180]  }
0x339: {  	v8 =	vld [tilespmem:s0+$0xBC80]  }
0x33a: {  	v1 =	vadd.f32 v6, v1;
	v0 =	vadd.f32 v5, v0;
	v6 =	vld [tilespmem:s1+$0xC200]  }
0x33b: {  	v5 =	vld [tilespmem:s0+$0xBD00]  }
.Ltmp2:
0x33c: {  	v1 =	vadd.f32 v4, v1;
	v4 =	vadd.f32 v2, v0;
	v2 =	vld [tilespmem:s1+$0xC280];
	(pc) =	sbr.rel @p1 .LBB2_7-.Ltmp2, $4  }
0x33d: {  	v3 =	vld [tilespmem:s0+$0xBD80]  }
0x33e: {  	v8 =	vadd.f32 v8, v1;
	v0 =	vld [tilespmem:s0+$0xBE80];
	v7 =	vadd.f32 v7, v4  }
0x33f: {  	s31 =	sshra.s32 s9, $0x2;
	v4 =	vld [tilespmem:s0+$0xBE00]  }
0x340: {  	s9 =	sadd.s32 $0x40, s9;
	v1 =	vld [tilespmem:s31+$0xB900];
	v5 =	vadd.f32 v5, v8;
	v6 =	vadd.f32 v6, v7  }
0x341: {  	v7 =	vld [tilespmem:s31+$0xB980]  }
0x342: {  	v8 =	vld [tilespmem:s0+$0xBF00];
	v2 =	vadd.f32 v2, v6  }
0x343: {  	v6 =	vld [tilespmem:s31+$0xBA00]  }
0x344: {  	v9 =	vld [tilespmem:s0+$0xBF80];
	v3 =	vadd.f32 v3, v5;
	[tilespmem:s1+$0x14F00] =	vst v2  }
0x345: {  	v2 =	vld [tilespmem:s31+$0xBA80]  }
0x346: {  	v3 =	vadd.f32 v4, v3;
	v1 =	vadd.f32 v7, v1  }
0x347: {  	v4 =	vld [tilespmem:s31+$0xBB00]  }
0x348: {  	v5 =	vld [tilespmem:s31+$0xBB80];
	v0 =	vadd.f32 v0, v3;
	v1 =	vadd.f32 v6, v1  }
0x349: {  	v3 =	vld [tilespmem:s0+$0xC000]  }
0x34a: {  	v0 =	vadd.f32 v8, v0;
	v6 =	vld [tilespmem:s0+$0xC080];
	v1 =	vadd.f32 v2, v1  }
0x34b: {  	v2 =	vld [tilespmem:s31+$0xBC00]  }
0x34c: {  	v7 =	vld [tilespmem:s0+$0xC100];
	v0 =	vadd.f32 v9, v0;
	v1 =	vadd.f32 v4, v1  }
0x34d: {  	v4 =	vld [tilespmem:s31+$0xBC80]  }
0x34e: {  	v0 =	vadd.f32 v3, v0;
	v3 =	vld [tilespmem:s0+$0xC180];
	v1 =	vadd.f32 v5, v1  }
0x34f: {  	v5 =	vld [tilespmem:s31+$0xBD00]  }
0x350: {  	v0 =	vadd.f32 v6, v0;
	v6 =	vld [tilespmem:s0+$0xC200];
	v1 =	vadd.f32 v2, v1  }
0x351: {  	v2 =	vld [tilespmem:s31+$0xBD80]  }
0x352: {  	v0 =	vadd.f32 v7, v0;
	v7 =	vld [tilespmem:s0+$0xC280];
	v1 =	vadd.f32 v4, v1  }
0x353: {  	v4 =	vld [tilespmem:s31+$0xBE00]  }
0x354: {  	v0 =	vadd.f32 v3, v0;
	v1 =	vadd.f32 v5, v1  }
0x355: {  	v3 =	vld [tilespmem:s31+$0xBE80]  }
0x356: {  	v0 =	vadd.f32 v6, v0;
	v1 =	vadd.f32 v2, v1  }
0x357: {  	v2 =	vld [tilespmem:s31+$0xBF00]  }
0x358: {  	v0 =	vadd.f32 v7, v0;
	v1 =	vadd.f32 v4, v1  }
0x359: {  	v4 =	vld [tilespmem:s31+$0xBF80]  }
0x35a: {  	[tilespmem:s0+$0x14F00] =	vst v0;
	v0 =	vadd.f32 v3, v1  }
0x35b: {  	v1 =	vld [tilespmem:s31+$0xC000]  }
0x35c: {  	v0 =	vadd.f32 v2, v0  }
0x35d: {  	v2 =	vld [tilespmem:s31+$0xC080]  }
0x35e: {  	v0 =	vadd.f32 v4, v0  }
0x35f: {  	v3 =	vld [tilespmem:s31+$0xC100]  }
0x360: {  	v0 =	vadd.f32 v1, v0  }
0x361: {  	v1 =	vld [tilespmem:s31+$0xC180]  }
0x362: {  	v0 =	vadd.f32 v2, v0  }
0x363: {  	v2 =	vld [tilespmem:s31+$0xC200]  }
0x364: {  	v0 =	vadd.f32 v3, v0  }
0x365: {  	v3 =	vld [tilespmem:s31+$0xC280]  }
0x366: {  	v0 =	vadd.f32 v1, v0;
	_ =	sdelay $0x1  }
0x367: {  	v0 =	vadd.f32 v2, v0;
	_ =	sdelay $0x1  }
0x368: {  	v0 =	vadd.f32 v3, v0;
	_ =	sdelay $0x1  }
0x369: {  	s9 =	simm.s32 @!p0 $0xB900;
	s1 =	simm.s32 @!p0 $0x18;
	s0 =	sadd.s32 @!p0 $0xF0, s30;
	[tilespmem:s31+$0x14F00] =	vst v0  }
0x36a: {  	[tilespmem:s9], [sflag:$0x1] =	stream.indirect.gather @!p0 [hbm4b:s2+s1], $0x80, s0, s1, $0xb8;
	[tilespmem:$0x15900] =	vst v63  }
0x36b: {  	_ =	swait.ge [sflag:s23], $0x8400  }
0x36c: {  	[sflag:s23] =	ssyncset.done $0x0  }
0x36d: {  	s31 =	simm.s32 $0x0;
	[sflag:s23] =	ssyncadd.s32 $0xFFFF7C00  }
0x36e: {  	v0 =	vld [tilespmem:s31+$0x10300]  }
0x36f: {  	v1 =	vld [tilespmem:s31+$0x10380]  }
0x370: {  	v4 =	vld [tilespmem:s31+$0xC700]  }
0x371: {  	v3 =	vld [tilespmem:s31+$0x10400]  }
0x372: {  	v2 =	vld [tilespmem:s31+$0xC780]  }
0x373: {  	v5 =	vld [tilespmem:s31+$0x10480]  }
0x374: {  	v7 =	vld [tilespmem:s31+$0xD180]  }
0x375: {  	v11 =	vld [tilespmem:s31+$0xE580]  }
0x376: {  	v12 =	vld [tilespmem:s31+$0xEF00]  }
0x377: {  	v13 =	vld [tilespmem:s31+$0xEF80]  }
0x378: {  	v14 =	vld [tilespmem:s31+$0xF900]  }
0x379: {  	v15 =	vld [tilespmem:s31+$0xF980]  }
0x37a: {  	v16 =	vld [tilespmem:s31+$0xC800]  }
0x37b: {  	v17 =	vld [tilespmem:s31+$0xD200]  }
0x37c: {  	v18 =	vld [tilespmem:s31+$0xDC00]  }
0x37d: {  	v19 =	vld [tilespmem:s31+$0xE600]  }
0x37e: {  	v20 =	vld [tilespmem:s31+$0xF000]  }
0x37f: {  	v21 =	vld [tilespmem:s31+$0xFA00]  }
0x380: {  	v22 =	vld [tilespmem:s31+$0xC880]  }
0x381: {  	v23 =	vld [tilespmem:s31+$0xDC80]  }
0x382: {  	v24 =	vld [tilespmem:s31+$0xF080]  }
0x383: {  	v25 =	vld [tilespmem:s31+$0xC900]  }
0x384: {  	v26 =	vld [tilespmem:s31+$0xDD00]  }
0x385: {  	v27 =	vld [tilespmem:s31+$0xE700]  }
0x386: {  	v28 =	vld [tilespmem:s31+$0xF100]  }
0x387: {  	v29 =	vld [tilespmem:s31+$0xFB00]  }
0x388: {  	v30 =	vld [tilespmem:s31+$0xC980]  }
0x389: {  	v31 =	vld [tilespmem:s31+$0xD380]  }
0x38a: {  	v32 =	vld [tilespmem:s31+$0xDD80]  }
0x38b: {  	v33 =	vld [tilespmem:s31+$0xE780]  }
0x38c: {  	v34 =	vld [tilespmem:s31+$0xF180]  }
0x38d: {  	v35 =	vld [tilespmem:s31+$0xFB80]  }
0x38e: {  	v36 =	vld [tilespmem:s31+$0xCA00]  }
0x38f: {  	v37 =	vld [tilespmem:s31+$0xD400]  }
0x390: {  	v38 =	vld [tilespmem:s31+$0xDE00]  }
0x391: {  	v39 =	vld [tilespmem:s31+$0xE800]  }
0x392: {  	v40 =	vld [tilespmem:s31+$0xF200]  }
0x393: {  	v41 =	vld [tilespmem:s31+$0xFC00]  }
0x394: {  	v42 =	vld [tilespmem:s31+$0xCA80]  }
0x395: {  	v43 =	vld [tilespmem:s31+$0xD480]  }
0x396: {  	v44 =	vld [tilespmem:s31+$0xDE80]  }
0x397: {  	v45 =	vld [tilespmem:s31+$0xE880]  }
0x398: {  	v46 =	vld [tilespmem:s31+$0xF280]  }
0x399: {  	v47 =	vld [tilespmem:s31+$0xFC80]  }
0x39a: {  	v48 =	vld [tilespmem:s31+$0xCB00]  }
0x39b: {  	v49 =	vld [tilespmem:s31+$0xD500]  }
0x39c: {  	v50 =	vld [tilespmem:s31+$0xDF00]  }
0x39d: {  	v51 =	vld [tilespmem:s31+$0xE900]  }
0x39e: {  	v52 =	vld [tilespmem:s31+$0xF300]  }
0x39f: {  	v53 =	vld [tilespmem:s31+$0xFD00]  }
0x3a0: {  	v54 =	vld [tilespmem:s31+$0xCB80]  }
0x3a1: {  	v55 =	vld [tilespmem:s31+$0xD580]  }
0x3a2: {  	v56 =	vld [tilespmem:s31+$0xDF80]  }
0x3a3: {  	v57 =	vld [tilespmem:s31+$0xE980]  }
0x3a4: {  	v58 =	vld [tilespmem:s31+$0xF380]  }
0x3a5: {  	v59 =	vld [tilespmem:s31+$0xFD80]  }
0x3a6: {  	v60 =	vld [tilespmem:s31+$0xCC00]  }
0x3a7: {  	v61 =	vld [tilespmem:s31+$0xD600]  }
0x3a8: {  	v62 =	vld [tilespmem:s31+$0xE000]  }
0x3a9: {  	v63 =	vld [tilespmem:s31+$0xEA00]  }
0x3aa: {  	v6 =	vld [tilespmem:s31+$0xF400]  }
0x3ab: {  	v8 =	vld [tilespmem:s31+$0xFE00];
	v0 =	vadd.f32 v1, v0  }
0x3ac: {  	v1 =	vld [tilespmem:s31+$0x10500]  }
0x3ad: {  	[tilespmem:$0x1FFB0] =	vst v2;
	v2 =	vld [tilespmem:s31+$0xD100];
	v0 =	vadd.f32 v3, v0  }
0x3ae: {  	v12 =	vadd.f32 v13, v12;
	v3 =	vld [tilespmem:s31+$0x10580]  }
0x3af: {  	v13 =	vadd.f32 v15, v14;
	v14 =	vld [tilespmem:s31+$0xE080];
	v0 =	vadd.f32 v5, v0  }
0x3b0: {  	v5 =	vld [tilespmem:s31+$0x10600]  }
0x3b1: {  	v15 =	vld [tilespmem:s31+$0xEA80];
	v0 =	vadd.f32 v1, v0  }
0x3b2: {  	v1 =	vld [tilespmem:s31+$0x10680]  }
0x3b3: {  	[tilespmem:$0x1FFC0] =	vst v2;
	v2 =	vld [tilespmem:s31+$0xDB00];
	v0 =	vadd.f32 v3, v0  }
0x3b4: {  	v3 =	vld [tilespmem:s31+$0x10700]  }
0x3b5: {  	v12 =	vadd.f32 v20, v12;
	v20 =	vld [tilespmem:s31+$0xCD80];
	v0 =	vadd.f32 v5, v0  }
0x3b6: {  	v5 =	vld [tilespmem:s31+$0x10780]  }
0x3b7: {  	v13 =	vadd.f32 v21, v13;
	v21 =	vld [tilespmem:s31+$0xD780];
	v0 =	vadd.f32 v1, v0  }
0x3b8: {  	v1 =	vld [tilespmem:s31+$0x10800]  }
0x3b9: {  	[tilespmem:$0x1FFD0] =	vst v2;
	v2 =	vld [tilespmem:s31+$0xDB80];
	v0 =	vadd.f32 v3, v0  }
0x3ba: {  	v3 =	vld [tilespmem:s31+$0x10880]  }
0x3bb: {  	v12 =	vadd.f32 v24, v12;
	v24 =	vld [tilespmem:s31+$0xF580];
	v0 =	vadd.f32 v5, v0  }
0x3bc: {  	v5 =	vld [tilespmem:s31+$0x10900]  }
0x3bd: {  	v12 =	vadd.f32 v28, v12;
	v9 =	vld [tilespmem:$0x1FFD0];
	v0 =	vadd.f32 v1, v0  }
0x3be: {  	[tilespmem:$0x1FFE0] =	vst v2;
	v1 =	vld [tilespmem:s31+$0x10980]  }
0x3bf: {  	v12 =	vadd.f32 v34, v12;
	v10 =	vld [tilespmem:$0x1FFE0];
	v0 =	vadd.f32 v3, v0  }
0x3c0: {  	v3 =	vld [tilespmem:s31+$0x10A00]  }
0x3c1: {  	v12 =	vadd.f32 v40, v12;
	v40 =	vld [tilespmem:s31+$0xCE00];
	v0 =	vadd.f32 v5, v0  }
0x3c2: {  	v5 =	vld [tilespmem:s31+$0x10A80]  }
0x3c3: {  	v2 =	vld [tilespmem:s31+$0xE500];
	v0 =	vadd.f32 v1, v0  }
0x3c4: {  	v9 =	vadd.f32 v10, v9;
	v1 =	vld [tilespmem:s31+$0x10B00]  }
0x3c5: {  	v12 =	vadd.f32 v46, v12;
	v46 =	vld [tilespmem:s31+$0xCE80];
	v0 =	vadd.f32 v3, v0  }
0x3c6: {  	v9 =	vadd.f32 v18, v9;
	v3 =	vld [tilespmem:s31+$0x10B80]  }
0x3c7: {  	v12 =	vadd.f32 v52, v12;
	v52 =	vld [tilespmem:s31+$0xCF80];
	v0 =	vadd.f32 v5, v0  }
0x3c8: {  	[tilespmem:$0x1FFF0] =	vst v2;
	v9 =	vadd.f32 v23, v9;
	v5 =	vld [tilespmem:s31+$0x10C00]  }
0x3c9: {  	v10 =	vld [tilespmem:$0x1FFF0];
	v0 =	vadd.f32 v1, v0  }
0x3ca: {  	v9 =	vadd.f32 v26, v9;
	v1 =	vld [tilespmem:s31+$0x10C80]  }
0x3cb: {  	v12 =	vadd.f32 v58, v12;
	v58 =	vld [tilespmem:s31+$0xD000];
	v0 =	vadd.f32 v3, v0  }
0x3cc: {  	v2 =	vld [tilespmem:s31+$0xD300];
	v9 =	vadd.f32 v32, v9  }
0x3cd: {  	v18 =	vld [tilespmem:s31+$0xF500];
	v0 =	vadd.f32 v5, v0  }
0x3ce: {  	v9 =	vadd.f32 v38, v9;
	v5 =	vld [tilespmem:s31+$0xE680]  }
0x3cf: {  	v23 =	vld [tilespmem:s31+$0xEB80];
	v10 =	vadd.f32 v11, v10;
	v0 =	vadd.f32 v1, v0  }
0x3d0: {  	v9 =	vadd.f32 v44, v9;
	v1 =	vld [tilespmem:s31+$0xFA80]  }
0x3d1: {  	v10 =	vadd.f32 v19, v10;
	[tilespmem:s31+$0x15280] =	vst v0;
	v0 =	vld [tilespmem:$0x1FFB0]  }
0x3d2: {  	v11 =	vld [tilespmem:s31+$0xD680];
	v9 =	vadd.f32 v50, v9  }
0x3d3: {  	v19 =	vld [tilespmem:s31+$0xFF00];
	v5 =	vadd.f32 v5, v10  }
0x3d4: {  	v6 =	vadd.f32 v6, v12;
	v3 =	vld [tilespmem:s31+$0xD280];
	v9 =	vadd.f32 v56, v9  }
0x3d5: {  	v1 =	vadd.f32 v1, v13;
	v13 =	vld [tilespmem:s31+$0xE100];
	v5 =	vadd.f32 v27, v5  }
0x3d6: {  	v9 =	vadd.f32 v62, v9;
	v0 =	vadd.f32 v0, v4;
	v4 =	vld [tilespmem:$0x1FFC0]  }
0x3d7: {  	v44 =	vld [tilespmem:s31+$0xF600];
	v1 =	vadd.f32 v29, v1;
	v5 =	vadd.f32 v33, v5  }
0x3d8: {  	v50 =	vld [tilespmem:s31+$0xF680];
	v9 =	vadd.f32 v14, v9;
	v0 =	vadd.f32 v16, v0  }
0x3d9: {  	v16 =	vld [tilespmem:s31+$0xF480];
	v1 =	vadd.f32 v35, v1;
	v5 =	vadd.f32 v39, v5  }
0x3da: {  	v56 =	vld [tilespmem:s31+$0xF780];
	v9 =	vadd.f32 v13, v9;
	v0 =	vadd.f32 v22, v0  }
0x3db: {  	v10 =	vld [tilespmem:s31+$0xD700];
	v1 =	vadd.f32 v41, v1;
	v7 =	vadd.f32 v7, v4  }
0x3dc: {  	v22 =	vld [tilespmem:s31+$0xE180];
	v5 =	vadd.f32 v45, v5;
	v0 =	vadd.f32 v25, v0  }
0x3dd: {  	v41 =	vld [tilespmem:s31+$0xD800];
	v1 =	vadd.f32 v47, v1;
	v7 =	vadd.f32 v17, v7  }
0x3de: {  	v45 =	vld [tilespmem:s31+$0x10000];
	v5 =	vadd.f32 v51, v5;
	v6 =	vadd.f32 v16, v6  }
0x3df: {  	v4 =	vld [tilespmem:s31+$0xCC80];
	v0 =	vadd.f32 v30, v0;
	v3 =	vadd.f32 v3, v7  }
0x3e0: {  	v25 =	vld [tilespmem:s31+$0xFF80];
	v1 =	vadd.f32 v53, v1;
	v5 =	vadd.f32 v57, v5  }
0x3e1: {  	v47 =	vld [tilespmem:s31+$0xD880];
	v6 =	vadd.f32 v18, v6;
	v2 =	vadd.f32 v2, v3  }
0x3e2: {  	v51 =	vld [tilespmem:s31+$0xE300];
	v9 =	vadd.f32 v22, v9;
	v0 =	vadd.f32 v36, v0  }
0x3e3: {  	v17 =	vld [tilespmem:s31+$0xFE80];
	v1 =	vadd.f32 v59, v1;
	v2 =	vadd.f32 v31, v2  }
0x3e4: {  	v53 =	vld [tilespmem:s31+$0xD980];
	v5 =	vadd.f32 v63, v5;
	v6 =	vadd.f32 v24, v6  }
0x3e5: {  	v3 =	vld [tilespmem:s31+$0xEB00];
	v0 =	vadd.f32 v42, v0;
	v2 =	vadd.f32 v37, v2  }
0x3e6: {  	v57 =	vld [tilespmem:s31+$0x10180];
	v1 =	vadd.f32 v8, v1;
	v5 =	vadd.f32 v15, v5  }
0x3e7: {  	v42 =	vld [tilespmem:s31+$0xE200];
	v6 =	vadd.f32 v44, v6;
	v2 =	vadd.f32 v43, v2  }
0x3e8: {  	v7 =	vld [tilespmem:s31+$0xCD00];
	v0 =	vadd.f32 v48, v0;
	v1 =	vadd.f32 v17, v1  }
0x3e9: {  	v59 =	vld [tilespmem:s31+$0xDA00];
	v6 =	vadd.f32 v50, v6;
	v2 =	vadd.f32 v49, v2  }
0x3ea: {  	v48 =	vld [tilespmem:s31+$0xE280];
	v0 =	vadd.f32 v54, v0;
	v3 =	vadd.f32 v3, v5  }
0x3eb: {  	v8 =	vld [tilespmem:s31+$0x10080];
	v1 =	vadd.f32 v19, v1;
	v2 =	vadd.f32 v55, v2  }
0x3ec: {  	v5 =	vld [tilespmem:s31+$0xF700];
	v9 =	vadd.f32 v42, v9;
	v0 =	vadd.f32 v60, v0  }
0x3ed: {  	v43 =	vld [tilespmem:s31+$0xEC00];
	v3 =	vadd.f32 v23, v3;
	v2 =	vadd.f32 v61, v2  }
0x3ee: {  	v54 =	vld [tilespmem:s31+$0xE380];
	v1 =	vadd.f32 v25, v1;
	v0 =	vadd.f32 v4, v0  }
0x3ef: {  	v60 =	vld [tilespmem:s31+$0xDA80];
	v9 =	vadd.f32 v48, v9;
	v2 =	vadd.f32 v11, v2  }
0x3f0: {  	v49 =	vld [tilespmem:s31+$0xEC80];
	v1 =	vadd.f32 v45, v1;
	v0 =	vadd.f32 v7, v0  }
0x3f1: {  	v4 =	vld [tilespmem:s31+$0xCF00];
	v9 =	vadd.f32 v51, v9;
	v2 =	vadd.f32 v10, v2  }
0x3f2: {  	v7 =	vld [tilespmem:s31+$0xED00];
	v3 =	vadd.f32 v43, v3;
	v0 =	vadd.f32 v20, v0  }
0x3f3: {  	v1 =	vadd.f32 v8, v1;
	v8 =	vld [tilespmem:s31+$0xE400];
	v2 =	vadd.f32 v21, v2  }
0x3f4: {  	v5 =	vadd.f32 v5, v6;
	v11 =	vld [tilespmem:s31+$0xD900];
	v0 =	vadd.f32 v40, v0  }
0x3f5: {  	v3 =	vadd.f32 v49, v3;
	v10 =	vld [tilespmem:s31+$0x10100];
	v2 =	vadd.f32 v41, v2  }
0x3f6: {  	v55 =	vld [tilespmem:s31+$0xED80];
	v9 =	vadd.f32 v54, v9;
	v0 =	vadd.f32 v46, v0  }
0x3f7: {  	v3 =	vadd.f32 v7, v3;
	v7 =	vld [tilespmem:s31+$0xF800];
	v2 =	vadd.f32 v47, v2  }
0x3f8: {  	v61 =	vadd.f32 v56, v5;
	v0 =	vadd.f32 v4, v0;
	v4 =	vld [tilespmem:s31+$0xEE00]  }
0x3f9: {  	v8 =	vadd.f32 v8, v9;
	v2 =	vadd.f32 v11, v2;
	v11 =	vld [tilespmem:s31+$0xD080]  }
0x3fa: {  	v1 =	vadd.f32 v10, v1;
	v10 =	vld [tilespmem:s31+$0x10200];
	v0 =	vadd.f32 v52, v0  }
0x3fb: {  	v6 =	vld [tilespmem:s31+$0xE480];
	v3 =	vadd.f32 v55, v3;
	v2 =	vadd.f32 v53, v2  }
0x3fc: {  	v5 =	vld [tilespmem:s31+$0xEE80];
	v1 =	vadd.f32 v57, v1;
	v62 =	vadd.f32 v58, v0  }
0x3fd: {  	v4 =	vadd.f32 v4, v3;
	v3 =	vld [tilespmem:s31+$0xF880];
	v63 =	vadd.f32 v59, v2  }
0x3fe: {  	s1 =	simm.s32 $0x10;
	v2 =	vadd.f32 v7, v61;
	v7 =	vld [tilespmem:s31+$0x10280];
	v9 =	vadd.f32 v11, v62  }
0x3ff: {  	s0 =	simm.s32 $0x80;
	v0 =	vadd.f32 v10, v1;
	v1 =	vld [tilespmem:s1+$0x10300];
	v10 =	vadd.f32 v60, v63  }
.LBB2_9:
0x400: {  	p1 =	sne.s32 s0, $0x1C0;
	v11 =	vld [tilespmem:s1+$0x10380];
	[tilespmem:s31+$0x14F80] =	vst v9;
	v6 =	vadd.f32 v6, v8  }
0x401: {  	v8 =	vld [tilespmem:s1+$0xC700];
	[tilespmem:s31+$0x15000] =	vst v10;
	v4 =	vadd.f32 v5, v4  }
0x402: {  	v5 =	vld [tilespmem:s1+$0x10400];
	[tilespmem:s31+$0x15080] =	vst v6;
	v2 =	vadd.f32 v3, v2  }
0x403: {  	v3 =	vld [tilespmem:s1+$0xC780];
	[tilespmem:s31+$0x15100] =	vst v4;
	v0 =	vadd.f32 v7, v0  }
0x404: {  	v4 =	vld [tilespmem:s1+$0x10480];
	[tilespmem:s31+$0x15180] =	vst v2  }
0x405: {  	v2 =	vld [tilespmem:s1+$0xD100];
	v1 =	vadd.f32 v11, v1;
	[tilespmem:s31+$0x15200] =	vst v0;
	s31 =	smov.u32 s1  }
0x406: {  	v0 =	vld [tilespmem:s31+$0x10500]  }
0x407: {  	v6 =	vld [tilespmem:s31+$0xD180];
	v1 =	vadd.f32 v5, v1  }
0x408: {  	v3 =	vadd.f32 v3, v8;
	v5 =	vld [tilespmem:s31+$0x10580]  }
0x409: {  	v7 =	vld [tilespmem:s31+$0xDB00];
	v1 =	vadd.f32 v4, v1  }
0x40a: {  	v4 =	vld [tilespmem:s31+$0x10600]  }
0x40b: {  	v8 =	vld [tilespmem:s31+$0xDB80];
	v0 =	vadd.f32 v0, v1  }
0x40c: {  	v1 =	vadd.f32 v6, v2;
	v2 =	vld [tilespmem:s31+$0x10680]  }
0x40d: {  	v6 =	vld [tilespmem:s31+$0xE500];
	v0 =	vadd.f32 v5, v0  }
0x40e: {  	v5 =	vld [tilespmem:s31+$0x10700]  }
0x40f: {  	v9 =	vld [tilespmem:s31+$0xE580];
	v0 =	vadd.f32 v4, v0  }
0x410: {  	v4 =	vadd.f32 v8, v7;
	v7 =	vld [tilespmem:s31+$0x10780]  }
0x411: {  	v8 =	vld [tilespmem:s31+$0xEF00];
	v0 =	vadd.f32 v2, v0  }
0x412: {  	v2 =	vld [tilespmem:s31+$0x10800]  }
0x413: {  	v10 =	vld [tilespmem:s31+$0xEF80];
	v0 =	vadd.f32 v5, v0  }
0x414: {  	v5 =	vadd.f32 v9, v6;
	v6 =	vld [tilespmem:s31+$0x10880]  }
0x415: {  	v9 =	vld [tilespmem:s31+$0xF900];
	v0 =	vadd.f32 v7, v0  }
0x416: {  	v7 =	vld [tilespmem:s31+$0x10900]  }
0x417: {  	v11 =	vld [tilespmem:s31+$0xF980];
	v0 =	vadd.f32 v2, v0  }
0x418: {  	v2 =	vadd.f32 v10, v8;
	v8 =	vld [tilespmem:s31+$0x10980]  }
0x419: {  	v10 =	vld [tilespmem:s31+$0xC800];
	v0 =	vadd.f32 v6, v0  }
0x41a: {  	v6 =	vld [tilespmem:s31+$0x10A00]  }
0x41b: {  	v12 =	vld [tilespmem:s31+$0xD200];
	v0 =	vadd.f32 v7, v0  }
0x41c: {  	v7 =	vadd.f32 v11, v9;
	v9 =	vld [tilespmem:s31+$0x10A80]  }
0x41d: {  	v11 =	vld [tilespmem:s31+$0xDC00];
	v0 =	vadd.f32 v8, v0  }
0x41e: {  	v3 =	vadd.f32 v10, v3;
	v8 =	vld [tilespmem:s31+$0x10B00]  }
0x41f: {  	v10 =	vld [tilespmem:s31+$0xE600];
	v0 =	vadd.f32 v6, v0  }
0x420: {  	v1 =	vadd.f32 v12, v1;
	v6 =	vld [tilespmem:s31+$0x10B80]  }
0x421: {  	v12 =	vld [tilespmem:s31+$0xF000];
	v0 =	vadd.f32 v9, v0  }
0x422: {  	v4 =	vadd.f32 v11, v4;
	v9 =	vld [tilespmem:s31+$0x10C00]  }
0x423: {  	v11 =	vld [tilespmem:s31+$0xFA00];
	v0 =	vadd.f32 v8, v0  }
0x424: {  	v5 =	vadd.f32 v10, v5;
	v8 =	vld [tilespmem:s31+$0x10C80]  }
0x425: {  	v10 =	vld [tilespmem:s31+$0xC880];
	v0 =	vadd.f32 v6, v0  }
0x426: {  	v6 =	vld [tilespmem:s31+$0xD280];
	v2 =	vadd.f32 v12, v2  }
0x427: {  	v12 =	vld [tilespmem:s31+$0xDC80];
	v0 =	vadd.f32 v9, v0  }
0x428: {  	v9 =	vld [tilespmem:s31+$0xE680];
	v7 =	vadd.f32 v11, v7  }
0x429: {  	v11 =	vld [tilespmem:s31+$0xF080];
	v0 =	vadd.f32 v8, v0  }
0x42a: {  	v3 =	vadd.f32 v10, v3;
	v8 =	vld [tilespmem:s31+$0xFA80]  }
0x42b: {  	v10 =	vld [tilespmem:s31+$0xC900];
	v1 =	vadd.f32 v6, v1;
	[tilespmem:s31+$0x15280] =	vst v0  }
0x42c: {  	v0 =	vld [tilespmem:s31+$0xD300];
	v4 =	vadd.f32 v12, v4  }
0x42d: {  	v6 =	vld [tilespmem:s31+$0xDD00];
	v5 =	vadd.f32 v9, v5  }
0x42e: {  	v9 =	vld [tilespmem:s31+$0xE700];
	v2 =	vadd.f32 v11, v2  }
0x42f: {  	v11 =	vld [tilespmem:s31+$0xF100];
	v7 =	vadd.f32 v8, v7  }
0x430: {  	v3 =	vadd.f32 v10, v3;
	v8 =	vld [tilespmem:s31+$0xFB00]  }
0x431: {  	v10 =	vld [tilespmem:s31+$0xC980];
	v0 =	vadd.f32 v0, v1  }
0x432: {  	v1 =	vld [tilespmem:s31+$0xD380];
	v4 =	vadd.f32 v6, v4  }
0x433: {  	v6 =	vld [tilespmem:s31+$0xDD80];
	v5 =	vadd.f32 v9, v5  }
0x434: {  	v9 =	vld [tilespmem:s31+$0xE780];
	v2 =	vadd.f32 v11, v2  }
0x435: {  	v11 =	vld [tilespmem:s31+$0xF180];
	v7 =	vadd.f32 v8, v7  }
0x436: {  	v3 =	vadd.f32 v10, v3;
	v8 =	vld [tilespmem:s31+$0xFB80]  }
0x437: {  	v10 =	vld [tilespmem:s31+$0xCA00];
	v0 =	vadd.f32 v1, v0  }
0x438: {  	v1 =	vld [tilespmem:s31+$0xD400];
	v4 =	vadd.f32 v6, v4  }
0x439: {  	v6 =	vld [tilespmem:s31+$0xDE00];
	v5 =	vadd.f32 v9, v5  }
0x43a: {  	v9 =	vld [tilespmem:s31+$0xE800];
	v2 =	vadd.f32 v11, v2  }
0x43b: {  	v11 =	vld [tilespmem:s31+$0xF200];
	v7 =	vadd.f32 v8, v7  }
0x43c: {  	v3 =	vadd.f32 v10, v3;
	v8 =	vld [tilespmem:s31+$0xFC00]  }
0x43d: {  	v10 =	vld [tilespmem:s31+$0xCA80];
	v0 =	vadd.f32 v1, v0  }
0x43e: {  	v1 =	vld [tilespmem:s31+$0xD480];
	v4 =	vadd.f32 v6, v4  }
0x43f: {  	v6 =	vld [tilespmem:s31+$0xDE80];
	v5 =	vadd.f32 v9, v5  }
0x440: {  	v9 =	vld [tilespmem:s31+$0xE880];
	v2 =	vadd.f32 v11, v2  }
0x441: {  	v11 =	vld [tilespmem:s31+$0xF280];
	v7 =	vadd.f32 v8, v7  }
0x442: {  	v3 =	vadd.f32 v10, v3;
	v8 =	vld [tilespmem:s31+$0xFC80]  }
0x443: {  	v10 =	vld [tilespmem:s31+$0xCB00];
	v0 =	vadd.f32 v1, v0  }
0x444: {  	v1 =	vld [tilespmem:s31+$0xD500];
	v4 =	vadd.f32 v6, v4  }
0x445: {  	v6 =	vld [tilespmem:s31+$0xDF00];
	v5 =	vadd.f32 v9, v5  }
0x446: {  	v9 =	vld [tilespmem:s31+$0xE900];
	v2 =	vadd.f32 v11, v2  }
0x447: {  	v11 =	vld [tilespmem:s31+$0xF300];
	v7 =	vadd.f32 v8, v7  }
0x448: {  	v3 =	vadd.f32 v10, v3;
	v8 =	vld [tilespmem:s31+$0xFD00]  }
0x449: {  	v10 =	vld [tilespmem:s31+$0xCB80];
	v0 =	vadd.f32 v1, v0  }
0x44a: {  	v1 =	vld [tilespmem:s31+$0xD580];
	v4 =	vadd.f32 v6, v4  }
0x44b: {  	v6 =	vld [tilespmem:s31+$0xDF80];
	v5 =	vadd.f32 v9, v5  }
0x44c: {  	v9 =	vld [tilespmem:s31+$0xE980];
	v2 =	vadd.f32 v11, v2  }
0x44d: {  	v11 =	vld [tilespmem:s31+$0xF380];
	v7 =	vadd.f32 v8, v7  }
0x44e: {  	v3 =	vadd.f32 v10, v3;
	v8 =	vld [tilespmem:s31+$0xFD80]  }
0x44f: {  	v10 =	vld [tilespmem:s31+$0xCC00];
	v0 =	vadd.f32 v1, v0  }
0x450: {  	v1 =	vld [tilespmem:s31+$0xD600];
	v4 =	vadd.f32 v6, v4  }
0x451: {  	v6 =	vld [tilespmem:s31+$0xE000];
	v5 =	vadd.f32 v9, v5  }
0x452: {  	v9 =	vld [tilespmem:s31+$0xEA00];
	v2 =	vadd.f32 v11, v2  }
0x453: {  	v11 =	vld [tilespmem:s31+$0xF400];
	v7 =	vadd.f32 v8, v7  }
0x454: {  	v3 =	vadd.f32 v10, v3;
	v8 =	vld [tilespmem:s31+$0xFE00]  }
0x455: {  	v10 =	vld [tilespmem:s31+$0xCC80];
	v0 =	vadd.f32 v1, v0  }
0x456: {  	v1 =	vld [tilespmem:s31+$0xD680];
	v4 =	vadd.f32 v6, v4  }
0x457: {  	v6 =	vld [tilespmem:s31+$0xE080];
	v5 =	vadd.f32 v9, v5  }
0x458: {  	v9 =	vld [tilespmem:s31+$0xEA80];
	v2 =	vadd.f32 v11, v2  }
0x459: {  	v11 =	vld [tilespmem:s31+$0xF480];
	v7 =	vadd.f32 v8, v7  }
0x45a: {  	v3 =	vadd.f32 v10, v3;
	v8 =	vld [tilespmem:s31+$0xFE80]  }
0x45b: {  	v10 =	vld [tilespmem:s31+$0xCD00];
	v0 =	vadd.f32 v1, v0  }
0x45c: {  	v1 =	vld [tilespmem:s31+$0xD700];
	v4 =	vadd.f32 v6, v4  }
0x45d: {  	v6 =	vld [tilespmem:s31+$0xE100];
	v5 =	vadd.f32 v9, v5  }
0x45e: {  	v9 =	vld [tilespmem:s31+$0xEB00];
	v2 =	vadd.f32 v11, v2  }
0x45f: {  	v11 =	vld [tilespmem:s31+$0xF500];
	v7 =	vadd.f32 v8, v7  }
0x460: {  	v3 =	vadd.f32 v10, v3;
	v8 =	vld [tilespmem:s31+$0xFF00]  }
0x461: {  	v10 =	vld [tilespmem:s31+$0xCD80];
	v0 =	vadd.f32 v1, v0  }
0x462: {  	v1 =	vld [tilespmem:s31+$0xD780];
	v4 =	vadd.f32 v6, v4  }
0x463: {  	v6 =	vld [tilespmem:s31+$0xE180];
	v5 =	vadd.f32 v9, v5  }
0x464: {  	v9 =	vld [tilespmem:s31+$0xEB80];
	v2 =	vadd.f32 v11, v2  }
0x465: {  	v11 =	vld [tilespmem:s31+$0xF580];
	v7 =	vadd.f32 v8, v7  }
0x466: {  	v3 =	vadd.f32 v10, v3;
	v8 =	vld [tilespmem:s31+$0xFF80]  }
0x467: {  	v10 =	vld [tilespmem:s31+$0xCE00];
	v0 =	vadd.f32 v1, v0  }
0x468: {  	v1 =	vld [tilespmem:s31+$0xD800];
	v4 =	vadd.f32 v6, v4  }
0x469: {  	v6 =	vld [tilespmem:s31+$0xE200];
	v5 =	vadd.f32 v9, v5  }
0x46a: {  	v9 =	vld [tilespmem:s31+$0xEC00];
	v2 =	vadd.f32 v11, v2  }
0x46b: {  	v11 =	vld [tilespmem:s31+$0xF600];
	v7 =	vadd.f32 v8, v7  }
0x46c: {  	v3 =	vadd.f32 v10, v3;
	v8 =	vld [tilespmem:s31+$0x10000]  }
0x46d: {  	v10 =	vld [tilespmem:s31+$0xCE80];
	v0 =	vadd.f32 v1, v0  }
0x46e: {  	v1 =	vld [tilespmem:s31+$0xD880];
	v4 =	vadd.f32 v6, v4  }
0x46f: {  	v6 =	vld [tilespmem:s31+$0xE280];
	v5 =	vadd.f32 v9, v5  }
0x470: {  	v9 =	vld [tilespmem:s31+$0xEC80];
	v2 =	vadd.f32 v11, v2  }
0x471: {  	v11 =	vld [tilespmem:s31+$0xF680];
	v7 =	vadd.f32 v8, v7  }
0x472: {  	v3 =	vadd.f32 v10, v3;
	v8 =	vld [tilespmem:s31+$0x10080]  }
0x473: {  	v10 =	vld [tilespmem:s31+$0xCF00];
	v0 =	vadd.f32 v1, v0  }
0x474: {  	v1 =	vld [tilespmem:s31+$0xD900];
	v4 =	vadd.f32 v6, v4  }
0x475: {  	v6 =	vld [tilespmem:s31+$0xE300];
	v5 =	vadd.f32 v9, v5  }
0x476: {  	v9 =	vld [tilespmem:s31+$0xED00];
	v2 =	vadd.f32 v11, v2  }
0x477: {  	v11 =	vld [tilespmem:s31+$0xF700];
	v7 =	vadd.f32 v8, v7  }
0x478: {  	v3 =	vadd.f32 v10, v3;
	v8 =	vld [tilespmem:s31+$0x10100]  }
0x479: {  	v10 =	vld [tilespmem:s31+$0xCF80];
	v0 =	vadd.f32 v1, v0  }
0x47a: {  	v1 =	vld [tilespmem:s31+$0xD980];
	v4 =	vadd.f32 v6, v4  }
0x47b: {  	v6 =	vld [tilespmem:s31+$0xE380];
	v5 =	vadd.f32 v9, v5  }
0x47c: {  	v9 =	vld [tilespmem:s31+$0xED80];
	v2 =	vadd.f32 v11, v2  }
0x47d: {  	v11 =	vld [tilespmem:s31+$0xF780];
	v7 =	vadd.f32 v8, v7  }
0x47e: {  	v3 =	vadd.f32 v10, v3;
	v8 =	vld [tilespmem:s31+$0x10180]  }
0x47f: {  	v10 =	vld [tilespmem:s31+$0xD000];
	v0 =	vadd.f32 v1, v0  }
0x480: {  	v1 =	vld [tilespmem:s31+$0xDA00];
	v4 =	vadd.f32 v6, v4  }
0x481: {  	v6 =	vld [tilespmem:s31+$0xE400];
	v5 =	vadd.f32 v9, v5  }
0x482: {  	v9 =	vld [tilespmem:s31+$0xEE00];
	v2 =	vadd.f32 v11, v2  }
0x483: {  	v11 =	vld [tilespmem:s31+$0xF800];
	v7 =	vadd.f32 v8, v7  }
0x484: {  	v10 =	vadd.f32 v10, v3;
	v12 =	vld [tilespmem:s31+$0x10200]  }
0x485: {  	v13 =	vld [tilespmem:s31+$0xD080];
	v14 =	vadd.f32 v1, v0  }
0x486: {  	v15 =	vld [tilespmem:s31+$0xDA80];
	v8 =	vadd.f32 v6, v4  }
.Ltmp3:
0x487: {  	v6 =	vld [tilespmem:s31+$0xE480];
	v4 =	vadd.f32 v9, v5;
	(pc) =	sbr.rel @p1 .LBB2_9-.Ltmp3, $4  }
0x488: {  	v5 =	vld [tilespmem:s31+$0xEE80];
	v2 =	vadd.f32 v11, v2  }
0x489: {  	v3 =	vld [tilespmem:s31+$0xF880];
	v0 =	vadd.f32 v12, v7  }
0x48a: {  	s1 =	sshra.s32 s0, $0x2;
	v9 =	vadd.f32 v13, v10;
	v7 =	vld [tilespmem:s31+$0x10280]  }
0x48b: {  	s0 =	sadd.s32 $0x40, s0;
	v1 =	vld [tilespmem:s1+$0x10300];
	v10 =	vadd.f32 v15, v14  }
0x48c: {  	v11 =	vld [tilespmem:s1+$0x10380];
	[tilespmem:s31+$0x14F80] =	vst v9;
	v6 =	vadd.f32 v6, v8  }
0x48d: {  	v9 =	vld [tilespmem:s1+$0xC700];
	[tilespmem:s31+$0x15000] =	vst v10;
	v4 =	vadd.f32 v5, v4  }
0x48e: {  	v8 =	vld [tilespmem:s1+$0x10400];
	[tilespmem:s31+$0x15080] =	vst v6;
	v2 =	vadd.f32 v3, v2  }
0x48f: {  	v5 =	vld [tilespmem:s1+$0xC780];
	[tilespmem:s31+$0x15100] =	vst v4;
	v0 =	vadd.f32 v7, v0  }
0x490: {  	v3 =	vld [tilespmem:s1+$0x10480];
	[tilespmem:s31+$0x15180] =	vst v2  }
0x491: {  	v2 =	vld [tilespmem:s1+$0xD100];
	[tilespmem:s31+$0x15200] =	vst v0  }
0x492: {  	v0 =	vadd.f32 v11, v1;
	v1 =	vld [tilespmem:s1+$0x10500]  }
0x493: {  	v7 =	vld [tilespmem:s1+$0xD180]  }
0x494: {  	v6 =	vld [tilespmem:s1+$0x10580]  }
0x495: {  	v4 =	vld [tilespmem:s1+$0xDB00]  }
0x496: {  	v11 =	vld [tilespmem:s1+$0xE580]  }
0x497: {  	v12 =	vld [tilespmem:s1+$0xEF00]  }
0x498: {  	v13 =	vld [tilespmem:s1+$0xEF80]  }
0x499: {  	v14 =	vld [tilespmem:s1+$0xF900]  }
0x49a: {  	v15 =	vld [tilespmem:s1+$0xF980]  }
0x49b: {  	v16 =	vld [tilespmem:s1+$0xC800]  }
0x49c: {  	v17 =	vld [tilespmem:s1+$0xD200]  }
0x49d: {  	v18 =	vld [tilespmem:s1+$0xDC00]  }
0x49e: {  	v19 =	vld [tilespmem:s1+$0xE600]  }
0x49f: {  	v20 =	vld [tilespmem:s1+$0xF000]  }
0x4a0: {  	v21 =	vld [tilespmem:s1+$0xFA00]  }
0x4a1: {  	v22 =	vld [tilespmem:s1+$0xC880]  }
0x4a2: {  	v23 =	vld [tilespmem:s1+$0xDC80]  }
0x4a3: {  	v24 =	vld [tilespmem:s1+$0xF080]  }
0x4a4: {  	v25 =	vld [tilespmem:s1+$0xC900]  }
0x4a5: {  	v26 =	vld [tilespmem:s1+$0xDD00]  }
0x4a6: {  	v27 =	vld [tilespmem:s1+$0xE700]  }
0x4a7: {  	v28 =	vld [tilespmem:s1+$0xF100]  }
0x4a8: {  	v29 =	vld [tilespmem:s1+$0xFB00]  }
0x4a9: {  	v30 =	vld [tilespmem:s1+$0xC980]  }
0x4aa: {  	v31 =	vld [tilespmem:s1+$0xD380]  }
0x4ab: {  	v32 =	vld [tilespmem:s1+$0xDD80]  }
0x4ac: {  	v33 =	vld [tilespmem:s1+$0xE780]  }
0x4ad: {  	v34 =	vld [tilespmem:s1+$0xF180]  }
0x4ae: {  	v35 =	vld [tilespmem:s1+$0xFB80]  }
0x4af: {  	v36 =	vld [tilespmem:s1+$0xCA00]  }
0x4b0: {  	v37 =	vld [tilespmem:s1+$0xD400]  }
0x4b1: {  	v38 =	vld [tilespmem:s1+$0xDE00]  }
0x4b2: {  	v39 =	vld [tilespmem:s1+$0xE800]  }
0x4b3: {  	v40 =	vld [tilespmem:s1+$0xF200]  }
0x4b4: {  	v41 =	vld [tilespmem:s1+$0xFC00]  }
0x4b5: {  	v42 =	vld [tilespmem:s1+$0xCA80]  }
0x4b6: {  	v43 =	vld [tilespmem:s1+$0xD480]  }
0x4b7: {  	v44 =	vld [tilespmem:s1+$0xDE80]  }
0x4b8: {  	v45 =	vld [tilespmem:s1+$0xE880]  }
0x4b9: {  	v46 =	vld [tilespmem:s1+$0xF280]  }
0x4ba: {  	v47 =	vld [tilespmem:s1+$0xFC80]  }
0x4bb: {  	v48 =	vld [tilespmem:s1+$0xCB00]  }
0x4bc: {  	v49 =	vld [tilespmem:s1+$0xD500]  }
0x4bd: {  	v50 =	vld [tilespmem:s1+$0xDF00]  }
0x4be: {  	v51 =	vld [tilespmem:s1+$0xE900]  }
0x4bf: {  	v52 =	vld [tilespmem:s1+$0xF300]  }
0x4c0: {  	v53 =	vld [tilespmem:s1+$0xFD00];
	v0 =	vadd.f32 v8, v0  }
0x4c1: {  	v54 =	vld [tilespmem:s1+$0xCB80]  }
0x4c2: {  	v55 =	vld [tilespmem:s1+$0xD580];
	v0 =	vadd.f32 v3, v0  }
0x4c3: {  	v3 =	vld [tilespmem:s1+$0x10600]  }
0x4c4: {  	v56 =	vld [tilespmem:s1+$0xDF80];
	v0 =	vadd.f32 v1, v0  }
0x4c5: {  	v1 =	vld [tilespmem:s1+$0x10680]  }
0x4c6: {  	v57 =	vld [tilespmem:s1+$0xE980];
	v0 =	vadd.f32 v6, v0  }
0x4c7: {  	v6 =	vld [tilespmem:s1+$0x10700]  }
0x4c8: {  	v58 =	vld [tilespmem:s1+$0xF380];
	v0 =	vadd.f32 v3, v0  }
0x4c9: {  	v3 =	vld [tilespmem:s1+$0x10780]  }
0x4ca: {  	v59 =	vld [tilespmem:s1+$0xFD80];
	v0 =	vadd.f32 v1, v0  }
0x4cb: {  	v1 =	vld [tilespmem:s1+$0x10800]  }
0x4cc: {  	v60 =	vld [tilespmem:s1+$0xCC00];
	v0 =	vadd.f32 v6, v0  }
0x4cd: {  	v6 =	vld [tilespmem:s1+$0x10880]  }
0x4ce: {  	v61 =	vld [tilespmem:s1+$0xD600];
	v0 =	vadd.f32 v3, v0  }
0x4cf: {  	v3 =	vld [tilespmem:s1+$0x10900]  }
0x4d0: {  	v62 =	vld [tilespmem:s1+$0xE000];
	v0 =	vadd.f32 v1, v0  }
0x4d1: {  	v1 =	vld [tilespmem:s1+$0x10980]  }
0x4d2: {  	v63 =	vld [tilespmem:s1+$0xEA00];
	v0 =	vadd.f32 v6, v0  }
0x4d3: {  	v6 =	vld [tilespmem:s1+$0x10A00]  }
0x4d4: {  	v10 =	vld [tilespmem:s1+$0xF400];
	v0 =	vadd.f32 v3, v0  }
0x4d5: {  	v3 =	vld [tilespmem:s1+$0x10A80]  }
0x4d6: {  	[tilespmem:$0x1FF70] =	vst v4;
	v4 =	vld [tilespmem:s1+$0xDB80];
	v0 =	vadd.f32 v1, v0  }
0x4d7: {  	v1 =	vld [tilespmem:s1+$0x10B00]  }
0x4d8: {  	[tilespmem:$0x1FF50] =	vst v9;
	v9 =	vld [tilespmem:s1+$0xFE00];
	v0 =	vadd.f32 v6, v0  }
0x4d9: {  	v6 =	vld [tilespmem:s1+$0x10B80]  }
0x4da: {  	v8 =	vld [tilespmem:s1+$0xD680];
	v0 =	vadd.f32 v3, v0  }
0x4db: {  	v3 =	vld [tilespmem:s1+$0x10C00]  }
0x4dc: {  	[tilespmem:$0x1FF80] =	vst v4;
	v4 =	vld [tilespmem:s1+$0xE500];
	v0 =	vadd.f32 v1, v0  }
0x4dd: {  	v12 =	vadd.f32 v13, v12;
	v1 =	vld [tilespmem:s1+$0x10C80]  }
0x4de: {  	[tilespmem:$0x1FF60] =	vst v5;
	v5 =	vld [tilespmem:s1+$0xD300];
	v0 =	vadd.f32 v6, v0  }
0x4df: {  	v13 =	vadd.f32 v15, v14;
	v14 =	vld [tilespmem:s1+$0xEA80];
	v12 =	vadd.f32 v20, v12  }
0x4e0: {  	v15 =	vld [tilespmem:s1+$0xF480];
	v0 =	vadd.f32 v3, v0  }
0x4e1: {  	v20 =	vld [tilespmem:s1+$0xD780];
	v12 =	vadd.f32 v24, v12  }
0x4e2: {  	[tilespmem:$0x1FF90] =	vst v4;
	v4 =	vld [tilespmem:s1+$0xFA80];
	v0 =	vadd.f32 v1, v0  }
0x4e3: {  	v13 =	vadd.f32 v21, v13;
	v21 =	vld [tilespmem:s1+$0xE180];
	v12 =	vadd.f32 v28, v12  }
0x4e4: {  	[tilespmem:s1+$0x15280] =	vst v0;
	v0 =	vld [tilespmem:s1+$0xCC80]  }
0x4e5: {  	v24 =	vld [tilespmem:s1+$0xFF80];
	v12 =	vadd.f32 v34, v12  }
0x4e6: {  	v28 =	vld [tilespmem:s1+$0xEC00]  }
0x4e7: {  	v12 =	vadd.f32 v40, v12;
	v40 =	vld [tilespmem:s1+$0xD880];
	v4 =	vadd.f32 v4, v13  }
0x4e8: {  	v1 =	vld [tilespmem:$0x1FF60]  }
0x4e9: {  	v12 =	vadd.f32 v46, v12;
	v4 =	vadd.f32 v29, v4;
	[tilespmem:$0x1FFA0] =	vst v0;
	v0 =	vld [tilespmem:$0x1FF50]  }
0x4ea: {  	v46 =	vld [tilespmem:s1+$0xED00]  }
0x4eb: {  	v12 =	vadd.f32 v52, v12;
	v52 =	vld [tilespmem:s1+$0xD000];
	v4 =	vadd.f32 v35, v4  }
0x4ec: {  	v13 =	vld [tilespmem:s1+$0xEB00]  }
0x4ed: {  	v4 =	vadd.f32 v41, v4;
	v6 =	vld [tilespmem:s1+$0xD280]  }
0x4ee: {  	v0 =	vadd.f32 v1, v0;
	v1 =	vadd.f32 v7, v2;
	v2 =	vld [tilespmem:$0x1FF70]  }
0x4ef: {  	v4 =	vadd.f32 v47, v4;
	v7 =	vld [tilespmem:$0x1FF80]  }
0x4f0: {  	v12 =	vadd.f32 v58, v12;
	v29 =	vld [tilespmem:s1+$0xF600]  }
0x4f1: {  	v41 =	vld [tilespmem:s1+$0xE280];
	v4 =	vadd.f32 v53, v4;
	v0 =	vadd.f32 v16, v0  }
0x4f2: {  	v10 =	vadd.f32 v10, v12;
	v1 =	vadd.f32 v17, v1;
	v16 =	vld [tilespmem:s1+$0xFE80]  }
0x4f3: {  	v47 =	vld [tilespmem:s1+$0xD980];
	v4 =	vadd.f32 v59, v4;
	v0 =	vadd.f32 v22, v0  }
0x4f4: {  	v1 =	vadd.f32 v6, v1;
	v2 =	vadd.f32 v7, v2;
	v7 =	vld [tilespmem:$0x1FF90]  }
0x4f5: {  	v10 =	vadd.f32 v15, v10;
	v53 =	vld [tilespmem:s1+$0xCE80];
	v4 =	vadd.f32 v9, v4  }
0x4f6: {  	v0 =	vadd.f32 v25, v0;
	v1 =	vadd.f32 v5, v1;
	v5 =	vld [tilespmem:s1+$0xF500]  }
0x4f7: {  	v3 =	vld [tilespmem:s1+$0xE680];
	v2 =	vadd.f32 v18, v2;
	v4 =	vadd.f32 v16, v4  }
0x4f8: {  	v18 =	vld [tilespmem:s1+$0xFF00];
	v0 =	vadd.f32 v30, v0;
	v1 =	vadd.f32 v31, v1  }
0x4f9: {  	v9 =	vld [tilespmem:s1+$0xCF00];
	v2 =	vadd.f32 v23, v2;
	v11 =	vadd.f32 v11, v7  }
0x4fa: {  	v17 =	vld [tilespmem:s1+$0xCD00];
	v0 =	vadd.f32 v36, v0;
	v1 =	vadd.f32 v37, v1  }
0x4fb: {  	v23 =	vld [tilespmem:s1+$0xF580];
	v2 =	vadd.f32 v26, v2;
	v5 =	vadd.f32 v5, v10  }
0x4fc: {  	v6 =	vld [tilespmem:s1+$0xD700];
	v11 =	vadd.f32 v19, v11;
	v0 =	vadd.f32 v42, v0  }
0x4fd: {  	v22 =	vld [tilespmem:s1+$0xEB80];
	v1 =	vadd.f32 v43, v1;
	v4 =	vadd.f32 v18, v4  }
0x4fe: {  	v25 =	vld [tilespmem:s1+$0xCE00];
	v2 =	vadd.f32 v32, v2;
	v3 =	vadd.f32 v3, v11  }
0x4ff: {  	v30 =	vld [tilespmem:s1+$0x10000];
	v0 =	vadd.f32 v48, v0;
	v1 =	vadd.f32 v49, v1  }
0x500: {  	v7 =	vld [tilespmem:s1+$0xE080];
	v5 =	vadd.f32 v23, v5;
	v4 =	vadd.f32 v24, v4  }
0x501: {  	v26 =	vld [tilespmem:s1+$0xD800];
	v2 =	vadd.f32 v38, v2;
	v3 =	vadd.f32 v27, v3  }
0x502: {  	v10 =	vld [tilespmem:s1+$0xCF80];
	v0 =	vadd.f32 v54, v0;
	v1 =	vadd.f32 v55, v1  }
0x503: {  	v43 =	vld [tilespmem:s1+$0xF680];
	v5 =	vadd.f32 v29, v5;
	v3 =	vadd.f32 v33, v3  }
0x504: {  	v19 =	vld [tilespmem:s1+$0xCD80];
	v4 =	vadd.f32 v30, v4;
	v2 =	vadd.f32 v44, v2  }
0x505: {  	v44 =	vld [tilespmem:s1+$0x10080];
	v1 =	vadd.f32 v61, v1;
	v3 =	vadd.f32 v39, v3  }
0x506: {  	v42 =	vld [tilespmem:s1+$0xEC80];
	v0 =	vadd.f32 v60, v0;
	v2 =	vadd.f32 v50, v2  }
0x507: {  	v1 =	vadd.f32 v8, v1;
	v3 =	vadd.f32 v45, v3;
	v45 =	vld [tilespmem:$0x1FFA0]  }
0x508: {  	v11 =	vld [tilespmem:s1+$0xE100];
	v5 =	vadd.f32 v43, v5;
	v2 =	vadd.f32 v56, v2  }
0x509: {  	v48 =	vld [tilespmem:s1+$0xE380];
	v1 =	vadd.f32 v6, v1;
	v3 =	vadd.f32 v51, v3  }
0x50a: {  	v6 =	vld [tilespmem:s1+$0xF700];
	v4 =	vadd.f32 v44, v4;
	v2 =	vadd.f32 v62, v2  }
0x50b: {  	v49 =	vld [tilespmem:s1+$0xED80];
	v1 =	vadd.f32 v20, v1;
	v3 =	vadd.f32 v57, v3  }
0x50c: {  	v27 =	vld [tilespmem:s1+$0xE200];
	v2 =	vadd.f32 v7, v2;
	v0 =	vadd.f32 v45, v0  }
0x50d: {  	v50 =	vld [tilespmem:s1+$0xF780];
	v1 =	vadd.f32 v26, v1;
	v3 =	vadd.f32 v63, v3  }
0x50e: {  	v8 =	vld [tilespmem:s1+$0xD900];
	v2 =	vadd.f32 v11, v2;
	v0 =	vadd.f32 v17, v0  }
0x50f: {  	v54 =	vld [tilespmem:s1+$0xE400];
	v5 =	vadd.f32 v6, v5;
	v3 =	vadd.f32 v14, v3  }
0x510: {  	v11 =	vld [tilespmem:s1+$0x10100];
	v1 =	vadd.f32 v40, v1;
	v0 =	vadd.f32 v19, v0  }
0x511: {  	v55 =	vld [tilespmem:s1+$0xEE00];
	v2 =	vadd.f32 v21, v2;
	v3 =	vadd.f32 v13, v3  }
0x512: {  	v51 =	vld [tilespmem:s1+$0x10180];
	v5 =	vadd.f32 v50, v5;
	v0 =	vadd.f32 v25, v0  }
0x513: {  	v7 =	vld [tilespmem:s1+$0xE300];
	v1 =	vadd.f32 v8, v1;
	v3 =	vadd.f32 v22, v3  }
0x514: {  	v6 =	vld [tilespmem:s1+$0xD080];
	v2 =	vadd.f32 v27, v2;
	v0 =	vadd.f32 v53, v0  }
0x515: {  	v8 =	vld [tilespmem:s1+$0xF800];
	v4 =	vadd.f32 v11, v4;
	v3 =	vadd.f32 v28, v3  }
0x516: {  	v2 =	vadd.f32 v41, v2;
	v53 =	vld [tilespmem:s1+$0xDA00];
	v0 =	vadd.f32 v9, v0  }
0x517: {  	v1 =	vadd.f32 v47, v1;
	v11 =	vld [tilespmem:s1+$0xEE80];
	v3 =	vadd.f32 v42, v3  }
0x518: {  	v2 =	vadd.f32 v7, v2;
	v9 =	vld [tilespmem:s1+$0xDA80];
	v0 =	vadd.f32 v10, v0  }
0x519: {  	v4 =	vadd.f32 v51, v4;
	v10 =	vld [tilespmem:s1+$0xE480];
	v3 =	vadd.f32 v46, v3  }
0x51a: {  	v7 =	vld [tilespmem:s1+$0x10200];
	v2 =	vadd.f32 v48, v2;
	v0 =	vadd.f32 v52, v0  }
0x51b: {  	v56 =	vld [tilespmem:s1+$0xF880];
	v1 =	vadd.f32 v53, v1;
	v3 =	vadd.f32 v49, v3  }
0x51c: {  	v2 =	vadd.f32 v54, v2;
	v0 =	vadd.f32 v6, v0;
	v6 =	vld [tilespmem:s1+$0x10280]  }
0x51d: {  	v1 =	vadd.f32 v9, v1;
	v3 =	vadd.f32 v55, v3  }
0x51e: {  	v5 =	vadd.f32 v8, v5;
	[tilespmem:s1+$0x14F80] =	vst v0;
	v0 =	vadd.f32 v10, v2  }
0x51f: {  	[tilespmem:s1+$0x15000] =	vst v1;
	v2 =	vadd.f32 v7, v4;
	v1 =	vadd.f32 v11, v3  }
0x520: {  	[tilespmem:s1+$0x15080] =	vst v0;
	v0 =	vadd.f32 v56, v5  }
0x521: {  	[tilespmem:s1+$0x15100] =	vst v1;
	v1 =	vadd.f32 v6, v2  }
0x522: {  	s0 =	sadd.s32 @!p0 $0x100, s30;
	[tilespmem:s1+$0x15180] =	vst v0  }
0x523: {  	s9 =	simm.s32 @!p0 $0xC500;
	s31 =	simm.s32 $0x0;
	[tilespmem:s1+$0x15200] =	vst v1;
	s1 =	simm.s32 @!p0 $0x80  }
0x524: {  	[tilespmem:s9], [sflag:$0x2] =	stream.indirect.gather @!p0 [hbm4b:s2+s1], $0x80, s0, s1, $0xb8;
	[tilespmem:$0x15900] =	vst v63  }
0x525: {  	v0 =	vld [tilespmem:s31+$0x13F00]  }
0x526: {  	v1 =	vld [tilespmem:s31+$0x13F80]  }
0x527: {  	v2 =	vld [tilespmem:s31+$0x10D00]  }
0x528: {  	v3 =	vld [tilespmem:s31+$0x14000]  }
0x529: {  	v4 =	vld [tilespmem:s31+$0x10D80]  }
0x52a: {  	v5 =	vld [tilespmem:s31+$0x14080]  }
0x52b: {  	v6 =	vld [tilespmem:s31+$0x11700]  }
0x52c: {  	v7 =	vld [tilespmem:s31+$0x11780]  }
0x52d: {  	v8 =	vld [tilespmem:s31+$0x12100]  }
0x52e: {  	v9 =	vld [tilespmem:s31+$0x12180]  }
0x52f: {  	v10 =	vld [tilespmem:s31+$0x12B00]  }
0x530: {  	v11 =	vld [tilespmem:s31+$0x12B80]  }
0x531: {  	v12 =	vld [tilespmem:s31+$0x13500]  }
0x532: {  	v13 =	vld [tilespmem:s31+$0x13580]  }
0x533: {  	v14 =	vld [tilespmem:s31+$0x10E00]  }
0x534: {  	v57 =	vld [tilespmem:s31+$0x11800]  }
0x535: {  	v16 =	vld [tilespmem:s31+$0x12200]  }
0x536: {  	v58 =	vld [tilespmem:s31+$0x12C00]  }
0x537: {  	v18 =	vld [tilespmem:s31+$0x13600]  }
0x538: {  	v59 =	vld [tilespmem:s31+$0x10E80]  }
0x539: {  	v20 =	vld [tilespmem:s31+$0x11880]  }
0x53a: {  	v60 =	vld [tilespmem:s31+$0x12280]  }
0x53b: {  	v22 =	vld [tilespmem:s31+$0x12C80]  }
0x53c: {  	v23 =	vld [tilespmem:s31+$0x10F00]  }
0x53d: {  	v24 =	vld [tilespmem:s31+$0x12300]  }
0x53e: {  	v25 =	vld [tilespmem:s31+$0x13700]  }
0x53f: {  	v26 =	vld [tilespmem:s31+$0x11980]  }
0x540: {  	v61 =	vld [tilespmem:s31+$0x12380]  }
0x541: {  	v28 =	vld [tilespmem:s31+$0x12D80]  }
0x542: {  	v62 =	vld [tilespmem:s31+$0x13780]  }
0x543: {  	v30 =	vld [tilespmem:s31+$0x11000]  }
0x544: {  	v63 =	vld [tilespmem:s31+$0x11A00]  }
0x545: {  	v32 =	vld [tilespmem:s31+$0x12400]  }
0x546: {  	v33 =	vld [tilespmem:s31+$0x12E00]  }
0x547: {  	v34 =	vld [tilespmem:s31+$0x13800]  }
0x548: {  	v35 =	vld [tilespmem:s31+$0x11080]  }
0x549: {  	v36 =	vld [tilespmem:s31+$0x11A80]  }
0x54a: {  	v37 =	vld [tilespmem:s31+$0x12480]  }
0x54b: {  	v38 =	vld [tilespmem:s31+$0x12E80]  }
0x54c: {  	v39 =	vld [tilespmem:s31+$0x13880]  }
0x54d: {  	v40 =	vld [tilespmem:s31+$0x11100]  }
0x54e: {  	v41 =	vld [tilespmem:s31+$0x11B00]  }
0x54f: {  	v42 =	vld [tilespmem:s31+$0x12500]  }
0x550: {  	v43 =	vld [tilespmem:s31+$0x12F00]  }
0x551: {  	v44 =	vld [tilespmem:s31+$0x13900]  }
0x552: {  	v45 =	vld [tilespmem:s31+$0x11180]  }
0x553: {  	v46 =	vld [tilespmem:s31+$0x11B80]  }
0x554: {  	v47 =	vld [tilespmem:s31+$0x12580];
	v0 =	vadd.f32 v1, v0  }
0x555: {  	v1 =	vld [tilespmem:s31+$0x14100]  }
0x556: {  	v48 =	vld [tilespmem:s31+$0x12F80];
	v0 =	vadd.f32 v3, v0  }
0x557: {  	v3 =	vld [tilespmem:s31+$0x14180]  }
0x558: {  	v49 =	vld [tilespmem:s31+$0x13980];
	v0 =	vadd.f32 v5, v0  }
0x559: {  	v5 =	vld [tilespmem:s31+$0x14200]  }
0x55a: {  	v50 =	vld [tilespmem:s31+$0x11200];
	v0 =	vadd.f32 v1, v0  }
0x55b: {  	v1 =	vld [tilespmem:s31+$0x14280]  }
0x55c: {  	v51 =	vld [tilespmem:s31+$0x11C00];
	v0 =	vadd.f32 v3, v0  }
0x55d: {  	v3 =	vld [tilespmem:s31+$0x14300]  }
0x55e: {  	v52 =	vld [tilespmem:s31+$0x12600];
	v0 =	vadd.f32 v5, v0  }
0x55f: {  	v5 =	vld [tilespmem:s31+$0x14380]  }
0x560: {  	v53 =	vld [tilespmem:s31+$0x13000];
	v0 =	vadd.f32 v1, v0  }
0x561: {  	v1 =	vld [tilespmem:s31+$0x14400]  }
0x562: {  	v54 =	vld [tilespmem:s31+$0x13A00];
	v0 =	vadd.f32 v3, v0  }
0x563: {  	v3 =	vld [tilespmem:s31+$0x14480]  }
0x564: {  	v55 =	vld [tilespmem:s31+$0x13C80];
	v0 =	vadd.f32 v5, v0  }
0x565: {  	v5 =	vld [tilespmem:s31+$0x14500]  }
0x566: {  	v56 =	vld [tilespmem:s31+$0x13300];
	v0 =	vadd.f32 v1, v0  }
0x567: {  	v1 =	vld [tilespmem:s31+$0x14580]  }
0x568: {  	v2 =	vadd.f32 v4, v2;
	v4 =	vld [tilespmem:s31+$0x11280];
	v0 =	vadd.f32 v3, v0  }
0x569: {  	v6 =	vadd.f32 v7, v6;
	v7 =	vadd.f32 v9, v8;
	v3 =	vld [tilespmem:s31+$0x14600]  }
0x56a: {  	v8 =	vld [tilespmem:s31+$0x11C80];
	v0 =	vadd.f32 v5, v0  }
0x56b: {  	v7 =	vadd.f32 v16, v7;
	v5 =	vld [tilespmem:s31+$0x14680]  }
0x56c: {  	v9 =	vadd.f32 v11, v10;
	v11 =	vld [tilespmem:s31+$0x12680];
	v0 =	vadd.f32 v1, v0  }
0x56d: {  	v7 =	vadd.f32 v60, v7;
	v1 =	vld [tilespmem:s31+$0x14700]  }
0x56e: {  	v6 =	vadd.f32 v57, v6;
	v57 =	vld [tilespmem:s31+$0x13080];
	v0 =	vadd.f32 v3, v0  }
0x56f: {  	v2 =	vadd.f32 v14, v2;
	v7 =	vadd.f32 v24, v7;
	v3 =	vld [tilespmem:s31+$0x14780]  }
0x570: {  	v9 =	vadd.f32 v58, v9;
	v58 =	vld [tilespmem:s31+$0x13A80];
	v0 =	vadd.f32 v5, v0  }
0x571: {  	v7 =	vadd.f32 v61, v7;
	v5 =	vld [tilespmem:s31+$0x14800]  }
0x572: {  	v2 =	vadd.f32 v59, v2;
	v59 =	vld [tilespmem:s31+$0x11300];
	v0 =	vadd.f32 v1, v0  }
0x573: {  	v7 =	vadd.f32 v32, v7;
	v1 =	vld [tilespmem:s31+$0x14880]  }
0x574: {  	v0 =	vadd.f32 v3, v0;
	v3 =	vld [tilespmem:s31+$0x13680]  }
0x575: {  	v10 =	vadd.f32 v13, v12;
	v60 =	vld [tilespmem:s31+$0x11D00];
	v7 =	vadd.f32 v37, v7  }
0x576: {  	v61 =	vld [tilespmem:s31+$0x11D80];
	v0 =	vadd.f32 v5, v0  }
0x577: {  	v10 =	vadd.f32 v18, v10;
	v7 =	vadd.f32 v42, v7;
	v5 =	vld [tilespmem:s31+$0x11900]  }
0x578: {  	v0 =	vadd.f32 v1, v0;
	v1 =	vld [tilespmem:s31+$0x12D00]  }
0x579: {  	v7 =	vadd.f32 v47, v7;
	v3 =	vadd.f32 v3, v10;
	v10 =	vld [tilespmem:s31+$0x12700]  }
0x57a: {  	v6 =	vadd.f32 v20, v6;
	v9 =	vadd.f32 v22, v9;
	[tilespmem:s31+$0x15580] =	vst v0;
	v0 =	vld [tilespmem:s31+$0x10F80]  }
0x57b: {  	v2 =	vadd.f32 v23, v2;
	v37 =	vld [tilespmem:s31+$0x11E00];
	v7 =	vadd.f32 v52, v7  }
0x57c: {  	v47 =	vld [tilespmem:s31+$0x11E80];
	v5 =	vadd.f32 v5, v6;
	v3 =	vadd.f32 v25, v3  }
0x57d: {  	v7 =	vadd.f32 v11, v7;
	v11 =	vld [tilespmem:s31+$0x12900];
	v1 =	vadd.f32 v1, v9  }
0x57e: {  	v5 =	vadd.f32 v26, v5;
	v3 =	vadd.f32 v62, v3;
	v62 =	vld [tilespmem:s31+$0x12780]  }
0x57f: {  	v6 =	vld [tilespmem:s31+$0x13100];
	v7 =	vadd.f32 v10, v7;
	v0 =	vadd.f32 v0, v2  }
0x580: {  	v9 =	vld [tilespmem:s31+$0x13B00];
	v1 =	vadd.f32 v28, v1;
	v5 =	vadd.f32 v63, v5  }
0x581: {  	v10 =	vld [tilespmem:s31+$0x12980];
	v3 =	vadd.f32 v34, v3;
	v0 =	vadd.f32 v30, v0  }
0x582: {  	v2 =	vld [tilespmem:s31+$0x11380];
	v1 =	vadd.f32 v33, v1;
	v5 =	vadd.f32 v36, v5  }
0x583: {  	v3 =	vadd.f32 v39, v3;
	v39 =	vld [tilespmem:s31+$0x12800];
	v7 =	vadd.f32 v62, v7  }
0x584: {  	v63 =	vld [tilespmem:s31+$0x13180];
	v0 =	vadd.f32 v35, v0;
	v1 =	vadd.f32 v38, v1  }
0x585: {  	v33 =	vld [tilespmem:s31+$0x13B80];
	v5 =	vadd.f32 v41, v5;
	v3 =	vadd.f32 v44, v3  }
0x586: {  	v62 =	vld [tilespmem:s31+$0x11680];
	v0 =	vadd.f32 v40, v0;
	v1 =	vadd.f32 v43, v1  }
0x587: {  	v5 =	vadd.f32 v46, v5;
	v3 =	vadd.f32 v49, v3;
	v49 =	vld [tilespmem:s31+$0x12880]  }
0x588: {  	v35 =	vld [tilespmem:s31+$0x11400];
	v7 =	vadd.f32 v39, v7;
	v0 =	vadd.f32 v45, v0  }
0x589: {  	v41 =	vld [tilespmem:s31+$0x13200];
	v1 =	vadd.f32 v48, v1;
	v5 =	vadd.f32 v51, v5  }
0x58a: {  	v43 =	vld [tilespmem:s31+$0x13C00];
	v3 =	vadd.f32 v54, v3;
	v0 =	vadd.f32 v50, v0  }
0x58b: {  	v45 =	vld [tilespmem:s31+$0x11480];
	v1 =	vadd.f32 v53, v1;
	v5 =	vadd.f32 v8, v5  }
0x58c: {  	v51 =	vld [tilespmem:s31+$0x13280];
	v3 =	vadd.f32 v58, v3;
	v7 =	vadd.f32 v49, v7  }
0x58d: {  	v8 =	vld [tilespmem:s31+$0x11F00];
	v0 =	vadd.f32 v4, v0;
	v1 =	vadd.f32 v57, v1  }
0x58e: {  	v58 =	vld [tilespmem:s31+$0x13D80];
	v5 =	vadd.f32 v60, v5;
	v3 =	vadd.f32 v9, v3  }
0x58f: {  	v4 =	vld [tilespmem:s31+$0x11500];
	v7 =	vadd.f32 v11, v7;
	v0 =	vadd.f32 v59, v0  }
0x590: {  	v9 =	vld [tilespmem:s31+$0x11F80];
	v1 =	vadd.f32 v6, v1;
	v5 =	vadd.f32 v61, v5  }
0x591: {  	v57 =	vld [tilespmem:s31+$0x13380];
	v3 =	vadd.f32 v33, v3;
	v0 =	vadd.f32 v2, v0  }
0x592: {  	v6 =	vld [tilespmem:s31+$0x13D00];
	v7 =	vadd.f32 v10, v7;
	v1 =	vadd.f32 v63, v1  }
0x593: {  	v61 =	vld [tilespmem:s31+$0x12A00];
	v5 =	vadd.f32 v37, v5;
	v0 =	vadd.f32 v35, v0  }
0x594: {  	v2 =	vld [tilespmem:s31+$0x11580];
	v3 =	vadd.f32 v43, v3;
	v1 =	vadd.f32 v41, v1  }
0x595: {  	v60 =	vld [tilespmem:s31+$0x12000];
	v5 =	vadd.f32 v47, v5;
	v0 =	vadd.f32 v45, v0  }
0x596: {  	v59 =	vld [tilespmem:s31+$0x11600];
	v3 =	vadd.f32 v55, v3;
	v1 =	vadd.f32 v51, v1  }
0x597: {  	v0 =	vadd.f32 v4, v0;
	v4 =	vadd.f32 v8, v5;
	v5 =	vld [tilespmem:s31+$0x13400]  }
0x598: {  	v11 =	vld [tilespmem:s31+$0x13E00];
	v7 =	vadd.f32 v61, v7;
	v1 =	vadd.f32 v56, v1  }
0x599: {  	v3 =	vadd.f32 v6, v3;
	v6 =	vld [tilespmem:s31+$0x12080];
	v0 =	vadd.f32 v2, v0  }
0x59a: {  	v4 =	vadd.f32 v9, v4;
	v9 =	vadd.f32 v57, v1;
	v2 =	vld [tilespmem:s31+$0x12A80]  }
0x59b: {  	v10 =	vadd.f32 v58, v3;
	v1 =	vld [tilespmem:s31+$0x13480];
	v63 =	vadd.f32 v59, v0  }
0x59c: {  	s1 =	simm.s32 $0x10;
	v8 =	vadd.f32 v60, v4;
	v3 =	vadd.f32 v5, v9;
	v5 =	vld [tilespmem:s31+$0x13E80]  }
0x59d: {  	s0 =	simm.s32 $0x80;
	v4 =	vadd.f32 v11, v10;
	v0 =	vld [tilespmem:s1+$0x13F00];
	v9 =	vadd.f32 v62, v63  }
.LBB2_11:
0x59e: {  	p1 =	sne.s32 s0, $0x1C0;
	v10 =	vld [tilespmem:s1+$0x13F80];
	v6 =	vadd.f32 v6, v8  }
0x59f: {  	v8 =	vld [tilespmem:s1+$0x10D00];
	[tilespmem:s31+$0x15300] =	vst v9;
	v2 =	vadd.f32 v2, v7  }
0x5a0: {  	v7 =	vld [tilespmem:s1+$0x14000];
	[tilespmem:s31+$0x15380] =	vst v6;
	v1 =	vadd.f32 v1, v3  }
0x5a1: {  	v3 =	vld [tilespmem:s1+$0x10D80];
	[tilespmem:s31+$0x15400] =	vst v2;
	v2 =	vadd.f32 v5, v4  }
0x5a2: {  	v4 =	vld [tilespmem:s1+$0x14080];
	[tilespmem:s31+$0x15480] =	vst v1  }
0x5a3: {  	v1 =	vld [tilespmem:s1+$0x11700];
	v0 =	vadd.f32 v10, v0;
	[tilespmem:s31+$0x15500] =	vst v2;
	s31 =	smov.u32 s1  }
0x5a4: {  	v2 =	vld [tilespmem:s31+$0x14100]  }
0x5a5: {  	v5 =	vld [tilespmem:s31+$0x11780];
	v0 =	vadd.f32 v7, v0  }
0x5a6: {  	v3 =	vadd.f32 v3, v8;
	v6 =	vld [tilespmem:s31+$0x14180]  }
0x5a7: {  	v7 =	vld [tilespmem:s31+$0x12100];
	v0 =	vadd.f32 v4, v0  }
0x5a8: {  	v4 =	vld [tilespmem:s31+$0x14200]  }
0x5a9: {  	v8 =	vld [tilespmem:s31+$0x12180];
	v0 =	vadd.f32 v2, v0  }
0x5aa: {  	v1 =	vadd.f32 v5, v1;
	v2 =	vld [tilespmem:s31+$0x14280]  }
0x5ab: {  	v5 =	vld [tilespmem:s31+$0x12B00];
	v0 =	vadd.f32 v6, v0  }
0x5ac: {  	v6 =	vld [tilespmem:s31+$0x14300]  }
0x5ad: {  	v9 =	vld [tilespmem:s31+$0x12B80];
	v0 =	vadd.f32 v4, v0  }
0x5ae: {  	v4 =	vadd.f32 v8, v7;
	v7 =	vld [tilespmem:s31+$0x14380]  }
0x5af: {  	v8 =	vld [tilespmem:s31+$0x13500];
	v0 =	vadd.f32 v2, v0  }
0x5b0: {  	v2 =	vld [tilespmem:s31+$0x14400]  }
0x5b1: {  	v10 =	vld [tilespmem:s31+$0x13580];
	v0 =	vadd.f32 v6, v0  }
0x5b2: {  	v5 =	vadd.f32 v9, v5;
	v6 =	vld [tilespmem:s31+$0x14480]  }
0x5b3: {  	v9 =	vld [tilespmem:s31+$0x10E00];
	v0 =	vadd.f32 v7, v0  }
0x5b4: {  	v7 =	vld [tilespmem:s31+$0x14500]  }
0x5b5: {  	v11 =	vld [tilespmem:s31+$0x11800];
	v0 =	vadd.f32 v2, v0  }
0x5b6: {  	v2 =	vadd.f32 v10, v8;
	v8 =	vld [tilespmem:s31+$0x14580]  }
0x5b7: {  	v10 =	vld [tilespmem:s31+$0x12200];
	v0 =	vadd.f32 v6, v0  }
0x5b8: {  	v3 =	vadd.f32 v9, v3;
	v6 =	vld [tilespmem:s31+$0x14600]  }
0x5b9: {  	v9 =	vld [tilespmem:s31+$0x12C00];
	v0 =	vadd.f32 v7, v0  }
0x5ba: {  	v1 =	vadd.f32 v11, v1;
	v7 =	vld [tilespmem:s31+$0x14680]  }
0x5bb: {  	v11 =	vld [tilespmem:s31+$0x13600];
	v0 =	vadd.f32 v8, v0  }
0x5bc: {  	v4 =	vadd.f32 v10, v4;
	v8 =	vld [tilespmem:s31+$0x14700]  }
0x5bd: {  	v10 =	vld [tilespmem:s31+$0x10E80];
	v0 =	vadd.f32 v6, v0  }
0x5be: {  	v5 =	vadd.f32 v9, v5;
	v6 =	vld [tilespmem:s31+$0x14780]  }
0x5bf: {  	v9 =	vld [tilespmem:s31+$0x11880];
	v0 =	vadd.f32 v7, v0  }
0x5c0: {  	v2 =	vadd.f32 v11, v2;
	v7 =	vld [tilespmem:s31+$0x14800]  }
0x5c1: {  	v11 =	vld [tilespmem:s31+$0x12280];
	v0 =	vadd.f32 v8, v0  }
0x5c2: {  	v3 =	vadd.f32 v10, v3;
	v8 =	vld [tilespmem:s31+$0x14880]  }
0x5c3: {  	v10 =	vld [tilespmem:s31+$0x12C80];
	v0 =	vadd.f32 v6, v0  }
0x5c4: {  	v1 =	vadd.f32 v9, v1;
	v6 =	vld [tilespmem:s31+$0x13680]  }
0x5c5: {  	v9 =	vld [tilespmem:s31+$0x10F00];
	v0 =	vadd.f32 v7, v0  }
0x5c6: {  	v7 =	vld [tilespmem:s31+$0x11900];
	v4 =	vadd.f32 v11, v4  }
0x5c7: {  	v11 =	vld [tilespmem:s31+$0x12300];
	v0 =	vadd.f32 v8, v0  }
0x5c8: {  	v5 =	vadd.f32 v10, v5;
	v8 =	vld [tilespmem:s31+$0x12D00]  }
0x5c9: {  	v2 =	vadd.f32 v6, v2;
	v6 =	vld [tilespmem:s31+$0x13700];
	[tilespmem:s31+$0x15580] =	vst v0  }
0x5ca: {  	v0 =	vadd.f32 v9, v3;
	v3 =	vld [tilespmem:s31+$0x10F80]  }
0x5cb: {  	v1 =	vadd.f32 v7, v1;
	v7 =	vld [tilespmem:s31+$0x11980]  }
0x5cc: {  	v4 =	vadd.f32 v11, v4;
	v9 =	vld [tilespmem:s31+$0x12380]  }
0x5cd: {  	v5 =	vadd.f32 v8, v5;
	v8 =	vld [tilespmem:s31+$0x12D80]  }
0x5ce: {  	v2 =	vadd.f32 v6, v2;
	v6 =	vld [tilespmem:s31+$0x13780]  }
0x5cf: {  	v0 =	vadd.f32 v3, v0;
	v3 =	vld [tilespmem:s31+$0x11000]  }
0x5d0: {  	v1 =	vadd.f32 v7, v1;
	v7 =	vld [tilespmem:s31+$0x11A00]  }
0x5d1: {  	v4 =	vadd.f32 v9, v4;
	v9 =	vld [tilespmem:s31+$0x12400]  }
0x5d2: {  	v5 =	vadd.f32 v8, v5;
	v8 =	vld [tilespmem:s31+$0x12E00]  }
0x5d3: {  	v2 =	vadd.f32 v6, v2;
	v6 =	vld [tilespmem:s31+$0x13800]  }
0x5d4: {  	v0 =	vadd.f32 v3, v0;
	v3 =	vld [tilespmem:s31+$0x11080]  }
0x5d5: {  	v1 =	vadd.f32 v7, v1;
	v7 =	vld [tilespmem:s31+$0x11A80]  }
0x5d6: {  	v4 =	vadd.f32 v9, v4;
	v9 =	vld [tilespmem:s31+$0x12480]  }
0x5d7: {  	v5 =	vadd.f32 v8, v5;
	v8 =	vld [tilespmem:s31+$0x12E80]  }
0x5d8: {  	v2 =	vadd.f32 v6, v2;
	v6 =	vld [tilespmem:s31+$0x13880]  }
0x5d9: {  	v0 =	vadd.f32 v3, v0;
	v3 =	vld [tilespmem:s31+$0x11100]  }
0x5da: {  	v1 =	vadd.f32 v7, v1;
	v7 =	vld [tilespmem:s31+$0x11B00]  }
0x5db: {  	v4 =	vadd.f32 v9, v4;
	v9 =	vld [tilespmem:s31+$0x12500]  }
0x5dc: {  	v5 =	vadd.f32 v8, v5;
	v8 =	vld [tilespmem:s31+$0x12F00]  }
0x5dd: {  	v2 =	vadd.f32 v6, v2;
	v6 =	vld [tilespmem:s31+$0x13900]  }
0x5de: {  	v0 =	vadd.f32 v3, v0;
	v3 =	vld [tilespmem:s31+$0x11180]  }
0x5df: {  	v1 =	vadd.f32 v7, v1;
	v7 =	vld [tilespmem:s31+$0x11B80]  }
0x5e0: {  	v4 =	vadd.f32 v9, v4;
	v9 =	vld [tilespmem:s31+$0x12580]  }
0x5e1: {  	v5 =	vadd.f32 v8, v5;
	v8 =	vld [tilespmem:s31+$0x12F80]  }
0x5e2: {  	v2 =	vadd.f32 v6, v2;
	v6 =	vld [tilespmem:s31+$0x13980]  }
0x5e3: {  	v0 =	vadd.f32 v3, v0;
	v3 =	vld [tilespmem:s31+$0x11200]  }
0x5e4: {  	v1 =	vadd.f32 v7, v1;
	v7 =	vld [tilespmem:s31+$0x11C00]  }
0x5e5: {  	v4 =	vadd.f32 v9, v4;
	v9 =	vld [tilespmem:s31+$0x12600]  }
0x5e6: {  	v5 =	vadd.f32 v8, v5;
	v8 =	vld [tilespmem:s31+$0x13000]  }
0x5e7: {  	v2 =	vadd.f32 v6, v2;
	v6 =	vld [tilespmem:s31+$0x13A00]  }
0x5e8: {  	v0 =	vadd.f32 v3, v0;
	v3 =	vld [tilespmem:s31+$0x11280]  }
0x5e9: {  	v1 =	vadd.f32 v7, v1;
	v7 =	vld [tilespmem:s31+$0x11C80]  }
0x5ea: {  	v4 =	vadd.f32 v9, v4;
	v9 =	vld [tilespmem:s31+$0x12680]  }
0x5eb: {  	v5 =	vadd.f32 v8, v5;
	v8 =	vld [tilespmem:s31+$0x13080]  }
0x5ec: {  	v2 =	vadd.f32 v6, v2;
	v6 =	vld [tilespmem:s31+$0x13A80]  }
0x5ed: {  	v0 =	vadd.f32 v3, v0;
	v3 =	vld [tilespmem:s31+$0x11300]  }
0x5ee: {  	v1 =	vadd.f32 v7, v1;
	v7 =	vld [tilespmem:s31+$0x11D00]  }
0x5ef: {  	v4 =	vadd.f32 v9, v4;
	v9 =	vld [tilespmem:s31+$0x12700]  }
0x5f0: {  	v5 =	vadd.f32 v8, v5;
	v8 =	vld [tilespmem:s31+$0x13100]  }
0x5f1: {  	v2 =	vadd.f32 v6, v2;
	v6 =	vld [tilespmem:s31+$0x13B00]  }
0x5f2: {  	v0 =	vadd.f32 v3, v0;
	v3 =	vld [tilespmem:s31+$0x11380]  }
0x5f3: {  	v1 =	vadd.f32 v7, v1;
	v7 =	vld [tilespmem:s31+$0x11D80]  }
0x5f4: {  	v4 =	vadd.f32 v9, v4;
	v9 =	vld [tilespmem:s31+$0x12780]  }
0x5f5: {  	v5 =	vadd.f32 v8, v5;
	v8 =	vld [tilespmem:s31+$0x13180]  }
0x5f6: {  	v2 =	vadd.f32 v6, v2;
	v6 =	vld [tilespmem:s31+$0x13B80]  }
0x5f7: {  	v0 =	vadd.f32 v3, v0;
	v3 =	vld [tilespmem:s31+$0x11400]  }
0x5f8: {  	v1 =	vadd.f32 v7, v1;
	v7 =	vld [tilespmem:s31+$0x11E00]  }
0x5f9: {  	v4 =	vadd.f32 v9, v4;
	v9 =	vld [tilespmem:s31+$0x12800]  }
0x5fa: {  	v5 =	vadd.f32 v8, v5;
	v8 =	vld [tilespmem:s31+$0x13200]  }
0x5fb: {  	v2 =	vadd.f32 v6, v2;
	v6 =	vld [tilespmem:s31+$0x13C00]  }
0x5fc: {  	v0 =	vadd.f32 v3, v0;
	v3 =	vld [tilespmem:s31+$0x11480]  }
0x5fd: {  	v1 =	vadd.f32 v7, v1;
	v7 =	vld [tilespmem:s31+$0x11E80]  }
0x5fe: {  	v4 =	vadd.f32 v9, v4;
	v9 =	vld [tilespmem:s31+$0x12880]  }
0x5ff: {  	v5 =	vadd.f32 v8, v5;
	v8 =	vld [tilespmem:s31+$0x13280]  }
0x600: {  	v2 =	vadd.f32 v6, v2;
	v6 =	vld [tilespmem:s31+$0x13C80]  }
0x601: {  	v0 =	vadd.f32 v3, v0;
	v3 =	vld [tilespmem:s31+$0x11500]  }
0x602: {  	v1 =	vadd.f32 v7, v1;
	v7 =	vld [tilespmem:s31+$0x11F00]  }
0x603: {  	v4 =	vadd.f32 v9, v4;
	v9 =	vld [tilespmem:s31+$0x12900]  }
0x604: {  	v5 =	vadd.f32 v8, v5;
	v8 =	vld [tilespmem:s31+$0x13300]  }
0x605: {  	v2 =	vadd.f32 v6, v2;
	v6 =	vld [tilespmem:s31+$0x13D00]  }
0x606: {  	v0 =	vadd.f32 v3, v0;
	v3 =	vld [tilespmem:s31+$0x11580]  }
0x607: {  	v1 =	vadd.f32 v7, v1;
	v7 =	vld [tilespmem:s31+$0x11F80]  }
0x608: {  	v4 =	vadd.f32 v9, v4;
	v9 =	vld [tilespmem:s31+$0x12980]  }
0x609: {  	v5 =	vadd.f32 v8, v5;
	v8 =	vld [tilespmem:s31+$0x13380]  }
0x60a: {  	v2 =	vadd.f32 v6, v2;
	v6 =	vld [tilespmem:s31+$0x13D80]  }
0x60b: {  	v0 =	vadd.f32 v3, v0;
	v3 =	vld [tilespmem:s31+$0x11600]  }
0x60c: {  	v1 =	vadd.f32 v7, v1;
	v7 =	vld [tilespmem:s31+$0x12000]  }
0x60d: {  	v4 =	vadd.f32 v9, v4;
	v9 =	vld [tilespmem:s31+$0x12A00]  }
0x60e: {  	v5 =	vadd.f32 v8, v5;
	v10 =	vld [tilespmem:s31+$0x13400]  }
0x60f: {  	v11 =	vadd.f32 v6, v2;
	v12 =	vld [tilespmem:s31+$0x13E00]  }
0x610: {  	v13 =	vadd.f32 v3, v0;
	v14 =	vld [tilespmem:s31+$0x11680]  }
.Ltmp4:
0x611: {  	v8 =	vadd.f32 v7, v1;
	v6 =	vld [tilespmem:s31+$0x12080];
	(pc) =	sbr.rel @p1 .LBB2_11-.Ltmp4, $4  }
0x612: {  	v7 =	vadd.f32 v9, v4;
	v2 =	vld [tilespmem:s31+$0x12A80]  }
0x613: {  	v3 =	vadd.f32 v10, v5;
	v1 =	vld [tilespmem:s31+$0x13480]  }
0x614: {  	s1 =	sshra.s32 s0, $0x2;
	v4 =	vadd.f32 v12, v11;
	v5 =	vld [tilespmem:s31+$0x13E80]  }
0x615: {  	s0 =	sadd.s32 $0x40, s0;
	v0 =	vld [tilespmem:s1+$0x13F00];
	v9 =	vadd.f32 v14, v13  }
0x616: {  	v10 =	vld [tilespmem:s1+$0x13F80];
	v6 =	vadd.f32 v6, v8  }
0x617: {  	v11 =	vld [tilespmem:s1+$0x10D00];
	[tilespmem:s31+$0x15300] =	vst v9;
	v2 =	vadd.f32 v2, v7  }
0x618: {  	v57 =	vld [tilespmem:s1+$0x14000];
	[tilespmem:s31+$0x15380] =	vst v6;
	v1 =	vadd.f32 v1, v3  }
0x619: {  	v6 =	vld [tilespmem:s1+$0x10D80];
	[tilespmem:s31+$0x15400] =	vst v2;
	v58 =	vadd.f32 v5, v4  }
0x61a: {  	v2 =	vld [tilespmem:s1+$0x14080];
	[tilespmem:s31+$0x15480] =	vst v1  }
0x61b: {  	v1 =	vld [tilespmem:s1+$0x11700];
	[tilespmem:s31+$0x15500] =	vst v58  }
0x61c: {  	v3 =	vld [tilespmem:s1+$0x14100]  }
0x61d: {  	v4 =	vld [tilespmem:s1+$0x11780]  }
0x61e: {  	v59 =	vld [tilespmem:s1+$0x14180]  }
0x61f: {  	v7 =	vld [tilespmem:s1+$0x12100]  }
0x620: {  	v60 =	vld [tilespmem:s1+$0x14200]  }
0x621: {  	v8 =	vld [tilespmem:s1+$0x12180]  }
0x622: {  	v61 =	vld [tilespmem:s1+$0x14280]  }
0x623: {  	v9 =	vld [tilespmem:s1+$0x12B00]  }
0x624: {  	v62 =	vld [tilespmem:s1+$0x14300]  }
0x625: {  	v63 =	vld [tilespmem:s1+$0x12B80]  }
0x626: {  	v46 =	vld [tilespmem:s1+$0x14380]  }
0x627: {  	v12 =	vld [tilespmem:s1+$0x13500]  }
0x628: {  	v47 =	vld [tilespmem:s1+$0x14400]  }
0x629: {  	v13 =	vld [tilespmem:s1+$0x13580]  }
0x62a: {  	v48 =	vld [tilespmem:s1+$0x14480]  }
0x62b: {  	v14 =	vld [tilespmem:s1+$0x10E00]  }
0x62c: {  	v49 =	vld [tilespmem:s1+$0x14500]  }
0x62d: {  	v15 =	vld [tilespmem:s1+$0x11800]  }
0x62e: {  	v50 =	vld [tilespmem:s1+$0x14580]  }
0x62f: {  	v16 =	vld [tilespmem:s1+$0x12200]  }
0x630: {  	v51 =	vld [tilespmem:s1+$0x14600]  }
0x631: {  	v17 =	vld [tilespmem:s1+$0x12C00]  }
0x632: {  	v52 =	vld [tilespmem:s1+$0x14680]  }
0x633: {  	v18 =	vld [tilespmem:s1+$0x13600]  }
0x634: {  	v53 =	vld [tilespmem:s1+$0x14700]  }
0x635: {  	v19 =	vld [tilespmem:s1+$0x10E80]  }
0x636: {  	v54 =	vld [tilespmem:s1+$0x14780]  }
0x637: {  	v20 =	vld [tilespmem:s1+$0x11880]  }
0x638: {  	v55 =	vld [tilespmem:s1+$0x14800]  }
0x639: {  	v21 =	vld [tilespmem:s1+$0x12280]  }
0x63a: {  	v56 =	vld [tilespmem:s1+$0x14880]  }
0x63b: {  	v22 =	vld [tilespmem:s1+$0x12C80]  }
0x63c: {  	v23 =	vld [tilespmem:s1+$0x10F00]  }
0x63d: {  	v58 =	vld [tilespmem:s1+$0x11900]  }
0x63e: {  	v24 =	vld [tilespmem:s1+$0x12300]  }
0x63f: {  	v25 =	vld [tilespmem:s1+$0x13700]  }
0x640: {  	v26 =	vld [tilespmem:s1+$0x11980]  }
0x641: {  	v27 =	vld [tilespmem:s1+$0x12380]  }
0x642: {  	v28 =	vld [tilespmem:s1+$0x12D80]  }
0x643: {  	v29 =	vld [tilespmem:s1+$0x13780]  }
0x644: {  	v30 =	vld [tilespmem:s1+$0x11000]  }
0x645: {  	v31 =	vld [tilespmem:s1+$0x11A00]  }
0x646: {  	v32 =	vld [tilespmem:s1+$0x12400]  }
0x647: {  	v33 =	vld [tilespmem:s1+$0x12E00]  }
0x648: {  	v34 =	vld [tilespmem:s1+$0x13800]  }
0x649: {  	v35 =	vld [tilespmem:s1+$0x11080]  }
0x64a: {  	v36 =	vld [tilespmem:s1+$0x11A80]  }
0x64b: {  	v37 =	vld [tilespmem:s1+$0x12480]  }
0x64c: {  	v38 =	vld [tilespmem:s1+$0x12E80]  }
0x64d: {  	v39 =	vld [tilespmem:s1+$0x13880]  }
0x64e: {  	v0 =	vadd.f32 v10, v0;
	v40 =	vld [tilespmem:s1+$0x11100]  }
0x64f: {  	v41 =	vld [tilespmem:s1+$0x11B00]  }
0x650: {  	v42 =	vld [tilespmem:s1+$0x12500];
	v0 =	vadd.f32 v57, v0  }
0x651: {  	v43 =	vld [tilespmem:s1+$0x12F00]  }
0x652: {  	v44 =	vld [tilespmem:s1+$0x13900];
	v0 =	vadd.f32 v2, v0  }
0x653: {  	v45 =	vld [tilespmem:s1+$0x11180]  }
0x654: {  	v10 =	vld [tilespmem:s1+$0x13080];
	v0 =	vadd.f32 v3, v0  }
0x655: {  	v57 =	vld [tilespmem:s1+$0x13680];
	v6 =	vadd.f32 v6, v11  }
0x656: {  	v11 =	vld [tilespmem:s1+$0x11C80];
	v1 =	vadd.f32 v4, v1;
	v0 =	vadd.f32 v59, v0  }
0x657: {  	v6 =	vadd.f32 v14, v6;
	v14 =	vld [tilespmem:s1+$0x11D00]  }
0x658: {  	v59 =	vld [tilespmem:s1+$0x12D00];
	v1 =	vadd.f32 v15, v1;
	v0 =	vadd.f32 v60, v0  }
0x659: {  	v15 =	vld [tilespmem:s1+$0x12700]  }
0x65a: {  	v60 =	vld [tilespmem:s1+$0x10F80];
	v1 =	vadd.f32 v20, v1;
	v0 =	vadd.f32 v61, v0  }
0x65b: {  	v61 =	vadd.f32 v8, v7;
	v7 =	vld [tilespmem:s1+$0x12680]  }
0x65c: {  	v1 =	vadd.f32 v58, v1;
	v58 =	vld [tilespmem:s1+$0x11D80];
	v0 =	vadd.f32 v62, v0  }
0x65d: {  	v62 =	vadd.f32 v63, v9;
	v63 =	vadd.f32 v13, v12;
	v12 =	vld [tilespmem:s1+$0x13A80]  }
0x65e: {  	v13 =	vld [tilespmem:s1+$0x11300]  }
0x65f: {  	v4 =	vadd.f32 v16, v61;
	v61 =	vld [tilespmem:s1+$0x13B80];
	v0 =	vadd.f32 v46, v0  }
0x660: {  	v46 =	vld [tilespmem:s1+$0x11B80]  }
0x661: {  	v8 =	vadd.f32 v17, v62;
	v62 =	vld [tilespmem:s1+$0x11400];
	v0 =	vadd.f32 v47, v0  }
0x662: {  	v1 =	vadd.f32 v26, v1;
	v9 =	vadd.f32 v18, v63;
	v63 =	vld [tilespmem:s1+$0x11E00]  }
0x663: {  	v47 =	vld [tilespmem:s1+$0x12580];
	v0 =	vadd.f32 v48, v0  }
0x664: {  	v1 =	vadd.f32 v31, v1;
	v5 =	vadd.f32 v57, v9;
	v9 =	vld [tilespmem:s1+$0x13100]  }
0x665: {  	v4 =	vadd.f32 v21, v4;
	v57 =	vld [tilespmem:s1+$0x11380];
	v0 =	vadd.f32 v49, v0  }
0x666: {  	v8 =	vadd.f32 v22, v8;
	v1 =	vadd.f32 v36, v1;
	v36 =	vld [tilespmem:s1+$0x11480]  }
0x667: {  	v4 =	vadd.f32 v24, v4;
	v48 =	vld [tilespmem:s1+$0x12F80];
	v0 =	vadd.f32 v50, v0  }
0x668: {  	v3 =	vadd.f32 v59, v8;
	v5 =	vadd.f32 v25, v5;
	v59 =	vld [tilespmem:s1+$0x12780]  }
0x669: {  	v1 =	vadd.f32 v41, v1;
	v41 =	vld [tilespmem:s1+$0x11500];
	v0 =	vadd.f32 v51, v0  }
0x66a: {  	v4 =	vadd.f32 v27, v4;
	v49 =	vld [tilespmem:s1+$0x13980];
	v3 =	vadd.f32 v28, v3  }
0x66b: {  	v1 =	vadd.f32 v46, v1;
	v46 =	vld [tilespmem:s1+$0x11580];
	v0 =	vadd.f32 v52, v0  }
0x66c: {  	v5 =	vadd.f32 v29, v5;
	v4 =	vadd.f32 v32, v4;
	v50 =	vld [tilespmem:s1+$0x11200]  }
0x66d: {  	v3 =	vadd.f32 v33, v3;
	v33 =	vld [tilespmem:s1+$0x12800];
	v0 =	vadd.f32 v53, v0  }
0x66e: {  	v6 =	vadd.f32 v19, v6;
	v5 =	vadd.f32 v34, v5;
	v34 =	vld [tilespmem:s1+$0x13200]  }
0x66f: {  	v4 =	vadd.f32 v37, v4;
	v37 =	vld [tilespmem:s1+$0x11E80];
	v0 =	vadd.f32 v54, v0  }
0x670: {  	v6 =	vadd.f32 v23, v6;
	v51 =	vld [tilespmem:s1+$0x11C00];
	v3 =	vadd.f32 v38, v3  }
0x671: {  	v5 =	vadd.f32 v39, v5;
	v52 =	vld [tilespmem:s1+$0x12600];
	v0 =	vadd.f32 v55, v0  }
0x672: {  	v4 =	vadd.f32 v42, v4;
	v38 =	vld [tilespmem:s1+$0x12880];
	v3 =	vadd.f32 v43, v3  }
0x673: {  	v5 =	vadd.f32 v44, v5;
	v53 =	vld [tilespmem:s1+$0x13000];
	v0 =	vadd.f32 v56, v0  }
0x674: {  	v39 =	vld [tilespmem:s1+$0x13280];
	v4 =	vadd.f32 v47, v4;
	v3 =	vadd.f32 v48, v3  }
0x675: {  	v1 =	vadd.f32 v51, v1;
	v54 =	vld [tilespmem:s1+$0x13A00];
	[tilespmem:s1+$0x15580] =	vst v0;
	v0 =	vadd.f32 v60, v6  }
0x676: {  	v42 =	vld [tilespmem:s1+$0x11F00];
	v5 =	vadd.f32 v49, v5;
	v4 =	vadd.f32 v52, v4  }
0x677: {  	v43 =	vld [tilespmem:s1+$0x12900];
	v1 =	vadd.f32 v11, v1;
	v0 =	vadd.f32 v30, v0  }
0x678: {  	v44 =	vld [tilespmem:s1+$0x13300];
	v3 =	vadd.f32 v53, v3;
	v4 =	vadd.f32 v7, v4  }
0x679: {  	v47 =	vld [tilespmem:s1+$0x11F80];
	v1 =	vadd.f32 v14, v1;
	v0 =	vadd.f32 v35, v0  }
0x67a: {  	v56 =	vld [tilespmem:s1+$0x13B00];
	v5 =	vadd.f32 v54, v5;
	v3 =	vadd.f32 v10, v3  }
0x67b: {  	v55 =	vld [tilespmem:s1+$0x11280];
	v4 =	vadd.f32 v15, v4;
	v0 =	vadd.f32 v40, v0  }
0x67c: {  	v1 =	vadd.f32 v58, v1;
	v60 =	vld [tilespmem:s1+$0x13180];
	v5 =	vadd.f32 v12, v5  }
0x67d: {  	v48 =	vld [tilespmem:s1+$0x12980];
	v3 =	vadd.f32 v9, v3;
	v0 =	vadd.f32 v45, v0  }
0x67e: {  	v49 =	vld [tilespmem:s1+$0x13380];
	v4 =	vadd.f32 v59, v4;
	v1 =	vadd.f32 v63, v1  }
0x67f: {  	v51 =	vld [tilespmem:s1+$0x11600];
	v2 =	vadd.f32 v56, v5;
	v0 =	vadd.f32 v50, v0  }
0x680: {  	v4 =	vadd.f32 v33, v4;
	v1 =	vadd.f32 v37, v1;
	v35 =	vld [tilespmem:s1+$0x13C00]  }
0x681: {  	v52 =	vld [tilespmem:s1+$0x12000];
	v3 =	vadd.f32 v60, v3;
	v0 =	vadd.f32 v55, v0  }
0x682: {  	v2 =	vadd.f32 v61, v2;
	v4 =	vadd.f32 v38, v4;
	v40 =	vld [tilespmem:s1+$0x13C80]  }
0x683: {  	v53 =	vld [tilespmem:s1+$0x12A00];
	v1 =	vadd.f32 v42, v1;
	v0 =	vadd.f32 v13, v0  }
0x684: {  	v3 =	vadd.f32 v34, v3;
	v4 =	vadd.f32 v43, v4;
	v45 =	vld [tilespmem:s1+$0x13D00]  }
0x685: {  	v54 =	vld [tilespmem:s1+$0x13400];
	v2 =	vadd.f32 v35, v2;
	v0 =	vadd.f32 v57, v0  }
0x686: {  	v1 =	vadd.f32 v47, v1;
	v3 =	vadd.f32 v39, v3;
	v50 =	vld [tilespmem:s1+$0x13D80]  }
0x687: {  	v58 =	vld [tilespmem:s1+$0x12A80];
	v2 =	vadd.f32 v40, v2;
	v0 =	vadd.f32 v62, v0  }
0x688: {  	v4 =	vadd.f32 v48, v4;
	v3 =	vadd.f32 v44, v3;
	v55 =	vld [tilespmem:s1+$0x13E00]  }
0x689: {  	v59 =	vld [tilespmem:s1+$0x13480];
	v2 =	vadd.f32 v45, v2;
	v0 =	vadd.f32 v36, v0  }
0x68a: {  	v60 =	vld [tilespmem:s1+$0x13E80];
	v4 =	vadd.f32 v53, v4;
	v3 =	vadd.f32 v49, v3  }
0x68b: {  	v2 =	vadd.f32 v50, v2;
	v57 =	vld [tilespmem:s1+$0x12080];
	v0 =	vadd.f32 v41, v0  }
0x68c: {  	v56 =	vld [tilespmem:s1+$0x11680];
	v61 =	vadd.f32 v58, v4;
	v3 =	vadd.f32 v54, v3  }
0x68d: {  	v2 =	vadd.f32 v55, v2;
	v0 =	vadd.f32 v46, v0  }
0x68e: {  	v1 =	vadd.f32 v52, v1;
	v62 =	vadd.f32 v59, v3  }
0x68f: {  	[tilespmem:s1+$0x15400] =	vst v61;
	v63 =	vadd.f32 v60, v2;
	v0 =	vadd.f32 v51, v0  }
0x690: {  	[tilespmem:s1+$0x15480] =	vst v62;
	v1 =	vadd.f32 v57, v1  }
0x691: {  	[tilespmem:s1+$0x15500] =	vst v63;
	v0 =	vadd.f32 v56, v0  }
0x692: {  	[tilespmem:s1+$0x15380] =	vst v1  }
0x693: {  	s0 =	sadd.s32 @!p0 $0x180, s30;
	s9 =	simm.s32 @!p0 $0x10500;
	[tilespmem:s1+$0x15300] =	vst v0;
	s1 =	simm.s32 @!p0 $0x80  }
0x694: {  	[tilespmem:s9], [sflag:$0x2] =	stream.indirect.gather @!p0 [hbm4b:s2+s1], $0x80, s0, s1, $0xb8;
	[tilespmem:$0x15900] =	vst v63  }
0x695: {  	s0 =	sadd.s32 @!p0 $0x200, s30;
	s1 =	simm.s32 @!p0 $0x8;
	s9 =	simm.s32 @!p0 $0x14500  }
0x696: {  	[tilespmem:s9], [sflag:$0x2] =	stream.indirect.gather @!p0 [hbm4b:s2+s1], $0x80, s0, s1, $0xb8;
	[tilespmem:$0x15900] =	vst v63  }
0x697: {  	p0 =	sne.s32 s29, $0x20  }
.Ltmp5:
0x698: {  	_ = 	snop;
	(pc) =	sbr.rel @p0 .LBB2_2-.Ltmp5, $4  }
0x699: {  	_ = 	snop  }
0x69a: {  	s31 =	sshll.u32 s28, $0x9  }
0x69b: {  	s28 =	smov.u32 s29;
	s0 =	sadd.s32 s31, s5  }
0x69c: {  	[hbm4b:s0+s3] =	stream.linear.scatter [tilespmem:s24], [sflag:$0x3], $0xD00, $0x38;
	[tilespmem:$0x15900] =	vst v63  }
0x69d: {  	s26 =	sadd.s32 $0x1, s26  }
0x69e: {  	p0 =	sne.s32 s26, s6  }
.Ltmp6:
0x69f: {  	_ = 	snop;
	(pc) =	sbr.rel @p0 .LBB2_1-.Ltmp6, $4  }
0x6a0: {  	_ = 	snop  }
0x6a1: {  	_ =	swait.ge [sflag:s25], $0xD00  }
0x6a2: {  	[sflag:s25] =	ssyncset.done $0x0  }
0x6a3: {  	[sflag:s25] =	ssyncadd.s32 $0xFFFFF300  }
0x6a4: {  	_ =	sfence.sel $0x180000  }
0x6a5: {  	[bflag:$0x0] =	sbarrier.arrive $0xFFFF  }
0x6a6: {  	_ =	strace $0x90000047  }
0x6a7: {  	s0 =	stileid.u32;
	[bflag:$0x2] =	sbarrier.arrive $0xFFFF  }
0x6a8: {  	p0 =	sne.s32 s0, $0x0;
	s0 =	rddreg [dreg:$0x3]  }
0x6a9: {  	s0 =	sadd.s32 @!p0 $0x100000, s0  }
0x6aa: {  	[sflag:s0] =	ssyncadd.tile.s32 @!p0 $0x1;
	_ =	shalt  }
.Lfunc_end2:
_tile_overlayer_lowered:
.L_overlay_start_2:
0x6ab: {  	(tag) =	ssettag $0x2  }
0x6ac: {  	s0 =	rddreg [dreg:$0x0];
	s2 =	stileid.u32  }
0x6ad: {  	s1 =	rddreg [dreg:$0x1];
	p0 =	sne.s32 s2, $0x0  }
0x6ae: {  	s3 =	rddreg [dreg:$0x2];
	[bflag:$0x3] =	sbarrier.arrive $0xFFFF;
	s2 =	simm.s32 @!p0 $0x1C04  }
0x6af: {  	[timem:s3], [sflag:s2] =	dma.local @!p0 [hbm:s0], s1  }
0x6b0: {  	s0 =	simm.s32 @!p0 $0x4  }
0x6b1: {  	_ =	swait.ge @!p0 [sflag:s0], s1  }
0x6b2: {  	s1 =	ssub.s32 @!p0 $0x0, s1;
	[sflag:s0] =	ssyncset.done @!p0 $0x0  }
0x6b3: {  	[sflag:s0] =	ssyncadd.s32 @!p0 s1  }
0x6b4: {  	[bflag:$0x3] =	sbarrier.arrive $0xFFFF  }
0x6b5: {  	_ =	shalt  }

</sc_bundles>
